<compile_context>
chip_gen: v7x
topology: tpu7x:2x2x1
jax: 0.10.2.dev20260603
libtpu: 0.0.44.dev20260713+nightly
codegen_flags: <defaults>
</compile_context>

<pallas_src>
import functools

import jax
import jax.numpy as jnp
from jax import lax
from jax.experimental import pallas as pl
from jax.experimental.pallas import tpu as pltpu
from jax.experimental.pallas import tpu_sc as plsc

MAXLEN = 8192
EMBED_DIM = 768
BATCH = 4
NROWS = BATCH * MAXLEN

NUM_CORES = 2
NUM_SUBCORES = 16
NW = NUM_CORES * NUM_SUBCORES
SEQ_PER_W = MAXLEN // NW
SB = 32
NBLK = SEQ_PER_W // SB
NU = NBLK * BATCH
UNROLL = 8

_mesh = plsc.VectorSubcoreMesh(core_axis_name="c", subcore_axis_name="s")


@functools.partial(
    pl.kernel,
    mesh=_mesh,
    out_type=jax.ShapeDtypeStruct((NROWS, EMBED_DIM), jnp.float32),
    scratch_types=[
        pltpu.VMEM((SB, EMBED_DIM), jnp.float32),
        pltpu.VMEM((SB, EMBED_DIM), jnp.float32),
        pltpu.VMEM((SB, EMBED_DIM), jnp.float32),
        pltpu.VMEM((SB, EMBED_DIM), jnp.float32),
        pltpu.VMEM((SB, EMBED_DIM), jnp.float32),
        pltpu.SemaphoreType.DMA,
        pltpu.SemaphoreType.DMA,
        pltpu.SemaphoreType.DMA,
        pltpu.SemaphoreType.DMA,
        pltpu.SemaphoreType.DMA,
        pltpu.SemaphoreType.DMA,
        pltpu.SemaphoreType.DMA,
        pltpu.SemaphoreType.DMA,
    ],
)
def _sc_body(x_hbm, pos_hbm, out_hbm,
             xb0, xb1, xb2, pb0, pb1,
             si0, si1, si2, sp0, sp1, so0, so1, so2):
    wid = lax.axis_index("s") * NUM_CORES + lax.axis_index("c")
    base = wid * SEQ_PER_W
    xbufs, pbufs = [xb0, xb1, xb2], [pb0, pb1]
    sin, spos, sout = [si0, si1, si2], [sp0, sp1], [so0, so1, so2]

    def x_row0(u):
        blk, b = divmod(u, BATCH)
        return b * MAXLEN + base + blk * SB

    def start_in(u):
        return pltpu.async_copy(
            x_hbm.at[pl.ds(x_row0(u), SB)], xbufs[u % 3], sin[u % 3])

    def start_pos(blk):
        return pltpu.async_copy(
            pos_hbm.at[pl.ds(base + blk * SB, SB)], pbufs[blk % 2],
            spos[blk % 2])

    def start_out(u):
        return pltpu.async_copy(
            xbufs[u % 3], out_hbm.at[pl.ds(x_row0(u), SB)], sout[u % 3])

    def compute(u, blk):
        xb, pb = xbufs[u % 3], pbufs[blk % 2]

        def row_body(r, carry):
            @plsc.parallel_loop(0, EMBED_DIM, step=16, unroll=UNROLL)
            def _(o):
                plsc.addupdate(xb.at[r, pl.ds(o, 16)], pb[r, pl.ds(o, 16)])

            return carry

        lax.fori_loop(0, SB, row_body, 0)

    in_d, pos_d, out_d = {}, {}, {}
    pos_d[0] = start_pos(0)
    pos_d[1] = start_pos(1)
    in_d[0] = start_in(0)
    in_d[1] = start_in(1)
    for u in range(NU):
        blk, b = divmod(u, BATCH)
        if u + 2 < NU:
            if u >= 1:
                out_d.pop(u - 1).wait()
            in_d[u + 2] = start_in(u + 2)
        in_d.pop(u).wait()
        if b == 0:
            pos_d.pop(blk).wait()
        compute(u, blk)
        if b == BATCH - 1 and blk + 2 < NBLK:
            pos_d[blk + 2] = start_pos(blk + 2)
        out_d[u] = start_out(u)
    for r in sorted(out_d):
        out_d.pop(r).wait()


def kernel(x, pos_table):
    x2 = x.reshape(NROWS, EMBED_DIM)
    out = _sc_body(x2, pos_table)
    return out.reshape(BATCH, MAXLEN, EMBED_DIM)

# --- scband reference (transcript-rebuilt; emitter-appended) ---
"""Pipeline reference for scband-token-and-position-embedding-274877907500 (READ-ONLY COPY).

The authoritative reference and input builder live on the scoring server;
editing this copy changes nothing except your own understanding.
"""

import jax, jax.numpy as jnp
import numpy as np

MAXLEN = 8192
EMBED_DIM = 768
BATCH = 4

def setup_inputs(seed: int = 0) -> dict:
    key = jax.random.key(seed)
    k1, k2 = jax.random.split(key)
    x = jax.random.normal(k1, (BATCH, MAXLEN, EMBED_DIM), dtype=jnp.float32)
    # Embedding table for positions, keras default uniform init ~ U(-0.05, 0.05)
    pos_table = jax.random.uniform(k2, (MAXLEN, EMBED_DIM), dtype=jnp.float32, minval=-0.05, maxval=0.05)
    return {"x": x, "pos_table": pos_table}

def reference(x, pos_table):
    # positions = range(0, maxlen); pos_emb lookup -> gather rows from table
    positions = jnp.arange(0, MAXLEN, dtype=jnp.int32)
    pos = jnp.take(pos_table, positions, axis=0)  # [maxlen, embed_dim]
    # broadcast add over batch: x [B, maxlen, d] + pos [maxlen, d]
    return x + pos[None, :, :]

if __name__ == "__main__":
    import jax
    _d = setup_inputs()
    print(jax.jit(kernel)(*tuple(_d.values())))

</pallas_src>

<mosaic_0001>
#map = affine_map<(d0, d1) -> (0, 0)>
module attributes {stable_mosaic.version = 14 : i64} {
  func.func @_sc_body(%arg0: i32, %arg1: i32, %arg2: memref<32768x768xf32, #tpu.memory_space<hbm>>, %arg3: memref<8192x768xf32, #tpu.memory_space<hbm>>, %arg4: memref<32768x768xf32, #tpu.memory_space<hbm>>, %arg5: memref<32x768xf32, #tpu.memory_space<vmem>>, %arg6: memref<32x768xf32, #tpu.memory_space<vmem>>, %arg7: memref<32x768xf32, #tpu.memory_space<vmem>>, %arg8: memref<32x768xf32, #tpu.memory_space<vmem>>, %arg9: memref<32x768xf32, #tpu.memory_space<vmem>>, %arg10: memref<!tpu.dma_semaphore, #tpu.memory_space<semaphore_mem>>, %arg11: memref<!tpu.dma_semaphore, #tpu.memory_space<semaphore_mem>>, %arg12: memref<!tpu.dma_semaphore, #tpu.memory_space<semaphore_mem>>, %arg13: memref<!tpu.dma_semaphore, #tpu.memory_space<semaphore_mem>>, %arg14: memref<!tpu.dma_semaphore, #tpu.memory_space<semaphore_mem>>, %arg15: memref<!tpu.dma_semaphore, #tpu.memory_space<semaphore_mem>>, %arg16: memref<!tpu.dma_semaphore, #tpu.memory_space<semaphore_mem>>, %arg17: memref<!tpu.dma_semaphore, #tpu.memory_space<semaphore_mem>>) attributes {dimension_semantics = [#tpu.dimension_semantics<core_parallel>, #tpu.dimension_semantics<subcore_parallel>], iteration_bounds = array<i64: 2, 16>, scalar_prefetch = 0 : i64, scratch_operands = 13 : i64, tpu.core_type = #tpu.core_type<sc_vector_subcore>, window_params = [{transform_indices = #map}, {transform_indices = #map}, {transform_indices = #map}]} {
    %mul3A = arith.constant 2 : i32
    %mul3A_0 = arith.muli %arg1, %mul3A : i32
    %add3A = arith.addi %mul3A_0, %arg0 : i32
    %mul3A_1 = arith.constant 256 : i32
    %mul3A_2 = arith.muli %add3A, %mul3A_1 : i32
    %add3A_3 = arith.constant 0 : i32
    %add3A_4 = arith.addi %mul3A_2, %add3A_3 : i32
    %dma_start3A = arith.constant 0 : i32
    %dma_start3A_5 = tpu.memref_slice %arg3[%add3A_4, %dma_start3A] : memref<8192x768xf32, #tpu.memory_space<hbm>> -> memref<32x768xf32, #tpu.memory_space<hbm>>
    %dma_start3A_6 = arith.constant 0 : i32
    %dma_start3A_7 = tpu.memref_slice %arg3[%add3A_4, %dma_start3A_6] : memref<8192x768xf32, #tpu.memory_space<hbm>> -> memref<32x768xf32, #tpu.memory_space<hbm>>
    tpu.enqueue_dma source(%dma_start3A_7 : memref<32x768xf32, #tpu.memory_space<hbm>>) target(%arg8 : memref<32x768xf32, #tpu.memory_space<vmem>>) target_semaphore(%arg13 : memref<!tpu.dma_semaphore, #tpu.memory_space<semaphore_mem>>)
    %add3A_8 = arith.constant 32 : i32
    %add3A_9 = arith.addi %mul3A_2, %add3A_8 : i32
    %dma_start3A_10 = arith.constant 0 : i32
    %dma_start3A_11 = tpu.memref_slice %arg3[%add3A_9, %dma_start3A_10] : memref<8192x768xf32, #tpu.memory_space<hbm>> -> memref<32x768xf32, #tpu.memory_space<hbm>>
    %dma_start3A_12 = arith.constant 0 : i32
    %dma_start3A_13 = tpu.memref_slice %arg3[%add3A_9, %dma_start3A_12] : memref<8192x768xf32, #tpu.memory_space<hbm>> -> memref<32x768xf32, #tpu.memory_space<hbm>>
    tpu.enqueue_dma source(%dma_start3A_13 : memref<32x768xf32, #tpu.memory_space<hbm>>) target(%arg9 : memref<32x768xf32, #tpu.memory_space<vmem>>) target_semaphore(%arg14 : memref<!tpu.dma_semaphore, #tpu.memory_space<semaphore_mem>>)
    %add3A_14 = arith.constant 0 : i32
    %add3A_15 = arith.addi %add3A_14, %mul3A_2 : i32
    %add3A_16 = arith.constant 0 : i32
    %add3A_17 = arith.addi %add3A_15, %add3A_16 : i32
    %dma_start3A_18 = arith.constant 0 : i32
    %dma_start3A_19 = tpu.memref_slice %arg2[%add3A_17, %dma_start3A_18] : memref<32768x768xf32, #tpu.memory_space<hbm>> -> memref<32x768xf32, #tpu.memory_space<hbm>>
    %dma_start3A_20 = arith.constant 0 : i32
    %dma_start3A_21 = tpu.memref_slice %arg2[%add3A_17, %dma_start3A_20] : memref<32768x768xf32, #tpu.memory_space<hbm>> -> memref<32x768xf32, #tpu.memory_space<hbm>>
    tpu.enqueue_dma source(%dma_start3A_21 : memref<32x768xf32, #tpu.memory_space<hbm>>) target(%arg5 : memref<32x768xf32, #tpu.memory_space<vmem>>) target_semaphore(%arg10 : memref<!tpu.dma_semaphore, #tpu.memory_space<semaphore_mem>>)
    %add3A_22 = arith.constant 8192 : i32
    %add3A_23 = arith.addi %add3A_22, %mul3A_2 : i32
    %add3A_24 = arith.constant 0 : i32
    %add3A_25 = arith.addi %add3A_23, %add3A_24 : i32
    %dma_start3A_26 = arith.constant 0 : i32
    %dma_start3A_27 = tpu.memref_slice %arg2[%add3A_25, %dma_start3A_26] : memref<32768x768xf32, #tpu.memory_space<hbm>> -> memref<32x768xf32, #tpu.memory_space<hbm>>
    %dma_start3A_28 = arith.constant 0 : i32
    %dma_start3A_29 = tpu.memref_slice %arg2[%add3A_25, %dma_start3A_28] : memref<32768x768xf32, #tpu.memory_space<hbm>> -> memref<32x768xf32, #tpu.memory_space<hbm>>
    tpu.enqueue_dma source(%dma_start3A_29 : memref<32x768xf32, #tpu.memory_space<hbm>>) target(%arg6 : memref<32x768xf32, #tpu.memory_space<vmem>>) target_semaphore(%arg11 : memref<!tpu.dma_semaphore, #tpu.memory_space<semaphore_mem>>)
    %add3A_30 = arith.constant 16384 : i32
    %add3A_31 = arith.addi %add3A_30, %mul3A_2 : i32
    %add3A_32 = arith.constant 0 : i32
    %add3A_33 = arith.addi %add3A_31, %add3A_32 : i32
    %dma_start3A_34 = arith.constant 0 : i32
    %dma_start3A_35 = tpu.memref_slice %arg2[%add3A_33, %dma_start3A_34] : memref<32768x768xf32, #tpu.memory_space<hbm>> -> memref<32x768xf32, #tpu.memory_space<hbm>>
    %dma_start3A_36 = arith.constant 0 : i32
    %dma_start3A_37 = tpu.memref_slice %arg2[%add3A_33, %dma_start3A_36] : memref<32768x768xf32, #tpu.memory_space<hbm>> -> memref<32x768xf32, #tpu.memory_space<hbm>>
    tpu.enqueue_dma source(%dma_start3A_37 : memref<32x768xf32, #tpu.memory_space<hbm>>) target(%arg7 : memref<32x768xf32, #tpu.memory_space<vmem>>) target_semaphore(%arg12 : memref<!tpu.dma_semaphore, #tpu.memory_space<semaphore_mem>>)
    %dma_wait3A = arith.constant 0 : i32
    %dma_wait3A_38 = tpu.memref_slice %arg2[%add3A_17, %dma_wait3A] : memref<32768x768xf32, #tpu.memory_space<hbm>> -> memref<32x768xf32, #tpu.memory_space<hbm>>
    %dma_wait3A_39 = arith.constant 0 : i32
    %dma_wait3A_40 = tpu.memref_slice %arg2[%add3A_17, %dma_wait3A_39] : memref<32768x768xf32, #tpu.memory_space<hbm>> -> memref<32x768xf32, #tpu.memory_space<hbm>>
    tpu.wait_dma2 semaphore(%arg10 : memref<!tpu.dma_semaphore, #tpu.memory_space<semaphore_mem>>) src(%dma_wait3A_40 : memref<32x768xf32, #tpu.memory_space<hbm>>) dst(%arg5 : memref<32x768xf32, #tpu.memory_space<vmem>>)
    %dma_wait3A_41 = arith.constant 0 : i32
    %dma_wait3A_42 = tpu.memref_slice %arg3[%add3A_4, %dma_wait3A_41] : memref<8192x768xf32, #tpu.memory_space<hbm>> -> memref<32x768xf32, #tpu.memory_space<hbm>>
    %dma_wait3A_43 = arith.constant 0 : i32
    %dma_wait3A_44 = tpu.memref_slice %arg3[%add3A_4, %dma_wait3A_43] : memref<8192x768xf32, #tpu.memory_space<hbm>> -> memref<32x768xf32, #tpu.memory_space<hbm>>
    tpu.wait_dma2 semaphore(%arg13 : memref<!tpu.dma_semaphore, #tpu.memory_space<semaphore_mem>>) src(%dma_wait3A_44 : memref<32x768xf32, #tpu.memory_space<hbm>>) dst(%arg8 : memref<32x768xf32, #tpu.memory_space<vmem>>)
    %scan3A = arith.constant 0 : i32
    %scan3A_45 = arith.constant 0 : i32
    %scan3A_46 = arith.constant 32 : i32
    %scan3A_47 = arith.addi %scan3A_45, %scan3A_46 : i32
    %scan3A_48 = arith.constant 1 : i32
    scf.for %scan3A_1040 = %scan3A_45 to %scan3A_47 step %scan3A_48  : i32 {
      %parallel_loop3A = arith.constant 0 : i32
      %parallel_loop3A_1041 = arith.constant 768 : i32
      %parallel_loop3A_1042 = arith.constant 16 : i32
      scf.for %parallel_loop3A_1043 = %parallel_loop3A to %parallel_loop3A_1041 step %parallel_loop3A_1042  : i32 {
        %parallel_loop3A_1044 = arith.index_cast %scan3A_1040 : i32 to index
        %parallel_loop3A_1045 = arith.index_cast %parallel_loop3A_1043 : i32 to index
        %parallel_loop3A_1046 = tpu.vector_load %arg8[%parallel_loop3A_1044, %parallel_loop3A_1045] {strides = array<i32>} : memref<32x768xf32, #tpu.memory_space<vmem>>, vector<1x16xf32>,
        %parallel_loop3A_1047 = vector.shape_cast %parallel_loop3A_1046 : vector<1x16xf32> to vector<16xf32>
        %parallel_loop3A_1048 = arith.index_cast %scan3A_1040 : i32 to index
        %parallel_loop3A_1049 = arith.index_cast %parallel_loop3A_1043 : i32 to index
        %parallel_loop3A_1050 = tpu.vector_load %arg5[%parallel_loop3A_1048, %parallel_loop3A_1049] {strides = array<i32>} : memref<32x768xf32, #tpu.memory_space<vmem>>, vector<1x16xf32>,
        %parallel_loop3A_1051 = vector.shape_cast %parallel_loop3A_1050 : vector<1x16xf32> to vector<16xf32>
        %parallel_loop3A_1052 = vector.shape_cast %parallel_loop3A_1047 : vector<16xf32> to vector<1x16xf32>
        tpu.vector_store %arg5[%parallel_loop3A_1048, %parallel_loop3A_1049], %parallel_loop3A_1052 {add = true, strides = array<i32>} : memref<32x768xf32, #tpu.memory_space<vmem>>, vector<1x16xf32>,
      } {sc.loop_unroll_factor = 8 : i64, sc.parallel_access}
    }
    %scan3A_49 = arith.constant 32 : i32
    %add3A_50 = arith.constant 0 : i32
    %add3A_51 = arith.addi %add3A_50, %mul3A_2 : i32
    %add3A_52 = arith.constant 0 : i32
    %add3A_53 = arith.addi %add3A_51, %add3A_52 : i32
    %dma_start3A_54 = arith.constant 0 : i32
    %dma_start3A_55 = tpu.memref_slice %arg4[%add3A_53, %dma_start3A_54] : memref<32768x768xf32, #tpu.memory_space<hbm>> -> memref<32x768xf32, #tpu.memory_space<hbm>>
    %dma_start3A_56 = arith.constant 0 : i32
    %dma_start3A_57 = tpu.memref_slice %arg4[%add3A_53, %dma_start3A_56] : memref<32768x768xf32, #tpu.memory_space<hbm>> -> memref<32x768xf32, #tpu.memory_space<hbm>>
    tpu.enqueue_dma source(%arg5 : memref<32x768xf32, #tpu.memory_space<vmem>>) target(%dma_start3A_57 : memref<32x768xf32, #tpu.memory_space<hbm>>) target_semaphore(%arg15 : memref<!tpu.dma_semaphore, #tpu.memory_space<semaphore_mem>>)
    %dma_wait3A_58 = arith.constant 0 : i32
    %dma_wait3A_59 = tpu.memref_slice %arg4[%add3A_53, %dma_wait3A_58] : memref<32768x768xf32, #tpu.memory_space<hbm>> -> memref<32x768xf32, #tpu.memory_space<hbm>>
    %dma_wait3A_60 = arith.constant 0 : i32
    %dma_wait3A_61 = tpu.memref_slice %arg4[%add3A_53, %dma_wait3A_60] : memref<32768x768xf32, #tpu.memory_space<hbm>> -> memref<32x768xf32, #tpu.memory_space<hbm>>
    tpu.wait_dma2 semaphore(%arg15 : memref<!tpu.dma_semaphore, #tpu.memory_space<semaphore_mem>>) src(%arg5 : memref<32x768xf32, #tpu.memory_space<vmem>>) dst(%dma_wait3A_61 : memref<32x768xf32, #tpu.memory_space<hbm>>)
    %add3A_62 = arith.constant 24576 : i32
    %add3A_63 = arith.addi %add3A_62, %mul3A_2 : i32
    %add3A_64 = arith.constant 0 : i32
    %add3A_65 = arith.addi %add3A_63, %add3A_64 : i32
    %dma_start3A_66 = arith.constant 0 : i32
    %dma_start3A_67 = tpu.memref_slice %arg2[%add3A_65, %dma_start3A_66] : memref<32768x768xf32, #tpu.memory_space<hbm>> -> memref<32x768xf32, #tpu.memory_space<hbm>>
    %dma_start3A_68 = arith.constant 0 : i32
    %dma_start3A_69 = tpu.memref_slice %arg2[%add3A_65, %dma_start3A_68] : memref<32768x768xf32, #tpu.memory_space<hbm>> -> memref<32x768xf32, #tpu.memory_space<hbm>>
    tpu.enqueue_dma source(%dma_start3A_69 : memref<32x768xf32, #tpu.memory_space<hbm>>) target(%arg5 : memref<32x768xf32, #tpu.memory_space<vmem>>) target_semaphore(%arg10 : memref<!tpu.dma_semaphore, #tpu.memory_space<semaphore_mem>>)
    %dma_wait3A_70 = arith.constant 0 : i32
    %dma_wait3A_71 = tpu.memref_slice %arg2[%add3A_25, %dma_wait3A_70] : memref<32768x768xf32, #tpu.memory_space<hbm>> -> memref<32x768xf32, #tpu.memory_space<hbm>>
    %dma_wait3A_72 = arith.constant 0 : i32
    %dma_wait3A_73 = tpu.memref_slice %arg2[%add3A_25, %dma_wait3A_72] : memref<32768x768xf32, #tpu.memory_space<hbm>> -> memref<32x768xf32, #tpu.memory_space<hbm>>
    tpu.wait_dma2 semaphore(%arg11 : memref<!tpu.dma_semaphore, #tpu.memory_space<semaphore_mem>>) src(%dma_wait3A_73 : memref<32x768xf32, #tpu.memory_space<hbm>>) dst(%arg6 : memref<32x768xf32, #tpu.memory_space<vmem>>)
    %scan3A_74 = arith.constant 0 : i32
    %scan3A_75 = arith.constant 0 : i32
    %scan3A_76 = arith.constant 32 : i32
    %scan3A_77 = arith.addi %scan3A_75, %scan3A_76 : i32
    %scan3A_78 = arith.constant 1 : i32
    scf.for %scan3A_1040 = %scan3A_75 to %scan3A_77 step %scan3A_78  : i32 {
      %parallel_loop3A = arith.constant 0 : i32
      %parallel_loop3A_1041 = arith.constant 768 : i32
      %parallel_loop3A_1042 = arith.constant 16 : i32
      scf.for %parallel_loop3A_1043 = %parallel_loop3A to %parallel_loop3A_1041 step %parallel_loop3A_1042  : i32 {
        %parallel_loop3A_1044 = arith.index_cast %scan3A_1040 : i32 to index
        %parallel_loop3A_1045 = arith.index_cast %parallel_loop3A_1043 : i32 to index
        %parallel_loop3A_1046 = tpu.vector_load %arg8[%parallel_loop3A_1044, %parallel_loop3A_1045] {strides = array<i32>} : memref<32x768xf32, #tpu.memory_space<vmem>>, vector<1x16xf32>,
        %parallel_loop3A_1047 = vector.shape_cast %parallel_loop3A_1046 : vector<1x16xf32> to vector<16xf32>
        %parallel_loop3A_1048 = arith.index_cast %scan3A_1040 : i32 to index
        %parallel_loop3A_1049 = arith.index_cast %parallel_loop3A_1043 : i32 to index
        %parallel_loop3A_1050 = tpu.vector_load %arg6[%parallel_loop3A_1048, %parallel_loop3A_1049] {strides = array<i32>} : memref<32x768xf32, #tpu.memory_space<vmem>>, vector<1x16xf32>,
        %parallel_loop3A_1051 = vector.shape_cast %parallel_loop3A_1050 : vector<1x16xf32> to vector<16xf32>
        %parallel_loop3A_1052 = vector.shape_cast %parallel_loop3A_1047 : vector<16xf32> to vector<1x16xf32>
        tpu.vector_store %arg6[%parallel_loop3A_1048, %parallel_loop3A_1049], %parallel_loop3A_1052 {add = true, strides = array<i32>} : memref<32x768xf32, #tpu.memory_space<vmem>>, vector<1x16xf32>,
      } {sc.loop_unroll_factor = 8 : i64, sc.parallel_access}
    }
    %scan3A_79 = arith.constant 32 : i32
    %add3A_80 = arith.constant 8192 : i32
    %add3A_81 = arith.addi %add3A_80, %mul3A_2 : i32
    %add3A_82 = arith.constant 0 : i32
    %add3A_83 = arith.addi %add3A_81, %add3A_82 : i32
    %dma_start3A_84 = arith.constant 0 : i32
    %dma_start3A_85 = tpu.memref_slice %arg4[%add3A_83, %dma_start3A_84] : memref<32768x768xf32, #tpu.memory_space<hbm>> -> memref<32x768xf32, #tpu.memory_space<hbm>>
    %dma_start3A_86 = arith.constant 0 : i32
    %dma_start3A_87 = tpu.memref_slice %arg4[%add3A_83, %dma_start3A_86] : memref<32768x768xf32, #tpu.memory_space<hbm>> -> memref<32x768xf32, #tpu.memory_space<hbm>>
    tpu.enqueue_dma source(%arg6 : memref<32x768xf32, #tpu.memory_space<vmem>>) target(%dma_start3A_87 : memref<32x768xf32, #tpu.memory_space<hbm>>) target_semaphore(%arg16 : memref<!tpu.dma_semaphore, #tpu.memory_space<semaphore_mem>>)
    %dma_wait3A_88 = arith.constant 0 : i32
    %dma_wait3A_89 = tpu.memref_slice %arg4[%add3A_83, %dma_wait3A_88] : memref<32768x768xf32, #tpu.memory_space<hbm>> -> memref<32x768xf32, #tpu.memory_space<hbm>>
    %dma_wait3A_90 = arith.constant 0 : i32
    %dma_wait3A_91 = tpu.memref_slice %arg4[%add3A_83, %dma_wait3A_90] : memref<32768x768xf32, #tpu.memory_space<hbm>> -> memref<32x768xf32, #tpu.memory_space<hbm>>
    tpu.wait_dma2 semaphore(%arg16 : memref<!tpu.dma_semaphore, #tpu.memory_space<semaphore_mem>>) src(%arg6 : memref<32x768xf32, #tpu.memory_space<vmem>>) dst(%dma_wait3A_91 : memref<32x768xf32, #tpu.memory_space<hbm>>)
    %add3A_92 = arith.constant 0 : i32
    %add3A_93 = arith.addi %add3A_92, %mul3A_2 : i32
    %add3A_94 = arith.constant 32 : i32
    %add3A_95 = arith.addi %add3A_93, %add3A_94 : i32
    %dma_start3A_96 = arith.constant 0 : i32
    %dma_start3A_97 = tpu.memref_slice %arg2[%add3A_95, %dma_start3A_96] : memref<32768x768xf32, #tpu.memory_space<hbm>> -> memref<32x768xf32, #tpu.memory_space<hbm>>
    %dma_start3A_98 = arith.constant 0 : i32
    %dma_start3A_99 = tpu.memref_slice %arg2[%add3A_95, %dma_start3A_98] : memref<32768x768xf32, #tpu.memory_space<hbm>> -> memref<32x768xf32, #tpu.memory_space<hbm>>
    tpu.enqueue_dma source(%dma_start3A_99 : memref<32x768xf32, #tpu.memory_space<hbm>>) target(%arg6 : memref<32x768xf32, #tpu.memory_space<vmem>>) target_semaphore(%arg11 : memref<!tpu.dma_semaphore, #tpu.memory_space<semaphore_mem>>)
    %dma_wait3A_100 = arith.constant 0 : i32
    %dma_wait3A_101 = tpu.memref_slice %arg2[%add3A_33, %dma_wait3A_100] : memref<32768x768xf32, #tpu.memory_space<hbm>> -> memref<32x768xf32, #tpu.memory_space<hbm>>
    %dma_wait3A_102 = arith.constant 0 : i32
    %dma_wait3A_103 = tpu.memref_slice %arg2[%add3A_33, %dma_wait3A_102] : memref<32768x768xf32, #tpu.memory_space<hbm>> -> memref<32x768xf32, #tpu.memory_space<hbm>>
    tpu.wait_dma2 semaphore(%arg12 : memref<!tpu.dma_semaphore, #tpu.memory_space<semaphore_mem>>) src(%dma_wait3A_103 : memref<32x768xf32, #tpu.memory_space<hbm>>) dst(%arg7 : memref<32x768xf32, #tpu.memory_space<vmem>>)
    %scan3A_104 = arith.constant 0 : i32
    %scan3A_105 = arith.constant 0 : i32
    %scan3A_106 = arith.constant 32 : i32
    %scan3A_107 = arith.addi %scan3A_105, %scan3A_106 : i32
    %scan3A_108 = arith.constant 1 : i32
    scf.for %scan3A_1040 = %scan3A_105 to %scan3A_107 step %scan3A_108  : i32 {
      %parallel_loop3A = arith.constant 0 : i32
      %parallel_loop3A_1041 = arith.constant 768 : i32
      %parallel_loop3A_1042 = arith.constant 16 : i32
      scf.for %parallel_loop3A_1043 = %parallel_loop3A to %parallel_loop3A_1041 step %parallel_loop3A_1042  : i32 {
        %parallel_loop3A_1044 = arith.index_cast %scan3A_1040 : i32 to index
        %parallel_loop3A_1045 = arith.index_cast %parallel_loop3A_1043 : i32 to index
        %parallel_loop3A_1046 = tpu.vector_load %arg8[%parallel_loop3A_1044, %parallel_loop3A_1045] {strides = array<i32>} : memref<32x768xf32, #tpu.memory_space<vmem>>, vector<1x16xf32>,
        %parallel_loop3A_1047 = vector.shape_cast %parallel_loop3A_1046 : vector<1x16xf32> to vector<16xf32>
        %parallel_loop3A_1048 = arith.index_cast %scan3A_1040 : i32 to index
        %parallel_loop3A_1049 = arith.index_cast %parallel_loop3A_1043 : i32 to index
        %parallel_loop3A_1050 = tpu.vector_load %arg7[%parallel_loop3A_1048, %parallel_loop3A_1049] {strides = array<i32>} : memref<32x768xf32, #tpu.memory_space<vmem>>, vector<1x16xf32>,
        %parallel_loop3A_1051 = vector.shape_cast %parallel_loop3A_1050 : vector<1x16xf32> to vector<16xf32>
        %parallel_loop3A_1052 = vector.shape_cast %parallel_loop3A_1047 : vector<16xf32> to vector<1x16xf32>
        tpu.vector_store %arg7[%parallel_loop3A_1048, %parallel_loop3A_1049], %parallel_loop3A_1052 {add = true, strides = array<i32>} : memref<32x768xf32, #tpu.memory_space<vmem>>, vector<1x16xf32>,
      } {sc.loop_unroll_factor = 8 : i64, sc.parallel_access}
    }
    %scan3A_109 = arith.constant 32 : i32
    %add3A_110 = arith.constant 16384 : i32
    %add3A_111 = arith.addi %add3A_110, %mul3A_2 : i32
    %add3A_112 = arith.constant 0 : i32
    %add3A_113 = arith.addi %add3A_111, %add3A_112 : i32
    %dma_start3A_114 = arith.constant 0 : i32
    %dma_start3A_115 = tpu.memref_slice %arg4[%add3A_113, %dma_start3A_114] : memref<32768x768xf32, #tpu.memory_space<hbm>> -> memref<32x768xf32, #tpu.memory_space<hbm>>
    %dma_start3A_116 = arith.constant 0 : i32
    %dma_start3A_117 = tpu.memref_slice %arg4[%add3A_113, %dma_start3A_116] : memref<32768x768xf32, #tpu.memory_space<hbm>> -> memref<32x768xf32, #tpu.memory_space<hbm>>
    tpu.enqueue_dma source(%arg7 : memref<32x768xf32, #tpu.memory_space<vmem>>) target(%dma_start3A_117 : memref<32x768xf32, #tpu.memory_space<hbm>>) target_semaphore(%arg17 : memref<!tpu.dma_semaphore, #tpu.memory_space<semaphore_mem>>)
    %dma_wait3A_118 = arith.constant 0 : i32
    %dma_wait3A_119 = tpu.memref_slice %arg4[%add3A_113, %dma_wait3A_118] : memref<32768x768xf32, #tpu.memory_space<hbm>> -> memref<32x768xf32, #tpu.memory_space<hbm>>
    %dma_wait3A_120 = arith.constant 0 : i32
    %dma_wait3A_121 = tpu.memref_slice %arg4[%add3A_113, %dma_wait3A_120] : memref<32768x768xf32, #tpu.memory_space<hbm>> -> memref<32x768xf32, #tpu.memory_space<hbm>>
    tpu.wait_dma2 semaphore(%arg17 : memref<!tpu.dma_semaphore, #tpu.memory_space<semaphore_mem>>) src(%arg7 : memref<32x768xf32, #tpu.memory_space<vmem>>) dst(%dma_wait3A_121 : memref<32x768xf32, #tpu.memory_space<hbm>>)
    %add3A_122 = arith.constant 8192 : i32
    %add3A_123 = arith.addi %add3A_122, %mul3A_2 : i32
    %add3A_124 = arith.constant 32 : i32
    %add3A_125 = arith.addi %add3A_123, %add3A_124 : i32
    %dma_start3A_126 = arith.constant 0 : i32
    %dma_start3A_127 = tpu.memref_slice %arg2[%add3A_125, %dma_start3A_126] : memref<32768x768xf32, #tpu.memory_space<hbm>> -> memref<32x768xf32, #tpu.memory_space<hbm>>
    %dma_start3A_128 = arith.constant 0 : i32
    %dma_start3A_129 = tpu.memref_slice %arg2[%add3A_125, %dma_start3A_128] : memref<32768x768xf32, #tpu.memory_space<hbm>> -> memref<32x768xf32, #tpu.memory_space<hbm>>
    tpu.enqueue_dma source(%dma_start3A_129 : memref<32x768xf32, #tpu.memory_space<hbm>>) target(%arg7 : memref<32x768xf32, #tpu.memory_space<vmem>>) target_semaphore(%arg12 : memref<!tpu.dma_semaphore, #tpu.memory_space<semaphore_mem>>)
    %dma_wait3A_130 = arith.constant 0 : i32
    %dma_wait3A_131 = tpu.memref_slice %arg2[%add3A_65, %dma_wait3A_130] : memref<32768x768xf32, #tpu.memory_space<hbm>> -> memref<32x768xf32, #tpu.memory_space<hbm>>
    %dma_wait3A_132 = arith.constant 0 : i32
    %dma_wait3A_133 = tpu.memref_slice %arg2[%add3A_65, %dma_wait3A_132] : memref<32768x768xf32, #tpu.memory_space<hbm>> -> memref<32x768xf32, #tpu.memory_space<hbm>>
    tpu.wait_dma2 semaphore(%arg10 : memref<!tpu.dma_semaphore, #tpu.memory_space<semaphore_mem>>) src(%dma_wait3A_133 : memref<32x768xf32, #tpu.memory_space<hbm>>) dst(%arg5 : memref<32x768xf32, #tpu.memory_space<vmem>>)
    %scan3A_134 = arith.constant 0 : i32
    %scan3A_135 = arith.constant 0 : i32
    %scan3A_136 = arith.constant 32 : i32
    %scan3A_137 = arith.addi %scan3A_135, %scan3A_136 : i32
    %scan3A_138 = arith.constant 1 : i32
    scf.for %scan3A_1040 = %scan3A_135 to %scan3A_137 step %scan3A_138  : i32 {
      %parallel_loop3A = arith.constant 0 : i32
      %parallel_loop3A_1041 = arith.constant 768 : i32
      %parallel_loop3A_1042 = arith.constant 16 : i32
      scf.for %parallel_loop3A_1043 = %parallel_loop3A to %parallel_loop3A_1041 step %parallel_loop3A_1042  : i32 {
        %parallel_loop3A_1044 = arith.index_cast %scan3A_1040 : i32 to index
        %parallel_loop3A_1045 = arith.index_cast %parallel_loop3A_1043 : i32 to index
        %parallel_loop3A_1046 = tpu.vector_load %arg8[%parallel_loop3A_1044, %parallel_loop3A_1045] {strides = array<i32>} : memref<32x768xf32, #tpu.memory_space<vmem>>, vector<1x16xf32>,
        %parallel_loop3A_1047 = vector.shape_cast %parallel_loop3A_1046 : vector<1x16xf32> to vector<16xf32>
        %parallel_loop3A_1048 = arith.index_cast %scan3A_1040 : i32 to index
        %parallel_loop3A_1049 = arith.index_cast %parallel_loop3A_1043 : i32 to index
        %parallel_loop3A_1050 = tpu.vector_load %arg5[%parallel_loop3A_1048, %parallel_loop3A_1049] {strides = array<i32>} : memref<32x768xf32, #tpu.memory_space<vmem>>, vector<1x16xf32>,
        %parallel_loop3A_1051 = vector.shape_cast %parallel_loop3A_1050 : vector<1x16xf32> to vector<16xf32>
        %parallel_loop3A_1052 = vector.shape_cast %parallel_loop3A_1047 : vector<16xf32> to vector<1x16xf32>
        tpu.vector_store %arg5[%parallel_loop3A_1048, %parallel_loop3A_1049], %parallel_loop3A_1052 {add = true, strides = array<i32>} : memref<32x768xf32, #tpu.memory_space<vmem>>, vector<1x16xf32>,
      } {sc.loop_unroll_factor = 8 : i64, sc.parallel_access}
    }
    %scan3A_139 = arith.constant 32 : i32
    %add3A_140 = arith.constant 64 : i32
    %add3A_141 = arith.addi %mul3A_2, %add3A_140 : i32
    %dma_start3A_142 = arith.constant 0 : i32
    %dma_start3A_143 = tpu.memref_slice %arg3[%add3A_141, %dma_start3A_142] : memref<8192x768xf32, #tpu.memory_space<hbm>> -> memref<32x768xf32, #tpu.memory_space<hbm>>
    %dma_start3A_144 = arith.constant 0 : i32
    %dma_start3A_145 = tpu.memref_slice %arg3[%add3A_141, %dma_start3A_144] : memref<8192x768xf32, #tpu.memory_space<hbm>> -> memref<32x768xf32, #tpu.memory_space<hbm>>
    tpu.enqueue_dma source(%dma_start3A_145 : memref<32x768xf32, #tpu.memory_space<hbm>>) target(%arg8 : memref<32x768xf32, #tpu.memory_space<vmem>>) target_semaphore(%arg13 : memref<!tpu.dma_semaphore, #tpu.memory_space<semaphore_mem>>)
    %add3A_146 = arith.constant 24576 : i32
    %add3A_147 = arith.addi %add3A_146, %mul3A_2 : i32
    %add3A_148 = arith.constant 0 : i32
    %add3A_149 = arith.addi %add3A_147, %add3A_148 : i32
    %dma_start3A_150 = arith.constant 0 : i32
    %dma_start3A_151 = tpu.memref_slice %arg4[%add3A_149, %dma_start3A_150] : memref<32768x768xf32, #tpu.memory_space<hbm>> -> memref<32x768xf32, #tpu.memory_space<hbm>>
    %dma_start3A_152 = arith.constant 0 : i32
    %dma_start3A_153 = tpu.memref_slice %arg4[%add3A_149, %dma_start3A_152] : memref<32768x768xf32, #tpu.memory_space<hbm>> -> memref<32x768xf32, #tpu.memory_space<hbm>>
    tpu.enqueue_dma source(%arg5 : memref<32x768xf32, #tpu.memory_space<vmem>>) target(%dma_start3A_153 : memref<32x768xf32, #tpu.memory_space<hbm>>) target_semaphore(%arg15 : memref<!tpu.dma_semaphore, #tpu.memory_space<semaphore_mem>>)
    %dma_wait3A_154 = arith.constant 0 : i32
    %dma_wait3A_155 = tpu.memref_slice %arg4[%add3A_149, %dma_wait3A_154] : memref<32768x768xf32, #tpu.memory_space<hbm>> -> memref<32x768xf32, #tpu.memory_space<hbm>>
    %dma_wait3A_156 = arith.constant 0 : i32
    %dma_wait3A_157 = tpu.memref_slice %arg4[%add3A_149, %dma_wait3A_156] : memref<32768x768xf32, #tpu.memory_space<hbm>> -> memref<32x768xf32, #tpu.memory_space<hbm>>
    tpu.wait_dma2 semaphore(%arg15 : memref<!tpu.dma_semaphore, #tpu.memory_space<semaphore_mem>>) src(%arg5 : memref<32x768xf32, #tpu.memory_space<vmem>>) dst(%dma_wait3A_157 : memref<32x768xf32, #tpu.memory_space<hbm>>)
    %add3A_158 = arith.constant 16384 : i32
    %add3A_159 = arith.addi %add3A_158, %mul3A_2 : i32
    %add3A_160 = arith.constant 32 : i32
    %add3A_161 = arith.addi %add3A_159, %add3A_160 : i32
    %dma_start3A_162 = arith.constant 0 : i32
    %dma_start3A_163 = tpu.memref_slice %arg2[%add3A_161, %dma_start3A_162] : memref<32768x768xf32, #tpu.memory_space<hbm>> -> memref<32x768xf32, #tpu.memory_space<hbm>>
    %dma_start3A_164 = arith.constant 0 : i32
    %dma_start3A_165 = tpu.memref_slice %arg2[%add3A_161, %dma_start3A_164] : memref<32768x768xf32, #tpu.memory_space<hbm>> -> memref<32x768xf32, #tpu.memory_space<hbm>>
    tpu.enqueue_dma source(%dma_start3A_165 : memref<32x768xf32, #tpu.memory_space<hbm>>) target(%arg5 : memref<32x768xf32, #tpu.memory_space<vmem>>) target_semaphore(%arg10 : memref<!tpu.dma_semaphore, #tpu.memory_space<semaphore_mem>>)
    %dma_wait3A_166 = arith.constant 0 : i32
    %dma_wait3A_167 = tpu.memref_slice %arg2[%add3A_95, %dma_wait3A_166] : memref<32768x768xf32, #tpu.memory_space<hbm>> -> memref<32x768xf32, #tpu.memory_space<hbm>>
    %dma_wait3A_168 = arith.constant 0 : i32
    %dma_wait3A_169 = tpu.memref_slice %arg2[%add3A_95, %dma_wait3A_168] : memref<32768x768xf32, #tpu.memory_space<hbm>> -> memref<32x768xf32, #tpu.memory_space<hbm>>
    tpu.wait_dma2 semaphore(%arg11 : memref<!tpu.dma_semaphore, #tpu.memory_space<semaphore_mem>>) src(%dma_wait3A_169 : memref<32x768xf32, #tpu.memory_space<hbm>>) dst(%arg6 : memref<32x768xf32, #tpu.memory_space<vmem>>)
    %dma_wait3A_170 = arith.constant 0 : i32
    %dma_wait3A_171 = tpu.memref_slice %arg3[%add3A_9, %dma_wait3A_170] : memref<8192x768xf32, #tpu.memory_space<hbm>> -> memref<32x768xf32, #tpu.memory_space<hbm>>
    %dma_wait3A_172 = arith.constant 0 : i32
    %dma_wait3A_173 = tpu.memref_slice %arg3[%add3A_9, %dma_wait3A_172] : memref<8192x768xf32, #tpu.memory_space<hbm>> -> memref<32x768xf32, #tpu.memory_space<hbm>>
    tpu.wait_dma2 semaphore(%arg14 : memref<!tpu.dma_semaphore, #tpu.memory_space<semaphore_mem>>) src(%dma_wait3A_173 : memref<32x768xf32, #tpu.memory_space<hbm>>) dst(%arg9 : memref<32x768xf32, #tpu.memory_space<vmem>>)
    %scan3A_174 = arith.constant 0 : i32
    %scan3A_175 = arith.constant 0 : i32
    %scan3A_176 = arith.constant 32 : i32
    %scan3A_177 = arith.addi %scan3A_175, %scan3A_176 : i32
    %scan3A_178 = arith.constant 1 : i32
    scf.for %scan3A_1040 = %scan3A_175 to %scan3A_177 step %scan3A_178  : i32 {
      %parallel_loop3A = arith.constant 0 : i32
      %parallel_loop3A_1041 = arith.constant 768 : i32
      %parallel_loop3A_1042 = arith.constant 16 : i32
      scf.for %parallel_loop3A_1043 = %parallel_loop3A to %parallel_loop3A_1041 step %parallel_loop3A_1042  : i32 {
        %parallel_loop3A_1044 = arith.index_cast %scan3A_1040 : i32 to index
        %parallel_loop3A_1045 = arith.index_cast %parallel_loop3A_1043 : i32 to index
        %parallel_loop3A_1046 = tpu.vector_load %arg9[%parallel_loop3A_1044, %parallel_loop3A_1045] {strides = array<i32>} : memref<32x768xf32, #tpu.memory_space<vmem>>, vector<1x16xf32>,
        %parallel_loop3A_1047 = vector.shape_cast %parallel_loop3A_1046 : vector<1x16xf32> to vector<16xf32>
        %parallel_loop3A_1048 = arith.index_cast %scan3A_1040 : i32 to index
        %parallel_loop3A_1049 = arith.index_cast %parallel_loop3A_1043 : i32 to index
        %parallel_loop3A_1050 = tpu.vector_load %arg6[%parallel_loop3A_1048, %parallel_loop3A_1049] {strides = array<i32>} : memref<32x768xf32, #tpu.memory_space<vmem>>, vector<1x16xf32>,
        %parallel_loop3A_1051 = vector.shape_cast %parallel_loop3A_1050 : vector<1x16xf32> to vector<16xf32>
        %parallel_loop3A_1052 = vector.shape_cast %parallel_loop3A_1047 : vector<16xf32> to vector<1x16xf32>
        tpu.vector_store %arg6[%parallel_loop3A_1048, %parallel_loop3A_1049], %parallel_loop3A_1052 {add = true, strides = array<i32>} : memref<32x768xf32, #tpu.memory_space<vmem>>, vector<1x16xf32>,
      } {sc.loop_unroll_factor = 8 : i64, sc.parallel_access}
    }
    %scan3A_179 = arith.constant 32 : i32
    %add3A_180 = arith.constant 0 : i32
    %add3A_181 = arith.addi %add3A_180, %mul3A_2 : i32
    %add3A_182 = arith.constant 32 : i32
    %add3A_183 = arith.addi %add3A_181, %add3A_182 : i32
    %dma_start3A_184 = arith.constant 0 : i32
    %dma_start3A_185 = tpu.memref_slice %arg4[%add3A_183, %dma_start3A_184] : memref<32768x768xf32, #tpu.memory_space<hbm>> -> memref<32x768xf32, #tpu.memory_space<hbm>>
    %dma_start3A_186 = arith.constant 0 : i32
    %dma_start3A_187 = tpu.memref_slice %arg4[%add3A_183, %dma_start3A_186] : memref<32768x768xf32, #tpu.memory_space<hbm>> -> memref<32x768xf32, #tpu.memory_space<hbm>>
    tpu.enqueue_dma source(%arg6 : memref<32x768xf32, #tpu.memory_space<vmem>>) target(%dma_start3A_187 : memref<32x768xf32, #tpu.memory_space<hbm>>) target_semaphore(%arg16 : memref<!tpu.dma_semaphore, #tpu.memory_space<semaphore_mem>>)
    %dma_wait3A_188 = arith.constant 0 : i32
    %dma_wait3A_189 = tpu.memref_slice %arg4[%add3A_183, %dma_wait3A_188] : memref<32768x768xf32, #tpu.memory_space<hbm>> -> memref<32x768xf32, #tpu.memory_space<hbm>>
    %dma_wait3A_190 = arith.constant 0 : i32
    %dma_wait3A_191 = tpu.memref_slice %arg4[%add3A_183, %dma_wait3A_190] : memref<32768x768xf32, #tpu.memory_space<hbm>> -> memref<32x768xf32, #tpu.memory_space<hbm>>
    tpu.wait_dma2 semaphore(%arg16 : memref<!tpu.dma_semaphore, #tpu.memory_space<semaphore_mem>>) src(%arg6 : memref<32x768xf32, #tpu.memory_space<vmem>>) dst(%dma_wait3A_191 : memref<32x768xf32, #tpu.memory_space<hbm>>)
    %add3A_192 = arith.constant 24576 : i32
    %add3A_193 = arith.addi %add3A_192, %mul3A_2 : i32
    %add3A_194 = arith.constant 32 : i32
    %add3A_195 = arith.addi %add3A_193, %add3A_194 : i32
    %dma_start3A_196 = arith.constant 0 : i32
    %dma_start3A_197 = tpu.memref_slice %arg2[%add3A_195, %dma_start3A_196] : memref<32768x768xf32, #tpu.memory_space<hbm>> -> memref<32x768xf32, #tpu.memory_space<hbm>>
    %dma_start3A_198 = arith.constant 0 : i32
    %dma_start3A_199 = tpu.memref_slice %arg2[%add3A_195, %dma_start3A_198] : memref<32768x768xf32, #tpu.memory_space<hbm>> -> memref<32x768xf32, #tpu.memory_space<hbm>>
    tpu.enqueue_dma source(%dma_start3A_199 : memref<32x768xf32, #tpu.memory_space<hbm>>) target(%arg6 : memref<32x768xf32, #tpu.memory_space<vmem>>) target_semaphore(%arg11 : memref<!tpu.dma_semaphore, #tpu.memory_space<semaphore_mem>>)
    %dma_wait3A_200 = arith.constant 0 : i32
    %dma_wait3A_201 = tpu.memref_slice %arg2[%add3A_125, %dma_wait3A_200] : memref<32768x768xf32, #tpu.memory_space<hbm>> -> memref<32x768xf32, #tpu.memory_space<hbm>>
    %dma_wait3A_202 = arith.constant 0 : i32
    %dma_wait3A_203 = tpu.memref_slice %arg2[%add3A_125, %dma_wait3A_202] : memref<32768x768xf32, #tpu.memory_space<hbm>> -> memref<32x768xf32, #tpu.memory_space<hbm>>
    tpu.wait_dma2 semaphore(%arg12 : memref<!tpu.dma_semaphore, #tpu.memory_space<semaphore_mem>>) src(%dma_wait3A_203 : memref<32x768xf32, #tpu.memory_space<hbm>>) dst(%arg7 : memref<32x768xf32, #tpu.memory_space<vmem>>)
    %scan3A_204 = arith.constant 0 : i32
    %scan3A_205 = arith.constant 0 : i32
    %scan3A_206 = arith.constant 32 : i32
    %scan3A_207 = arith.addi %scan3A_205, %scan3A_206 : i32
    %scan3A_208 = arith.constant 1 : i32
    scf.for %scan3A_1040 = %scan3A_205 to %scan3A_207 step %scan3A_208  : i32 {
      %parallel_loop3A = arith.constant 0 : i32
      %parallel_loop3A_1041 = arith.constant 768 : i32
      %parallel_loop3A_1042 = arith.constant 16 : i32
      scf.for %parallel_loop3A_1043 = %parallel_loop3A to %parallel_loop3A_1041 step %parallel_loop3A_1042  : i32 {
        %parallel_loop3A_1044 = arith.index_cast %scan3A_1040 : i32 to index
        %parallel_loop3A_1045 = arith.index_cast %parallel_loop3A_1043 : i32 to index
        %parallel_loop3A_1046 = tpu.vector_load %arg9[%parallel_loop3A_1044, %parallel_loop3A_1045] {strides = array<i32>} : memref<32x768xf32, #tpu.memory_space<vmem>>, vector<1x16xf32>,
        %parallel_loop3A_1047 = vector.shape_cast %parallel_loop3A_1046 : vector<1x16xf32> to vector<16xf32>
        %parallel_loop3A_1048 = arith.index_cast %scan3A_1040 : i32 to index
        %parallel_loop3A_1049 = arith.index_cast %parallel_loop3A_1043 : i32 to index
        %parallel_loop3A_1050 = tpu.vector_load %arg7[%parallel_loop3A_1048, %parallel_loop3A_1049] {strides = array<i32>} : memref<32x768xf32, #tpu.memory_space<vmem>>, vector<1x16xf32>,
        %parallel_loop3A_1051 = vector.shape_cast %parallel_loop3A_1050 : vector<1x16xf32> to vector<16xf32>
        %parallel_loop3A_1052 = vector.shape_cast %parallel_loop3A_1047 : vector<16xf32> to vector<1x16xf32>
        tpu.vector_store %arg7[%parallel_loop3A_1048, %parallel_loop3A_1049], %parallel_loop3A_1052 {add = true, strides = array<i32>} : memref<32x768xf32, #tpu.memory_space<vmem>>, vector<1x16xf32>,
      } {sc.loop_unroll_factor = 8 : i64, sc.parallel_access}
    }
    %scan3A_209 = arith.constant 32 : i32
    %add3A_210 = arith.constant 8192 : i32
    %add3A_211 = arith.addi %add3A_210, %mul3A_2 : i32
    %add3A_212 = arith.constant 32 : i32
    %add3A_213 = arith.addi %add3A_211, %add3A_212 : i32
    %dma_start3A_214 = arith.constant 0 : i32
    %dma_start3A_215 = tpu.memref_slice %arg4[%add3A_213, %dma_start3A_214] : memref<32768x768xf32, #tpu.memory_space<hbm>> -> memref<32x768xf32, #tpu.memory_space<hbm>>
    %dma_start3A_216 = arith.constant 0 : i32
    %dma_start3A_217 = tpu.memref_slice %arg4[%add3A_213, %dma_start3A_216] : memref<32768x768xf32, #tpu.memory_space<hbm>> -> memref<32x768xf32, #tpu.memory_space<hbm>>
    tpu.enqueue_dma source(%arg7 : memref<32x768xf32, #tpu.memory_space<vmem>>) target(%dma_start3A_217 : memref<32x768xf32, #tpu.memory_space<hbm>>) target_semaphore(%arg17 : memref<!tpu.dma_semaphore, #tpu.memory_space<semaphore_mem>>)
    %dma_wait3A_218 = arith.constant 0 : i32
    %dma_wait3A_219 = tpu.memref_slice %arg4[%add3A_213, %dma_wait3A_218] : memref<32768x768xf32, #tpu.memory_space<hbm>> -> memref<32x768xf32, #tpu.memory_space<hbm>>
    %dma_wait3A_220 = arith.constant 0 : i32
    %dma_wait3A_221 = tpu.memref_slice %arg4[%add3A_213, %dma_wait3A_220] : memref<32768x768xf32, #tpu.memory_space<hbm>> -> memref<32x768xf32, #tpu.memory_space<hbm>>
    tpu.wait_dma2 semaphore(%arg17 : memref<!tpu.dma_semaphore, #tpu.memory_space<semaphore_mem>>) src(%arg7 : memref<32x768xf32, #tpu.memory_space<vmem>>) dst(%dma_wait3A_221 : memref<32x768xf32, #tpu.memory_space<hbm>>)
    %add3A_222 = arith.constant 0 : i32
    %add3A_223 = arith.addi %add3A_222, %mul3A_2 : i32
    %add3A_224 = arith.constant 64 : i32
    %add3A_225 = arith.addi %add3A_223, %add3A_224 : i32
    %dma_start3A_226 = arith.constant 0 : i32
    %dma_start3A_227 = tpu.memref_slice %arg2[%add3A_225, %dma_start3A_226] : memref<32768x768xf32, #tpu.memory_space<hbm>> -> memref<32x768xf32, #tpu.memory_space<hbm>>
    %dma_start3A_228 = arith.constant 0 : i32
    %dma_start3A_229 = tpu.memref_slice %arg2[%add3A_225, %dma_start3A_228] : memref<32768x768xf32, #tpu.memory_space<hbm>> -> memref<32x768xf32, #tpu.memory_space<hbm>>
    tpu.enqueue_dma source(%dma_start3A_229 : memref<32x768xf32, #tpu.memory_space<hbm>>) target(%arg7 : memref<32x768xf32, #tpu.memory_space<vmem>>) target_semaphore(%arg12 : memref<!tpu.dma_semaphore, #tpu.memory_space<semaphore_mem>>)
    %dma_wait3A_230 = arith.constant 0 : i32
    %dma_wait3A_231 = tpu.memref_slice %arg2[%add3A_161, %dma_wait3A_230] : memref<32768x768xf32, #tpu.memory_space<hbm>> -> memref<32x768xf32, #tpu.memory_space<hbm>>
    %dma_wait3A_232 = arith.constant 0 : i32
    %dma_wait3A_233 = tpu.memref_slice %arg2[%add3A_161, %dma_wait3A_232] : memref<32768x768xf32, #tpu.memory_space<hbm>> -> memref<32x768xf32, #tpu.memory_space<hbm>>
    tpu.wait_dma2 semaphore(%arg10 : memref<!tpu.dma_semaphore, #tpu.memory_space<semaphore_mem>>) src(%dma_wait3A_233 : memref<32x768xf32, #tpu.memory_space<hbm>>) dst(%arg5 : memref<32x768xf32, #tpu.memory_space<vmem>>)
    %scan3A_234 = arith.constant 0 : i32
    %scan3A_235 = arith.constant 0 : i32
    %scan3A_236 = arith.constant 32 : i32
    %scan3A_237 = arith.addi %scan3A_235, %scan3A_236 : i32
    %scan3A_238 = arith.constant 1 : i32
    scf.for %scan3A_1040 = %scan3A_235 to %scan3A_237 step %scan3A_238  : i32 {
      %parallel_loop3A = arith.constant 0 : i32
      %parallel_loop3A_1041 = arith.constant 768 : i32
      %parallel_loop3A_1042 = arith.constant 16 : i32
      scf.for %parallel_loop3A_1043 = %parallel_loop3A to %parallel_loop3A_1041 step %parallel_loop3A_1042  : i32 {
        %parallel_loop3A_1044 = arith.index_cast %scan3A_1040 : i32 to index
        %parallel_loop3A_1045 = arith.index_cast %parallel_loop3A_1043 : i32 to index
        %parallel_loop3A_1046 = tpu.vector_load %arg9[%parallel_loop3A_1044, %parallel_loop3A_1045] {strides = array<i32>} : memref<32x768xf32, #tpu.memory_space<vmem>>, vector<1x16xf32>,
        %parallel_loop3A_1047 = vector.shape_cast %parallel_loop3A_1046 : vector<1x16xf32> to vector<16xf32>
        %parallel_loop3A_1048 = arith.index_cast %scan3A_1040 : i32 to index
        %parallel_loop3A_1049 = arith.index_cast %parallel_loop3A_1043 : i32 to index
        %parallel_loop3A_1050 = tpu.vector_load %arg5[%parallel_loop3A_1048, %parallel_loop3A_1049] {strides = array<i32>} : memref<32x768xf32, #tpu.memory_space<vmem>>, vector<1x16xf32>,
        %parallel_loop3A_1051 = vector.shape_cast %parallel_loop3A_1050 : vector<1x16xf32> to vector<16xf32>
        %parallel_loop3A_1052 = vector.shape_cast %parallel_loop3A_1047 : vector<16xf32> to vector<1x16xf32>
        tpu.vector_store %arg5[%parallel_loop3A_1048, %parallel_loop3A_1049], %parallel_loop3A_1052 {add = true, strides = array<i32>} : memref<32x768xf32, #tpu.memory_space<vmem>>, vector<1x16xf32>,
      } {sc.loop_unroll_factor = 8 : i64, sc.parallel_access}
    }
    %scan3A_239 = arith.constant 32 : i32
    %add3A_240 = arith.constant 16384 : i32
    %add3A_241 = arith.addi %add3A_240, %mul3A_2 : i32
    %add3A_242 = arith.constant 32 : i32
    %add3A_243 = arith.addi %add3A_241, %add3A_242 : i32
    %dma_start3A_244 = arith.constant 0 : i32
    %dma_start3A_245 = tpu.memref_slice %arg4[%add3A_243, %dma_start3A_244] : memref<32768x768xf32, #tpu.memory_space<hbm>> -> memref<32x768xf32, #tpu.memory_space<hbm>>
    %dma_start3A_246 = arith.constant 0 : i32
    %dma_start3A_247 = tpu.memref_slice %arg4[%add3A_243, %dma_start3A_246] : memref<32768x768xf32, #tpu.memory_space<hbm>> -> memref<32x768xf32, #tpu.memory_space<hbm>>
    tpu.enqueue_dma source(%arg5 : memref<32x768xf32, #tpu.memory_space<vmem>>) target(%dma_start3A_247 : memref<32x768xf32, #tpu.memory_space<hbm>>) target_semaphore(%arg15 : memref<!tpu.dma_semaphore, #tpu.memory_space<semaphore_mem>>)
    %dma_wait3A_248 = arith.constant 0 : i32
    %dma_wait3A_249 = tpu.memref_slice %arg4[%add3A_243, %dma_wait3A_248] : memref<32768x768xf32, #tpu.memory_space<hbm>> -> memref<32x768xf32, #tpu.memory_space<hbm>>
    %dma_wait3A_250 = arith.constant 0 : i32
    %dma_wait3A_251 = tpu.memref_slice %arg4[%add3A_243, %dma_wait3A_250] : memref<32768x768xf32, #tpu.memory_space<hbm>> -> memref<32x768xf32, #tpu.memory_space<hbm>>
    tpu.wait_dma2 semaphore(%arg15 : memref<!tpu.dma_semaphore, #tpu.memory_space<semaphore_mem>>) src(%arg5 : memref<32x768xf32, #tpu.memory_space<vmem>>) dst(%dma_wait3A_251 : memref<32x768xf32, #tpu.memory_space<hbm>>)
    %add3A_252 = arith.constant 8192 : i32
    %add3A_253 = arith.addi %add3A_252, %mul3A_2 : i32
    %add3A_254 = arith.constant 64 : i32
    %add3A_255 = arith.addi %add3A_253, %add3A_254 : i32
    %dma_start3A_256 = arith.constant 0 : i32
    %dma_start3A_257 = tpu.memref_slice %arg2[%add3A_255, %dma_start3A_256] : memref<32768x768xf32, #tpu.memory_space<hbm>> -> memref<32x768xf32, #tpu.memory_space<hbm>>
    %dma_start3A_258 = arith.constant 0 : i32
    %dma_start3A_259 = tpu.memref_slice %arg2[%add3A_255, %dma_start3A_258] : memref<32768x768xf32, #tpu.memory_space<hbm>> -> memref<32x768xf32, #tpu.memory_space<hbm>>
    tpu.enqueue_dma source(%dma_start3A_259 : memref<32x768xf32, #tpu.memory_space<hbm>>) target(%arg5 : memref<32x768xf32, #tpu.memory_space<vmem>>) target_semaphore(%arg10 : memref<!tpu.dma_semaphore, #tpu.memory_space<semaphore_mem>>)
    %dma_wait3A_260 = arith.constant 0 : i32
    %dma_wait3A_261 = tpu.memref_slice %arg2[%add3A_195, %dma_wait3A_260] : memref<32768x768xf32, #tpu.memory_space<hbm>> -> memref<32x768xf32, #tpu.memory_space<hbm>>
    %dma_wait3A_262 = arith.constant 0 : i32
    %dma_wait3A_263 = tpu.memref_slice %arg2[%add3A_195, %dma_wait3A_262] : memref<32768x768xf32, #tpu.memory_space<hbm>> -> memref<32x768xf32, #tpu.memory_space<hbm>>
    tpu.wait_dma2 semaphore(%arg11 : memref<!tpu.dma_semaphore, #tpu.memory_space<semaphore_mem>>) src(%dma_wait3A_263 : memref<32x768xf32, #tpu.memory_space<hbm>>) dst(%arg6 : memref<32x768xf32, #tpu.memory_space<vmem>>)
    %scan3A_264 = arith.constant 0 : i32
    %scan3A_265 = arith.constant 0 : i32
    %scan3A_266 = arith.constant 32 : i32
    %scan3A_267 = arith.addi %scan3A_265, %scan3A_266 : i32
    %scan3A_268 = arith.constant 1 : i32
    scf.for %scan3A_1040 = %scan3A_265 to %scan3A_267 step %scan3A_268  : i32 {
      %parallel_loop3A = arith.constant 0 : i32
      %parallel_loop3A_1041 = arith.constant 768 : i32
      %parallel_loop3A_1042 = arith.constant 16 : i32
      scf.for %parallel_loop3A_1043 = %parallel_loop3A to %parallel_loop3A_1041 step %parallel_loop3A_1042  : i32 {
        %parallel_loop3A_1044 = arith.index_cast %scan3A_1040 : i32 to index
        %parallel_loop3A_1045 = arith.index_cast %parallel_loop3A_1043 : i32 to index
        %parallel_loop3A_1046 = tpu.vector_load %arg9[%parallel_loop3A_1044, %parallel_loop3A_1045] {strides = array<i32>} : memref<32x768xf32, #tpu.memory_space<vmem>>, vector<1x16xf32>,
        %parallel_loop3A_1047 = vector.shape_cast %parallel_loop3A_1046 : vector<1x16xf32> to vector<16xf32>
        %parallel_loop3A_1048 = arith.index_cast %scan3A_1040 : i32 to index
        %parallel_loop3A_1049 = arith.index_cast %parallel_loop3A_1043 : i32 to index
        %parallel_loop3A_1050 = tpu.vector_load %arg6[%parallel_loop3A_1048, %parallel_loop3A_1049] {strides = array<i32>} : memref<32x768xf32, #tpu.memory_space<vmem>>, vector<1x16xf32>,
        %parallel_loop3A_1051 = vector.shape_cast %parallel_loop3A_1050 : vector<1x16xf32> to vector<16xf32>
        %parallel_loop3A_1052 = vector.shape_cast %parallel_loop3A_1047 : vector<16xf32> to vector<1x16xf32>
        tpu.vector_store %arg6[%parallel_loop3A_1048, %parallel_loop3A_1049], %parallel_loop3A_1052 {add = true, strides = array<i32>} : memref<32x768xf32, #tpu.memory_space<vmem>>, vector<1x16xf32>,
      } {sc.loop_unroll_factor = 8 : i64, sc.parallel_access}
    }
    %scan3A_269 = arith.constant 32 : i32
    %add3A_270 = arith.constant 96 : i32
    %add3A_271 = arith.addi %mul3A_2, %add3A_270 : i32
    %dma_start3A_272 = arith.constant 0 : i32
    %dma_start3A_273 = tpu.memref_slice %arg3[%add3A_271, %dma_start3A_272] : memref<8192x768xf32, #tpu.memory_space<hbm>> -> memref<32x768xf32, #tpu.memory_space<hbm>>
    %dma_start3A_274 = arith.constant 0 : i32
    %dma_start3A_275 = tpu.memref_slice %arg3[%add3A_271, %dma_start3A_274] : memref<8192x768xf32, #tpu.memory_space<hbm>> -> memref<32x768xf32, #tpu.memory_space<hbm>>
    tpu.enqueue_dma source(%dma_start3A_275 : memref<32x768xf32, #tpu.memory_space<hbm>>) target(%arg9 : memref<32x768xf32, #tpu.memory_space<vmem>>) target_semaphore(%arg14 : memref<!tpu.dma_semaphore, #tpu.memory_space<semaphore_mem>>)
    %add3A_276 = arith.constant 24576 : i32
    %add3A_277 = arith.addi %add3A_276, %mul3A_2 : i32
    %add3A_278 = arith.constant 32 : i32
    %add3A_279 = arith.addi %add3A_277, %add3A_278 : i32
    %dma_start3A_280 = arith.constant 0 : i32
    %dma_start3A_281 = tpu.memref_slice %arg4[%add3A_279, %dma_start3A_280] : memref<32768x768xf32, #tpu.memory_space<hbm>> -> memref<32x768xf32, #tpu.memory_space<hbm>>
    %dma_start3A_282 = arith.constant 0 : i32
    %dma_start3A_283 = tpu.memref_slice %arg4[%add3A_279, %dma_start3A_282] : memref<32768x768xf32, #tpu.memory_space<hbm>> -> memref<32x768xf32, #tpu.memory_space<hbm>>
    tpu.enqueue_dma source(%arg6 : memref<32x768xf32, #tpu.memory_space<vmem>>) target(%dma_start3A_283 : memref<32x768xf32, #tpu.memory_space<hbm>>) target_semaphore(%arg16 : memref<!tpu.dma_semaphore, #tpu.memory_space<semaphore_mem>>)
    %dma_wait3A_284 = arith.constant 0 : i32
    %dma_wait3A_285 = tpu.memref_slice %arg4[%add3A_279, %dma_wait3A_284] : memref<32768x768xf32, #tpu.memory_space<hbm>> -> memref<32x768xf32, #tpu.memory_space<hbm>>
    %dma_wait3A_286 = arith.constant 0 : i32
    %dma_wait3A_287 = tpu.memref_slice %arg4[%add3A_279, %dma_wait3A_286] : memref<32768x768xf32, #tpu.memory_space<hbm>> -> memref<32x768xf32, #tpu.memory_space<hbm>>
    tpu.wait_dma2 semaphore(%arg16 : memref<!tpu.dma_semaphore, #tpu.memory_space<semaphore_mem>>) src(%arg6 : memref<32x768xf32, #tpu.memory_space<vmem>>) dst(%dma_wait3A_287 : memref<32x768xf32, #tpu.memory_space<hbm>>)
    %add3A_288 = arith.constant 16384 : i32
    %add3A_289 = arith.addi %add3A_288, %mul3A_2 : i32
    %add3A_290 = arith.constant 64 : i32
    %add3A_291 = arith.addi %add3A_289, %add3A_290 : i32
    %dma_start3A_292 = arith.constant 0 : i32
    %dma_start3A_293 = tpu.memref_slice %arg2[%add3A_291, %dma_start3A_292] : memref<32768x768xf32, #tpu.memory_space<hbm>> -> memref<32x768xf32, #tpu.memory_space<hbm>>
    %dma_start3A_294 = arith.constant 0 : i32
    %dma_start3A_295 = tpu.memref_slice %arg2[%add3A_291, %dma_start3A_294] : memref<32768x768xf32, #tpu.memory_space<hbm>> -> memref<32x768xf32, #tpu.memory_space<hbm>>
    tpu.enqueue_dma source(%dma_start3A_295 : memref<32x768xf32, #tpu.memory_space<hbm>>) target(%arg6 : memref<32x768xf32, #tpu.memory_space<vmem>>) target_semaphore(%arg11 : memref<!tpu.dma_semaphore, #tpu.memory_space<semaphore_mem>>)
    %dma_wait3A_296 = arith.constant 0 : i32
    %dma_wait3A_297 = tpu.memref_slice %arg2[%add3A_225, %dma_wait3A_296] : memref<32768x768xf32, #tpu.memory_space<hbm>> -> memref<32x768xf32, #tpu.memory_space<hbm>>
    %dma_wait3A_298 = arith.constant 0 : i32
    %dma_wait3A_299 = tpu.memref_slice %arg2[%add3A_225, %dma_wait3A_298] : memref<32768x768xf32, #tpu.memory_space<hbm>> -> memref<32x768xf32, #tpu.memory_space<hbm>>
    tpu.wait_dma2 semaphore(%arg12 : memref<!tpu.dma_semaphore, #tpu.memory_space<semaphore_mem>>) src(%dma_wait3A_299 : memref<32x768xf32, #tpu.memory_space<hbm>>) dst(%arg7 : memref<32x768xf32, #tpu.memory_space<vmem>>)
    %dma_wait3A_300 = arith.constant 0 : i32
    %dma_wait3A_301 = tpu.memref_slice %arg3[%add3A_141, %dma_wait3A_300] : memref<8192x768xf32, #tpu.memory_space<hbm>> -> memref<32x768xf32, #tpu.memory_space<hbm>>
    %dma_wait3A_302 = arith.constant 0 : i32
    %dma_wait3A_303 = tpu.memref_slice %arg3[%add3A_141, %dma_wait3A_302] : memref<8192x768xf32, #tpu.memory_space<hbm>> -> memref<32x768xf32, #tpu.memory_space<hbm>>
    tpu.wait_dma2 semaphore(%arg13 : memref<!tpu.dma_semaphore, #tpu.memory_space<semaphore_mem>>) src(%dma_wait3A_303 : memref<32x768xf32, #tpu.memory_space<hbm>>) dst(%arg8 : memref<32x768xf32, #tpu.memory_space<vmem>>)
    %scan3A_304 = arith.constant 0 : i32
    %scan3A_305 = arith.constant 0 : i32
    %scan3A_306 = arith.constant 32 : i32
    %scan3A_307 = arith.addi %scan3A_305, %scan3A_306 : i32
    %scan3A_308 = arith.constant 1 : i32
    scf.for %scan3A_1040 = %scan3A_305 to %scan3A_307 step %scan3A_308  : i32 {
      %parallel_loop3A = arith.constant 0 : i32
      %parallel_loop3A_1041 = arith.constant 768 : i32
      %parallel_loop3A_1042 = arith.constant 16 : i32
      scf.for %parallel_loop3A_1043 = %parallel_loop3A to %parallel_loop3A_1041 step %parallel_loop3A_1042  : i32 {
        %parallel_loop3A_1044 = arith.index_cast %scan3A_1040 : i32 to index
        %parallel_loop3A_1045 = arith.index_cast %parallel_loop3A_1043 : i32 to index
        %parallel_loop3A_1046 = tpu.vector_load %arg8[%parallel_loop3A_1044, %parallel_loop3A_1045] {strides = array<i32>} : memref<32x768xf32, #tpu.memory_space<vmem>>, vector<1x16xf32>,
        %parallel_loop3A_1047 = vector.shape_cast %parallel_loop3A_1046 : vector<1x16xf32> to vector<16xf32>
        %parallel_loop3A_1048 = arith.index_cast %scan3A_1040 : i32 to index
        %parallel_loop3A_1049 = arith.index_cast %parallel_loop3A_1043 : i32 to index
        %parallel_loop3A_1050 = tpu.vector_load %arg7[%parallel_loop3A_1048, %parallel_loop3A_1049] {strides = array<i32>} : memref<32x768xf32, #tpu.memory_space<vmem>>, vector<1x16xf32>,
        %parallel_loop3A_1051 = vector.shape_cast %parallel_loop3A_1050 : vector<1x16xf32> to vector<16xf32>
        %parallel_loop3A_1052 = vector.shape_cast %parallel_loop3A_1047 : vector<16xf32> to vector<1x16xf32>
        tpu.vector_store %arg7[%parallel_loop3A_1048, %parallel_loop3A_1049], %parallel_loop3A_1052 {add = true, strides = array<i32>} : memref<32x768xf32, #tpu.memory_space<vmem>>, vector<1x16xf32>,
      } {sc.loop_unroll_factor = 8 : i64, sc.parallel_access}
    }
    %scan3A_309 = arith.constant 32 : i32
    %add3A_310 = arith.constant 0 : i32
    %add3A_311 = arith.addi %add3A_310, %mul3A_2 : i32
    %add3A_312 = arith.constant 64 : i32
    %add3A_313 = arith.addi %add3A_311, %add3A_312 : i32
    %dma_start3A_314 = arith.constant 0 : i32
    %dma_start3A_315 = tpu.memref_slice %arg4[%add3A_313, %dma_start3A_314] : memref<32768x768xf32, #tpu.memory_space<hbm>> -> memref<32x768xf32, #tpu.memory_space<hbm>>
    %dma_start3A_316 = arith.constant 0 : i32
    %dma_start3A_317 = tpu.memref_slice %arg4[%add3A_313, %dma_start3A_316] : memref<32768x768xf32, #tpu.memory_space<hbm>> -> memref<32x768xf32, #tpu.memory_space<hbm>>
    tpu.enqueue_dma source(%arg7 : memref<32x768xf32, #tpu.memory_space<vmem>>) target(%dma_start3A_317 : memref<32x768xf32, #tpu.memory_space<hbm>>) target_semaphore(%arg17 : memref<!tpu.dma_semaphore, #tpu.memory_space<semaphore_mem>>)
    %dma_wait3A_318 = arith.constant 0 : i32
    %dma_wait3A_319 = tpu.memref_slice %arg4[%add3A_313, %dma_wait3A_318] : memref<32768x768xf32, #tpu.memory_space<hbm>> -> memref<32x768xf32, #tpu.memory_space<hbm>>
    %dma_wait3A_320 = arith.constant 0 : i32
    %dma_wait3A_321 = tpu.memref_slice %arg4[%add3A_313, %dma_wait3A_320] : memref<32768x768xf32, #tpu.memory_space<hbm>> -> memref<32x768xf32, #tpu.memory_space<hbm>>
    tpu.wait_dma2 semaphore(%arg17 : memref<!tpu.dma_semaphore, #tpu.memory_space<semaphore_mem>>) src(%arg7 : memref<32x768xf32, #tpu.memory_space<vmem>>) dst(%dma_wait3A_321 : memref<32x768xf32, #tpu.memory_space<hbm>>)
    %add3A_322 = arith.constant 24576 : i32
    %add3A_323 = arith.addi %add3A_322, %mul3A_2 : i32
    %add3A_324 = arith.constant 64 : i32
    %add3A_325 = arith.addi %add3A_323, %add3A_324 : i32
    %dma_start3A_326 = arith.constant 0 : i32
    %dma_start3A_327 = tpu.memref_slice %arg2[%add3A_325, %dma_start3A_326] : memref<32768x768xf32, #tpu.memory_space<hbm>> -> memref<32x768xf32, #tpu.memory_space<hbm>>
    %dma_start3A_328 = arith.constant 0 : i32
    %dma_start3A_329 = tpu.memref_slice %arg2[%add3A_325, %dma_start3A_328] : memref<32768x768xf32, #tpu.memory_space<hbm>> -> memref<32x768xf32, #tpu.memory_space<hbm>>
    tpu.enqueue_dma source(%dma_start3A_329 : memref<32x768xf32, #tpu.memory_space<hbm>>) target(%arg7 : memref<32x768xf32, #tpu.memory_space<vmem>>) target_semaphore(%arg12 : memref<!tpu.dma_semaphore, #tpu.memory_space<semaphore_mem>>)
    %dma_wait3A_330 = arith.constant 0 : i32
    %dma_wait3A_331 = tpu.memref_slice %arg2[%add3A_255, %dma_wait3A_330] : memref<32768x768xf32, #tpu.memory_space<hbm>> -> memref<32x768xf32, #tpu.memory_space<hbm>>
    %dma_wait3A_332 = arith.constant 0 : i32
    %dma_wait3A_333 = tpu.memref_slice %arg2[%add3A_255, %dma_wait3A_332] : memref<32768x768xf32, #tpu.memory_space<hbm>> -> memref<32x768xf32, #tpu.memory_space<hbm>>
    tpu.wait_dma2 semaphore(%arg10 : memref<!tpu.dma_semaphore, #tpu.memory_space<semaphore_mem>>) src(%dma_wait3A_333 : memref<32x768xf32, #tpu.memory_space<hbm>>) dst(%arg5 : memref<32x768xf32, #tpu.memory_space<vmem>>)
    %scan3A_334 = arith.constant 0 : i32
    %scan3A_335 = arith.constant 0 : i32
    %scan3A_336 = arith.constant 32 : i32
    %scan3A_337 = arith.addi %scan3A_335, %scan3A_336 : i32
    %scan3A_338 = arith.constant 1 : i32
    scf.for %scan3A_1040 = %scan3A_335 to %scan3A_337 step %scan3A_338  : i32 {
      %parallel_loop3A = arith.constant 0 : i32
      %parallel_loop3A_1041 = arith.constant 768 : i32
      %parallel_loop3A_1042 = arith.constant 16 : i32
      scf.for %parallel_loop3A_1043 = %parallel_loop3A to %parallel_loop3A_1041 step %parallel_loop3A_1042  : i32 {
        %parallel_loop3A_1044 = arith.index_cast %scan3A_1040 : i32 to index
        %parallel_loop3A_1045 = arith.index_cast %parallel_loop3A_1043 : i32 to index
        %parallel_loop3A_1046 = tpu.vector_load %arg8[%parallel_loop3A_1044, %parallel_loop3A_1045] {strides = array<i32>} : memref<32x768xf32, #tpu.memory_space<vmem>>, vector<1x16xf32>,
        %parallel_loop3A_1047 = vector.shape_cast %parallel_loop3A_1046 : vector<1x16xf32> to vector<16xf32>
        %parallel_loop3A_1048 = arith.index_cast %scan3A_1040 : i32 to index
        %parallel_loop3A_1049 = arith.index_cast %parallel_loop3A_1043 : i32 to index
        %parallel_loop3A_1050 = tpu.vector_load %arg5[%parallel_loop3A_1048, %parallel_loop3A_1049] {strides = array<i32>} : memref<32x768xf32, #tpu.memory_space<vmem>>, vector<1x16xf32>,
        %parallel_loop3A_1051 = vector.shape_cast %parallel_loop3A_1050 : vector<1x16xf32> to vector<16xf32>
        %parallel_loop3A_1052 = vector.shape_cast %parallel_loop3A_1047 : vector<16xf32> to vector<1x16xf32>
        tpu.vector_store %arg5[%parallel_loop3A_1048, %parallel_loop3A_1049], %parallel_loop3A_1052 {add = true, strides = array<i32>} : memref<32x768xf32, #tpu.memory_space<vmem>>, vector<1x16xf32>,
      } {sc.loop_unroll_factor = 8 : i64, sc.parallel_access}
    }
    %scan3A_339 = arith.constant 32 : i32
    %add3A_340 = arith.constant 8192 : i32
    %add3A_341 = arith.addi %add3A_340, %mul3A_2 : i32
    %add3A_342 = arith.constant 64 : i32
    %add3A_343 = arith.addi %add3A_341, %add3A_342 : i32
    %dma_start3A_344 = arith.constant 0 : i32
    %dma_start3A_345 = tpu.memref_slice %arg4[%add3A_343, %dma_start3A_344] : memref<32768x768xf32, #tpu.memory_space<hbm>> -> memref<32x768xf32, #tpu.memory_space<hbm>>
    %dma_start3A_346 = arith.constant 0 : i32
    %dma_start3A_347 = tpu.memref_slice %arg4[%add3A_343, %dma_start3A_346] : memref<32768x768xf32, #tpu.memory_space<hbm>> -> memref<32x768xf32, #tpu.memory_space<hbm>>
    tpu.enqueue_dma source(%arg5 : memref<32x768xf32, #tpu.memory_space<vmem>>) target(%dma_start3A_347 : memref<32x768xf32, #tpu.memory_space<hbm>>) target_semaphore(%arg15 : memref<!tpu.dma_semaphore, #tpu.memory_space<semaphore_mem>>)
    %dma_wait3A_348 = arith.constant 0 : i32
    %dma_wait3A_349 = tpu.memref_slice %arg4[%add3A_343, %dma_wait3A_348] : memref<32768x768xf32, #tpu.memory_space<hbm>> -> memref<32x768xf32, #tpu.memory_space<hbm>>
    %dma_wait3A_350 = arith.constant 0 : i32
    %dma_wait3A_351 = tpu.memref_slice %arg4[%add3A_343, %dma_wait3A_350] : memref<32768x768xf32, #tpu.memory_space<hbm>> -> memref<32x768xf32, #tpu.memory_space<hbm>>
    tpu.wait_dma2 semaphore(%arg15 : memref<!tpu.dma_semaphore, #tpu.memory_space<semaphore_mem>>) src(%arg5 : memref<32x768xf32, #tpu.memory_space<vmem>>) dst(%dma_wait3A_351 : memref<32x768xf32, #tpu.memory_space<hbm>>)
    %add3A_352 = arith.constant 0 : i32
    %add3A_353 = arith.addi %add3A_352, %mul3A_2 : i32
    %add3A_354 = arith.constant 96 : i32
    %add3A_355 = arith.addi %add3A_353, %add3A_354 : i32
    %dma_start3A_356 = arith.constant 0 : i32
    %dma_start3A_357 = tpu.memref_slice %arg2[%add3A_355, %dma_start3A_356] : memref<32768x768xf32, #tpu.memory_space<hbm>> -> memref<32x768xf32, #tpu.memory_space<hbm>>
    %dma_start3A_358 = arith.constant 0 : i32
    %dma_start3A_359 = tpu.memref_slice %arg2[%add3A_355, %dma_start3A_358] : memref<32768x768xf32, #tpu.memory_space<hbm>> -> memref<32x768xf32, #tpu.memory_space<hbm>>
    tpu.enqueue_dma source(%dma_start3A_359 : memref<32x768xf32, #tpu.memory_space<hbm>>) target(%arg5 : memref<32x768xf32, #tpu.memory_space<vmem>>) target_semaphore(%arg10 : memref<!tpu.dma_semaphore, #tpu.memory_space<semaphore_mem>>)
    %dma_wait3A_360 = arith.constant 0 : i32
    %dma_wait3A_361 = tpu.memref_slice %arg2[%add3A_291, %dma_wait3A_360] : memref<32768x768xf32, #tpu.memory_space<hbm>> -> memref<32x768xf32, #tpu.memory_space<hbm>>
    %dma_wait3A_362 = arith.constant 0 : i32
    %dma_wait3A_363 = tpu.memref_slice %arg2[%add3A_291, %dma_wait3A_362] : memref<32768x768xf32, #tpu.memory_space<hbm>> -> memref<32x768xf32, #tpu.memory_space<hbm>>
    tpu.wait_dma2 semaphore(%arg11 : memref<!tpu.dma_semaphore, #tpu.memory_space<semaphore_mem>>) src(%dma_wait3A_363 : memref<32x768xf32, #tpu.memory_space<hbm>>) dst(%arg6 : memref<32x768xf32, #tpu.memory_space<vmem>>)
    %scan3A_364 = arith.constant 0 : i32
    %scan3A_365 = arith.constant 0 : i32
    %scan3A_366 = arith.constant 32 : i32
    %scan3A_367 = arith.addi %scan3A_365, %scan3A_366 : i32
    %scan3A_368 = arith.constant 1 : i32
    scf.for %scan3A_1040 = %scan3A_365 to %scan3A_367 step %scan3A_368  : i32 {
      %parallel_loop3A = arith.constant 0 : i32
      %parallel_loop3A_1041 = arith.constant 768 : i32
      %parallel_loop3A_1042 = arith.constant 16 : i32
      scf.for %parallel_loop3A_1043 = %parallel_loop3A to %parallel_loop3A_1041 step %parallel_loop3A_1042  : i32 {
        %parallel_loop3A_1044 = arith.index_cast %scan3A_1040 : i32 to index
        %parallel_loop3A_1045 = arith.index_cast %parallel_loop3A_1043 : i32 to index
        %parallel_loop3A_1046 = tpu.vector_load %arg8[%parallel_loop3A_1044, %parallel_loop3A_1045] {strides = array<i32>} : memref<32x768xf32, #tpu.memory_space<vmem>>, vector<1x16xf32>,
        %parallel_loop3A_1047 = vector.shape_cast %parallel_loop3A_1046 : vector<1x16xf32> to vector<16xf32>
        %parallel_loop3A_1048 = arith.index_cast %scan3A_1040 : i32 to index
        %parallel_loop3A_1049 = arith.index_cast %parallel_loop3A_1043 : i32 to index
        %parallel_loop3A_1050 = tpu.vector_load %arg6[%parallel_loop3A_1048, %parallel_loop3A_1049] {strides = array<i32>} : memref<32x768xf32, #tpu.memory_space<vmem>>, vector<1x16xf32>,
        %parallel_loop3A_1051 = vector.shape_cast %parallel_loop3A_1050 : vector<1x16xf32> to vector<16xf32>
        %parallel_loop3A_1052 = vector.shape_cast %parallel_loop3A_1047 : vector<16xf32> to vector<1x16xf32>
        tpu.vector_store %arg6[%parallel_loop3A_1048, %parallel_loop3A_1049], %parallel_loop3A_1052 {add = true, strides = array<i32>} : memref<32x768xf32, #tpu.memory_space<vmem>>, vector<1x16xf32>,
      } {sc.loop_unroll_factor = 8 : i64, sc.parallel_access}
    }
    %scan3A_369 = arith.constant 32 : i32
    %add3A_370 = arith.constant 16384 : i32
    %add3A_371 = arith.addi %add3A_370, %mul3A_2 : i32
    %add3A_372 = arith.constant 64 : i32
    %add3A_373 = arith.addi %add3A_371, %add3A_372 : i32
    %dma_start3A_374 = arith.constant 0 : i32
    %dma_start3A_375 = tpu.memref_slice %arg4[%add3A_373, %dma_start3A_374] : memref<32768x768xf32, #tpu.memory_space<hbm>> -> memref<32x768xf32, #tpu.memory_space<hbm>>
    %dma_start3A_376 = arith.constant 0 : i32
    %dma_start3A_377 = tpu.memref_slice %arg4[%add3A_373, %dma_start3A_376] : memref<32768x768xf32, #tpu.memory_space<hbm>> -> memref<32x768xf32, #tpu.memory_space<hbm>>
    tpu.enqueue_dma source(%arg6 : memref<32x768xf32, #tpu.memory_space<vmem>>) target(%dma_start3A_377 : memref<32x768xf32, #tpu.memory_space<hbm>>) target_semaphore(%arg16 : memref<!tpu.dma_semaphore, #tpu.memory_space<semaphore_mem>>)
    %dma_wait3A_378 = arith.constant 0 : i32
    %dma_wait3A_379 = tpu.memref_slice %arg4[%add3A_373, %dma_wait3A_378] : memref<32768x768xf32, #tpu.memory_space<hbm>> -> memref<32x768xf32, #tpu.memory_space<hbm>>
    %dma_wait3A_380 = arith.constant 0 : i32
    %dma_wait3A_381 = tpu.memref_slice %arg4[%add3A_373, %dma_wait3A_380] : memref<32768x768xf32, #tpu.memory_space<hbm>> -> memref<32x768xf32, #tpu.memory_space<hbm>>
    tpu.wait_dma2 semaphore(%arg16 : memref<!tpu.dma_semaphore, #tpu.memory_space<semaphore_mem>>) src(%arg6 : memref<32x768xf32, #tpu.memory_space<vmem>>) dst(%dma_wait3A_381 : memref<32x768xf32, #tpu.memory_space<hbm>>)
    %add3A_382 = arith.constant 8192 : i32
    %add3A_383 = arith.addi %add3A_382, %mul3A_2 : i32
    %add3A_384 = arith.constant 96 : i32
    %add3A_385 = arith.addi %add3A_383, %add3A_384 : i32
    %dma_start3A_386 = arith.constant 0 : i32
    %dma_start3A_387 = tpu.memref_slice %arg2[%add3A_385, %dma_start3A_386] : memref<32768x768xf32, #tpu.memory_space<hbm>> -> memref<32x768xf32, #tpu.memory_space<hbm>>
    %dma_start3A_388 = arith.constant 0 : i32
    %dma_start3A_389 = tpu.memref_slice %arg2[%add3A_385, %dma_start3A_388] : memref<32768x768xf32, #tpu.memory_space<hbm>> -> memref<32x768xf32, #tpu.memory_space<hbm>>
    tpu.enqueue_dma source(%dma_start3A_389 : memref<32x768xf32, #tpu.memory_space<hbm>>) target(%arg6 : memref<32x768xf32, #tpu.memory_space<vmem>>) target_semaphore(%arg11 : memref<!tpu.dma_semaphore, #tpu.memory_space<semaphore_mem>>)
    %dma_wait3A_390 = arith.constant 0 : i32
    %dma_wait3A_391 = tpu.memref_slice %arg2[%add3A_325, %dma_wait3A_390] : memref<32768x768xf32, #tpu.memory_space<hbm>> -> memref<32x768xf32, #tpu.memory_space<hbm>>
    %dma_wait3A_392 = arith.constant 0 : i32
    %dma_wait3A_393 = tpu.memref_slice %arg2[%add3A_325, %dma_wait3A_392] : memref<32768x768xf32, #tpu.memory_space<hbm>> -> memref<32x768xf32, #tpu.memory_space<hbm>>
    tpu.wait_dma2 semaphore(%arg12 : memref<!tpu.dma_semaphore, #tpu.memory_space<semaphore_mem>>) src(%dma_wait3A_393 : memref<32x768xf32, #tpu.memory_space<hbm>>) dst(%arg7 : memref<32x768xf32, #tpu.memory_space<vmem>>)
    %scan3A_394 = arith.constant 0 : i32
    %scan3A_395 = arith.constant 0 : i32
    %scan3A_396 = arith.constant 32 : i32
    %scan3A_397 = arith.addi %scan3A_395, %scan3A_396 : i32
    %scan3A_398 = arith.constant 1 : i32
    scf.for %scan3A_1040 = %scan3A_395 to %scan3A_397 step %scan3A_398  : i32 {
      %parallel_loop3A = arith.constant 0 : i32
      %parallel_loop3A_1041 = arith.constant 768 : i32
      %parallel_loop3A_1042 = arith.constant 16 : i32
      scf.for %parallel_loop3A_1043 = %parallel_loop3A to %parallel_loop3A_1041 step %parallel_loop3A_1042  : i32 {
        %parallel_loop3A_1044 = arith.index_cast %scan3A_1040 : i32 to index
        %parallel_loop3A_1045 = arith.index_cast %parallel_loop3A_1043 : i32 to index
        %parallel_loop3A_1046 = tpu.vector_load %arg8[%parallel_loop3A_1044, %parallel_loop3A_1045] {strides = array<i32>} : memref<32x768xf32, #tpu.memory_space<vmem>>, vector<1x16xf32>,
        %parallel_loop3A_1047 = vector.shape_cast %parallel_loop3A_1046 : vector<1x16xf32> to vector<16xf32>
        %parallel_loop3A_1048 = arith.index_cast %scan3A_1040 : i32 to index
        %parallel_loop3A_1049 = arith.index_cast %parallel_loop3A_1043 : i32 to index
        %parallel_loop3A_1050 = tpu.vector_load %arg7[%parallel_loop3A_1048, %parallel_loop3A_1049] {strides = array<i32>} : memref<32x768xf32, #tpu.memory_space<vmem>>, vector<1x16xf32>,
        %parallel_loop3A_1051 = vector.shape_cast %parallel_loop3A_1050 : vector<1x16xf32> to vector<16xf32>
        %parallel_loop3A_1052 = vector.shape_cast %parallel_loop3A_1047 : vector<16xf32> to vector<1x16xf32>
        tpu.vector_store %arg7[%parallel_loop3A_1048, %parallel_loop3A_1049], %parallel_loop3A_1052 {add = true, strides = array<i32>} : memref<32x768xf32, #tpu.memory_space<vmem>>, vector<1x16xf32>,
      } {sc.loop_unroll_factor = 8 : i64, sc.parallel_access}
    }
    %scan3A_399 = arith.constant 32 : i32
    %add3A_400 = arith.constant 128 : i32
    %add3A_401 = arith.addi %mul3A_2, %add3A_400 : i32
    %dma_start3A_402 = arith.constant 0 : i32
    %dma_start3A_403 = tpu.memref_slice %arg3[%add3A_401, %dma_start3A_402] : memref<8192x768xf32, #tpu.memory_space<hbm>> -> memref<32x768xf32, #tpu.memory_space<hbm>>
    %dma_start3A_404 = arith.constant 0 : i32
    %dma_start3A_405 = tpu.memref_slice %arg3[%add3A_401, %dma_start3A_404] : memref<8192x768xf32, #tpu.memory_space<hbm>> -> memref<32x768xf32, #tpu.memory_space<hbm>>
    tpu.enqueue_dma source(%dma_start3A_405 : memref<32x768xf32, #tpu.memory_space<hbm>>) target(%arg8 : memref<32x768xf32, #tpu.memory_space<vmem>>) target_semaphore(%arg13 : memref<!tpu.dma_semaphore, #tpu.memory_space<semaphore_mem>>)
    %add3A_406 = arith.constant 24576 : i32
    %add3A_407 = arith.addi %add3A_406, %mul3A_2 : i32
    %add3A_408 = arith.constant 64 : i32
    %add3A_409 = arith.addi %add3A_407, %add3A_408 : i32
    %dma_start3A_410 = arith.constant 0 : i32
    %dma_start3A_411 = tpu.memref_slice %arg4[%add3A_409, %dma_start3A_410] : memref<32768x768xf32, #tpu.memory_space<hbm>> -> memref<32x768xf32, #tpu.memory_space<hbm>>
    %dma_start3A_412 = arith.constant 0 : i32
    %dma_start3A_413 = tpu.memref_slice %arg4[%add3A_409, %dma_start3A_412] : memref<32768x768xf32, #tpu.memory_space<hbm>> -> memref<32x768xf32, #tpu.memory_space<hbm>>
    tpu.enqueue_dma source(%arg7 : memref<32x768xf32, #tpu.memory_space<vmem>>) target(%dma_start3A_413 : memref<32x768xf32, #tpu.memory_space<hbm>>) target_semaphore(%arg17 : memref<!tpu.dma_semaphore, #tpu.memory_space<semaphore_mem>>)
    %dma_wait3A_414 = arith.constant 0 : i32
    %dma_wait3A_415 = tpu.memref_slice %arg4[%add3A_409, %dma_wait3A_414] : memref<32768x768xf32, #tpu.memory_space<hbm>> -> memref<32x768xf32, #tpu.memory_space<hbm>>
    %dma_wait3A_416 = arith.constant 0 : i32
    %dma_wait3A_417 = tpu.memref_slice %arg4[%add3A_409, %dma_wait3A_416] : memref<32768x768xf32, #tpu.memory_space<hbm>> -> memref<32x768xf32, #tpu.memory_space<hbm>>
    tpu.wait_dma2 semaphore(%arg17 : memref<!tpu.dma_semaphore, #tpu.memory_space<semaphore_mem>>) src(%arg7 : memref<32x768xf32, #tpu.memory_space<vmem>>) dst(%dma_wait3A_417 : memref<32x768xf32, #tpu.memory_space<hbm>>)
    %add3A_418 = arith.constant 16384 : i32
    %add3A_419 = arith.addi %add3A_418, %mul3A_2 : i32
    %add3A_420 = arith.constant 96 : i32
    %add3A_421 = arith.addi %add3A_419, %add3A_420 : i32
    %dma_start3A_422 = arith.constant 0 : i32
    %dma_start3A_423 = tpu.memref_slice %arg2[%add3A_421, %dma_start3A_422] : memref<32768x768xf32, #tpu.memory_space<hbm>> -> memref<32x768xf32, #tpu.memory_space<hbm>>
    %dma_start3A_424 = arith.constant 0 : i32
    %dma_start3A_425 = tpu.memref_slice %arg2[%add3A_421, %dma_start3A_424] : memref<32768x768xf32, #tpu.memory_space<hbm>> -> memref<32x768xf32, #tpu.memory_space<hbm>>
    tpu.enqueue_dma source(%dma_start3A_425 : memref<32x768xf32, #tpu.memory_space<hbm>>) target(%arg7 : memref<32x768xf32, #tpu.memory_space<vmem>>) target_semaphore(%arg12 : memref<!tpu.dma_semaphore, #tpu.memory_space<semaphore_mem>>)
    %dma_wait3A_426 = arith.constant 0 : i32
    %dma_wait3A_427 = tpu.memref_slice %arg2[%add3A_355, %dma_wait3A_426] : memref<32768x768xf32, #tpu.memory_space<hbm>> -> memref<32x768xf32, #tpu.memory_space<hbm>>
    %dma_wait3A_428 = arith.constant 0 : i32
    %dma_wait3A_429 = tpu.memref_slice %arg2[%add3A_355, %dma_wait3A_428] : memref<32768x768xf32, #tpu.memory_space<hbm>> -> memref<32x768xf32, #tpu.memory_space<hbm>>
    tpu.wait_dma2 semaphore(%arg10 : memref<!tpu.dma_semaphore, #tpu.memory_space<semaphore_mem>>) src(%dma_wait3A_429 : memref<32x768xf32, #tpu.memory_space<hbm>>) dst(%arg5 : memref<32x768xf32, #tpu.memory_space<vmem>>)
    %dma_wait3A_430 = arith.constant 0 : i32
    %dma_wait3A_431 = tpu.memref_slice %arg3[%add3A_271, %dma_wait3A_430] : memref<8192x768xf32, #tpu.memory_space<hbm>> -> memref<32x768xf32, #tpu.memory_space<hbm>>
    %dma_wait3A_432 = arith.constant 0 : i32
    %dma_wait3A_433 = tpu.memref_slice %arg3[%add3A_271, %dma_wait3A_432] : memref<8192x768xf32, #tpu.memory_space<hbm>> -> memref<32x768xf32, #tpu.memory_space<hbm>>
    tpu.wait_dma2 semaphore(%arg14 : memref<!tpu.dma_semaphore, #tpu.memory_space<semaphore_mem>>) src(%dma_wait3A_433 : memref<32x768xf32, #tpu.memory_space<hbm>>) dst(%arg9 : memref<32x768xf32, #tpu.memory_space<vmem>>)
    %scan3A_434 = arith.constant 0 : i32
    %scan3A_435 = arith.constant 0 : i32
    %scan3A_436 = arith.constant 32 : i32
    %scan3A_437 = arith.addi %scan3A_435, %scan3A_436 : i32
    %scan3A_438 = arith.constant 1 : i32
    scf.for %scan3A_1040 = %scan3A_435 to %scan3A_437 step %scan3A_438  : i32 {
      %parallel_loop3A = arith.constant 0 : i32
      %parallel_loop3A_1041 = arith.constant 768 : i32
      %parallel_loop3A_1042 = arith.constant 16 : i32
      scf.for %parallel_loop3A_1043 = %parallel_loop3A to %parallel_loop3A_1041 step %parallel_loop3A_1042  : i32 {
        %parallel_loop3A_1044 = arith.index_cast %scan3A_1040 : i32 to index
        %parallel_loop3A_1045 = arith.index_cast %parallel_loop3A_1043 : i32 to index
        %parallel_loop3A_1046 = tpu.vector_load %arg9[%parallel_loop3A_1044, %parallel_loop3A_1045] {strides = array<i32>} : memref<32x768xf32, #tpu.memory_space<vmem>>, vector<1x16xf32>,
        %parallel_loop3A_1047 = vector.shape_cast %parallel_loop3A_1046 : vector<1x16xf32> to vector<16xf32>
        %parallel_loop3A_1048 = arith.index_cast %scan3A_1040 : i32 to index
        %parallel_loop3A_1049 = arith.index_cast %parallel_loop3A_1043 : i32 to index
        %parallel_loop3A_1050 = tpu.vector_load %arg5[%parallel_loop3A_1048, %parallel_loop3A_1049] {strides = array<i32>} : memref<32x768xf32, #tpu.memory_space<vmem>>, vector<1x16xf32>,
        %parallel_loop3A_1051 = vector.shape_cast %parallel_loop3A_1050 : vector<1x16xf32> to vector<16xf32>
        %parallel_loop3A_1052 = vector.shape_cast %parallel_loop3A_1047 : vector<16xf32> to vector<1x16xf32>
        tpu.vector_store %arg5[%parallel_loop3A_1048, %parallel_loop3A_1049], %parallel_loop3A_1052 {add = true, strides = array<i32>} : memref<32x768xf32, #tpu.memory_space<vmem>>, vector<1x16xf32>,
      } {sc.loop_unroll_factor = 8 : i64, sc.parallel_access}
    }
    %scan3A_439 = arith.constant 32 : i32
    %add3A_440 = arith.constant 0 : i32
    %add3A_441 = arith.addi %add3A_440, %mul3A_2 : i32
    %add3A_442 = arith.constant 96 : i32
    %add3A_443 = arith.addi %add3A_441, %add3A_442 : i32
    %dma_start3A_444 = arith.constant 0 : i32
    %dma_start3A_445 = tpu.memref_slice %arg4[%add3A_443, %dma_start3A_444] : memref<32768x768xf32, #tpu.memory_space<hbm>> -> memref<32x768xf32, #tpu.memory_space<hbm>>
    %dma_start3A_446 = arith.constant 0 : i32
    %dma_start3A_447 = tpu.memref_slice %arg4[%add3A_443, %dma_start3A_446] : memref<32768x768xf32, #tpu.memory_space<hbm>> -> memref<32x768xf32, #tpu.memory_space<hbm>>
    tpu.enqueue_dma source(%arg5 : memref<32x768xf32, #tpu.memory_space<vmem>>) target(%dma_start3A_447 : memref<32x768xf32, #tpu.memory_space<hbm>>) target_semaphore(%arg15 : memref<!tpu.dma_semaphore, #tpu.memory_space<semaphore_mem>>)
    %dma_wait3A_448 = arith.constant 0 : i32
    %dma_wait3A_449 = tpu.memref_slice %arg4[%add3A_443, %dma_wait3A_448] : memref<32768x768xf32, #tpu.memory_space<hbm>> -> memref<32x768xf32, #tpu.memory_space<hbm>>
    %dma_wait3A_450 = arith.constant 0 : i32
    %dma_wait3A_451 = tpu.memref_slice %arg4[%add3A_443, %dma_wait3A_450] : memref<32768x768xf32, #tpu.memory_space<hbm>> -> memref<32x768xf32, #tpu.memory_space<hbm>>
    tpu.wait_dma2 semaphore(%arg15 : memref<!tpu.dma_semaphore, #tpu.memory_space<semaphore_mem>>) src(%arg5 : memref<32x768xf32, #tpu.memory_space<vmem>>) dst(%dma_wait3A_451 : memref<32x768xf32, #tpu.memory_space<hbm>>)
    %add3A_452 = arith.constant 24576 : i32
    %add3A_453 = arith.addi %add3A_452, %mul3A_2 : i32
    %add3A_454 = arith.constant 96 : i32
    %add3A_455 = arith.addi %add3A_453, %add3A_454 : i32
    %dma_start3A_456 = arith.constant 0 : i32
    %dma_start3A_457 = tpu.memref_slice %arg2[%add3A_455, %dma_start3A_456] : memref<32768x768xf32, #tpu.memory_space<hbm>> -> memref<32x768xf32, #tpu.memory_space<hbm>>
    %dma_start3A_458 = arith.constant 0 : i32
    %dma_start3A_459 = tpu.memref_slice %arg2[%add3A_455, %dma_start3A_458] : memref<32768x768xf32, #tpu.memory_space<hbm>> -> memref<32x768xf32, #tpu.memory_space<hbm>>
    tpu.enqueue_dma source(%dma_start3A_459 : memref<32x768xf32, #tpu.memory_space<hbm>>) target(%arg5 : memref<32x768xf32, #tpu.memory_space<vmem>>) target_semaphore(%arg10 : memref<!tpu.dma_semaphore, #tpu.memory_space<semaphore_mem>>)
    %dma_wait3A_460 = arith.constant 0 : i32
    %dma_wait3A_461 = tpu.memref_slice %arg2[%add3A_385, %dma_wait3A_460] : memref<32768x768xf32, #tpu.memory_space<hbm>> -> memref<32x768xf32, #tpu.memory_space<hbm>>
    %dma_wait3A_462 = arith.constant 0 : i32
    %dma_wait3A_463 = tpu.memref_slice %arg2[%add3A_385, %dma_wait3A_462] : memref<32768x768xf32, #tpu.memory_space<hbm>> -> memref<32x768xf32, #tpu.memory_space<hbm>>
    tpu.wait_dma2 semaphore(%arg11 : memref<!tpu.dma_semaphore, #tpu.memory_space<semaphore_mem>>) src(%dma_wait3A_463 : memref<32x768xf32, #tpu.memory_space<hbm>>) dst(%arg6 : memref<32x768xf32, #tpu.memory_space<vmem>>)
    %scan3A_464 = arith.constant 0 : i32
    %scan3A_465 = arith.constant 0 : i32
    %scan3A_466 = arith.constant 32 : i32
    %scan3A_467 = arith.addi %scan3A_465, %scan3A_466 : i32
    %scan3A_468 = arith.constant 1 : i32
    scf.for %scan3A_1040 = %scan3A_465 to %scan3A_467 step %scan3A_468  : i32 {
      %parallel_loop3A = arith.constant 0 : i32
      %parallel_loop3A_1041 = arith.constant 768 : i32
      %parallel_loop3A_1042 = arith.constant 16 : i32
      scf.for %parallel_loop3A_1043 = %parallel_loop3A to %parallel_loop3A_1041 step %parallel_loop3A_1042  : i32 {
        %parallel_loop3A_1044 = arith.index_cast %scan3A_1040 : i32 to index
        %parallel_loop3A_1045 = arith.index_cast %parallel_loop3A_1043 : i32 to index
        %parallel_loop3A_1046 = tpu.vector_load %arg9[%parallel_loop3A_1044, %parallel_loop3A_1045] {strides = array<i32>} : memref<32x768xf32, #tpu.memory_space<vmem>>, vector<1x16xf32>,
        %parallel_loop3A_1047 = vector.shape_cast %parallel_loop3A_1046 : vector<1x16xf32> to vector<16xf32>
        %parallel_loop3A_1048 = arith.index_cast %scan3A_1040 : i32 to index
        %parallel_loop3A_1049 = arith.index_cast %parallel_loop3A_1043 : i32 to index
        %parallel_loop3A_1050 = tpu.vector_load %arg6[%parallel_loop3A_1048, %parallel_loop3A_1049] {strides = array<i32>} : memref<32x768xf32, #tpu.memory_space<vmem>>, vector<1x16xf32>,
        %parallel_loop3A_1051 = vector.shape_cast %parallel_loop3A_1050 : vector<1x16xf32> to vector<16xf32>
        %parallel_loop3A_1052 = vector.shape_cast %parallel_loop3A_1047 : vector<16xf32> to vector<1x16xf32>
        tpu.vector_store %arg6[%parallel_loop3A_1048, %parallel_loop3A_1049], %parallel_loop3A_1052 {add = true, strides = array<i32>} : memref<32x768xf32, #tpu.memory_space<vmem>>, vector<1x16xf32>,
      } {sc.loop_unroll_factor = 8 : i64, sc.parallel_access}
    }
    %scan3A_469 = arith.constant 32 : i32
    %add3A_470 = arith.constant 8192 : i32
    %add3A_471 = arith.addi %add3A_470, %mul3A_2 : i32
    %add3A_472 = arith.constant 96 : i32
    %add3A_473 = arith.addi %add3A_471, %add3A_472 : i32
    %dma_start3A_474 = arith.constant 0 : i32
    %dma_start3A_475 = tpu.memref_slice %arg4[%add3A_473, %dma_start3A_474] : memref<32768x768xf32, #tpu.memory_space<hbm>> -> memref<32x768xf32, #tpu.memory_space<hbm>>
    %dma_start3A_476 = arith.constant 0 : i32
    %dma_start3A_477 = tpu.memref_slice %arg4[%add3A_473, %dma_start3A_476] : memref<32768x768xf32, #tpu.memory_space<hbm>> -> memref<32x768xf32, #tpu.memory_space<hbm>>
    tpu.enqueue_dma source(%arg6 : memref<32x768xf32, #tpu.memory_space<vmem>>) target(%dma_start3A_477 : memref<32x768xf32, #tpu.memory_space<hbm>>) target_semaphore(%arg16 : memref<!tpu.dma_semaphore, #tpu.memory_space<semaphore_mem>>)
    %dma_wait3A_478 = arith.constant 0 : i32
    %dma_wait3A_479 = tpu.memref_slice %arg4[%add3A_473, %dma_wait3A_478] : memref<32768x768xf32, #tpu.memory_space<hbm>> -> memref<32x768xf32, #tpu.memory_space<hbm>>
    %dma_wait3A_480 = arith.constant 0 : i32
    %dma_wait3A_481 = tpu.memref_slice %arg4[%add3A_473, %dma_wait3A_480] : memref<32768x768xf32, #tpu.memory_space<hbm>> -> memref<32x768xf32, #tpu.memory_space<hbm>>
    tpu.wait_dma2 semaphore(%arg16 : memref<!tpu.dma_semaphore, #tpu.memory_space<semaphore_mem>>) src(%arg6 : memref<32x768xf32, #tpu.memory_space<vmem>>) dst(%dma_wait3A_481 : memref<32x768xf32, #tpu.memory_space<hbm>>)
    %add3A_482 = arith.constant 0 : i32
    %add3A_483 = arith.addi %add3A_482, %mul3A_2 : i32
    %add3A_484 = arith.constant 128 : i32
    %add3A_485 = arith.addi %add3A_483, %add3A_484 : i32
    %dma_start3A_486 = arith.constant 0 : i32
    %dma_start3A_487 = tpu.memref_slice %arg2[%add3A_485, %dma_start3A_486] : memref<32768x768xf32, #tpu.memory_space<hbm>> -> memref<32x768xf32, #tpu.memory_space<hbm>>
    %dma_start3A_488 = arith.constant 0 : i32
    %dma_start3A_489 = tpu.memref_slice %arg2[%add3A_485, %dma_start3A_488] : memref<32768x768xf32, #tpu.memory_space<hbm>> -> memref<32x768xf32, #tpu.memory_space<hbm>>
    tpu.enqueue_dma source(%dma_start3A_489 : memref<32x768xf32, #tpu.memory_space<hbm>>) target(%arg6 : memref<32x768xf32, #tpu.memory_space<vmem>>) target_semaphore(%arg11 : memref<!tpu.dma_semaphore, #tpu.memory_space<semaphore_mem>>)
    %dma_wait3A_490 = arith.constant 0 : i32
    %dma_wait3A_491 = tpu.memref_slice %arg2[%add3A_421, %dma_wait3A_490] : memref<32768x768xf32, #tpu.memory_space<hbm>> -> memref<32x768xf32, #tpu.memory_space<hbm>>
    %dma_wait3A_492 = arith.constant 0 : i32
    %dma_wait3A_493 = tpu.memref_slice %arg2[%add3A_421, %dma_wait3A_492] : memref<32768x768xf32, #tpu.memory_space<hbm>> -> memref<32x768xf32, #tpu.memory_space<hbm>>
    tpu.wait_dma2 semaphore(%arg12 : memref<!tpu.dma_semaphore, #tpu.memory_space<semaphore_mem>>) src(%dma_wait3A_493 : memref<32x768xf32, #tpu.memory_space<hbm>>) dst(%arg7 : memref<32x768xf32, #tpu.memory_space<vmem>>)
    %scan3A_494 = arith.constant 0 : i32
    %scan3A_495 = arith.constant 0 : i32
    %scan3A_496 = arith.constant 32 : i32
    %scan3A_497 = arith.addi %scan3A_495, %scan3A_496 : i32
    %scan3A_498 = arith.constant 1 : i32
    scf.for %scan3A_1040 = %scan3A_495 to %scan3A_497 step %scan3A_498  : i32 {
      %parallel_loop3A = arith.constant 0 : i32
      %parallel_loop3A_1041 = arith.constant 768 : i32
      %parallel_loop3A_1042 = arith.constant 16 : i32
      scf.for %parallel_loop3A_1043 = %parallel_loop3A to %parallel_loop3A_1041 step %parallel_loop3A_1042  : i32 {
        %parallel_loop3A_1044 = arith.index_cast %scan3A_1040 : i32 to index
        %parallel_loop3A_1045 = arith.index_cast %parallel_loop3A_1043 : i32 to index
        %parallel_loop3A_1046 = tpu.vector_load %arg9[%parallel_loop3A_1044, %parallel_loop3A_1045] {strides = array<i32>} : memref<32x768xf32, #tpu.memory_space<vmem>>, vector<1x16xf32>,
        %parallel_loop3A_1047 = vector.shape_cast %parallel_loop3A_1046 : vector<1x16xf32> to vector<16xf32>
        %parallel_loop3A_1048 = arith.index_cast %scan3A_1040 : i32 to index
        %parallel_loop3A_1049 = arith.index_cast %parallel_loop3A_1043 : i32 to index
        %parallel_loop3A_1050 = tpu.vector_load %arg7[%parallel_loop3A_1048, %parallel_loop3A_1049] {strides = array<i32>} : memref<32x768xf32, #tpu.memory_space<vmem>>, vector<1x16xf32>,
        %parallel_loop3A_1051 = vector.shape_cast %parallel_loop3A_1050 : vector<1x16xf32> to vector<16xf32>
        %parallel_loop3A_1052 = vector.shape_cast %parallel_loop3A_1047 : vector<16xf32> to vector<1x16xf32>
        tpu.vector_store %arg7[%parallel_loop3A_1048, %parallel_loop3A_1049], %parallel_loop3A_1052 {add = true, strides = array<i32>} : memref<32x768xf32, #tpu.memory_space<vmem>>, vector<1x16xf32>,
      } {sc.loop_unroll_factor = 8 : i64, sc.parallel_access}
    }
    %scan3A_499 = arith.constant 32 : i32
    %add3A_500 = arith.constant 16384 : i32
    %add3A_501 = arith.addi %add3A_500, %mul3A_2 : i32
    %add3A_502 = arith.constant 96 : i32
    %add3A_503 = arith.addi %add3A_501, %add3A_502 : i32
    %dma_start3A_504 = arith.constant 0 : i32
    %dma_start3A_505 = tpu.memref_slice %arg4[%add3A_503, %dma_start3A_504] : memref<32768x768xf32, #tpu.memory_space<hbm>> -> memref<32x768xf32, #tpu.memory_space<hbm>>
    %dma_start3A_506 = arith.constant 0 : i32
    %dma_start3A_507 = tpu.memref_slice %arg4[%add3A_503, %dma_start3A_506] : memref<32768x768xf32, #tpu.memory_space<hbm>> -> memref<32x768xf32, #tpu.memory_space<hbm>>
    tpu.enqueue_dma source(%arg7 : memref<32x768xf32, #tpu.memory_space<vmem>>) target(%dma_start3A_507 : memref<32x768xf32, #tpu.memory_space<hbm>>) target_semaphore(%arg17 : memref<!tpu.dma_semaphore, #tpu.memory_space<semaphore_mem>>)
    %dma_wait3A_508 = arith.constant 0 : i32
    %dma_wait3A_509 = tpu.memref_slice %arg4[%add3A_503, %dma_wait3A_508] : memref<32768x768xf32, #tpu.memory_space<hbm>> -> memref<32x768xf32, #tpu.memory_space<hbm>>
    %dma_wait3A_510 = arith.constant 0 : i32
    %dma_wait3A_511 = tpu.memref_slice %arg4[%add3A_503, %dma_wait3A_510] : memref<32768x768xf32, #tpu.memory_space<hbm>> -> memref<32x768xf32, #tpu.memory_space<hbm>>
    tpu.wait_dma2 semaphore(%arg17 : memref<!tpu.dma_semaphore, #tpu.memory_space<semaphore_mem>>) src(%arg7 : memref<32x768xf32, #tpu.memory_space<vmem>>) dst(%dma_wait3A_511 : memref<32x768xf32, #tpu.memory_space<hbm>>)
    %add3A_512 = arith.constant 8192 : i32
    %add3A_513 = arith.addi %add3A_512, %mul3A_2 : i32
    %add3A_514 = arith.constant 128 : i32
    %add3A_515 = arith.addi %add3A_513, %add3A_514 : i32
    %dma_start3A_516 = arith.constant 0 : i32
    %dma_start3A_517 = tpu.memref_slice %arg2[%add3A_515, %dma_start3A_516] : memref<32768x768xf32, #tpu.memory_space<hbm>> -> memref<32x768xf32, #tpu.memory_space<hbm>>
    %dma_start3A_518 = arith.constant 0 : i32
    %dma_start3A_519 = tpu.memref_slice %arg2[%add3A_515, %dma_start3A_518] : memref<32768x768xf32, #tpu.memory_space<hbm>> -> memref<32x768xf32, #tpu.memory_space<hbm>>
    tpu.enqueue_dma source(%dma_start3A_519 : memref<32x768xf32, #tpu.memory_space<hbm>>) target(%arg7 : memref<32x768xf32, #tpu.memory_space<vmem>>) target_semaphore(%arg12 : memref<!tpu.dma_semaphore, #tpu.memory_space<semaphore_mem>>)
    %dma_wait3A_520 = arith.constant 0 : i32
    %dma_wait3A_521 = tpu.memref_slice %arg2[%add3A_455, %dma_wait3A_520] : memref<32768x768xf32, #tpu.memory_space<hbm>> -> memref<32x768xf32, #tpu.memory_space<hbm>>
    %dma_wait3A_522 = arith.constant 0 : i32
    %dma_wait3A_523 = tpu.memref_slice %arg2[%add3A_455, %dma_wait3A_522] : memref<32768x768xf32, #tpu.memory_space<hbm>> -> memref<32x768xf32, #tpu.memory_space<hbm>>
    tpu.wait_dma2 semaphore(%arg10 : memref<!tpu.dma_semaphore, #tpu.memory_space<semaphore_mem>>) src(%dma_wait3A_523 : memref<32x768xf32, #tpu.memory_space<hbm>>) dst(%arg5 : memref<32x768xf32, #tpu.memory_space<vmem>>)
    %scan3A_524 = arith.constant 0 : i32
    %scan3A_525 = arith.constant 0 : i32
    %scan3A_526 = arith.constant 32 : i32
    %scan3A_527 = arith.addi %scan3A_525, %scan3A_526 : i32
    %scan3A_528 = arith.constant 1 : i32
    scf.for %scan3A_1040 = %scan3A_525 to %scan3A_527 step %scan3A_528  : i32 {
      %parallel_loop3A = arith.constant 0 : i32
      %parallel_loop3A_1041 = arith.constant 768 : i32
      %parallel_loop3A_1042 = arith.constant 16 : i32
      scf.for %parallel_loop3A_1043 = %parallel_loop3A to %parallel_loop3A_1041 step %parallel_loop3A_1042  : i32 {
        %parallel_loop3A_1044 = arith.index_cast %scan3A_1040 : i32 to index
        %parallel_loop3A_1045 = arith.index_cast %parallel_loop3A_1043 : i32 to index
        %parallel_loop3A_1046 = tpu.vector_load %arg9[%parallel_loop3A_1044, %parallel_loop3A_1045] {strides = array<i32>} : memref<32x768xf32, #tpu.memory_space<vmem>>, vector<1x16xf32>,
        %parallel_loop3A_1047 = vector.shape_cast %parallel_loop3A_1046 : vector<1x16xf32> to vector<16xf32>
        %parallel_loop3A_1048 = arith.index_cast %scan3A_1040 : i32 to index
        %parallel_loop3A_1049 = arith.index_cast %parallel_loop3A_1043 : i32 to index
        %parallel_loop3A_1050 = tpu.vector_load %arg5[%parallel_loop3A_1048, %parallel_loop3A_1049] {strides = array<i32>} : memref<32x768xf32, #tpu.memory_space<vmem>>, vector<1x16xf32>,
        %parallel_loop3A_1051 = vector.shape_cast %parallel_loop3A_1050 : vector<1x16xf32> to vector<16xf32>
        %parallel_loop3A_1052 = vector.shape_cast %parallel_loop3A_1047 : vector<16xf32> to vector<1x16xf32>
        tpu.vector_store %arg5[%parallel_loop3A_1048, %parallel_loop3A_1049], %parallel_loop3A_1052 {add = true, strides = array<i32>} : memref<32x768xf32, #tpu.memory_space<vmem>>, vector<1x16xf32>,
      } {sc.loop_unroll_factor = 8 : i64, sc.parallel_access}
    }
    %scan3A_529 = arith.constant 32 : i32
    %add3A_530 = arith.constant 160 : i32
    %add3A_531 = arith.addi %mul3A_2, %add3A_530 : i32
    %dma_start3A_532 = arith.constant 0 : i32
    %dma_start3A_533 = tpu.memref_slice %arg3[%add3A_531, %dma_start3A_532] : memref<8192x768xf32, #tpu.memory_space<hbm>> -> memref<32x768xf32, #tpu.memory_space<hbm>>
    %dma_start3A_534 = arith.constant 0 : i32
    %dma_start3A_535 = tpu.memref_slice %arg3[%add3A_531, %dma_start3A_534] : memref<8192x768xf32, #tpu.memory_space<hbm>> -> memref<32x768xf32, #tpu.memory_space<hbm>>
    tpu.enqueue_dma source(%dma_start3A_535 : memref<32x768xf32, #tpu.memory_space<hbm>>) target(%arg9 : memref<32x768xf32, #tpu.memory_space<vmem>>) target_semaphore(%arg14 : memref<!tpu.dma_semaphore, #tpu.memory_space<semaphore_mem>>)
    %add3A_536 = arith.constant 24576 : i32
    %add3A_537 = arith.addi %add3A_536, %mul3A_2 : i32
    %add3A_538 = arith.constant 96 : i32
    %add3A_539 = arith.addi %add3A_537, %add3A_538 : i32
    %dma_start3A_540 = arith.constant 0 : i32
    %dma_start3A_541 = tpu.memref_slice %arg4[%add3A_539, %dma_start3A_540] : memref<32768x768xf32, #tpu.memory_space<hbm>> -> memref<32x768xf32, #tpu.memory_space<hbm>>
    %dma_start3A_542 = arith.constant 0 : i32
    %dma_start3A_543 = tpu.memref_slice %arg4[%add3A_539, %dma_start3A_542] : memref<32768x768xf32, #tpu.memory_space<hbm>> -> memref<32x768xf32, #tpu.memory_space<hbm>>
    tpu.enqueue_dma source(%arg5 : memref<32x768xf32, #tpu.memory_space<vmem>>) target(%dma_start3A_543 : memref<32x768xf32, #tpu.memory_space<hbm>>) target_semaphore(%arg15 : memref<!tpu.dma_semaphore, #tpu.memory_space<semaphore_mem>>)
    %dma_wait3A_544 = arith.constant 0 : i32
    %dma_wait3A_545 = tpu.memref_slice %arg4[%add3A_539, %dma_wait3A_544] : memref<32768x768xf32, #tpu.memory_space<hbm>> -> memref<32x768xf32, #tpu.memory_space<hbm>>
    %dma_wait3A_546 = arith.constant 0 : i32
    %dma_wait3A_547 = tpu.memref_slice %arg4[%add3A_539, %dma_wait3A_546] : memref<32768x768xf32, #tpu.memory_space<hbm>> -> memref<32x768xf32, #tpu.memory_space<hbm>>
    tpu.wait_dma2 semaphore(%arg15 : memref<!tpu.dma_semaphore, #tpu.memory_space<semaphore_mem>>) src(%arg5 : memref<32x768xf32, #tpu.memory_space<vmem>>) dst(%dma_wait3A_547 : memref<32x768xf32, #tpu.memory_space<hbm>>)
    %add3A_548 = arith.constant 16384 : i32
    %add3A_549 = arith.addi %add3A_548, %mul3A_2 : i32
    %add3A_550 = arith.constant 128 : i32
    %add3A_551 = arith.addi %add3A_549, %add3A_550 : i32
    %dma_start3A_552 = arith.constant 0 : i32
    %dma_start3A_553 = tpu.memref_slice %arg2[%add3A_551, %dma_start3A_552] : memref<32768x768xf32, #tpu.memory_space<hbm>> -> memref<32x768xf32, #tpu.memory_space<hbm>>
    %dma_start3A_554 = arith.constant 0 : i32
    %dma_start3A_555 = tpu.memref_slice %arg2[%add3A_551, %dma_start3A_554] : memref<32768x768xf32, #tpu.memory_space<hbm>> -> memref<32x768xf32, #tpu.memory_space<hbm>>
    tpu.enqueue_dma source(%dma_start3A_555 : memref<32x768xf32, #tpu.memory_space<hbm>>) target(%arg5 : memref<32x768xf32, #tpu.memory_space<vmem>>) target_semaphore(%arg10 : memref<!tpu.dma_semaphore, #tpu.memory_space<semaphore_mem>>)
    %dma_wait3A_556 = arith.constant 0 : i32
    %dma_wait3A_557 = tpu.memref_slice %arg2[%add3A_485, %dma_wait3A_556] : memref<32768x768xf32, #tpu.memory_space<hbm>> -> memref<32x768xf32, #tpu.memory_space<hbm>>
    %dma_wait3A_558 = arith.constant 0 : i32
    %dma_wait3A_559 = tpu.memref_slice %arg2[%add3A_485, %dma_wait3A_558] : memref<32768x768xf32, #tpu.memory_space<hbm>> -> memref<32x768xf32, #tpu.memory_space<hbm>>
    tpu.wait_dma2 semaphore(%arg11 : memref<!tpu.dma_semaphore, #tpu.memory_space<semaphore_mem>>) src(%dma_wait3A_559 : memref<32x768xf32, #tpu.memory_space<hbm>>) dst(%arg6 : memref<32x768xf32, #tpu.memory_space<vmem>>)
    %dma_wait3A_560 = arith.constant 0 : i32
    %dma_wait3A_561 = tpu.memref_slice %arg3[%add3A_401, %dma_wait3A_560] : memref<8192x768xf32, #tpu.memory_space<hbm>> -> memref<32x768xf32, #tpu.memory_space<hbm>>
    %dma_wait3A_562 = arith.constant 0 : i32
    %dma_wait3A_563 = tpu.memref_slice %arg3[%add3A_401, %dma_wait3A_562] : memref<8192x768xf32, #tpu.memory_space<hbm>> -> memref<32x768xf32, #tpu.memory_space<hbm>>
    tpu.wait_dma2 semaphore(%arg13 : memref<!tpu.dma_semaphore, #tpu.memory_space<semaphore_mem>>) src(%dma_wait3A_563 : memref<32x768xf32, #tpu.memory_space<hbm>>) dst(%arg8 : memref<32x768xf32, #tpu.memory_space<vmem>>)
    %scan3A_564 = arith.constant 0 : i32
    %scan3A_565 = arith.constant 0 : i32
    %scan3A_566 = arith.constant 32 : i32
    %scan3A_567 = arith.addi %scan3A_565, %scan3A_566 : i32
    %scan3A_568 = arith.constant 1 : i32
    scf.for %scan3A_1040 = %scan3A_565 to %scan3A_567 step %scan3A_568  : i32 {
      %parallel_loop3A = arith.constant 0 : i32
      %parallel_loop3A_1041 = arith.constant 768 : i32
      %parallel_loop3A_1042 = arith.constant 16 : i32
      scf.for %parallel_loop3A_1043 = %parallel_loop3A to %parallel_loop3A_1041 step %parallel_loop3A_1042  : i32 {
        %parallel_loop3A_1044 = arith.index_cast %scan3A_1040 : i32 to index
        %parallel_loop3A_1045 = arith.index_cast %parallel_loop3A_1043 : i32 to index
        %parallel_loop3A_1046 = tpu.vector_load %arg8[%parallel_loop3A_1044, %parallel_loop3A_1045] {strides = array<i32>} : memref<32x768xf32, #tpu.memory_space<vmem>>, vector<1x16xf32>,
        %parallel_loop3A_1047 = vector.shape_cast %parallel_loop3A_1046 : vector<1x16xf32> to vector<16xf32>
        %parallel_loop3A_1048 = arith.index_cast %scan3A_1040 : i32 to index
        %parallel_loop3A_1049 = arith.index_cast %parallel_loop3A_1043 : i32 to index
        %parallel_loop3A_1050 = tpu.vector_load %arg6[%parallel_loop3A_1048, %parallel_loop3A_1049] {strides = array<i32>} : memref<32x768xf32, #tpu.memory_space<vmem>>, vector<1x16xf32>,
        %parallel_loop3A_1051 = vector.shape_cast %parallel_loop3A_1050 : vector<1x16xf32> to vector<16xf32>
        %parallel_loop3A_1052 = vector.shape_cast %parallel_loop3A_1047 : vector<16xf32> to vector<1x16xf32>
        tpu.vector_store %arg6[%parallel_loop3A_1048, %parallel_loop3A_1049], %parallel_loop3A_1052 {add = true, strides = array<i32>} : memref<32x768xf32, #tpu.memory_space<vmem>>, vector<1x16xf32>,
      } {sc.loop_unroll_factor = 8 : i64, sc.parallel_access}
    }
    %scan3A_569 = arith.constant 32 : i32
    %add3A_570 = arith.constant 0 : i32
    %add3A_571 = arith.addi %add3A_570, %mul3A_2 : i32
    %add3A_572 = arith.constant 128 : i32
    %add3A_573 = arith.addi %add3A_571, %add3A_572 : i32
    %dma_start3A_574 = arith.constant 0 : i32
    %dma_start3A_575 = tpu.memref_slice %arg4[%add3A_573, %dma_start3A_574] : memref<32768x768xf32, #tpu.memory_space<hbm>> -> memref<32x768xf32, #tpu.memory_space<hbm>>
    %dma_start3A_576 = arith.constant 0 : i32
    %dma_start3A_577 = tpu.memref_slice %arg4[%add3A_573, %dma_start3A_576] : memref<32768x768xf32, #tpu.memory_space<hbm>> -> memref<32x768xf32, #tpu.memory_space<hbm>>
    tpu.enqueue_dma source(%arg6 : memref<32x768xf32, #tpu.memory_space<vmem>>) target(%dma_start3A_577 : memref<32x768xf32, #tpu.memory_space<hbm>>) target_semaphore(%arg16 : memref<!tpu.dma_semaphore, #tpu.memory_space<semaphore_mem>>)
    %dma_wait3A_578 = arith.constant 0 : i32
    %dma_wait3A_579 = tpu.memref_slice %arg4[%add3A_573, %dma_wait3A_578] : memref<32768x768xf32, #tpu.memory_space<hbm>> -> memref<32x768xf32, #tpu.memory_space<hbm>>
    %dma_wait3A_580 = arith.constant 0 : i32
    %dma_wait3A_581 = tpu.memref_slice %arg4[%add3A_573, %dma_wait3A_580] : memref<32768x768xf32, #tpu.memory_space<hbm>> -> memref<32x768xf32, #tpu.memory_space<hbm>>
    tpu.wait_dma2 semaphore(%arg16 : memref<!tpu.dma_semaphore, #tpu.memory_space<semaphore_mem>>) src(%arg6 : memref<32x768xf32, #tpu.memory_space<vmem>>) dst(%dma_wait3A_581 : memref<32x768xf32, #tpu.memory_space<hbm>>)
    %add3A_582 = arith.constant 24576 : i32
    %add3A_583 = arith.addi %add3A_582, %mul3A_2 : i32
    %add3A_584 = arith.constant 128 : i32
    %add3A_585 = arith.addi %add3A_583, %add3A_584 : i32
    %dma_start3A_586 = arith.constant 0 : i32
    %dma_start3A_587 = tpu.memref_slice %arg2[%add3A_585, %dma_start3A_586] : memref<32768x768xf32, #tpu.memory_space<hbm>> -> memref<32x768xf32, #tpu.memory_space<hbm>>
    %dma_start3A_588 = arith.constant 0 : i32
    %dma_start3A_589 = tpu.memref_slice %arg2[%add3A_585, %dma_start3A_588] : memref<32768x768xf32, #tpu.memory_space<hbm>> -> memref<32x768xf32, #tpu.memory_space<hbm>>
    tpu.enqueue_dma source(%dma_start3A_589 : memref<32x768xf32, #tpu.memory_space<hbm>>) target(%arg6 : memref<32x768xf32, #tpu.memory_space<vmem>>) target_semaphore(%arg11 : memref<!tpu.dma_semaphore, #tpu.memory_space<semaphore_mem>>)
    %dma_wait3A_590 = arith.constant 0 : i32
    %dma_wait3A_591 = tpu.memref_slice %arg2[%add3A_515, %dma_wait3A_590] : memref<32768x768xf32, #tpu.memory_space<hbm>> -> memref<32x768xf32, #tpu.memory_space<hbm>>
    %dma_wait3A_592 = arith.constant 0 : i32
    %dma_wait3A_593 = tpu.memref_slice %arg2[%add3A_515, %dma_wait3A_592] : memref<32768x768xf32, #tpu.memory_space<hbm>> -> memref<32x768xf32, #tpu.memory_space<hbm>>
    tpu.wait_dma2 semaphore(%arg12 : memref<!tpu.dma_semaphore, #tpu.memory_space<semaphore_mem>>) src(%dma_wait3A_593 : memref<32x768xf32, #tpu.memory_space<hbm>>) dst(%arg7 : memref<32x768xf32, #tpu.memory_space<vmem>>)
    %scan3A_594 = arith.constant 0 : i32
    %scan3A_595 = arith.constant 0 : i32
    %scan3A_596 = arith.constant 32 : i32
    %scan3A_597 = arith.addi %scan3A_595, %scan3A_596 : i32
    %scan3A_598 = arith.constant 1 : i32
    scf.for %scan3A_1040 = %scan3A_595 to %scan3A_597 step %scan3A_598  : i32 {
      %parallel_loop3A = arith.constant 0 : i32
      %parallel_loop3A_1041 = arith.constant 768 : i32
      %parallel_loop3A_1042 = arith.constant 16 : i32
      scf.for %parallel_loop3A_1043 = %parallel_loop3A to %parallel_loop3A_1041 step %parallel_loop3A_1042  : i32 {
        %parallel_loop3A_1044 = arith.index_cast %scan3A_1040 : i32 to index
        %parallel_loop3A_1045 = arith.index_cast %parallel_loop3A_1043 : i32 to index
        %parallel_loop3A_1046 = tpu.vector_load %arg8[%parallel_loop3A_1044, %parallel_loop3A_1045] {strides = array<i32>} : memref<32x768xf32, #tpu.memory_space<vmem>>, vector<1x16xf32>,
        %parallel_loop3A_1047 = vector.shape_cast %parallel_loop3A_1046 : vector<1x16xf32> to vector<16xf32>
        %parallel_loop3A_1048 = arith.index_cast %scan3A_1040 : i32 to index
        %parallel_loop3A_1049 = arith.index_cast %parallel_loop3A_1043 : i32 to index
        %parallel_loop3A_1050 = tpu.vector_load %arg7[%parallel_loop3A_1048, %parallel_loop3A_1049] {strides = array<i32>} : memref<32x768xf32, #tpu.memory_space<vmem>>, vector<1x16xf32>,
        %parallel_loop3A_1051 = vector.shape_cast %parallel_loop3A_1050 : vector<1x16xf32> to vector<16xf32>
        %parallel_loop3A_1052 = vector.shape_cast %parallel_loop3A_1047 : vector<16xf32> to vector<1x16xf32>
        tpu.vector_store %arg7[%parallel_loop3A_1048, %parallel_loop3A_1049], %parallel_loop3A_1052 {add = true, strides = array<i32>} : memref<32x768xf32, #tpu.memory_space<vmem>>, vector<1x16xf32>,
      } {sc.loop_unroll_factor = 8 : i64, sc.parallel_access}
    }
    %scan3A_599 = arith.constant 32 : i32
    %add3A_600 = arith.constant 8192 : i32
    %add3A_601 = arith.addi %add3A_600, %mul3A_2 : i32
    %add3A_602 = arith.constant 128 : i32
    %add3A_603 = arith.addi %add3A_601, %add3A_602 : i32
    %dma_start3A_604 = arith.constant 0 : i32
    %dma_start3A_605 = tpu.memref_slice %arg4[%add3A_603, %dma_start3A_604] : memref<32768x768xf32, #tpu.memory_space<hbm>> -> memref<32x768xf32, #tpu.memory_space<hbm>>
    %dma_start3A_606 = arith.constant 0 : i32
    %dma_start3A_607 = tpu.memref_slice %arg4[%add3A_603, %dma_start3A_606] : memref<32768x768xf32, #tpu.memory_space<hbm>> -> memref<32x768xf32, #tpu.memory_space<hbm>>
    tpu.enqueue_dma source(%arg7 : memref<32x768xf32, #tpu.memory_space<vmem>>) target(%dma_start3A_607 : memref<32x768xf32, #tpu.memory_space<hbm>>) target_semaphore(%arg17 : memref<!tpu.dma_semaphore, #tpu.memory_space<semaphore_mem>>)
    %dma_wait3A_608 = arith.constant 0 : i32
    %dma_wait3A_609 = tpu.memref_slice %arg4[%add3A_603, %dma_wait3A_608] : memref<32768x768xf32, #tpu.memory_space<hbm>> -> memref<32x768xf32, #tpu.memory_space<hbm>>
    %dma_wait3A_610 = arith.constant 0 : i32
    %dma_wait3A_611 = tpu.memref_slice %arg4[%add3A_603, %dma_wait3A_610] : memref<32768x768xf32, #tpu.memory_space<hbm>> -> memref<32x768xf32, #tpu.memory_space<hbm>>
    tpu.wait_dma2 semaphore(%arg17 : memref<!tpu.dma_semaphore, #tpu.memory_space<semaphore_mem>>) src(%arg7 : memref<32x768xf32, #tpu.memory_space<vmem>>) dst(%dma_wait3A_611 : memref<32x768xf32, #tpu.memory_space<hbm>>)
    %add3A_612 = arith.constant 0 : i32
    %add3A_613 = arith.addi %add3A_612, %mul3A_2 : i32
    %add3A_614 = arith.constant 160 : i32
    %add3A_615 = arith.addi %add3A_613, %add3A_614 : i32
    %dma_start3A_616 = arith.constant 0 : i32
    %dma_start3A_617 = tpu.memref_slice %arg2[%add3A_615, %dma_start3A_616] : memref<32768x768xf32, #tpu.memory_space<hbm>> -> memref<32x768xf32, #tpu.memory_space<hbm>>
    %dma_start3A_618 = arith.constant 0 : i32
    %dma_start3A_619 = tpu.memref_slice %arg2[%add3A_615, %dma_start3A_618] : memref<32768x768xf32, #tpu.memory_space<hbm>> -> memref<32x768xf32, #tpu.memory_space<hbm>>
    tpu.enqueue_dma source(%dma_start3A_619 : memref<32x768xf32, #tpu.memory_space<hbm>>) target(%arg7 : memref<32x768xf32, #tpu.memory_space<vmem>>) target_semaphore(%arg12 : memref<!tpu.dma_semaphore, #tpu.memory_space<semaphore_mem>>)
    %dma_wait3A_620 = arith.constant 0 : i32
    %dma_wait3A_621 = tpu.memref_slice %arg2[%add3A_551, %dma_wait3A_620] : memref<32768x768xf32, #tpu.memory_space<hbm>> -> memref<32x768xf32, #tpu.memory_space<hbm>>
    %dma_wait3A_622 = arith.constant 0 : i32
    %dma_wait3A_623 = tpu.memref_slice %arg2[%add3A_551, %dma_wait3A_622] : memref<32768x768xf32, #tpu.memory_space<hbm>> -> memref<32x768xf32, #tpu.memory_space<hbm>>
    tpu.wait_dma2 semaphore(%arg10 : memref<!tpu.dma_semaphore, #tpu.memory_space<semaphore_mem>>) src(%dma_wait3A_623 : memref<32x768xf32, #tpu.memory_space<hbm>>) dst(%arg5 : memref<32x768xf32, #tpu.memory_space<vmem>>)
    %scan3A_624 = arith.constant 0 : i32
    %scan3A_625 = arith.constant 0 : i32
    %scan3A_626 = arith.constant 32 : i32
    %scan3A_627 = arith.addi %scan3A_625, %scan3A_626 : i32
    %scan3A_628 = arith.constant 1 : i32
    scf.for %scan3A_1040 = %scan3A_625 to %scan3A_627 step %scan3A_628  : i32 {
      %parallel_loop3A = arith.constant 0 : i32
      %parallel_loop3A_1041 = arith.constant 768 : i32
      %parallel_loop3A_1042 = arith.constant 16 : i32
      scf.for %parallel_loop3A_1043 = %parallel_loop3A to %parallel_loop3A_1041 step %parallel_loop3A_1042  : i32 {
        %parallel_loop3A_1044 = arith.index_cast %scan3A_1040 : i32 to index
        %parallel_loop3A_1045 = arith.index_cast %parallel_loop3A_1043 : i32 to index
        %parallel_loop3A_1046 = tpu.vector_load %arg8[%parallel_loop3A_1044, %parallel_loop3A_1045] {strides = array<i32>} : memref<32x768xf32, #tpu.memory_space<vmem>>, vector<1x16xf32>,
        %parallel_loop3A_1047 = vector.shape_cast %parallel_loop3A_1046 : vector<1x16xf32> to vector<16xf32>
        %parallel_loop3A_1048 = arith.index_cast %scan3A_1040 : i32 to index
        %parallel_loop3A_1049 = arith.index_cast %parallel_loop3A_1043 : i32 to index
        %parallel_loop3A_1050 = tpu.vector_load %arg5[%parallel_loop3A_1048, %parallel_loop3A_1049] {strides = array<i32>} : memref<32x768xf32, #tpu.memory_space<vmem>>, vector<1x16xf32>,
        %parallel_loop3A_1051 = vector.shape_cast %parallel_loop3A_1050 : vector<1x16xf32> to vector<16xf32>
        %parallel_loop3A_1052 = vector.shape_cast %parallel_loop3A_1047 : vector<16xf32> to vector<1x16xf32>
        tpu.vector_store %arg5[%parallel_loop3A_1048, %parallel_loop3A_1049], %parallel_loop3A_1052 {add = true, strides = array<i32>} : memref<32x768xf32, #tpu.memory_space<vmem>>, vector<1x16xf32>,
      } {sc.loop_unroll_factor = 8 : i64, sc.parallel_access}
    }
    %scan3A_629 = arith.constant 32 : i32
    %add3A_630 = arith.constant 16384 : i32
    %add3A_631 = arith.addi %add3A_630, %mul3A_2 : i32
    %add3A_632 = arith.constant 128 : i32
    %add3A_633 = arith.addi %add3A_631, %add3A_632 : i32
    %dma_start3A_634 = arith.constant 0 : i32
    %dma_start3A_635 = tpu.memref_slice %arg4[%add3A_633, %dma_start3A_634] : memref<32768x768xf32, #tpu.memory_space<hbm>> -> memref<32x768xf32, #tpu.memory_space<hbm>>
    %dma_start3A_636 = arith.constant 0 : i32
    %dma_start3A_637 = tpu.memref_slice %arg4[%add3A_633, %dma_start3A_636] : memref<32768x768xf32, #tpu.memory_space<hbm>> -> memref<32x768xf32, #tpu.memory_space<hbm>>
    tpu.enqueue_dma source(%arg5 : memref<32x768xf32, #tpu.memory_space<vmem>>) target(%dma_start3A_637 : memref<32x768xf32, #tpu.memory_space<hbm>>) target_semaphore(%arg15 : memref<!tpu.dma_semaphore, #tpu.memory_space<semaphore_mem>>)
    %dma_wait3A_638 = arith.constant 0 : i32
    %dma_wait3A_639 = tpu.memref_slice %arg4[%add3A_633, %dma_wait3A_638] : memref<32768x768xf32, #tpu.memory_space<hbm>> -> memref<32x768xf32, #tpu.memory_space<hbm>>
    %dma_wait3A_640 = arith.constant 0 : i32
    %dma_wait3A_641 = tpu.memref_slice %arg4[%add3A_633, %dma_wait3A_640] : memref<32768x768xf32, #tpu.memory_space<hbm>> -> memref<32x768xf32, #tpu.memory_space<hbm>>
    tpu.wait_dma2 semaphore(%arg15 : memref<!tpu.dma_semaphore, #tpu.memory_space<semaphore_mem>>) src(%arg5 : memref<32x768xf32, #tpu.memory_space<vmem>>) dst(%dma_wait3A_641 : memref<32x768xf32, #tpu.memory_space<hbm>>)
    %add3A_642 = arith.constant 8192 : i32
    %add3A_643 = arith.addi %add3A_642, %mul3A_2 : i32
    %add3A_644 = arith.constant 160 : i32
    %add3A_645 = arith.addi %add3A_643, %add3A_644 : i32
    %dma_start3A_646 = arith.constant 0 : i32
    %dma_start3A_647 = tpu.memref_slice %arg2[%add3A_645, %dma_start3A_646] : memref<32768x768xf32, #tpu.memory_space<hbm>> -> memref<32x768xf32, #tpu.memory_space<hbm>>
    %dma_start3A_648 = arith.constant 0 : i32
    %dma_start3A_649 = tpu.memref_slice %arg2[%add3A_645, %dma_start3A_648] : memref<32768x768xf32, #tpu.memory_space<hbm>> -> memref<32x768xf32, #tpu.memory_space<hbm>>
    tpu.enqueue_dma source(%dma_start3A_649 : memref<32x768xf32, #tpu.memory_space<hbm>>) target(%arg5 : memref<32x768xf32, #tpu.memory_space<vmem>>) target_semaphore(%arg10 : memref<!tpu.dma_semaphore, #tpu.memory_space<semaphore_mem>>)
    %dma_wait3A_650 = arith.constant 0 : i32
    %dma_wait3A_651 = tpu.memref_slice %arg2[%add3A_585, %dma_wait3A_650] : memref<32768x768xf32, #tpu.memory_space<hbm>> -> memref<32x768xf32, #tpu.memory_space<hbm>>
    %dma_wait3A_652 = arith.constant 0 : i32
    %dma_wait3A_653 = tpu.memref_slice %arg2[%add3A_585, %dma_wait3A_652] : memref<32768x768xf32, #tpu.memory_space<hbm>> -> memref<32x768xf32, #tpu.memory_space<hbm>>
    tpu.wait_dma2 semaphore(%arg11 : memref<!tpu.dma_semaphore, #tpu.memory_space<semaphore_mem>>) src(%dma_wait3A_653 : memref<32x768xf32, #tpu.memory_space<hbm>>) dst(%arg6 : memref<32x768xf32, #tpu.memory_space<vmem>>)
    %scan3A_654 = arith.constant 0 : i32
    %scan3A_655 = arith.constant 0 : i32
    %scan3A_656 = arith.constant 32 : i32
    %scan3A_657 = arith.addi %scan3A_655, %scan3A_656 : i32
    %scan3A_658 = arith.constant 1 : i32
    scf.for %scan3A_1040 = %scan3A_655 to %scan3A_657 step %scan3A_658  : i32 {
      %parallel_loop3A = arith.constant 0 : i32
      %parallel_loop3A_1041 = arith.constant 768 : i32
      %parallel_loop3A_1042 = arith.constant 16 : i32
      scf.for %parallel_loop3A_1043 = %parallel_loop3A to %parallel_loop3A_1041 step %parallel_loop3A_1042  : i32 {
        %parallel_loop3A_1044 = arith.index_cast %scan3A_1040 : i32 to index
        %parallel_loop3A_1045 = arith.index_cast %parallel_loop3A_1043 : i32 to index
        %parallel_loop3A_1046 = tpu.vector_load %arg8[%parallel_loop3A_1044, %parallel_loop3A_1045] {strides = array<i32>} : memref<32x768xf32, #tpu.memory_space<vmem>>, vector<1x16xf32>,
        %parallel_loop3A_1047 = vector.shape_cast %parallel_loop3A_1046 : vector<1x16xf32> to vector<16xf32>
        %parallel_loop3A_1048 = arith.index_cast %scan3A_1040 : i32 to index
        %parallel_loop3A_1049 = arith.index_cast %parallel_loop3A_1043 : i32 to index
        %parallel_loop3A_1050 = tpu.vector_load %arg6[%parallel_loop3A_1048, %parallel_loop3A_1049] {strides = array<i32>} : memref<32x768xf32, #tpu.memory_space<vmem>>, vector<1x16xf32>,
        %parallel_loop3A_1051 = vector.shape_cast %parallel_loop3A_1050 : vector<1x16xf32> to vector<16xf32>
        %parallel_loop3A_1052 = vector.shape_cast %parallel_loop3A_1047 : vector<16xf32> to vector<1x16xf32>
        tpu.vector_store %arg6[%parallel_loop3A_1048, %parallel_loop3A_1049], %parallel_loop3A_1052 {add = true, strides = array<i32>} : memref<32x768xf32, #tpu.memory_space<vmem>>, vector<1x16xf32>,
      } {sc.loop_unroll_factor = 8 : i64, sc.parallel_access}
    }
    %scan3A_659 = arith.constant 32 : i32
    %add3A_660 = arith.constant 192 : i32
    %add3A_661 = arith.addi %mul3A_2, %add3A_660 : i32
    %dma_start3A_662 = arith.constant 0 : i32
    %dma_start3A_663 = tpu.memref_slice %arg3[%add3A_661, %dma_start3A_662] : memref<8192x768xf32, #tpu.memory_space<hbm>> -> memref<32x768xf32, #tpu.memory_space<hbm>>
    %dma_start3A_664 = arith.constant 0 : i32
    %dma_start3A_665 = tpu.memref_slice %arg3[%add3A_661, %dma_start3A_664] : memref<8192x768xf32, #tpu.memory_space<hbm>> -> memref<32x768xf32, #tpu.memory_space<hbm>>
    tpu.enqueue_dma source(%dma_start3A_665 : memref<32x768xf32, #tpu.memory_space<hbm>>) target(%arg8 : memref<32x768xf32, #tpu.memory_space<vmem>>) target_semaphore(%arg13 : memref<!tpu.dma_semaphore, #tpu.memory_space<semaphore_mem>>)
    %add3A_666 = arith.constant 24576 : i32
    %add3A_667 = arith.addi %add3A_666, %mul3A_2 : i32
    %add3A_668 = arith.constant 128 : i32
    %add3A_669 = arith.addi %add3A_667, %add3A_668 : i32
    %dma_start3A_670 = arith.constant 0 : i32
    %dma_start3A_671 = tpu.memref_slice %arg4[%add3A_669, %dma_start3A_670] : memref<32768x768xf32, #tpu.memory_space<hbm>> -> memref<32x768xf32, #tpu.memory_space<hbm>>
    %dma_start3A_672 = arith.constant 0 : i32
    %dma_start3A_673 = tpu.memref_slice %arg4[%add3A_669, %dma_start3A_672] : memref<32768x768xf32, #tpu.memory_space<hbm>> -> memref<32x768xf32, #tpu.memory_space<hbm>>
    tpu.enqueue_dma source(%arg6 : memref<32x768xf32, #tpu.memory_space<vmem>>) target(%dma_start3A_673 : memref<32x768xf32, #tpu.memory_space<hbm>>) target_semaphore(%arg16 : memref<!tpu.dma_semaphore, #tpu.memory_space<semaphore_mem>>)
    %dma_wait3A_674 = arith.constant 0 : i32
    %dma_wait3A_675 = tpu.memref_slice %arg4[%add3A_669, %dma_wait3A_674] : memref<32768x768xf32, #tpu.memory_space<hbm>> -> memref<32x768xf32, #tpu.memory_space<hbm>>
    %dma_wait3A_676 = arith.constant 0 : i32
    %dma_wait3A_677 = tpu.memref_slice %arg4[%add3A_669, %dma_wait3A_676] : memref<32768x768xf32, #tpu.memory_space<hbm>> -> memref<32x768xf32, #tpu.memory_space<hbm>>
    tpu.wait_dma2 semaphore(%arg16 : memref<!tpu.dma_semaphore, #tpu.memory_space<semaphore_mem>>) src(%arg6 : memref<32x768xf32, #tpu.memory_space<vmem>>) dst(%dma_wait3A_677 : memref<32x768xf32, #tpu.memory_space<hbm>>)
    %add3A_678 = arith.constant 16384 : i32
    %add3A_679 = arith.addi %add3A_678, %mul3A_2 : i32
    %add3A_680 = arith.constant 160 : i32
    %add3A_681 = arith.addi %add3A_679, %add3A_680 : i32
    %dma_start3A_682 = arith.constant 0 : i32
    %dma_start3A_683 = tpu.memref_slice %arg2[%add3A_681, %dma_start3A_682] : memref<32768x768xf32, #tpu.memory_space<hbm>> -> memref<32x768xf32, #tpu.memory_space<hbm>>
    %dma_start3A_684 = arith.constant 0 : i32
    %dma_start3A_685 = tpu.memref_slice %arg2[%add3A_681, %dma_start3A_684] : memref<32768x768xf32, #tpu.memory_space<hbm>> -> memref<32x768xf32, #tpu.memory_space<hbm>>
    tpu.enqueue_dma source(%dma_start3A_685 : memref<32x768xf32, #tpu.memory_space<hbm>>) target(%arg6 : memref<32x768xf32, #tpu.memory_space<vmem>>) target_semaphore(%arg11 : memref<!tpu.dma_semaphore, #tpu.memory_space<semaphore_mem>>)
    %dma_wait3A_686 = arith.constant 0 : i32
    %dma_wait3A_687 = tpu.memref_slice %arg2[%add3A_615, %dma_wait3A_686] : memref<32768x768xf32, #tpu.memory_space<hbm>> -> memref<32x768xf32, #tpu.memory_space<hbm>>
    %dma_wait3A_688 = arith.constant 0 : i32
    %dma_wait3A_689 = tpu.memref_slice %arg2[%add3A_615, %dma_wait3A_688] : memref<32768x768xf32, #tpu.memory_space<hbm>> -> memref<32x768xf32, #tpu.memory_space<hbm>>
    tpu.wait_dma2 semaphore(%arg12 : memref<!tpu.dma_semaphore, #tpu.memory_space<semaphore_mem>>) src(%dma_wait3A_689 : memref<32x768xf32, #tpu.memory_space<hbm>>) dst(%arg7 : memref<32x768xf32, #tpu.memory_space<vmem>>)
    %dma_wait3A_690 = arith.constant 0 : i32
    %dma_wait3A_691 = tpu.memref_slice %arg3[%add3A_531, %dma_wait3A_690] : memref<8192x768xf32, #tpu.memory_space<hbm>> -> memref<32x768xf32, #tpu.memory_space<hbm>>
    %dma_wait3A_692 = arith.constant 0 : i32
    %dma_wait3A_693 = tpu.memref_slice %arg3[%add3A_531, %dma_wait3A_692] : memref<8192x768xf32, #tpu.memory_space<hbm>> -> memref<32x768xf32, #tpu.memory_space<hbm>>
    tpu.wait_dma2 semaphore(%arg14 : memref<!tpu.dma_semaphore, #tpu.memory_space<semaphore_mem>>) src(%dma_wait3A_693 : memref<32x768xf32, #tpu.memory_space<hbm>>) dst(%arg9 : memref<32x768xf32, #tpu.memory_space<vmem>>)
    %scan3A_694 = arith.constant 0 : i32
    %scan3A_695 = arith.constant 0 : i32
    %scan3A_696 = arith.constant 32 : i32
    %scan3A_697 = arith.addi %scan3A_695, %scan3A_696 : i32
    %scan3A_698 = arith.constant 1 : i32
    scf.for %scan3A_1040 = %scan3A_695 to %scan3A_697 step %scan3A_698  : i32 {
      %parallel_loop3A = arith.constant 0 : i32
      %parallel_loop3A_1041 = arith.constant 768 : i32
      %parallel_loop3A_1042 = arith.constant 16 : i32
      scf.for %parallel_loop3A_1043 = %parallel_loop3A to %parallel_loop3A_1041 step %parallel_loop3A_1042  : i32 {
        %parallel_loop3A_1044 = arith.index_cast %scan3A_1040 : i32 to index
        %parallel_loop3A_1045 = arith.index_cast %parallel_loop3A_1043 : i32 to index
        %parallel_loop3A_1046 = tpu.vector_load %arg9[%parallel_loop3A_1044, %parallel_loop3A_1045] {strides = array<i32>} : memref<32x768xf32, #tpu.memory_space<vmem>>, vector<1x16xf32>,
        %parallel_loop3A_1047 = vector.shape_cast %parallel_loop3A_1046 : vector<1x16xf32> to vector<16xf32>
        %parallel_loop3A_1048 = arith.index_cast %scan3A_1040 : i32 to index
        %parallel_loop3A_1049 = arith.index_cast %parallel_loop3A_1043 : i32 to index
        %parallel_loop3A_1050 = tpu.vector_load %arg7[%parallel_loop3A_1048, %parallel_loop3A_1049] {strides = array<i32>} : memref<32x768xf32, #tpu.memory_space<vmem>>, vector<1x16xf32>,
        %parallel_loop3A_1051 = vector.shape_cast %parallel_loop3A_1050 : vector<1x16xf32> to vector<16xf32>
        %parallel_loop3A_1052 = vector.shape_cast %parallel_loop3A_1047 : vector<16xf32> to vector<1x16xf32>
        tpu.vector_store %arg7[%parallel_loop3A_1048, %parallel_loop3A_1049], %parallel_loop3A_1052 {add = true, strides = array<i32>} : memref<32x768xf32, #tpu.memory_space<vmem>>, vector<1x16xf32>,
      } {sc.loop_unroll_factor = 8 : i64, sc.parallel_access}
    }
    %scan3A_699 = arith.constant 32 : i32
    %add3A_700 = arith.constant 0 : i32
    %add3A_701 = arith.addi %add3A_700, %mul3A_2 : i32
    %add3A_702 = arith.constant 160 : i32
    %add3A_703 = arith.addi %add3A_701, %add3A_702 : i32
    %dma_start3A_704 = arith.constant 0 : i32
    %dma_start3A_705 = tpu.memref_slice %arg4[%add3A_703, %dma_start3A_704] : memref<32768x768xf32, #tpu.memory_space<hbm>> -> memref<32x768xf32, #tpu.memory_space<hbm>>
    %dma_start3A_706 = arith.constant 0 : i32
    %dma_start3A_707 = tpu.memref_slice %arg4[%add3A_703, %dma_start3A_706] : memref<32768x768xf32, #tpu.memory_space<hbm>> -> memref<32x768xf32, #tpu.memory_space<hbm>>
    tpu.enqueue_dma source(%arg7 : memref<32x768xf32, #tpu.memory_space<vmem>>) target(%dma_start3A_707 : memref<32x768xf32, #tpu.memory_space<hbm>>) target_semaphore(%arg17 : memref<!tpu.dma_semaphore, #tpu.memory_space<semaphore_mem>>)
    %dma_wait3A_708 = arith.constant 0 : i32
    %dma_wait3A_709 = tpu.memref_slice %arg4[%add3A_703, %dma_wait3A_708] : memref<32768x768xf32, #tpu.memory_space<hbm>> -> memref<32x768xf32, #tpu.memory_space<hbm>>
    %dma_wait3A_710 = arith.constant 0 : i32
    %dma_wait3A_711 = tpu.memref_slice %arg4[%add3A_703, %dma_wait3A_710] : memref<32768x768xf32, #tpu.memory_space<hbm>> -> memref<32x768xf32, #tpu.memory_space<hbm>>
    tpu.wait_dma2 semaphore(%arg17 : memref<!tpu.dma_semaphore, #tpu.memory_space<semaphore_mem>>) src(%arg7 : memref<32x768xf32, #tpu.memory_space<vmem>>) dst(%dma_wait3A_711 : memref<32x768xf32, #tpu.memory_space<hbm>>)
    %add3A_712 = arith.constant 24576 : i32
    %add3A_713 = arith.addi %add3A_712, %mul3A_2 : i32
    %add3A_714 = arith.constant 160 : i32
    %add3A_715 = arith.addi %add3A_713, %add3A_714 : i32
    %dma_start3A_716 = arith.constant 0 : i32
    %dma_start3A_717 = tpu.memref_slice %arg2[%add3A_715, %dma_start3A_716] : memref<32768x768xf32, #tpu.memory_space<hbm>> -> memref<32x768xf32, #tpu.memory_space<hbm>>
    %dma_start3A_718 = arith.constant 0 : i32
    %dma_start3A_719 = tpu.memref_slice %arg2[%add3A_715, %dma_start3A_718] : memref<32768x768xf32, #tpu.memory_space<hbm>> -> memref<32x768xf32, #tpu.memory_space<hbm>>
    tpu.enqueue_dma source(%dma_start3A_719 : memref<32x768xf32, #tpu.memory_space<hbm>>) target(%arg7 : memref<32x768xf32, #tpu.memory_space<vmem>>) target_semaphore(%arg12 : memref<!tpu.dma_semaphore, #tpu.memory_space<semaphore_mem>>)
    %dma_wait3A_720 = arith.constant 0 : i32
    %dma_wait3A_721 = tpu.memref_slice %arg2[%add3A_645, %dma_wait3A_720] : memref<32768x768xf32, #tpu.memory_space<hbm>> -> memref<32x768xf32, #tpu.memory_space<hbm>>
    %dma_wait3A_722 = arith.constant 0 : i32
    %dma_wait3A_723 = tpu.memref_slice %arg2[%add3A_645, %dma_wait3A_722] : memref<32768x768xf32, #tpu.memory_space<hbm>> -> memref<32x768xf32, #tpu.memory_space<hbm>>
    tpu.wait_dma2 semaphore(%arg10 : memref<!tpu.dma_semaphore, #tpu.memory_space<semaphore_mem>>) src(%dma_wait3A_723 : memref<32x768xf32, #tpu.memory_space<hbm>>) dst(%arg5 : memref<32x768xf32, #tpu.memory_space<vmem>>)
    %scan3A_724 = arith.constant 0 : i32
    %scan3A_725 = arith.constant 0 : i32
    %scan3A_726 = arith.constant 32 : i32
    %scan3A_727 = arith.addi %scan3A_725, %scan3A_726 : i32
    %scan3A_728 = arith.constant 1 : i32
    scf.for %scan3A_1040 = %scan3A_725 to %scan3A_727 step %scan3A_728  : i32 {
      %parallel_loop3A = arith.constant 0 : i32
      %parallel_loop3A_1041 = arith.constant 768 : i32
      %parallel_loop3A_1042 = arith.constant 16 : i32
      scf.for %parallel_loop3A_1043 = %parallel_loop3A to %parallel_loop3A_1041 step %parallel_loop3A_1042  : i32 {
        %parallel_loop3A_1044 = arith.index_cast %scan3A_1040 : i32 to index
        %parallel_loop3A_1045 = arith.index_cast %parallel_loop3A_1043 : i32 to index
        %parallel_loop3A_1046 = tpu.vector_load %arg9[%parallel_loop3A_1044, %parallel_loop3A_1045] {strides = array<i32>} : memref<32x768xf32, #tpu.memory_space<vmem>>, vector<1x16xf32>,
        %parallel_loop3A_1047 = vector.shape_cast %parallel_loop3A_1046 : vector<1x16xf32> to vector<16xf32>
        %parallel_loop3A_1048 = arith.index_cast %scan3A_1040 : i32 to index
        %parallel_loop3A_1049 = arith.index_cast %parallel_loop3A_1043 : i32 to index
        %parallel_loop3A_1050 = tpu.vector_load %arg5[%parallel_loop3A_1048, %parallel_loop3A_1049] {strides = array<i32>} : memref<32x768xf32, #tpu.memory_space<vmem>>, vector<1x16xf32>,
        %parallel_loop3A_1051 = vector.shape_cast %parallel_loop3A_1050 : vector<1x16xf32> to vector<16xf32>
        %parallel_loop3A_1052 = vector.shape_cast %parallel_loop3A_1047 : vector<16xf32> to vector<1x16xf32>
        tpu.vector_store %arg5[%parallel_loop3A_1048, %parallel_loop3A_1049], %parallel_loop3A_1052 {add = true, strides = array<i32>} : memref<32x768xf32, #tpu.memory_space<vmem>>, vector<1x16xf32>,
      } {sc.loop_unroll_factor = 8 : i64, sc.parallel_access}
    }
    %scan3A_729 = arith.constant 32 : i32
    %add3A_730 = arith.constant 8192 : i32
    %add3A_731 = arith.addi %add3A_730, %mul3A_2 : i32
    %add3A_732 = arith.constant 160 : i32
    %add3A_733 = arith.addi %add3A_731, %add3A_732 : i32
    %dma_start3A_734 = arith.constant 0 : i32
    %dma_start3A_735 = tpu.memref_slice %arg4[%add3A_733, %dma_start3A_734] : memref<32768x768xf32, #tpu.memory_space<hbm>> -> memref<32x768xf32, #tpu.memory_space<hbm>>
    %dma_start3A_736 = arith.constant 0 : i32
    %dma_start3A_737 = tpu.memref_slice %arg4[%add3A_733, %dma_start3A_736] : memref<32768x768xf32, #tpu.memory_space<hbm>> -> memref<32x768xf32, #tpu.memory_space<hbm>>
    tpu.enqueue_dma source(%arg5 : memref<32x768xf32, #tpu.memory_space<vmem>>) target(%dma_start3A_737 : memref<32x768xf32, #tpu.memory_space<hbm>>) target_semaphore(%arg15 : memref<!tpu.dma_semaphore, #tpu.memory_space<semaphore_mem>>)
    %dma_wait3A_738 = arith.constant 0 : i32
    %dma_wait3A_739 = tpu.memref_slice %arg4[%add3A_733, %dma_wait3A_738] : memref<32768x768xf32, #tpu.memory_space<hbm>> -> memref<32x768xf32, #tpu.memory_space<hbm>>
    %dma_wait3A_740 = arith.constant 0 : i32
    %dma_wait3A_741 = tpu.memref_slice %arg4[%add3A_733, %dma_wait3A_740] : memref<32768x768xf32, #tpu.memory_space<hbm>> -> memref<32x768xf32, #tpu.memory_space<hbm>>
    tpu.wait_dma2 semaphore(%arg15 : memref<!tpu.dma_semaphore, #tpu.memory_space<semaphore_mem>>) src(%arg5 : memref<32x768xf32, #tpu.memory_space<vmem>>) dst(%dma_wait3A_741 : memref<32x768xf32, #tpu.memory_space<hbm>>)
    %add3A_742 = arith.constant 0 : i32
    %add3A_743 = arith.addi %add3A_742, %mul3A_2 : i32
    %add3A_744 = arith.constant 192 : i32
    %add3A_745 = arith.addi %add3A_743, %add3A_744 : i32
    %dma_start3A_746 = arith.constant 0 : i32
    %dma_start3A_747 = tpu.memref_slice %arg2[%add3A_745, %dma_start3A_746] : memref<32768x768xf32, #tpu.memory_space<hbm>> -> memref<32x768xf32, #tpu.memory_space<hbm>>
    %dma_start3A_748 = arith.constant 0 : i32
    %dma_start3A_749 = tpu.memref_slice %arg2[%add3A_745, %dma_start3A_748] : memref<32768x768xf32, #tpu.memory_space<hbm>> -> memref<32x768xf32, #tpu.memory_space<hbm>>
    tpu.enqueue_dma source(%dma_start3A_749 : memref<32x768xf32, #tpu.memory_space<hbm>>) target(%arg5 : memref<32x768xf32, #tpu.memory_space<vmem>>) target_semaphore(%arg10 : memref<!tpu.dma_semaphore, #tpu.memory_space<semaphore_mem>>)
    %dma_wait3A_750 = arith.constant 0 : i32
    %dma_wait3A_751 = tpu.memref_slice %arg2[%add3A_681, %dma_wait3A_750] : memref<32768x768xf32, #tpu.memory_space<hbm>> -> memref<32x768xf32, #tpu.memory_space<hbm>>
    %dma_wait3A_752 = arith.constant 0 : i32
    %dma_wait3A_753 = tpu.memref_slice %arg2[%add3A_681, %dma_wait3A_752] : memref<32768x768xf32, #tpu.memory_space<hbm>> -> memref<32x768xf32, #tpu.memory_space<hbm>>
    tpu.wait_dma2 semaphore(%arg11 : memref<!tpu.dma_semaphore, #tpu.memory_space<semaphore_mem>>) src(%dma_wait3A_753 : memref<32x768xf32, #tpu.memory_space<hbm>>) dst(%arg6 : memref<32x768xf32, #tpu.memory_space<vmem>>)
    %scan3A_754 = arith.constant 0 : i32
    %scan3A_755 = arith.constant 0 : i32
    %scan3A_756 = arith.constant 32 : i32
    %scan3A_757 = arith.addi %scan3A_755, %scan3A_756 : i32
    %scan3A_758 = arith.constant 1 : i32
    scf.for %scan3A_1040 = %scan3A_755 to %scan3A_757 step %scan3A_758  : i32 {
      %parallel_loop3A = arith.constant 0 : i32
      %parallel_loop3A_1041 = arith.constant 768 : i32
      %parallel_loop3A_1042 = arith.constant 16 : i32
      scf.for %parallel_loop3A_1043 = %parallel_loop3A to %parallel_loop3A_1041 step %parallel_loop3A_1042  : i32 {
        %parallel_loop3A_1044 = arith.index_cast %scan3A_1040 : i32 to index
        %parallel_loop3A_1045 = arith.index_cast %parallel_loop3A_1043 : i32 to index
        %parallel_loop3A_1046 = tpu.vector_load %arg9[%parallel_loop3A_1044, %parallel_loop3A_1045] {strides = array<i32>} : memref<32x768xf32, #tpu.memory_space<vmem>>, vector<1x16xf32>,
        %parallel_loop3A_1047 = vector.shape_cast %parallel_loop3A_1046 : vector<1x16xf32> to vector<16xf32>
        %parallel_loop3A_1048 = arith.index_cast %scan3A_1040 : i32 to index
        %parallel_loop3A_1049 = arith.index_cast %parallel_loop3A_1043 : i32 to index
        %parallel_loop3A_1050 = tpu.vector_load %arg6[%parallel_loop3A_1048, %parallel_loop3A_1049] {strides = array<i32>} : memref<32x768xf32, #tpu.memory_space<vmem>>, vector<1x16xf32>,
        %parallel_loop3A_1051 = vector.shape_cast %parallel_loop3A_1050 : vector<1x16xf32> to vector<16xf32>
        %parallel_loop3A_1052 = vector.shape_cast %parallel_loop3A_1047 : vector<16xf32> to vector<1x16xf32>
        tpu.vector_store %arg6[%parallel_loop3A_1048, %parallel_loop3A_1049], %parallel_loop3A_1052 {add = true, strides = array<i32>} : memref<32x768xf32, #tpu.memory_space<vmem>>, vector<1x16xf32>,
      } {sc.loop_unroll_factor = 8 : i64, sc.parallel_access}
    }
    %scan3A_759 = arith.constant 32 : i32
    %add3A_760 = arith.constant 16384 : i32
    %add3A_761 = arith.addi %add3A_760, %mul3A_2 : i32
    %add3A_762 = arith.constant 160 : i32
    %add3A_763 = arith.addi %add3A_761, %add3A_762 : i32
    %dma_start3A_764 = arith.constant 0 : i32
    %dma_start3A_765 = tpu.memref_slice %arg4[%add3A_763, %dma_start3A_764] : memref<32768x768xf32, #tpu.memory_space<hbm>> -> memref<32x768xf32, #tpu.memory_space<hbm>>
    %dma_start3A_766 = arith.constant 0 : i32
    %dma_start3A_767 = tpu.memref_slice %arg4[%add3A_763, %dma_start3A_766] : memref<32768x768xf32, #tpu.memory_space<hbm>> -> memref<32x768xf32, #tpu.memory_space<hbm>>
    tpu.enqueue_dma source(%arg6 : memref<32x768xf32, #tpu.memory_space<vmem>>) target(%dma_start3A_767 : memref<32x768xf32, #tpu.memory_space<hbm>>) target_semaphore(%arg16 : memref<!tpu.dma_semaphore, #tpu.memory_space<semaphore_mem>>)
    %dma_wait3A_768 = arith.constant 0 : i32
    %dma_wait3A_769 = tpu.memref_slice %arg4[%add3A_763, %dma_wait3A_768] : memref<32768x768xf32, #tpu.memory_space<hbm>> -> memref<32x768xf32, #tpu.memory_space<hbm>>
    %dma_wait3A_770 = arith.constant 0 : i32
    %dma_wait3A_771 = tpu.memref_slice %arg4[%add3A_763, %dma_wait3A_770] : memref<32768x768xf32, #tpu.memory_space<hbm>> -> memref<32x768xf32, #tpu.memory_space<hbm>>
    tpu.wait_dma2 semaphore(%arg16 : memref<!tpu.dma_semaphore, #tpu.memory_space<semaphore_mem>>) src(%arg6 : memref<32x768xf32, #tpu.memory_space<vmem>>) dst(%dma_wait3A_771 : memref<32x768xf32, #tpu.memory_space<hbm>>)
    %add3A_772 = arith.constant 8192 : i32
    %add3A_773 = arith.addi %add3A_772, %mul3A_2 : i32
    %add3A_774 = arith.constant 192 : i32
    %add3A_775 = arith.addi %add3A_773, %add3A_774 : i32
    %dma_start3A_776 = arith.constant 0 : i32
    %dma_start3A_777 = tpu.memref_slice %arg2[%add3A_775, %dma_start3A_776] : memref<32768x768xf32, #tpu.memory_space<hbm>> -> memref<32x768xf32, #tpu.memory_space<hbm>>
    %dma_start3A_778 = arith.constant 0 : i32
    %dma_start3A_779 = tpu.memref_slice %arg2[%add3A_775, %dma_start3A_778] : memref<32768x768xf32, #tpu.memory_space<hbm>> -> memref<32x768xf32, #tpu.memory_space<hbm>>
    tpu.enqueue_dma source(%dma_start3A_779 : memref<32x768xf32, #tpu.memory_space<hbm>>) target(%arg6 : memref<32x768xf32, #tpu.memory_space<vmem>>) target_semaphore(%arg11 : memref<!tpu.dma_semaphore, #tpu.memory_space<semaphore_mem>>)
    %dma_wait3A_780 = arith.constant 0 : i32
    %dma_wait3A_781 = tpu.memref_slice %arg2[%add3A_715, %dma_wait3A_780] : memref<32768x768xf32, #tpu.memory_space<hbm>> -> memref<32x768xf32, #tpu.memory_space<hbm>>
    %dma_wait3A_782 = arith.constant 0 : i32
    %dma_wait3A_783 = tpu.memref_slice %arg2[%add3A_715, %dma_wait3A_782] : memref<32768x768xf32, #tpu.memory_space<hbm>> -> memref<32x768xf32, #tpu.memory_space<hbm>>
    tpu.wait_dma2 semaphore(%arg12 : memref<!tpu.dma_semaphore, #tpu.memory_space<semaphore_mem>>) src(%dma_wait3A_783 : memref<32x768xf32, #tpu.memory_space<hbm>>) dst(%arg7 : memref<32x768xf32, #tpu.memory_space<vmem>>)
    %scan3A_784 = arith.constant 0 : i32
    %scan3A_785 = arith.constant 0 : i32
    %scan3A_786 = arith.constant 32 : i32
    %scan3A_787 = arith.addi %scan3A_785, %scan3A_786 : i32
    %scan3A_788 = arith.constant 1 : i32
    scf.for %scan3A_1040 = %scan3A_785 to %scan3A_787 step %scan3A_788  : i32 {
      %parallel_loop3A = arith.constant 0 : i32
      %parallel_loop3A_1041 = arith.constant 768 : i32
      %parallel_loop3A_1042 = arith.constant 16 : i32
      scf.for %parallel_loop3A_1043 = %parallel_loop3A to %parallel_loop3A_1041 step %parallel_loop3A_1042  : i32 {
        %parallel_loop3A_1044 = arith.index_cast %scan3A_1040 : i32 to index
        %parallel_loop3A_1045 = arith.index_cast %parallel_loop3A_1043 : i32 to index
        %parallel_loop3A_1046 = tpu.vector_load %arg9[%parallel_loop3A_1044, %parallel_loop3A_1045] {strides = array<i32>} : memref<32x768xf32, #tpu.memory_space<vmem>>, vector<1x16xf32>,
        %parallel_loop3A_1047 = vector.shape_cast %parallel_loop3A_1046 : vector<1x16xf32> to vector<16xf32>
        %parallel_loop3A_1048 = arith.index_cast %scan3A_1040 : i32 to index
        %parallel_loop3A_1049 = arith.index_cast %parallel_loop3A_1043 : i32 to index
        %parallel_loop3A_1050 = tpu.vector_load %arg7[%parallel_loop3A_1048, %parallel_loop3A_1049] {strides = array<i32>} : memref<32x768xf32, #tpu.memory_space<vmem>>, vector<1x16xf32>,
        %parallel_loop3A_1051 = vector.shape_cast %parallel_loop3A_1050 : vector<1x16xf32> to vector<16xf32>
        %parallel_loop3A_1052 = vector.shape_cast %parallel_loop3A_1047 : vector<16xf32> to vector<1x16xf32>
        tpu.vector_store %arg7[%parallel_loop3A_1048, %parallel_loop3A_1049], %parallel_loop3A_1052 {add = true, strides = array<i32>} : memref<32x768xf32, #tpu.memory_space<vmem>>, vector<1x16xf32>,
      } {sc.loop_unroll_factor = 8 : i64, sc.parallel_access}
    }
    %scan3A_789 = arith.constant 32 : i32
    %add3A_790 = arith.constant 224 : i32
    %add3A_791 = arith.addi %mul3A_2, %add3A_790 : i32
    %dma_start3A_792 = arith.constant 0 : i32
    %dma_start3A_793 = tpu.memref_slice %arg3[%add3A_791, %dma_start3A_792] : memref<8192x768xf32, #tpu.memory_space<hbm>> -> memref<32x768xf32, #tpu.memory_space<hbm>>
    %dma_start3A_794 = arith.constant 0 : i32
    %dma_start3A_795 = tpu.memref_slice %arg3[%add3A_791, %dma_start3A_794] : memref<8192x768xf32, #tpu.memory_space<hbm>> -> memref<32x768xf32, #tpu.memory_space<hbm>>
    tpu.enqueue_dma source(%dma_start3A_795 : memref<32x768xf32, #tpu.memory_space<hbm>>) target(%arg9 : memref<32x768xf32, #tpu.memory_space<vmem>>) target_semaphore(%arg14 : memref<!tpu.dma_semaphore, #tpu.memory_space<semaphore_mem>>)
    %add3A_796 = arith.constant 24576 : i32
    %add3A_797 = arith.addi %add3A_796, %mul3A_2 : i32
    %add3A_798 = arith.constant 160 : i32
    %add3A_799 = arith.addi %add3A_797, %add3A_798 : i32
    %dma_start3A_800 = arith.constant 0 : i32
    %dma_start3A_801 = tpu.memref_slice %arg4[%add3A_799, %dma_start3A_800] : memref<32768x768xf32, #tpu.memory_space<hbm>> -> memref<32x768xf32, #tpu.memory_space<hbm>>
    %dma_start3A_802 = arith.constant 0 : i32
    %dma_start3A_803 = tpu.memref_slice %arg4[%add3A_799, %dma_start3A_802] : memref<32768x768xf32, #tpu.memory_space<hbm>> -> memref<32x768xf32, #tpu.memory_space<hbm>>
    tpu.enqueue_dma source(%arg7 : memref<32x768xf32, #tpu.memory_space<vmem>>) target(%dma_start3A_803 : memref<32x768xf32, #tpu.memory_space<hbm>>) target_semaphore(%arg17 : memref<!tpu.dma_semaphore, #tpu.memory_space<semaphore_mem>>)
    %dma_wait3A_804 = arith.constant 0 : i32
    %dma_wait3A_805 = tpu.memref_slice %arg4[%add3A_799, %dma_wait3A_804] : memref<32768x768xf32, #tpu.memory_space<hbm>> -> memref<32x768xf32, #tpu.memory_space<hbm>>
    %dma_wait3A_806 = arith.constant 0 : i32
    %dma_wait3A_807 = tpu.memref_slice %arg4[%add3A_799, %dma_wait3A_806] : memref<32768x768xf32, #tpu.memory_space<hbm>> -> memref<32x768xf32, #tpu.memory_space<hbm>>
    tpu.wait_dma2 semaphore(%arg17 : memref<!tpu.dma_semaphore, #tpu.memory_space<semaphore_mem>>) src(%arg7 : memref<32x768xf32, #tpu.memory_space<vmem>>) dst(%dma_wait3A_807 : memref<32x768xf32, #tpu.memory_space<hbm>>)
    %add3A_808 = arith.constant 16384 : i32
    %add3A_809 = arith.addi %add3A_808, %mul3A_2 : i32
    %add3A_810 = arith.constant 192 : i32
    %add3A_811 = arith.addi %add3A_809, %add3A_810 : i32
    %dma_start3A_812 = arith.constant 0 : i32
    %dma_start3A_813 = tpu.memref_slice %arg2[%add3A_811, %dma_start3A_812] : memref<32768x768xf32, #tpu.memory_space<hbm>> -> memref<32x768xf32, #tpu.memory_space<hbm>>
    %dma_start3A_814 = arith.constant 0 : i32
    %dma_start3A_815 = tpu.memref_slice %arg2[%add3A_811, %dma_start3A_814] : memref<32768x768xf32, #tpu.memory_space<hbm>> -> memref<32x768xf32, #tpu.memory_space<hbm>>
    tpu.enqueue_dma source(%dma_start3A_815 : memref<32x768xf32, #tpu.memory_space<hbm>>) target(%arg7 : memref<32x768xf32, #tpu.memory_space<vmem>>) target_semaphore(%arg12 : memref<!tpu.dma_semaphore, #tpu.memory_space<semaphore_mem>>)
    %dma_wait3A_816 = arith.constant 0 : i32
    %dma_wait3A_817 = tpu.memref_slice %arg2[%add3A_745, %dma_wait3A_816] : memref<32768x768xf32, #tpu.memory_space<hbm>> -> memref<32x768xf32, #tpu.memory_space<hbm>>
    %dma_wait3A_818 = arith.constant 0 : i32
    %dma_wait3A_819 = tpu.memref_slice %arg2[%add3A_745, %dma_wait3A_818] : memref<32768x768xf32, #tpu.memory_space<hbm>> -> memref<32x768xf32, #tpu.memory_space<hbm>>
    tpu.wait_dma2 semaphore(%arg10 : memref<!tpu.dma_semaphore, #tpu.memory_space<semaphore_mem>>) src(%dma_wait3A_819 : memref<32x768xf32, #tpu.memory_space<hbm>>) dst(%arg5 : memref<32x768xf32, #tpu.memory_space<vmem>>)
    %dma_wait3A_820 = arith.constant 0 : i32
    %dma_wait3A_821 = tpu.memref_slice %arg3[%add3A_661, %dma_wait3A_820] : memref<8192x768xf32, #tpu.memory_space<hbm>> -> memref<32x768xf32, #tpu.memory_space<hbm>>
    %dma_wait3A_822 = arith.constant 0 : i32
    %dma_wait3A_823 = tpu.memref_slice %arg3[%add3A_661, %dma_wait3A_822] : memref<8192x768xf32, #tpu.memory_space<hbm>> -> memref<32x768xf32, #tpu.memory_space<hbm>>
    tpu.wait_dma2 semaphore(%arg13 : memref<!tpu.dma_semaphore, #tpu.memory_space<semaphore_mem>>) src(%dma_wait3A_823 : memref<32x768xf32, #tpu.memory_space<hbm>>) dst(%arg8 : memref<32x768xf32, #tpu.memory_space<vmem>>)
    %scan3A_824 = arith.constant 0 : i32
    %scan3A_825 = arith.constant 0 : i32
    %scan3A_826 = arith.constant 32 : i32
    %scan3A_827 = arith.addi %scan3A_825, %scan3A_826 : i32
    %scan3A_828 = arith.constant 1 : i32
    scf.for %scan3A_1040 = %scan3A_825 to %scan3A_827 step %scan3A_828  : i32 {
      %parallel_loop3A = arith.constant 0 : i32
      %parallel_loop3A_1041 = arith.constant 768 : i32
      %parallel_loop3A_1042 = arith.constant 16 : i32
      scf.for %parallel_loop3A_1043 = %parallel_loop3A to %parallel_loop3A_1041 step %parallel_loop3A_1042  : i32 {
        %parallel_loop3A_1044 = arith.index_cast %scan3A_1040 : i32 to index
        %parallel_loop3A_1045 = arith.index_cast %parallel_loop3A_1043 : i32 to index
        %parallel_loop3A_1046 = tpu.vector_load %arg8[%parallel_loop3A_1044, %parallel_loop3A_1045] {strides = array<i32>} : memref<32x768xf32, #tpu.memory_space<vmem>>, vector<1x16xf32>,
        %parallel_loop3A_1047 = vector.shape_cast %parallel_loop3A_1046 : vector<1x16xf32> to vector<16xf32>
        %parallel_loop3A_1048 = arith.index_cast %scan3A_1040 : i32 to index
        %parallel_loop3A_1049 = arith.index_cast %parallel_loop3A_1043 : i32 to index
        %parallel_loop3A_1050 = tpu.vector_load %arg5[%parallel_loop3A_1048, %parallel_loop3A_1049] {strides = array<i32>} : memref<32x768xf32, #tpu.memory_space<vmem>>, vector<1x16xf32>,
        %parallel_loop3A_1051 = vector.shape_cast %parallel_loop3A_1050 : vector<1x16xf32> to vector<16xf32>
        %parallel_loop3A_1052 = vector.shape_cast %parallel_loop3A_1047 : vector<16xf32> to vector<1x16xf32>
        tpu.vector_store %arg5[%parallel_loop3A_1048, %parallel_loop3A_1049], %parallel_loop3A_1052 {add = true, strides = array<i32>} : memref<32x768xf32, #tpu.memory_space<vmem>>, vector<1x16xf32>,
      } {sc.loop_unroll_factor = 8 : i64, sc.parallel_access}
    }
    %scan3A_829 = arith.constant 32 : i32
    %add3A_830 = arith.constant 0 : i32
    %add3A_831 = arith.addi %add3A_830, %mul3A_2 : i32
    %add3A_832 = arith.constant 192 : i32
    %add3A_833 = arith.addi %add3A_831, %add3A_832 : i32
    %dma_start3A_834 = arith.constant 0 : i32
    %dma_start3A_835 = tpu.memref_slice %arg4[%add3A_833, %dma_start3A_834] : memref<32768x768xf32, #tpu.memory_space<hbm>> -> memref<32x768xf32, #tpu.memory_space<hbm>>
    %dma_start3A_836 = arith.constant 0 : i32
    %dma_start3A_837 = tpu.memref_slice %arg4[%add3A_833, %dma_start3A_836] : memref<32768x768xf32, #tpu.memory_space<hbm>> -> memref<32x768xf32, #tpu.memory_space<hbm>>
    tpu.enqueue_dma source(%arg5 : memref<32x768xf32, #tpu.memory_space<vmem>>) target(%dma_start3A_837 : memref<32x768xf32, #tpu.memory_space<hbm>>) target_semaphore(%arg15 : memref<!tpu.dma_semaphore, #tpu.memory_space<semaphore_mem>>)
    %dma_wait3A_838 = arith.constant 0 : i32
    %dma_wait3A_839 = tpu.memref_slice %arg4[%add3A_833, %dma_wait3A_838] : memref<32768x768xf32, #tpu.memory_space<hbm>> -> memref<32x768xf32, #tpu.memory_space<hbm>>
    %dma_wait3A_840 = arith.constant 0 : i32
    %dma_wait3A_841 = tpu.memref_slice %arg4[%add3A_833, %dma_wait3A_840] : memref<32768x768xf32, #tpu.memory_space<hbm>> -> memref<32x768xf32, #tpu.memory_space<hbm>>
    tpu.wait_dma2 semaphore(%arg15 : memref<!tpu.dma_semaphore, #tpu.memory_space<semaphore_mem>>) src(%arg5 : memref<32x768xf32, #tpu.memory_space<vmem>>) dst(%dma_wait3A_841 : memref<32x768xf32, #tpu.memory_space<hbm>>)
    %add3A_842 = arith.constant 24576 : i32
    %add3A_843 = arith.addi %add3A_842, %mul3A_2 : i32
    %add3A_844 = arith.constant 192 : i32
    %add3A_845 = arith.addi %add3A_843, %add3A_844 : i32
    %dma_start3A_846 = arith.constant 0 : i32
    %dma_start3A_847 = tpu.memref_slice %arg2[%add3A_845, %dma_start3A_846] : memref<32768x768xf32, #tpu.memory_space<hbm>> -> memref<32x768xf32, #tpu.memory_space<hbm>>
    %dma_start3A_848 = arith.constant 0 : i32
    %dma_start3A_849 = tpu.memref_slice %arg2[%add3A_845, %dma_start3A_848] : memref<32768x768xf32, #tpu.memory_space<hbm>> -> memref<32x768xf32, #tpu.memory_space<hbm>>
    tpu.enqueue_dma source(%dma_start3A_849 : memref<32x768xf32, #tpu.memory_space<hbm>>) target(%arg5 : memref<32x768xf32, #tpu.memory_space<vmem>>) target_semaphore(%arg10 : memref<!tpu.dma_semaphore, #tpu.memory_space<semaphore_mem>>)
    %dma_wait3A_850 = arith.constant 0 : i32
    %dma_wait3A_851 = tpu.memref_slice %arg2[%add3A_775, %dma_wait3A_850] : memref<32768x768xf32, #tpu.memory_space<hbm>> -> memref<32x768xf32, #tpu.memory_space<hbm>>
    %dma_wait3A_852 = arith.constant 0 : i32
    %dma_wait3A_853 = tpu.memref_slice %arg2[%add3A_775, %dma_wait3A_852] : memref<32768x768xf32, #tpu.memory_space<hbm>> -> memref<32x768xf32, #tpu.memory_space<hbm>>
    tpu.wait_dma2 semaphore(%arg11 : memref<!tpu.dma_semaphore, #tpu.memory_space<semaphore_mem>>) src(%dma_wait3A_853 : memref<32x768xf32, #tpu.memory_space<hbm>>) dst(%arg6 : memref<32x768xf32, #tpu.memory_space<vmem>>)
    %scan3A_854 = arith.constant 0 : i32
    %scan3A_855 = arith.constant 0 : i32
    %scan3A_856 = arith.constant 32 : i32
    %scan3A_857 = arith.addi %scan3A_855, %scan3A_856 : i32
    %scan3A_858 = arith.constant 1 : i32
    scf.for %scan3A_1040 = %scan3A_855 to %scan3A_857 step %scan3A_858  : i32 {
      %parallel_loop3A = arith.constant 0 : i32
      %parallel_loop3A_1041 = arith.constant 768 : i32
      %parallel_loop3A_1042 = arith.constant 16 : i32
      scf.for %parallel_loop3A_1043 = %parallel_loop3A to %parallel_loop3A_1041 step %parallel_loop3A_1042  : i32 {
        %parallel_loop3A_1044 = arith.index_cast %scan3A_1040 : i32 to index
        %parallel_loop3A_1045 = arith.index_cast %parallel_loop3A_1043 : i32 to index
        %parallel_loop3A_1046 = tpu.vector_load %arg8[%parallel_loop3A_1044, %parallel_loop3A_1045] {strides = array<i32>} : memref<32x768xf32, #tpu.memory_space<vmem>>, vector<1x16xf32>,
        %parallel_loop3A_1047 = vector.shape_cast %parallel_loop3A_1046 : vector<1x16xf32> to vector<16xf32>
        %parallel_loop3A_1048 = arith.index_cast %scan3A_1040 : i32 to index
        %parallel_loop3A_1049 = arith.index_cast %parallel_loop3A_1043 : i32 to index
        %parallel_loop3A_1050 = tpu.vector_load %arg6[%parallel_loop3A_1048, %parallel_loop3A_1049] {strides = array<i32>} : memref<32x768xf32, #tpu.memory_space<vmem>>, vector<1x16xf32>,
        %parallel_loop3A_1051 = vector.shape_cast %parallel_loop3A_1050 : vector<1x16xf32> to vector<16xf32>
        %parallel_loop3A_1052 = vector.shape_cast %parallel_loop3A_1047 : vector<16xf32> to vector<1x16xf32>
        tpu.vector_store %arg6[%parallel_loop3A_1048, %parallel_loop3A_1049], %parallel_loop3A_1052 {add = true, strides = array<i32>} : memref<32x768xf32, #tpu.memory_space<vmem>>, vector<1x16xf32>,
      } {sc.loop_unroll_factor = 8 : i64, sc.parallel_access}
    }
    %scan3A_859 = arith.constant 32 : i32
    %add3A_860 = arith.constant 8192 : i32
    %add3A_861 = arith.addi %add3A_860, %mul3A_2 : i32
    %add3A_862 = arith.constant 192 : i32
    %add3A_863 = arith.addi %add3A_861, %add3A_862 : i32
    %dma_start3A_864 = arith.constant 0 : i32
    %dma_start3A_865 = tpu.memref_slice %arg4[%add3A_863, %dma_start3A_864] : memref<32768x768xf32, #tpu.memory_space<hbm>> -> memref<32x768xf32, #tpu.memory_space<hbm>>
    %dma_start3A_866 = arith.constant 0 : i32
    %dma_start3A_867 = tpu.memref_slice %arg4[%add3A_863, %dma_start3A_866] : memref<32768x768xf32, #tpu.memory_space<hbm>> -> memref<32x768xf32, #tpu.memory_space<hbm>>
    tpu.enqueue_dma source(%arg6 : memref<32x768xf32, #tpu.memory_space<vmem>>) target(%dma_start3A_867 : memref<32x768xf32, #tpu.memory_space<hbm>>) target_semaphore(%arg16 : memref<!tpu.dma_semaphore, #tpu.memory_space<semaphore_mem>>)
    %dma_wait3A_868 = arith.constant 0 : i32
    %dma_wait3A_869 = tpu.memref_slice %arg4[%add3A_863, %dma_wait3A_868] : memref<32768x768xf32, #tpu.memory_space<hbm>> -> memref<32x768xf32, #tpu.memory_space<hbm>>
    %dma_wait3A_870 = arith.constant 0 : i32
    %dma_wait3A_871 = tpu.memref_slice %arg4[%add3A_863, %dma_wait3A_870] : memref<32768x768xf32, #tpu.memory_space<hbm>> -> memref<32x768xf32, #tpu.memory_space<hbm>>
    tpu.wait_dma2 semaphore(%arg16 : memref<!tpu.dma_semaphore, #tpu.memory_space<semaphore_mem>>) src(%arg6 : memref<32x768xf32, #tpu.memory_space<vmem>>) dst(%dma_wait3A_871 : memref<32x768xf32, #tpu.memory_space<hbm>>)
    %add3A_872 = arith.constant 0 : i32
    %add3A_873 = arith.addi %add3A_872, %mul3A_2 : i32
    %add3A_874 = arith.constant 224 : i32
    %add3A_875 = arith.addi %add3A_873, %add3A_874 : i32
    %dma_start3A_876 = arith.constant 0 : i32
    %dma_start3A_877 = tpu.memref_slice %arg2[%add3A_875, %dma_start3A_876] : memref<32768x768xf32, #tpu.memory_space<hbm>> -> memref<32x768xf32, #tpu.memory_space<hbm>>
    %dma_start3A_878 = arith.constant 0 : i32
    %dma_start3A_879 = tpu.memref_slice %arg2[%add3A_875, %dma_start3A_878] : memref<32768x768xf32, #tpu.memory_space<hbm>> -> memref<32x768xf32, #tpu.memory_space<hbm>>
    tpu.enqueue_dma source(%dma_start3A_879 : memref<32x768xf32, #tpu.memory_space<hbm>>) target(%arg6 : memref<32x768xf32, #tpu.memory_space<vmem>>) target_semaphore(%arg11 : memref<!tpu.dma_semaphore, #tpu.memory_space<semaphore_mem>>)
    %dma_wait3A_880 = arith.constant 0 : i32
    %dma_wait3A_881 = tpu.memref_slice %arg2[%add3A_811, %dma_wait3A_880] : memref<32768x768xf32, #tpu.memory_space<hbm>> -> memref<32x768xf32, #tpu.memory_space<hbm>>
    %dma_wait3A_882 = arith.constant 0 : i32
    %dma_wait3A_883 = tpu.memref_slice %arg2[%add3A_811, %dma_wait3A_882] : memref<32768x768xf32, #tpu.memory_space<hbm>> -> memref<32x768xf32, #tpu.memory_space<hbm>>
    tpu.wait_dma2 semaphore(%arg12 : memref<!tpu.dma_semaphore, #tpu.memory_space<semaphore_mem>>) src(%dma_wait3A_883 : memref<32x768xf32, #tpu.memory_space<hbm>>) dst(%arg7 : memref<32x768xf32, #tpu.memory_space<vmem>>)
    %scan3A_884 = arith.constant 0 : i32
    %scan3A_885 = arith.constant 0 : i32
    %scan3A_886 = arith.constant 32 : i32
    %scan3A_887 = arith.addi %scan3A_885, %scan3A_886 : i32
    %scan3A_888 = arith.constant 1 : i32
    scf.for %scan3A_1040 = %scan3A_885 to %scan3A_887 step %scan3A_888  : i32 {
      %parallel_loop3A = arith.constant 0 : i32
      %parallel_loop3A_1041 = arith.constant 768 : i32
      %parallel_loop3A_1042 = arith.constant 16 : i32
      scf.for %parallel_loop3A_1043 = %parallel_loop3A to %parallel_loop3A_1041 step %parallel_loop3A_1042  : i32 {
        %parallel_loop3A_1044 = arith.index_cast %scan3A_1040 : i32 to index
        %parallel_loop3A_1045 = arith.index_cast %parallel_loop3A_1043 : i32 to index
        %parallel_loop3A_1046 = tpu.vector_load %arg8[%parallel_loop3A_1044, %parallel_loop3A_1045] {strides = array<i32>} : memref<32x768xf32, #tpu.memory_space<vmem>>, vector<1x16xf32>,
        %parallel_loop3A_1047 = vector.shape_cast %parallel_loop3A_1046 : vector<1x16xf32> to vector<16xf32>
        %parallel_loop3A_1048 = arith.index_cast %scan3A_1040 : i32 to index
        %parallel_loop3A_1049 = arith.index_cast %parallel_loop3A_1043 : i32 to index
        %parallel_loop3A_1050 = tpu.vector_load %arg7[%parallel_loop3A_1048, %parallel_loop3A_1049] {strides = array<i32>} : memref<32x768xf32, #tpu.memory_space<vmem>>, vector<1x16xf32>,
        %parallel_loop3A_1051 = vector.shape_cast %parallel_loop3A_1050 : vector<1x16xf32> to vector<16xf32>
        %parallel_loop3A_1052 = vector.shape_cast %parallel_loop3A_1047 : vector<16xf32> to vector<1x16xf32>
        tpu.vector_store %arg7[%parallel_loop3A_1048, %parallel_loop3A_1049], %parallel_loop3A_1052 {add = true, strides = array<i32>} : memref<32x768xf32, #tpu.memory_space<vmem>>, vector<1x16xf32>,
      } {sc.loop_unroll_factor = 8 : i64, sc.parallel_access}
    }
    %scan3A_889 = arith.constant 32 : i32
    %add3A_890 = arith.constant 16384 : i32
    %add3A_891 = arith.addi %add3A_890, %mul3A_2 : i32
    %add3A_892 = arith.constant 192 : i32
    %add3A_893 = arith.addi %add3A_891, %add3A_892 : i32
    %dma_start3A_894 = arith.constant 0 : i32
    %dma_start3A_895 = tpu.memref_slice %arg4[%add3A_893, %dma_start3A_894] : memref<32768x768xf32, #tpu.memory_space<hbm>> -> memref<32x768xf32, #tpu.memory_space<hbm>>
    %dma_start3A_896 = arith.constant 0 : i32
    %dma_start3A_897 = tpu.memref_slice %arg4[%add3A_893, %dma_start3A_896] : memref<32768x768xf32, #tpu.memory_space<hbm>> -> memref<32x768xf32, #tpu.memory_space<hbm>>
    tpu.enqueue_dma source(%arg7 : memref<32x768xf32, #tpu.memory_space<vmem>>) target(%dma_start3A_897 : memref<32x768xf32, #tpu.memory_space<hbm>>) target_semaphore(%arg17 : memref<!tpu.dma_semaphore, #tpu.memory_space<semaphore_mem>>)
    %dma_wait3A_898 = arith.constant 0 : i32
    %dma_wait3A_899 = tpu.memref_slice %arg4[%add3A_893, %dma_wait3A_898] : memref<32768x768xf32, #tpu.memory_space<hbm>> -> memref<32x768xf32, #tpu.memory_space<hbm>>
    %dma_wait3A_900 = arith.constant 0 : i32
    %dma_wait3A_901 = tpu.memref_slice %arg4[%add3A_893, %dma_wait3A_900] : memref<32768x768xf32, #tpu.memory_space<hbm>> -> memref<32x768xf32, #tpu.memory_space<hbm>>
    tpu.wait_dma2 semaphore(%arg17 : memref<!tpu.dma_semaphore, #tpu.memory_space<semaphore_mem>>) src(%arg7 : memref<32x768xf32, #tpu.memory_space<vmem>>) dst(%dma_wait3A_901 : memref<32x768xf32, #tpu.memory_space<hbm>>)
    %add3A_902 = arith.constant 8192 : i32
    %add3A_903 = arith.addi %add3A_902, %mul3A_2 : i32
    %add3A_904 = arith.constant 224 : i32
    %add3A_905 = arith.addi %add3A_903, %add3A_904 : i32
    %dma_start3A_906 = arith.constant 0 : i32
    %dma_start3A_907 = tpu.memref_slice %arg2[%add3A_905, %dma_start3A_906] : memref<32768x768xf32, #tpu.memory_space<hbm>> -> memref<32x768xf32, #tpu.memory_space<hbm>>
    %dma_start3A_908 = arith.constant 0 : i32
    %dma_start3A_909 = tpu.memref_slice %arg2[%add3A_905, %dma_start3A_908] : memref<32768x768xf32, #tpu.memory_space<hbm>> -> memref<32x768xf32, #tpu.memory_space<hbm>>
    tpu.enqueue_dma source(%dma_start3A_909 : memref<32x768xf32, #tpu.memory_space<hbm>>) target(%arg7 : memref<32x768xf32, #tpu.memory_space<vmem>>) target_semaphore(%arg12 : memref<!tpu.dma_semaphore, #tpu.memory_space<semaphore_mem>>)
    %dma_wait3A_910 = arith.constant 0 : i32
    %dma_wait3A_911 = tpu.memref_slice %arg2[%add3A_845, %dma_wait3A_910] : memref<32768x768xf32, #tpu.memory_space<hbm>> -> memref<32x768xf32, #tpu.memory_space<hbm>>
    %dma_wait3A_912 = arith.constant 0 : i32
    %dma_wait3A_913 = tpu.memref_slice %arg2[%add3A_845, %dma_wait3A_912] : memref<32768x768xf32, #tpu.memory_space<hbm>> -> memref<32x768xf32, #tpu.memory_space<hbm>>
    tpu.wait_dma2 semaphore(%arg10 : memref<!tpu.dma_semaphore, #tpu.memory_space<semaphore_mem>>) src(%dma_wait3A_913 : memref<32x768xf32, #tpu.memory_space<hbm>>) dst(%arg5 : memref<32x768xf32, #tpu.memory_space<vmem>>)
    %scan3A_914 = arith.constant 0 : i32
    %scan3A_915 = arith.constant 0 : i32
    %scan3A_916 = arith.constant 32 : i32
    %scan3A_917 = arith.addi %scan3A_915, %scan3A_916 : i32
    %scan3A_918 = arith.constant 1 : i32
    scf.for %scan3A_1040 = %scan3A_915 to %scan3A_917 step %scan3A_918  : i32 {
      %parallel_loop3A = arith.constant 0 : i32
      %parallel_loop3A_1041 = arith.constant 768 : i32
      %parallel_loop3A_1042 = arith.constant 16 : i32
      scf.for %parallel_loop3A_1043 = %parallel_loop3A to %parallel_loop3A_1041 step %parallel_loop3A_1042  : i32 {
        %parallel_loop3A_1044 = arith.index_cast %scan3A_1040 : i32 to index
        %parallel_loop3A_1045 = arith.index_cast %parallel_loop3A_1043 : i32 to index
        %parallel_loop3A_1046 = tpu.vector_load %arg8[%parallel_loop3A_1044, %parallel_loop3A_1045] {strides = array<i32>} : memref<32x768xf32, #tpu.memory_space<vmem>>, vector<1x16xf32>,
        %parallel_loop3A_1047 = vector.shape_cast %parallel_loop3A_1046 : vector<1x16xf32> to vector<16xf32>
        %parallel_loop3A_1048 = arith.index_cast %scan3A_1040 : i32 to index
        %parallel_loop3A_1049 = arith.index_cast %parallel_loop3A_1043 : i32 to index
        %parallel_loop3A_1050 = tpu.vector_load %arg5[%parallel_loop3A_1048, %parallel_loop3A_1049] {strides = array<i32>} : memref<32x768xf32, #tpu.memory_space<vmem>>, vector<1x16xf32>,
        %parallel_loop3A_1051 = vector.shape_cast %parallel_loop3A_1050 : vector<1x16xf32> to vector<16xf32>
        %parallel_loop3A_1052 = vector.shape_cast %parallel_loop3A_1047 : vector<16xf32> to vector<1x16xf32>
        tpu.vector_store %arg5[%parallel_loop3A_1048, %parallel_loop3A_1049], %parallel_loop3A_1052 {add = true, strides = array<i32>} : memref<32x768xf32, #tpu.memory_space<vmem>>, vector<1x16xf32>,
      } {sc.loop_unroll_factor = 8 : i64, sc.parallel_access}
    }
    %scan3A_919 = arith.constant 32 : i32
    %add3A_920 = arith.constant 24576 : i32
    %add3A_921 = arith.addi %add3A_920, %mul3A_2 : i32
    %add3A_922 = arith.constant 192 : i32
    %add3A_923 = arith.addi %add3A_921, %add3A_922 : i32
    %dma_start3A_924 = arith.constant 0 : i32
    %dma_start3A_925 = tpu.memref_slice %arg4[%add3A_923, %dma_start3A_924] : memref<32768x768xf32, #tpu.memory_space<hbm>> -> memref<32x768xf32, #tpu.memory_space<hbm>>
    %dma_start3A_926 = arith.constant 0 : i32
    %dma_start3A_927 = tpu.memref_slice %arg4[%add3A_923, %dma_start3A_926] : memref<32768x768xf32, #tpu.memory_space<hbm>> -> memref<32x768xf32, #tpu.memory_space<hbm>>
    tpu.enqueue_dma source(%arg5 : memref<32x768xf32, #tpu.memory_space<vmem>>) target(%dma_start3A_927 : memref<32x768xf32, #tpu.memory_space<hbm>>) target_semaphore(%arg15 : memref<!tpu.dma_semaphore, #tpu.memory_space<semaphore_mem>>)
    %dma_wait3A_928 = arith.constant 0 : i32
    %dma_wait3A_929 = tpu.memref_slice %arg4[%add3A_923, %dma_wait3A_928] : memref<32768x768xf32, #tpu.memory_space<hbm>> -> memref<32x768xf32, #tpu.memory_space<hbm>>
    %dma_wait3A_930 = arith.constant 0 : i32
    %dma_wait3A_931 = tpu.memref_slice %arg4[%add3A_923, %dma_wait3A_930] : memref<32768x768xf32, #tpu.memory_space<hbm>> -> memref<32x768xf32, #tpu.memory_space<hbm>>
    tpu.wait_dma2 semaphore(%arg15 : memref<!tpu.dma_semaphore, #tpu.memory_space<semaphore_mem>>) src(%arg5 : memref<32x768xf32, #tpu.memory_space<vmem>>) dst(%dma_wait3A_931 : memref<32x768xf32, #tpu.memory_space<hbm>>)
    %add3A_932 = arith.constant 16384 : i32
    %add3A_933 = arith.addi %add3A_932, %mul3A_2 : i32
    %add3A_934 = arith.constant 224 : i32
    %add3A_935 = arith.addi %add3A_933, %add3A_934 : i32
    %dma_start3A_936 = arith.constant 0 : i32
    %dma_start3A_937 = tpu.memref_slice %arg2[%add3A_935, %dma_start3A_936] : memref<32768x768xf32, #tpu.memory_space<hbm>> -> memref<32x768xf32, #tpu.memory_space<hbm>>
    %dma_start3A_938 = arith.constant 0 : i32
    %dma_start3A_939 = tpu.memref_slice %arg2[%add3A_935, %dma_start3A_938] : memref<32768x768xf32, #tpu.memory_space<hbm>> -> memref<32x768xf32, #tpu.memory_space<hbm>>
    tpu.enqueue_dma source(%dma_start3A_939 : memref<32x768xf32, #tpu.memory_space<hbm>>) target(%arg5 : memref<32x768xf32, #tpu.memory_space<vmem>>) target_semaphore(%arg10 : memref<!tpu.dma_semaphore, #tpu.memory_space<semaphore_mem>>)
    %dma_wait3A_940 = arith.constant 0 : i32
    %dma_wait3A_941 = tpu.memref_slice %arg2[%add3A_875, %dma_wait3A_940] : memref<32768x768xf32, #tpu.memory_space<hbm>> -> memref<32x768xf32, #tpu.memory_space<hbm>>
    %dma_wait3A_942 = arith.constant 0 : i32
    %dma_wait3A_943 = tpu.memref_slice %arg2[%add3A_875, %dma_wait3A_942] : memref<32768x768xf32, #tpu.memory_space<hbm>> -> memref<32x768xf32, #tpu.memory_space<hbm>>
    tpu.wait_dma2 semaphore(%arg11 : memref<!tpu.dma_semaphore, #tpu.memory_space<semaphore_mem>>) src(%dma_wait3A_943 : memref<32x768xf32, #tpu.memory_space<hbm>>) dst(%arg6 : memref<32x768xf32, #tpu.memory_space<vmem>>)
    %dma_wait3A_944 = arith.constant 0 : i32
    %dma_wait3A_945 = tpu.memref_slice %arg3[%add3A_791, %dma_wait3A_944] : memref<8192x768xf32, #tpu.memory_space<hbm>> -> memref<32x768xf32, #tpu.memory_space<hbm>>
    %dma_wait3A_946 = arith.constant 0 : i32
    %dma_wait3A_947 = tpu.memref_slice %arg3[%add3A_791, %dma_wait3A_946] : memref<8192x768xf32, #tpu.memory_space<hbm>> -> memref<32x768xf32, #tpu.memory_space<hbm>>
    tpu.wait_dma2 semaphore(%arg14 : memref<!tpu.dma_semaphore, #tpu.memory_space<semaphore_mem>>) src(%dma_wait3A_947 : memref<32x768xf32, #tpu.memory_space<hbm>>) dst(%arg9 : memref<32x768xf32, #tpu.memory_space<vmem>>)
    %scan3A_948 = arith.constant 0 : i32
    %scan3A_949 = arith.constant 0 : i32
    %scan3A_950 = arith.constant 32 : i32
    %scan3A_951 = arith.addi %scan3A_949, %scan3A_950 : i32
    %scan3A_952 = arith.constant 1 : i32
    scf.for %scan3A_1040 = %scan3A_949 to %scan3A_951 step %scan3A_952  : i32 {
      %parallel_loop3A = arith.constant 0 : i32
      %parallel_loop3A_1041 = arith.constant 768 : i32
      %parallel_loop3A_1042 = arith.constant 16 : i32
      scf.for %parallel_loop3A_1043 = %parallel_loop3A to %parallel_loop3A_1041 step %parallel_loop3A_1042  : i32 {
        %parallel_loop3A_1044 = arith.index_cast %scan3A_1040 : i32 to index
        %parallel_loop3A_1045 = arith.index_cast %parallel_loop3A_1043 : i32 to index
        %parallel_loop3A_1046 = tpu.vector_load %arg9[%parallel_loop3A_1044, %parallel_loop3A_1045] {strides = array<i32>} : memref<32x768xf32, #tpu.memory_space<vmem>>, vector<1x16xf32>,
        %parallel_loop3A_1047 = vector.shape_cast %parallel_loop3A_1046 : vector<1x16xf32> to vector<16xf32>
        %parallel_loop3A_1048 = arith.index_cast %scan3A_1040 : i32 to index
        %parallel_loop3A_1049 = arith.index_cast %parallel_loop3A_1043 : i32 to index
        %parallel_loop3A_1050 = tpu.vector_load %arg6[%parallel_loop3A_1048, %parallel_loop3A_1049] {strides = array<i32>} : memref<32x768xf32, #tpu.memory_space<vmem>>, vector<1x16xf32>,
        %parallel_loop3A_1051 = vector.shape_cast %parallel_loop3A_1050 : vector<1x16xf32> to vector<16xf32>
        %parallel_loop3A_1052 = vector.shape_cast %parallel_loop3A_1047 : vector<16xf32> to vector<1x16xf32>
        tpu.vector_store %arg6[%parallel_loop3A_1048, %parallel_loop3A_1049], %parallel_loop3A_1052 {add = true, strides = array<i32>} : memref<32x768xf32, #tpu.memory_space<vmem>>, vector<1x16xf32>,
      } {sc.loop_unroll_factor = 8 : i64, sc.parallel_access}
    }
    %scan3A_953 = arith.constant 32 : i32
    %add3A_954 = arith.constant 0 : i32
    %add3A_955 = arith.addi %add3A_954, %mul3A_2 : i32
    %add3A_956 = arith.constant 224 : i32
    %add3A_957 = arith.addi %add3A_955, %add3A_956 : i32
    %dma_start3A_958 = arith.constant 0 : i32
    %dma_start3A_959 = tpu.memref_slice %arg4[%add3A_957, %dma_start3A_958] : memref<32768x768xf32, #tpu.memory_space<hbm>> -> memref<32x768xf32, #tpu.memory_space<hbm>>
    %dma_start3A_960 = arith.constant 0 : i32
    %dma_start3A_961 = tpu.memref_slice %arg4[%add3A_957, %dma_start3A_960] : memref<32768x768xf32, #tpu.memory_space<hbm>> -> memref<32x768xf32, #tpu.memory_space<hbm>>
    tpu.enqueue_dma source(%arg6 : memref<32x768xf32, #tpu.memory_space<vmem>>) target(%dma_start3A_961 : memref<32x768xf32, #tpu.memory_space<hbm>>) target_semaphore(%arg16 : memref<!tpu.dma_semaphore, #tpu.memory_space<semaphore_mem>>)
    %dma_wait3A_962 = arith.constant 0 : i32
    %dma_wait3A_963 = tpu.memref_slice %arg4[%add3A_957, %dma_wait3A_962] : memref<32768x768xf32, #tpu.memory_space<hbm>> -> memref<32x768xf32, #tpu.memory_space<hbm>>
    %dma_wait3A_964 = arith.constant 0 : i32
    %dma_wait3A_965 = tpu.memref_slice %arg4[%add3A_957, %dma_wait3A_964] : memref<32768x768xf32, #tpu.memory_space<hbm>> -> memref<32x768xf32, #tpu.memory_space<hbm>>
    tpu.wait_dma2 semaphore(%arg16 : memref<!tpu.dma_semaphore, #tpu.memory_space<semaphore_mem>>) src(%arg6 : memref<32x768xf32, #tpu.memory_space<vmem>>) dst(%dma_wait3A_965 : memref<32x768xf32, #tpu.memory_space<hbm>>)
    %add3A_966 = arith.constant 24576 : i32
    %add3A_967 = arith.addi %add3A_966, %mul3A_2 : i32
    %add3A_968 = arith.constant 224 : i32
    %add3A_969 = arith.addi %add3A_967, %add3A_968 : i32
    %dma_start3A_970 = arith.constant 0 : i32
    %dma_start3A_971 = tpu.memref_slice %arg2[%add3A_969, %dma_start3A_970] : memref<32768x768xf32, #tpu.memory_space<hbm>> -> memref<32x768xf32, #tpu.memory_space<hbm>>
    %dma_start3A_972 = arith.constant 0 : i32
    %dma_start3A_973 = tpu.memref_slice %arg2[%add3A_969, %dma_start3A_972] : memref<32768x768xf32, #tpu.memory_space<hbm>> -> memref<32x768xf32, #tpu.memory_space<hbm>>
    tpu.enqueue_dma source(%dma_start3A_973 : memref<32x768xf32, #tpu.memory_space<hbm>>) target(%arg6 : memref<32x768xf32, #tpu.memory_space<vmem>>) target_semaphore(%arg11 : memref<!tpu.dma_semaphore, #tpu.memory_space<semaphore_mem>>)
    %dma_wait3A_974 = arith.constant 0 : i32
    %dma_wait3A_975 = tpu.memref_slice %arg2[%add3A_905, %dma_wait3A_974] : memref<32768x768xf32, #tpu.memory_space<hbm>> -> memref<32x768xf32, #tpu.memory_space<hbm>>
    %dma_wait3A_976 = arith.constant 0 : i32
    %dma_wait3A_977 = tpu.memref_slice %arg2[%add3A_905, %dma_wait3A_976] : memref<32768x768xf32, #tpu.memory_space<hbm>> -> memref<32x768xf32, #tpu.memory_space<hbm>>
    tpu.wait_dma2 semaphore(%arg12 : memref<!tpu.dma_semaphore, #tpu.memory_space<semaphore_mem>>) src(%dma_wait3A_977 : memref<32x768xf32, #tpu.memory_space<hbm>>) dst(%arg7 : memref<32x768xf32, #tpu.memory_space<vmem>>)
    %scan3A_978 = arith.constant 0 : i32
    %scan3A_979 = arith.constant 0 : i32
    %scan3A_980 = arith.constant 32 : i32
    %scan3A_981 = arith.addi %scan3A_979, %scan3A_980 : i32
    %scan3A_982 = arith.constant 1 : i32
    scf.for %scan3A_1040 = %scan3A_979 to %scan3A_981 step %scan3A_982  : i32 {
      %parallel_loop3A = arith.constant 0 : i32
      %parallel_loop3A_1041 = arith.constant 768 : i32
      %parallel_loop3A_1042 = arith.constant 16 : i32
      scf.for %parallel_loop3A_1043 = %parallel_loop3A to %parallel_loop3A_1041 step %parallel_loop3A_1042  : i32 {
        %parallel_loop3A_1044 = arith.index_cast %scan3A_1040 : i32 to index
        %parallel_loop3A_1045 = arith.index_cast %parallel_loop3A_1043 : i32 to index
        %parallel_loop3A_1046 = tpu.vector_load %arg9[%parallel_loop3A_1044, %parallel_loop3A_1045] {strides = array<i32>} : memref<32x768xf32, #tpu.memory_space<vmem>>, vector<1x16xf32>,
        %parallel_loop3A_1047 = vector.shape_cast %parallel_loop3A_1046 : vector<1x16xf32> to vector<16xf32>
        %parallel_loop3A_1048 = arith.index_cast %scan3A_1040 : i32 to index
        %parallel_loop3A_1049 = arith.index_cast %parallel_loop3A_1043 : i32 to index
        %parallel_loop3A_1050 = tpu.vector_load %arg7[%parallel_loop3A_1048, %parallel_loop3A_1049] {strides = array<i32>} : memref<32x768xf32, #tpu.memory_space<vmem>>, vector<1x16xf32>,
        %parallel_loop3A_1051 = vector.shape_cast %parallel_loop3A_1050 : vector<1x16xf32> to vector<16xf32>
        %parallel_loop3A_1052 = vector.shape_cast %parallel_loop3A_1047 : vector<16xf32> to vector<1x16xf32>
        tpu.vector_store %arg7[%parallel_loop3A_1048, %parallel_loop3A_1049], %parallel_loop3A_1052 {add = true, strides = array<i32>} : memref<32x768xf32, #tpu.memory_space<vmem>>, vector<1x16xf32>,
      } {sc.loop_unroll_factor = 8 : i64, sc.parallel_access}
    }
    %scan3A_983 = arith.constant 32 : i32
    %add3A_984 = arith.constant 8192 : i32
    %add3A_985 = arith.addi %add3A_984, %mul3A_2 : i32
    %add3A_986 = arith.constant 224 : i32
    %add3A_987 = arith.addi %add3A_985, %add3A_986 : i32
    %dma_start3A_988 = arith.constant 0 : i32
    %dma_start3A_989 = tpu.memref_slice %arg4[%add3A_987, %dma_start3A_988] : memref<32768x768xf32, #tpu.memory_space<hbm>> -> memref<32x768xf32, #tpu.memory_space<hbm>>
    %dma_start3A_990 = arith.constant 0 : i32
    %dma_start3A_991 = tpu.memref_slice %arg4[%add3A_987, %dma_start3A_990] : memref<32768x768xf32, #tpu.memory_space<hbm>> -> memref<32x768xf32, #tpu.memory_space<hbm>>
    tpu.enqueue_dma source(%arg7 : memref<32x768xf32, #tpu.memory_space<vmem>>) target(%dma_start3A_991 : memref<32x768xf32, #tpu.memory_space<hbm>>) target_semaphore(%arg17 : memref<!tpu.dma_semaphore, #tpu.memory_space<semaphore_mem>>)
    %dma_wait3A_992 = arith.constant 0 : i32
    %dma_wait3A_993 = tpu.memref_slice %arg2[%add3A_935, %dma_wait3A_992] : memref<32768x768xf32, #tpu.memory_space<hbm>> -> memref<32x768xf32, #tpu.memory_space<hbm>>
    %dma_wait3A_994 = arith.constant 0 : i32
    %dma_wait3A_995 = tpu.memref_slice %arg2[%add3A_935, %dma_wait3A_994] : memref<32768x768xf32, #tpu.memory_space<hbm>> -> memref<32x768xf32, #tpu.memory_space<hbm>>
    tpu.wait_dma2 semaphore(%arg10 : memref<!tpu.dma_semaphore, #tpu.memory_space<semaphore_mem>>) src(%dma_wait3A_995 : memref<32x768xf32, #tpu.memory_space<hbm>>) dst(%arg5 : memref<32x768xf32, #tpu.memory_space<vmem>>)
    %scan3A_996 = arith.constant 0 : i32
    %scan3A_997 = arith.constant 0 : i32
    %scan3A_998 = arith.constant 32 : i32
    %scan3A_999 = arith.addi %scan3A_997, %scan3A_998 : i32
    %scan3A_1000 = arith.constant 1 : i32
    scf.for %scan3A_1040 = %scan3A_997 to %scan3A_999 step %scan3A_1000  : i32 {
      %parallel_loop3A = arith.constant 0 : i32
      %parallel_loop3A_1041 = arith.constant 768 : i32
      %parallel_loop3A_1042 = arith.constant 16 : i32
      scf.for %parallel_loop3A_1043 = %parallel_loop3A to %parallel_loop3A_1041 step %parallel_loop3A_1042  : i32 {
        %parallel_loop3A_1044 = arith.index_cast %scan3A_1040 : i32 to index
        %parallel_loop3A_1045 = arith.index_cast %parallel_loop3A_1043 : i32 to index
        %parallel_loop3A_1046 = tpu.vector_load %arg9[%parallel_loop3A_1044, %parallel_loop3A_1045] {strides = array<i32>} : memref<32x768xf32, #tpu.memory_space<vmem>>, vector<1x16xf32>,
        %parallel_loop3A_1047 = vector.shape_cast %parallel_loop3A_1046 : vector<1x16xf32> to vector<16xf32>
        %parallel_loop3A_1048 = arith.index_cast %scan3A_1040 : i32 to index
        %parallel_loop3A_1049 = arith.index_cast %parallel_loop3A_1043 : i32 to index
        %parallel_loop3A_1050 = tpu.vector_load %arg5[%parallel_loop3A_1048, %parallel_loop3A_1049] {strides = array<i32>} : memref<32x768xf32, #tpu.memory_space<vmem>>, vector<1x16xf32>,
        %parallel_loop3A_1051 = vector.shape_cast %parallel_loop3A_1050 : vector<1x16xf32> to vector<16xf32>
        %parallel_loop3A_1052 = vector.shape_cast %parallel_loop3A_1047 : vector<16xf32> to vector<1x16xf32>
        tpu.vector_store %arg5[%parallel_loop3A_1048, %parallel_loop3A_1049], %parallel_loop3A_1052 {add = true, strides = array<i32>} : memref<32x768xf32, #tpu.memory_space<vmem>>, vector<1x16xf32>,
      } {sc.loop_unroll_factor = 8 : i64, sc.parallel_access}
    }
    %scan3A_1001 = arith.constant 32 : i32
    %add3A_1002 = arith.constant 16384 : i32
    %add3A_1003 = arith.addi %add3A_1002, %mul3A_2 : i32
    %add3A_1004 = arith.constant 224 : i32
    %add3A_1005 = arith.addi %add3A_1003, %add3A_1004 : i32
    %dma_start3A_1006 = arith.constant 0 : i32
    %dma_start3A_1007 = tpu.memref_slice %arg4[%add3A_1005, %dma_start3A_1006] : memref<32768x768xf32, #tpu.memory_space<hbm>> -> memref<32x768xf32, #tpu.memory_space<hbm>>
    %dma_start3A_1008 = arith.constant 0 : i32
    %dma_start3A_1009 = tpu.memref_slice %arg4[%add3A_1005, %dma_start3A_1008] : memref<32768x768xf32, #tpu.memory_space<hbm>> -> memref<32x768xf32, #tpu.memory_space<hbm>>
    tpu.enqueue_dma source(%arg5 : memref<32x768xf32, #tpu.memory_space<vmem>>) target(%dma_start3A_1009 : memref<32x768xf32, #tpu.memory_space<hbm>>) target_semaphore(%arg15 : memref<!tpu.dma_semaphore, #tpu.memory_space<semaphore_mem>>)
    %dma_wait3A_1010 = arith.constant 0 : i32
    %dma_wait3A_1011 = tpu.memref_slice %arg2[%add3A_969, %dma_wait3A_1010] : memref<32768x768xf32, #tpu.memory_space<hbm>> -> memref<32x768xf32, #tpu.memory_space<hbm>>
    %dma_wait3A_1012 = arith.constant 0 : i32
    %dma_wait3A_1013 = tpu.memref_slice %arg2[%add3A_969, %dma_wait3A_1012] : memref<32768x768xf32, #tpu.memory_space<hbm>> -> memref<32x768xf32, #tpu.memory_space<hbm>>
    tpu.wait_dma2 semaphore(%arg11 : memref<!tpu.dma_semaphore, #tpu.memory_space<semaphore_mem>>) src(%dma_wait3A_1013 : memref<32x768xf32, #tpu.memory_space<hbm>>) dst(%arg6 : memref<32x768xf32, #tpu.memory_space<vmem>>)
    %scan3A_1014 = arith.constant 0 : i32
    %scan3A_1015 = arith.constant 0 : i32
    %scan3A_1016 = arith.constant 32 : i32
    %scan3A_1017 = arith.addi %scan3A_1015, %scan3A_1016 : i32
    %scan3A_1018 = arith.constant 1 : i32
    scf.for %scan3A_1040 = %scan3A_1015 to %scan3A_1017 step %scan3A_1018  : i32 {
      %parallel_loop3A = arith.constant 0 : i32
      %parallel_loop3A_1041 = arith.constant 768 : i32
      %parallel_loop3A_1042 = arith.constant 16 : i32
      scf.for %parallel_loop3A_1043 = %parallel_loop3A to %parallel_loop3A_1041 step %parallel_loop3A_1042  : i32 {
        %parallel_loop3A_1044 = arith.index_cast %scan3A_1040 : i32 to index
        %parallel_loop3A_1045 = arith.index_cast %parallel_loop3A_1043 : i32 to index
        %parallel_loop3A_1046 = tpu.vector_load %arg9[%parallel_loop3A_1044, %parallel_loop3A_1045] {strides = array<i32>} : memref<32x768xf32, #tpu.memory_space<vmem>>, vector<1x16xf32>,
        %parallel_loop3A_1047 = vector.shape_cast %parallel_loop3A_1046 : vector<1x16xf32> to vector<16xf32>
        %parallel_loop3A_1048 = arith.index_cast %scan3A_1040 : i32 to index
        %parallel_loop3A_1049 = arith.index_cast %parallel_loop3A_1043 : i32 to index
        %parallel_loop3A_1050 = tpu.vector_load %arg6[%parallel_loop3A_1048, %parallel_loop3A_1049] {strides = array<i32>} : memref<32x768xf32, #tpu.memory_space<vmem>>, vector<1x16xf32>,
        %parallel_loop3A_1051 = vector.shape_cast %parallel_loop3A_1050 : vector<1x16xf32> to vector<16xf32>
        %parallel_loop3A_1052 = vector.shape_cast %parallel_loop3A_1047 : vector<16xf32> to vector<1x16xf32>
        tpu.vector_store %arg6[%parallel_loop3A_1048, %parallel_loop3A_1049], %parallel_loop3A_1052 {add = true, strides = array<i32>} : memref<32x768xf32, #tpu.memory_space<vmem>>, vector<1x16xf32>,
      } {sc.loop_unroll_factor = 8 : i64, sc.parallel_access}
    }
    %scan3A_1019 = arith.constant 32 : i32
    %add3A_1020 = arith.constant 24576 : i32
    %add3A_1021 = arith.addi %add3A_1020, %mul3A_2 : i32
    %add3A_1022 = arith.constant 224 : i32
    %add3A_1023 = arith.addi %add3A_1021, %add3A_1022 : i32
    %dma_start3A_1024 = arith.constant 0 : i32
    %dma_start3A_1025 = tpu.memref_slice %arg4[%add3A_1023, %dma_start3A_1024] : memref<32768x768xf32, #tpu.memory_space<hbm>> -> memref<32x768xf32, #tpu.memory_space<hbm>>
    %dma_start3A_1026 = arith.constant 0 : i32
    %dma_start3A_1027 = tpu.memref_slice %arg4[%add3A_1023, %dma_start3A_1026] : memref<32768x768xf32, #tpu.memory_space<hbm>> -> memref<32x768xf32, #tpu.memory_space<hbm>>
    tpu.enqueue_dma source(%arg6 : memref<32x768xf32, #tpu.memory_space<vmem>>) target(%dma_start3A_1027 : memref<32x768xf32, #tpu.memory_space<hbm>>) target_semaphore(%arg16 : memref<!tpu.dma_semaphore, #tpu.memory_space<semaphore_mem>>)
    %dma_wait3A_1028 = arith.constant 0 : i32
    %dma_wait3A_1029 = tpu.memref_slice %arg4[%add3A_987, %dma_wait3A_1028] : memref<32768x768xf32, #tpu.memory_space<hbm>> -> memref<32x768xf32, #tpu.memory_space<hbm>>
    %dma_wait3A_1030 = arith.constant 0 : i32
    %dma_wait3A_1031 = tpu.memref_slice %arg4[%add3A_987, %dma_wait3A_1030] : memref<32768x768xf32, #tpu.memory_space<hbm>> -> memref<32x768xf32, #tpu.memory_space<hbm>>
    tpu.wait_dma2 semaphore(%arg17 : memref<!tpu.dma_semaphore, #tpu.memory_space<semaphore_mem>>) src(%arg7 : memref<32x768xf32, #tpu.memory_space<vmem>>) dst(%dma_wait3A_1031 : memref<32x768xf32, #tpu.memory_space<hbm>>)
    %dma_wait3A_1032 = arith.constant 0 : i32
    %dma_wait3A_1033 = tpu.memref_slice %arg4[%add3A_1005, %dma_wait3A_1032] : memref<32768x768xf32, #tpu.memory_space<hbm>> -> memref<32x768xf32, #tpu.memory_space<hbm>>
    %dma_wait3A_1034 = arith.constant 0 : i32
    %dma_wait3A_1035 = tpu.memref_slice %arg4[%add3A_1005, %dma_wait3A_1034] : memref<32768x768xf32, #tpu.memory_space<hbm>> -> memref<32x768xf32, #tpu.memory_space<hbm>>
    tpu.wait_dma2 semaphore(%arg15 : memref<!tpu.dma_semaphore, #tpu.memory_space<semaphore_mem>>) src(%arg5 : memref<32x768xf32, #tpu.memory_space<vmem>>) dst(%dma_wait3A_1035 : memref<32x768xf32, #tpu.memory_space<hbm>>)
    %dma_wait3A_1036 = arith.constant 0 : i32
    %dma_wait3A_1037 = tpu.memref_slice %arg4[%add3A_1023, %dma_wait3A_1036] : memref<32768x768xf32, #tpu.memory_space<hbm>> -> memref<32x768xf32, #tpu.memory_space<hbm>>
    %dma_wait3A_1038 = arith.constant 0 : i32
    %dma_wait3A_1039 = tpu.memref_slice %arg4[%add3A_1023, %dma_wait3A_1038] : memref<32768x768xf32, #tpu.memory_space<hbm>> -> memref<32x768xf32, #tpu.memory_space<hbm>>
    tpu.wait_dma2 semaphore(%arg16 : memref<!tpu.dma_semaphore, #tpu.memory_space<semaphore_mem>>) src(%arg6 : memref<32x768xf32, #tpu.memory_space<vmem>>) dst(%dma_wait3A_1039 : memref<32x768xf32, #tpu.memory_space<hbm>>)
    return
  }
}

</mosaic_0001>

<sc_bundles>
// kernel: kernel.3.cloned.1.call-start
scs
__scs_entry_jumppad:
0x0: {  	(pc) =	sbr.rel $0x88, $3  }
0x1: {  	(tag) =	ssettag $0x0;
	lr =	simm.s32 $0x1  }
0x2: {  	[smem:$0x3F9F] =	sst lr;
	_ =	strace $0xD0000000  }
0x3: {  	_ = 	snop  }
0x4: {  	_ = 	snop  }
0x5: {  	_ = 	snop  }
0x6: {  	_ = 	snop  }
0x7: {  	_ = 	snop  }
__scs_overlays_trampoline_lowered:
0x8: {  	[smem:$0x3FAE] =	sst s0  }
0x9: {  	[smem:$0x3FAF] =	sst s1  }
0xa: {  	[smem:$0x3FB0] =	sst s2  }
0xb: {  	[smem:$0x3FB1] =	sst s3  }
0xc: {  	[smem:$0x3FB2] =	sst s4  }
0xd: {  	[smem:$0x3FB3] =	sst s5  }
0xe: {  	[smem:$0x3FB4] =	sst s6  }
0xf: {  	[smem:$0x3FB5] =	sst s7  }
0x10: {  	[smem:$0x3FB6] =	sst s8  }
0x11: {  	[smem:$0x3FB7] =	sst s9;
	s0 =	simm.s32 @!p0 $0x0  }
0x12: {  	s1 =	sld [smem:$0x3F9D];
	s0 =	simm.s32 @p0 $0x1  }
0x13: {  	[smem:$0x3FB8] =	sst s0;
	s0 =	simm.s32 @!p1 $0x0  }
0x14: {  	s2 =	sld [smem:$0x3F9C];
	s0 =	simm.s32 @p1 $0x1  }
0x15: {  	[smem:$0x3FB9] =	sst s0;
	s0 =	simm.s32 @!p2 $0x0  }
0x16: {  	s3 =	sld [smem:$0x3FDB];
	s0 =	simm.s32 @p2 $0x1  }
0x17: {  	s4 =	simm.s32 $0x1BF5;
	[smem:$0x3FBB] =	sst s0  }
0x18: {  	s0 =	sld [smem:$0x3F9E];
	_ =	swait.ge [sflag:s4], $0x0  }
0x19: {  	s7 =	sld [smem:$0x3F9F]  }
0x1a: {  	s8 =	sadd.s32 $0xFFFFE003, lr  }
0x1b: {  	s9 =	sadd.s32 $0xFFFFFEF7, lr;
	s5 =	simm.s32 $0xFFFFFFFF;
	p2 =	slt.u32 s8, $0xFFFFF086  }
0x1c: {  	p1 =	slt.u32 s9, $0xF7A;
	s5 =	simm.s32 @!p2 $0x0  }
0x1d: {  	s5 =	simm.s32 @p1 $0x1;
	p0 =	seq.s32 s7, s2  }
0x1e: {  	s7 =	smul.u32 @!p0 $0xF7A, s2;
	p2 =	seq.s32 @!p0 s5, $0x0  }
0x1f: {  	s9 =	smul.u32 $0xF7A, s1;
	s8 =	simm.s32 @!p0 $0x1BF5;
	p2 =	por !p2, p0  }
0x20: {  	[sflag:s8] =	ssyncset.s32 @!p0 $0xFFFFF086;
	s6 =	sadd.s32 @!p0 s3, s7;
	s7 =	simm.s32 @!p0 $0x108  }
0x21: {  	s3 =	sadd.s32 s3, s9;
	s6 =	sadd.s32 @!p0 $0x88, s6;
	s7 =	simm.s32 @p2 $0x1082  }
0x22: {  	[simem:s7], [sflag:s8] =	dma.local @!p0 [hbm:s6], $0xF7A  }
0x23: {  	s9 =	sor.u32 $0xD0000000, s2;
	s6 =	simm.s32 $0x108;
	_ =	swait.ge @!p0 [sflag:s8], $0x0  }
0x24: {  	s3 =	sadd.s32 $0x88, s3;
	s6 =	simm.s32 @!p1 $0x1082;
	[sflag:s4] =	ssyncset.s32 $0xFFFFF086  }
0x25: {  	[simem:s6], [sflag:s4] =	dma.local [hbm:s3], $0xF7A  }
0x26: {  	[smem:$0x3F9F] =	sst s1;
	(tag) =	ssettag s2;
	_ =	strace s9  }
0x27: {  	s1 =	sld [smem:$0x3FAF]  }
0x28: {  	s2 =	sld [smem:$0x3FB0]  }
0x29: {  	s4 =	sld [smem:$0x3FB2]  }
0x2a: {  	p0 =	seq.s32 s5, $0x0;
	s5 =	sld [smem:$0x3FB3]  }
0x2b: {  	s6 =	sld [smem:$0x3FB4]  }
0x2c: {  	s7 =	sld [smem:$0x3FB5]  }
0x2d: {  	s3 =	simm.s32 $0x108;
	s8 =	sld [smem:$0x3FB6]  }
0x2e: {  	s3 =	simm.s32 @!p0 $0x1082;
	s9 =	sld [smem:$0x3FB7]  }
0x2f: {  	lr =	sadd.s32 s0, s3;
	s0 =	sld [smem:$0x3FAE]  }
0x30: {  	s3 =	sld [smem:$0x3FB1]  }
0x31: {  	[smem:$0x3FBA] =	sst s10  }
0x32: {  	s10 =	sld [smem:$0x3FB8];
	_ =	sdelay $0x3  }
0x33: {  	p0 =	seq.s32 s10, $0x1;
	s10 =	sld [smem:$0x3FBA];
	_ =	sdelay $0x3  }
0x34: {  	[smem:$0x3FBA] =	sst s10  }
0x35: {  	s10 =	sld [smem:$0x3FB9];
	_ =	sdelay $0x3  }
0x36: {  	p1 =	seq.s32 s10, $0x1;
	s10 =	sld [smem:$0x3FBA];
	_ =	sdelay $0x3  }
0x37: {  	[smem:$0x3FBA] =	sst s10  }
0x38: {  	s10 =	sld [smem:$0x3FBB]  }
0x39: {  	_ = 	snop;
	(pc) =	sbr.ind lr, $3  }
0x3a: {  	_ = 	snop  }
0x3b: {  	_ = 	snop  }
0x3c: {  	p2 =	seq.s32 s10, $0x1;
	s10 =	sld [smem:$0x3FBA]  }
0x3d: {  	_ =	shalt  }
0x3e: {  	_ =	shalt  }
0x3f: {  	_ =	shalt  }
0x40: {  	_ =	shalt  }
0x41: {  	_ =	shalt  }
0x42: {  	_ =	shalt  }
0x43: {  	_ =	shalt  }
0x44: {  	_ =	shalt  }
0x45: {  	_ =	shalt  }
0x46: {  	_ =	shalt  }
0x47: {  	_ =	shalt  }
0x48: {  	_ =	shalt  }
0x49: {  	_ =	shalt  }
0x4a: {  	_ =	shalt  }
0x4b: {  	_ =	shalt  }
0x4c: {  	_ =	shalt  }
0x4d: {  	_ =	shalt  }
0x4e: {  	_ =	shalt  }
0x4f: {  	_ =	shalt  }
0x50: {  	_ =	shalt  }
0x51: {  	_ =	shalt  }
0x52: {  	_ =	shalt  }
0x53: {  	_ =	shalt  }
0x54: {  	_ =	shalt  }
0x55: {  	_ =	shalt  }
0x56: {  	_ =	shalt  }
0x57: {  	_ =	shalt  }
0x58: {  	_ =	shalt  }
0x59: {  	_ =	shalt  }
0x5a: {  	_ =	shalt  }
0x5b: {  	_ =	shalt  }
0x5c: {  	_ =	shalt  }
0x5d: {  	_ =	shalt  }
0x5e: {  	_ =	shalt  }
0x5f: {  	_ =	shalt  }
0x60: {  	_ =	shalt  }
0x61: {  	_ =	shalt  }
0x62: {  	_ =	shalt  }
0x63: {  	_ =	shalt  }
0x64: {  	_ =	shalt  }
0x65: {  	_ =	shalt  }
0x66: {  	_ =	shalt  }
0x67: {  	_ =	shalt  }
0x68: {  	_ =	shalt  }
0x69: {  	_ =	shalt  }
0x6a: {  	_ =	shalt  }
0x6b: {  	_ =	shalt  }
0x6c: {  	_ =	shalt  }
0x6d: {  	_ =	shalt  }
0x6e: {  	_ =	shalt  }
0x6f: {  	_ =	shalt  }
0x70: {  	_ =	shalt  }
0x71: {  	_ =	shalt  }
0x72: {  	_ =	shalt  }
0x73: {  	_ =	shalt  }
0x74: {  	_ =	shalt  }
0x75: {  	_ =	shalt  }
0x76: {  	_ =	shalt  }
0x77: {  	_ =	shalt  }
0x78: {  	_ =	shalt  }
0x79: {  	_ =	shalt  }
0x7a: {  	_ =	shalt  }
0x7b: {  	_ =	shalt  }
0x7c: {  	_ =	shalt  }
0x7d: {  	_ =	shalt  }
0x7e: {  	_ =	shalt  }
0x7f: {  	_ =	shalt  }
0x80: {  	_ =	shalt  }
0x81: {  	_ =	shalt  }
0x82: {  	_ =	shalt  }
0x83: {  	_ =	shalt  }
0x84: {  	_ =	shalt  }
0x85: {  	_ =	shalt  }
0x86: {  	_ =	shalt  }
0x87: {  	_ =	shalt  }
.Lfunc_end0:
.L_simem_size_0:
called_computation_lowered:
.L_overlay_start_0:
0x88: {  	s2 =	sld [smem:$0x3FD9]  }
0x89: {  	s3 =	sld [smem:$0x3FFE];
	_ =	sdelay $0x1  }
0x8a: {  	s1 =	srdreg.scid  }
0x8b: {  	s0 =	sand.u32 $0x1, s1  }
0x8c: {  	s18 =	sshll.u32 s0, $0xA;
	s2 =	sadd.s32 s3, s2  }
0x8d: {  	s2 =	sadd.s32 s2, s18  }
0x8e: {  	[smem:$0x3FC6] =	sst s2  }
0x8f: {  	_ = 	snop  }
0x90: {  	s2 =	sld [smem:$0x3FC9]  }
0x91: {  	s19 =	sld [smem:$0x3FC8]  }
0x92: {  	s4 =	sld [smem:$0x3FD0];
	(tm) =	ssettm $0x1  }
0x93: {  	s5 =	sld [smem:$0x3FFB];
	_ =	sdelay $0x3  }
0x94: {  	_ =	strace s5  }
0x95: {  	s5 =	sld [smem:$0x3FFC];
	_ =	sdelay $0x3  }
0x96: {  	_ =	strace s5  }
0x97: {  	s5 =	sld [smem:$0x3FFD];
	_ =	sdelay $0x3  }
0x98: {  	_ =	strace s5  }
0x99: {  	_ =	strace $0x8FFFFFFF  }
0x9a: {  	s20 =	sld [smem:$0x3FDB];
	_ =	sdelay $0x1  }
0x9b: {  	s6 =	simm.s32 $_scs_section_size  }
0x9c: {  	s7 =	simm.s32 $_size__tile_overlayer_lowered;
	s8 =	simm.s32 $_tile_overlayer_lowered  }
0x9d: {  	s23 =	simm.s32 $0x1BFF;
	s22 =	sshll.u32 s8, $0x1;
	s5 =	sadd.s32 s6, s20  }
0x9e: {  	s9 =	simm.s32 $0x0;
	s21 =	sshll.u32 s7, $0x1;
	s7 =	sadd.s32 s22, s5  }
0x9f: {  	[timem:s9], [sflag:s23] =	dma.local [hbm:s7], s21  }
0xa0: {  	_ =	swait.ge [sflag:s23], s21  }
0xa1: {  	s6 =	ssub.s32 $0x0, s21;
	[sflag:s23] =	ssyncset.done $0x0  }
0xa2: {  	[sflag:s23] =	ssyncadd.s32 s6;
	_ =	sdelay $0x1  }
0xa3: {  	s24 =	simm.s32 $0x1B8B  }
0xa4: {  	_ =	swait.ge [sflag:s24], $0x1  }
0xa5: {  	[sflag:s24] =	ssyncset.done $0x0  }
0xa6: {  	s25 =	simm.s32 $0x1B8E;
	[sflag:s24] =	ssyncadd.s32 $0xFFFFFFFF  }
0xa7: {  	s26 =	simm.s32 $execute0_lowered;
	[smem:$0x3FD2] =	sst s25  }
0xa8: {  	s6 =	sshll.u32 s26, $0x1;
	_ =	strace $0x80000046;
	[dreg:$0x1] =	wrdreg $0xFFFFFFFF  }
0xa9: {  	s28 =	simm.s32 $_size_execute0_lowered;
	s5 =	sadd.s32 s5, s6;
	[dreg:$0x0] =	wrdreg $0x0  }
0xaa: {  	s6 =	sshll.u32 s28, $0x1;
	[dreg:$0x2] =	wrdreg s5  }
0xab: {  	[dreg:$0x3] =	wrdreg s6  }
0xac: {  	[dreg:$0x4] =	wrdreg $0xC0  }
0xad: {  	_ =	task [dreg:s9], $0x5FFFF  }
0xae: {  	[dreg:$0x1] =	wrdreg $0xFFFFFFFF  }
0xaf: {  	[dreg:$0x0] =	wrdreg $0x60  }
0xb0: {  	[dreg:$0x2] =	wrdreg s2  }
0xb1: {  	[dreg:$0x3] =	wrdreg s19  }
0xb2: {  	[dreg:$0x4] =	wrdreg s4  }
0xb3: {  	[dreg:$0x5] =	wrdreg $0x9  }
0xb4: {  	_ =	task.clear_ibuf [dreg:s9], $0x6FFFF;
	_ =	strace $0x90000046  }
0xb5: {  	s29 =	simm.s32 $0x9;
	_ =	strace $0x80000048  }
0xb6: {  	_ =	swait.ge [sflag:s29], $0x1  }
0xb7: {  	[sflag:s29] =	ssyncadd.s32 $0xFFFFFFFF  }
0xb8: {  	_ =	strace $0x90000048  }
0xb9: {  	_ =	sfence  }
0xba: {  	s30 =	sld [smem:$0x0];
	_ =	sdelay $0x2  }
0xbb: {  	s31 =	sshll.u32 s1, $0xD;
	s1 =	sshrl.u32 s1, $0x2  }
0xbc: {  	s3 =	sand.u32 $0x4000, s31;
	s1 =	sadd.s32 s1, s30  }
0xbd: {  	s0 =	sor.u32 s3, s0;
	s1 =	sshll.u32 s1, $0x11  }
0xbe: {  	s0 =	sor.u32 s1, s0  }
0xbf: {  	s0 =	sadd.s32 $0x8F2B, s0  }
0xc0: {  	[sflag:s0] =	ssyncadd.remote.s32 $0x1  }
0xc1: {  	_ =	sfence.sel $0xFFFF  }
0xc2: {  	[dreg:$0x0] =	wrdreg $0xFFFFFFFF;
	(pc) =	sbr.abs _section_cstart, $3  }
0xc3: {  	[dreg:$0x1] =	wrdreg $0xFFFFFFFF  }
0xc4: {  	_ =	task.clear_ibuf [dreg:s9], $0x2FFFF;
	_ =	strace $0x9FFFFFFF  }
0xc5: {  	(tm) =	ssettm $0x7FFFFFFF  }
tec
execute0_lowered:
.L_overlay_start_1:
0x0: {  	(tag) =	ssettag $0x1  }
0x1: {  	s0 =	srdreg.scid  }
0x2: {  	s2 =	stileid.u32;
	s1 =	sand.u32 $0x1, s0  }
0x3: {  	s18 =	sshll.u32 s2, $0x6;
	s19 =	sshll.u32 s1, $0x5  }
0x4: {  	s10 =	rddreg [dreg:$0x0];
	s2 =	sor.u32 s19, s18  }
0x5: {  	s13 =	rddreg [dreg:$0x2];
	s8 =	smul.u32 $0x300, s2  }
0x6: {  	s0 =	rddreg [dreg:$0x1]  }
0x7: {  	s3 =	ssub.s32 $0x2, s1;
	s1 =	simm.s32 $0x0;
	s20 =	sor.u32 $0xC00, s8  }
0x8: {  	[smem:$0x7FF] =	sst s1;
	s22 =	sadd.s32 $0xC0000, s8;
	s21 =	sadd.s32 s0, s20  }
0x9: {  	s5 =	sadd.s32 $0x180000, s8;
	s6 =	sadd.s32 s10, s22;
	[dreg:$0x4] =	wrdreg s21  }
0xa: {  	s24 =	sadd.s32 $0x240000, s8;
	s23 =	sadd.s32 s10, s5;
	[dreg:$0x5] =	wrdreg s6  }
0xb: {  	s4 =	sshrl.u32 s3, $0x1;
	s7 =	sadd.s32 s10, s24;
	[dreg:$0x6] =	wrdreg s23  }
0xc: {  	s14 =	ssub.s32 s3, s4;
	s4 =	sadd.s32 s13, s22;
	[dreg:$0x7] =	wrdreg s7  }
0xd: {  	s25 =	sadd.s32 s10, s20;
	[dreg:$0x8] =	wrdreg s4  }
0xe: {  	s29 =	sadd.s32 $0xC0C00, s8;
	s26 =	sadd.s32 s13, s5;
	[dreg:$0x9] =	wrdreg s25  }
0xf: {  	s30 =	sor.u32 $0x1800, s8;
	s31 =	sadd.s32 s10, s29;
	[dreg:$0xa] =	wrdreg s26  }
0x10: {  	s11 =	sadd.s32 $0x180C00, s8;
	s9 =	sadd.s32 s0, s30;
	[dreg:$0xb] =	wrdreg s31  }
0x11: {  	s12 =	sadd.s32 s10, s11;
	[dreg:$0xc] =	wrdreg s9  }
0x12: {  	s15 =	sadd.s32 $0x240C00, s8;
	s3 =	sadd.s32 s13, s20;
	[dreg:$0xe] =	wrdreg s12  }
0x13: {  	s16 =	sadd.s32 s10, s15;
	[dreg:$0xf] =	wrdreg s3  }
0x14: {  	s17 =	sadd.s32 s13, s29;
	[dreg:$0x10] =	wrdreg s16  }
0x15: {  	s18 =	sadd.s32 s10, s30;
	[dreg:$0x11] =	wrdreg s17  }
0x16: {  	s2 =	smul.u32 $0x1800, s2;
	s19 =	sadd.s32 s13, s11;
	[dreg:$0x12] =	wrdreg s18  }
0x17: {  	s20 =	sadd.s32 s13, s15;
	[dreg:$0x13] =	wrdreg s19  }
0x18: {  	s2 =	sshrl.u32 s2, $0x3;
	s22 =	sadd.s32 s13, s30;
	[dreg:$0x14] =	wrdreg s20  }
0x19: {  	s29 =	sadd.s32 $0x2400, s2;
	s6 =	sadd.s32 s13, s24;
	[dreg:$0x15] =	wrdreg s22  }
0x1a: {  	s31 =	sadd.s32 s0, s29;
	[dreg:$0xd] =	wrdreg s6  }
0x1b: {  	s21 =	sadd.s32 $0xC1800, s8;
	s5 =	sadd.s32 s10, s29;
	[dreg:$0x1c] =	wrdreg s31  }
0x1c: {  	s23 =	sadd.s32 s10, s21;
	[dreg:$0x1d] =	wrdreg s5  }
0x1d: {  	s24 =	sadd.s32 $0x181800, s8;
	s3 =	sadd.s32 s13, s21;
	[dreg:$0x16] =	wrdreg s23  }
0x1e: {  	s25 =	sadd.s32 s10, s24;
	[dreg:$0x17] =	wrdreg s3  }
0x1f: {  	s26 =	sadd.s32 $0x241800, s8;
	s4 =	sadd.s32 s13, s24;
	[dreg:$0x18] =	wrdreg s25  }
0x20: {  	s30 =	sadd.s32 s10, s26;
	[dreg:$0x19] =	wrdreg s4  }
0x21: {  	s7 =	sadd.s32 $0xC2400, s8;
	s6 =	sadd.s32 s13, s29;
	[dreg:$0x1a] =	wrdreg s30  }
0x22: {  	s9 =	sadd.s32 $0x182400, s8;
	s11 =	sadd.s32 s10, s7;
	[dreg:$0x1e] =	wrdreg s6  }
0x23: {  	s28 =	simm.s32 $0x0;
	s12 =	sadd.s32 s10, s9;
	[dreg:$0x1f] =	wrdreg s11  }
0x24: {  	s17 =	sadd.s32 $0x242400, s8;
	s15 =	sadd.s32 s13, s9;
	[smem:$0x7DC] =	sst s12  }
0x25: {  	s16 =	sadd.s32 $0x3000, s2;
	s18 =	sadd.s32 s10, s17;
	[smem:$0x7DD] =	sst s15  }
0x26: {  	s14 =	smax.u32 s14, $0x1;
	s19 =	sadd.s32 s0, s16;
	[smem:$0x7DE] =	sst s18  }
0x27: {  	s20 =	sadd.s32 s10, s16;
	s21 =	sadd.s32 $0xC3000, s8;
	[smem:$0x7E0] =	sst s19  }
0x28: {  	s29 =	sadd.s32 $0x3C00, s2;
	s3 =	sadd.s32 s13, s26;
	[smem:$0x7E1] =	sst s20  }
0x29: {  	s5 =	sadd.s32 $0xC3C00, s8;
	s4 =	sadd.s32 s13, s17;
	[dreg:$0x1b] =	wrdreg s3  }
0x2a: {  	s22 =	sadd.s32 s10, s21;
	s23 =	sadd.s32 $0x183000, s8;
	[smem:$0x7DF] =	sst s4  }
0x2b: {  	s25 =	sadd.s32 $0x243000, s8;
	s30 =	sadd.s32 s0, s29;
	[smem:$0x7E3] =	sst s22  }
0x2c: {  	s31 =	sadd.s32 s10, s29;
	s6 =	sadd.s32 s10, s5;
	[smem:$0x7E9] =	sst s30  }
0x2d: {  	s11 =	sadd.s32 $0x4800, s2;
	s2 =	sadd.s32 $0x5400, s2;
	[smem:$0x7EA] =	sst s31  }
0x2e: {  	s12 =	sadd.s32 s0, s8;
	s18 =	sadd.s32 $0xC4800, s8;
	[smem:$0x7EC] =	sst s6  }
0x2f: {  	s3 =	sadd.s32 s13, s7;
	s24 =	sadd.s32 s10, s23;
	[smem:$0x7F0] =	sst s12  }
0x30: {  	s26 =	sadd.s32 s10, s25;
	s7 =	sadd.s32 $0x183C00, s8;
	[smem:$0x7DB] =	sst s3  }
0x31: {  	s4 =	sadd.s32 s13, s5;
	s15 =	sadd.s32 s0, s11;
	[smem:$0x7E5] =	sst s24  }
0x32: {  	s0 =	sadd.s32 s0, s2;
	s19 =	sadd.s32 s10, s11;
	[smem:$0x7E7] =	sst s26  }
0x33: {  	s20 =	sadd.s32 s10, s18;
	s22 =	sadd.s32 $0x244800, s8;
	[smem:$0x7ED] =	sst s4  }
0x34: {  	s5 =	sadd.s32 s13, s2;
	s30 =	sadd.s32 $0x185400, s8;
	[smem:$0x7F1] =	sst s15  }
0x35: {  	s6 =	sadd.s32 s10, s8;
	s31 =	sadd.s32 $0x245400, s8;
	[smem:$0x7F2] =	sst s0  }
0x36: {  	s3 =	sadd.s32 s13, s16;
	s9 =	sadd.s32 s10, s7;
	[smem:$0x7F5] =	sst s19  }
0x37: {  	s16 =	sadd.s32 $0x243C00, s8;
	[smem:$0x7F7] =	sst s20;
	s24 =	sadd.s32 s10, s22  }
0x38: {  	s26 =	sadd.s32 s10, s2;
	s12 =	sadd.s32 s13, s30;
	[smem:$0x7E2] =	sst s3  }
0x39: {  	s15 =	simm.s32 $0x12000;
	s19 =	simm.s32 $0x1;
	[smem:$0x7EE] =	sst s9  }
0x3a: {  	s20 =	simm.s32 $0x4;
	s3 =	sadd.s32 s13, s21;
	[smem:$0x7FB] =	sst s24  }
0x3b: {  	s17 =	sadd.s32 s10, s16;
	s0 =	sadd.s32 s13, s16;
	[smem:$0x7FD] =	sst s26  }
0x3c: {  	s21 =	sadd.s32 $0x184800, s8;
	s9 =	sadd.s32 s10, s30;
	[smem:$0x7E4] =	sst s3  }
0x3d: {  	s16 =	simm.s32 $0x18000;
	s24 =	simm.s32 $0x3;
	[smem:$0x7F3] =	sst s17  }
0x3e: {  	s26 =	simm.s32 $0x5;
	s3 =	sadd.s32 s13, s23;
	[smem:$0x7F4] =	sst s0  }
0x3f: {  	s0 =	sadd.s32 s13, s18;
	s23 =	sadd.s32 s10, s21;
	[smem:$0x7E6] =	sst s3  }
0x40: {  	s17 =	simm.s32 $0x6000;
	s18 =	simm.s32 $0xC000;
	[smem:$0x7F8] =	sst s0  }
0x41: {  	s3 =	sadd.s32 s13, s25;
	[smem:$0x7F9] =	sst s23;
	s0 =	sadd.s32 s13, s21  }
0x42: {  	s25 =	sadd.s32 s13, s22;
	s21 =	simm.s32 $0x6;
	[smem:$0x7E8] =	sst s3  }
0x43: {  	s22 =	simm.s32 $0x2;
	s23 =	simm.s32 $0x7;
	[smem:$0x7FA] =	sst s0  }
0x44: {  	s3 =	sadd.s32 s13, s29;
	[smem:$0x7FC] =	sst s25;
	s29 =	sadd.s32 $0xC5400, s8  }
0x45: {  	s25 =	simm.s32 $0x8;
	[smem:$0x7EB] =	sst s3;
	s3 =	sadd.s32 s13, s7  }
0x46: {  	s7 =	sadd.s32 s13, s8;
	[smem:$0x7EF] =	sst s3;
	s3 =	sadd.s32 s13, s11  }
0x47: {  	s8 =	sadd.s32 s10, s29;
	s10 =	sadd.s32 s10, s31;
	[smem:$0x7F6] =	sst s3  }
0x48: {  	s11 =	sadd.s32 s13, s29;
	s13 =	sadd.s32 s13, s31;
	_ =	strace $0x80000047  }
.LBB2_1:
0x49: {  	s0 =	sld [smem:$0x7F0];
	_ =	sdelay $0x2  }
0x4a: {  	[tilespmem:s15], [sflag:$0x4] =	stream.linear.gather [hbm4b:s0+s1], $0x6000, $0x38;
	[tilespmem:$0x1E000] =	vst v63  }
0x4b: {  	s3 =	rddreg [dreg:$0x4]  }
0x4c: {  	[tilespmem:s16], [sflag:$0x5] =	stream.linear.gather [hbm4b:s3+s1], $0x6000, $0x38;
	[tilespmem:$0x1E000] =	vst v63  }
0x4d: {  	_ = 	snop  }
0x4e: {  	[tilespmem:s1], [sflag:$0x1] =	stream.linear.gather [hbm4b:s6+s1], $0x6000, $0x38;
	[tilespmem:$0x1E000] =	vst v63  }
0x4f: {  	s4 =	rddreg [dreg:$0x5]  }
0x50: {  	[tilespmem:s17], [sflag:$0x2] =	stream.linear.gather [hbm4b:s4+s1], $0x6000, $0x38;
	[tilespmem:$0x1E000] =	vst v63  }
0x51: {  	s31 =	rddreg [dreg:$0x6]  }
0x52: {  	[tilespmem:s18], [sflag:$0x3] =	stream.linear.gather [hbm4b:s31+s1], $0x6000, $0x38;
	[tilespmem:$0x1E000] =	vst v63  }
0x53: {  	_ =	swait.ge [sflag:s19], $0x6000  }
0x54: {  	[sflag:s19] =	ssyncset.done $0x0  }
0x55: {  	[sflag:s19] =	ssyncadd.s32 $0xFFFFA000  }
0x56: {  	_ =	swait.ge [sflag:s20], $0x6000  }
0x57: {  	[sflag:s20] =	ssyncset.done $0x0  }
0x58: {  	s29 =	simm.s32 $0x0;
	s30 =	simm.s32 $0x0;
	[sflag:s20] =	ssyncadd.s32 $0xFFFFA000  }
.LBB2_2:
0x59: {  	s0 =	sand.u32 $0x7, s29  }
0x5a: {  	s0 =	sshll.u32 s0, $0x9  }
0x5b: {  	s31 =	sshrl.u32 s0, $0x2  }
0x5c: {  	s4 =	sshrl.u32 s30, $0x3;
	v0 =	vmov s31  }
0x5d: {  	s0 =	smul.u32 $0x6000, s4;
	_ =	sdelay $0x1  }
0x5e: {  	s0 =	sshra.s32 s0, $0x2  }
0x5f: {  	s3 =	sadd.s32 $0x12040, s0  }
0x60: {  	v1 =	vld.idx.msk [tilespmem:v0+s3+$0x30 ss:$0x1], $0xffff  }
0x61: {  	v2 =	vld.idx.msk [tilespmem:v0+s3+$0xFFFFFFD0 ss:$0x1], $0xffff  }
0x62: {  	v3 =	vld.idx.msk [tilespmem:v0+s3+$0xFFFFFFE0 ss:$0x1], $0xffff  }
0x63: {  	v4 =	vld.idx.msk [tilespmem:v0+s3+$0xFFFFFFF0 ss:$0x1], $0xffff  }
0x64: {  	v5 =	vld.idx.msk [tilespmem:v0+s3+$0x0 ss:$0x1], $0xffff  }
0x65: {  	v6 =	vld.idx.msk [tilespmem:v0+s3+$0x10 ss:$0x1], $0xffff  }
0x66: {  	s4 =	sadd.s32 s31, s0;
	v7 =	vld.idx.msk [tilespmem:v0+s3+$0xFFFFFFC0 ss:$0x1], $0xffff  }
0x67: {  	[tilespmem:s4+$0x70] =	vst.add.f32.msk $0xffff, v1  }
0x68: {  	v1 =	vld.idx.msk [tilespmem:v0+s3+$0x20 ss:$0x1], $0xffff  }
0x69: {  	[tilespmem:s4+$0x10] =	vst.add.f32.msk $0xffff, v2  }
0x6a: {  	[tilespmem:s4+$0x20] =	vst.add.f32.msk $0xffff, v3  }
0x6b: {  	[tilespmem:s4+$0x30] =	vst.add.f32.msk $0xffff, v4  }
0x6c: {  	[tilespmem:s4+$0x40] =	vst.add.f32.msk $0xffff, v5  }
0x6d: {  	[tilespmem:s4+$0x50] =	vst.add.f32.msk $0xffff, v6  }
0x6e: {  	[tilespmem:s4+$0x0] =	vst.add.f32.msk $0xffff, v7  }
0x6f: {  	s2 =	simm.s32 $0x0;
	s3 =	sadd.s32 $0x400, s3;
	[tilespmem:s4+$0x60] =	vst.add.f32.msk $0xffff, v1  }
.LBB2_3:
0x70: {  	v1 =	vld.idx.msk [tilespmem:v0+s3+$0x30 ss:$0x1], $0xffff;
	s2 =	sadd.s32 $0x80, s2  }
0x71: {  	v2 =	vld.idx.msk [tilespmem:v0+s3+$0xFFFFFFD0 ss:$0x1], $0xffff;
	p0 =	slt.u32 s2, $0x280  }
0x72: {  	v3 =	vld.idx.msk [tilespmem:v0+s3+$0xFFFFFFE0 ss:$0x1], $0xffff  }
0x73: {  	v4 =	vld.idx.msk [tilespmem:v0+s3+$0xFFFFFFF0 ss:$0x1], $0xffff  }
0x74: {  	s0 =	sadd.s32 $0x400, s0;
	v5 =	vld.idx.msk [tilespmem:v0+s3+$0x0 ss:$0x1], $0xffff  }
0x75: {  	s4 =	sadd.s32 s31, s0;
	v6 =	vld.idx.msk [tilespmem:v0+s3+$0x10 ss:$0x1], $0xffff  }
0x76: {  	[tilespmem:s4+$0x70] =	vst.add.f32.msk $0xffff, v1  }
0x77: {  	v1 =	vld.idx.msk [tilespmem:v0+s3+$0x20 ss:$0x1], $0xffff  }
0x78: {  	v7 =	vld.idx.msk [tilespmem:v0+s3+$0xFFFFFFC0 ss:$0x1], $0xffff  }
0x79: {  	[tilespmem:s4+$0x10] =	vst.add.f32.msk $0xffff, v2  }
0x7a: {  	[tilespmem:s4+$0x20] =	vst.add.f32.msk $0xffff, v3  }
.Ltmp0:
0x7b: {  	[tilespmem:s4+$0x30] =	vst.add.f32.msk $0xffff, v4;
	(pc) =	sbr.rel @p0 .LBB2_3-.Ltmp0, $4  }
0x7c: {  	[tilespmem:s4+$0x40] =	vst.add.f32.msk $0xffff, v5  }
0x7d: {  	[tilespmem:s4+$0x50] =	vst.add.f32.msk $0xffff, v6  }
0x7e: {  	[tilespmem:s4+$0x0] =	vst.add.f32.msk $0xffff, v7  }
0x7f: {  	s3 =	sadd.s32 $0x400, s3;
	[tilespmem:s4+$0x60] =	vst.add.f32.msk $0xffff, v1  }
0x80: {  	s30 =	sadd.s32 $0x1, s30  }
0x81: {  	p0 =	sne.s32 s30, $0x20  }
.Ltmp1:
0x82: {  	_ = 	snop;
	(pc) =	sbr.rel @p0 .LBB2_2-.Ltmp1, $2  }
0x83: {  	_ =	sdelay $0x2  }
0x84: {  	s29 =	sadd.s32 $0x1, s29  }
0x85: {  	s29 =	simm.s32 $0x0  }
0x86: {  	[hbm4b:s7+s29] =	stream.linear.scatter [tilespmem:s29], [sflag:$0x6], $0x6000, $0x38;
	[tilespmem:$0x1E000] =	vst v63  }
0x87: {  	_ =	swait.ge [sflag:s21], $0x6000  }
0x88: {  	[sflag:s21] =	ssyncset.done $0x0  }
0x89: {  	s0 =	rddreg [dreg:$0x7];
	[sflag:s21] =	ssyncadd.s32 $0xFFFFA000  }
0x8a: {  	[tilespmem:s29], [sflag:$0x1] =	stream.linear.gather [hbm4b:s0+s29], $0x6000, $0x38;
	[tilespmem:$0x1E000] =	vst v63  }
0x8b: {  	_ =	swait.ge [sflag:s22], $0x6000  }
0x8c: {  	[sflag:s22] =	ssyncset.done $0x0  }
0x8d: {  	s30 =	simm.s32 $0x0;
	[sflag:s22] =	ssyncadd.s32 $0xFFFFA000  }
.LBB2_6:
0x8e: {  	s0 =	sand.u32 $0x7, s29  }
0x8f: {  	s0 =	sshll.u32 s0, $0x9  }
0x90: {  	s31 =	sshrl.u32 s0, $0x2  }
0x91: {  	s4 =	sshrl.u32 s30, $0x3;
	v0 =	vmov s31  }
0x92: {  	s0 =	smul.u32 $0x6000, s4;
	_ =	sdelay $0x1  }
0x93: {  	s0 =	sshra.s32 s0, $0x2  }
0x94: {  	s3 =	sadd.s32 $0x12040, s0  }
0x95: {  	v1 =	vld.idx.msk [tilespmem:v0+s3+$0x30 ss:$0x1], $0xffff  }
0x96: {  	v2 =	vld.idx.msk [tilespmem:v0+s3+$0xFFFFFFD0 ss:$0x1], $0xffff  }
0x97: {  	v3 =	vld.idx.msk [tilespmem:v0+s3+$0xFFFFFFE0 ss:$0x1], $0xffff  }
0x98: {  	v4 =	vld.idx.msk [tilespmem:v0+s3+$0xFFFFFFF0 ss:$0x1], $0xffff  }
0x99: {  	v5 =	vld.idx.msk [tilespmem:v0+s3+$0x0 ss:$0x1], $0xffff  }
0x9a: {  	s0 =	sadd.s32 $0x6000, s0;
	v6 =	vld.idx.msk [tilespmem:v0+s3+$0x10 ss:$0x1], $0xffff  }
0x9b: {  	s4 =	sadd.s32 s31, s0;
	v7 =	vld.idx.msk [tilespmem:v0+s3+$0xFFFFFFC0 ss:$0x1], $0xffff  }
0x9c: {  	[tilespmem:s4+$0x70] =	vst.add.f32.msk $0xffff, v1  }
0x9d: {  	v1 =	vld.idx.msk [tilespmem:v0+s3+$0x20 ss:$0x1], $0xffff  }
0x9e: {  	[tilespmem:s4+$0x10] =	vst.add.f32.msk $0xffff, v2  }
0x9f: {  	[tilespmem:s4+$0x20] =	vst.add.f32.msk $0xffff, v3  }
0xa0: {  	[tilespmem:s4+$0x30] =	vst.add.f32.msk $0xffff, v4  }
0xa1: {  	[tilespmem:s4+$0x40] =	vst.add.f32.msk $0xffff, v5  }
0xa2: {  	[tilespmem:s4+$0x50] =	vst.add.f32.msk $0xffff, v6  }
0xa3: {  	[tilespmem:s4+$0x0] =	vst.add.f32.msk $0xffff, v7  }
0xa4: {  	s2 =	simm.s32 $0x0;
	s3 =	sadd.s32 $0x400, s3;
	[tilespmem:s4+$0x60] =	vst.add.f32.msk $0xffff, v1  }
.LBB2_7:
0xa5: {  	v1 =	vld.idx.msk [tilespmem:v0+s3+$0x30 ss:$0x1], $0xffff;
	s2 =	sadd.s32 $0x80, s2  }
0xa6: {  	v2 =	vld.idx.msk [tilespmem:v0+s3+$0xFFFFFFD0 ss:$0x1], $0xffff;
	p0 =	slt.u32 s2, $0x280  }
0xa7: {  	v3 =	vld.idx.msk [tilespmem:v0+s3+$0xFFFFFFE0 ss:$0x1], $0xffff  }
0xa8: {  	v4 =	vld.idx.msk [tilespmem:v0+s3+$0xFFFFFFF0 ss:$0x1], $0xffff  }
0xa9: {  	s0 =	sadd.s32 $0x400, s0;
	v5 =	vld.idx.msk [tilespmem:v0+s3+$0x0 ss:$0x1], $0xffff  }
0xaa: {  	s4 =	sadd.s32 s31, s0;
	v6 =	vld.idx.msk [tilespmem:v0+s3+$0x10 ss:$0x1], $0xffff  }
0xab: {  	[tilespmem:s4+$0x70] =	vst.add.f32.msk $0xffff, v1  }
0xac: {  	v1 =	vld.idx.msk [tilespmem:v0+s3+$0x20 ss:$0x1], $0xffff  }
0xad: {  	v7 =	vld.idx.msk [tilespmem:v0+s3+$0xFFFFFFC0 ss:$0x1], $0xffff  }
0xae: {  	[tilespmem:s4+$0x10] =	vst.add.f32.msk $0xffff, v2  }
0xaf: {  	[tilespmem:s4+$0x20] =	vst.add.f32.msk $0xffff, v3  }
.Ltmp2:
0xb0: {  	[tilespmem:s4+$0x30] =	vst.add.f32.msk $0xffff, v4;
	(pc) =	sbr.rel @p0 .LBB2_7-.Ltmp2, $4  }
0xb1: {  	[tilespmem:s4+$0x40] =	vst.add.f32.msk $0xffff, v5  }
0xb2: {  	[tilespmem:s4+$0x50] =	vst.add.f32.msk $0xffff, v6  }
0xb3: {  	[tilespmem:s4+$0x0] =	vst.add.f32.msk $0xffff, v7  }
0xb4: {  	s3 =	sadd.s32 $0x400, s3;
	[tilespmem:s4+$0x60] =	vst.add.f32.msk $0xffff, v1  }
0xb5: {  	s30 =	sadd.s32 $0x1, s30  }
0xb6: {  	p0 =	sne.s32 s30, $0x20  }
.Ltmp3:
0xb7: {  	_ = 	snop;
	(pc) =	sbr.rel @p0 .LBB2_6-.Ltmp3, $2  }
0xb8: {  	_ =	sdelay $0x2  }
0xb9: {  	s29 =	sadd.s32 $0x1, s29  }
0xba: {  	s29 =	simm.s32 $0x0;
	s0 =	rddreg [dreg:$0x8]  }
0xbb: {  	[hbm4b:s0+s29] =	stream.linear.scatter [tilespmem:s17], [sflag:$0x7], $0x6000, $0x38;
	[tilespmem:$0x1E000] =	vst v63  }
0xbc: {  	_ =	swait.ge [sflag:s23], $0x6000  }
0xbd: {  	[sflag:s23] =	ssyncset.done $0x0  }
0xbe: {  	s31 =	rddreg [dreg:$0x9];
	[sflag:s23] =	ssyncadd.s32 $0xFFFFA000  }
0xbf: {  	[tilespmem:s17], [sflag:$0x2] =	stream.linear.gather [hbm4b:s31+s29], $0x6000, $0x38;
	[tilespmem:$0x1E000] =	vst v63  }
0xc0: {  	_ =	swait.ge [sflag:s24], $0x6000  }
0xc1: {  	[sflag:s24] =	ssyncset.done $0x0  }
0xc2: {  	s30 =	simm.s32 $0x0;
	[sflag:s24] =	ssyncadd.s32 $0xFFFFA000  }
.LBB2_10:
0xc3: {  	s0 =	sand.u32 $0x7, s29  }
0xc4: {  	s0 =	sshll.u32 s0, $0x9  }
0xc5: {  	s31 =	sshrl.u32 s0, $0x2  }
0xc6: {  	s4 =	sshrl.u32 s30, $0x3;
	v0 =	vmov s31  }
0xc7: {  	s0 =	smul.u32 $0x6000, s4;
	_ =	sdelay $0x1  }
0xc8: {  	s0 =	sshra.s32 s0, $0x2  }
0xc9: {  	s3 =	sadd.s32 $0x12040, s0  }
0xca: {  	v1 =	vld.idx.msk [tilespmem:v0+s3+$0x30 ss:$0x1], $0xffff  }
0xcb: {  	v2 =	vld.idx.msk [tilespmem:v0+s3+$0xFFFFFFD0 ss:$0x1], $0xffff  }
0xcc: {  	v3 =	vld.idx.msk [tilespmem:v0+s3+$0xFFFFFFE0 ss:$0x1], $0xffff  }
0xcd: {  	v4 =	vld.idx.msk [tilespmem:v0+s3+$0xFFFFFFF0 ss:$0x1], $0xffff  }
0xce: {  	v5 =	vld.idx.msk [tilespmem:v0+s3+$0x0 ss:$0x1], $0xffff  }
0xcf: {  	s0 =	sadd.s32 $0xC000, s0;
	v6 =	vld.idx.msk [tilespmem:v0+s3+$0x10 ss:$0x1], $0xffff  }
0xd0: {  	s4 =	sadd.s32 s31, s0;
	v7 =	vld.idx.msk [tilespmem:v0+s3+$0xFFFFFFC0 ss:$0x1], $0xffff  }
0xd1: {  	[tilespmem:s4+$0x70] =	vst.add.f32.msk $0xffff, v1  }
0xd2: {  	v1 =	vld.idx.msk [tilespmem:v0+s3+$0x20 ss:$0x1], $0xffff  }
0xd3: {  	[tilespmem:s4+$0x10] =	vst.add.f32.msk $0xffff, v2  }
0xd4: {  	[tilespmem:s4+$0x20] =	vst.add.f32.msk $0xffff, v3  }
0xd5: {  	[tilespmem:s4+$0x30] =	vst.add.f32.msk $0xffff, v4  }
0xd6: {  	[tilespmem:s4+$0x40] =	vst.add.f32.msk $0xffff, v5  }
0xd7: {  	[tilespmem:s4+$0x50] =	vst.add.f32.msk $0xffff, v6  }
0xd8: {  	[tilespmem:s4+$0x0] =	vst.add.f32.msk $0xffff, v7  }
0xd9: {  	s2 =	simm.s32 $0x0;
	s3 =	sadd.s32 $0x400, s3;
	[tilespmem:s4+$0x60] =	vst.add.f32.msk $0xffff, v1  }
.LBB2_11:
0xda: {  	v1 =	vld.idx.msk [tilespmem:v0+s3+$0x30 ss:$0x1], $0xffff;
	s2 =	sadd.s32 $0x80, s2  }
0xdb: {  	v2 =	vld.idx.msk [tilespmem:v0+s3+$0xFFFFFFD0 ss:$0x1], $0xffff;
	p0 =	slt.u32 s2, $0x280  }
0xdc: {  	v3 =	vld.idx.msk [tilespmem:v0+s3+$0xFFFFFFE0 ss:$0x1], $0xffff  }
0xdd: {  	v4 =	vld.idx.msk [tilespmem:v0+s3+$0xFFFFFFF0 ss:$0x1], $0xffff  }
0xde: {  	s0 =	sadd.s32 $0x400, s0;
	v5 =	vld.idx.msk [tilespmem:v0+s3+$0x0 ss:$0x1], $0xffff  }
0xdf: {  	s4 =	sadd.s32 s31, s0;
	v6 =	vld.idx.msk [tilespmem:v0+s3+$0x10 ss:$0x1], $0xffff  }
0xe0: {  	[tilespmem:s4+$0x70] =	vst.add.f32.msk $0xffff, v1  }
0xe1: {  	v1 =	vld.idx.msk [tilespmem:v0+s3+$0x20 ss:$0x1], $0xffff  }
0xe2: {  	v7 =	vld.idx.msk [tilespmem:v0+s3+$0xFFFFFFC0 ss:$0x1], $0xffff  }
0xe3: {  	[tilespmem:s4+$0x10] =	vst.add.f32.msk $0xffff, v2  }
0xe4: {  	[tilespmem:s4+$0x20] =	vst.add.f32.msk $0xffff, v3  }
.Ltmp4:
0xe5: {  	[tilespmem:s4+$0x30] =	vst.add.f32.msk $0xffff, v4;
	(pc) =	sbr.rel @p0 .LBB2_11-.Ltmp4, $4  }
0xe6: {  	[tilespmem:s4+$0x40] =	vst.add.f32.msk $0xffff, v5  }
0xe7: {  	[tilespmem:s4+$0x50] =	vst.add.f32.msk $0xffff, v6  }
0xe8: {  	[tilespmem:s4+$0x0] =	vst.add.f32.msk $0xffff, v7  }
0xe9: {  	s3 =	sadd.s32 $0x400, s3;
	[tilespmem:s4+$0x60] =	vst.add.f32.msk $0xffff, v1  }
0xea: {  	s30 =	sadd.s32 $0x1, s30  }
0xeb: {  	p0 =	sne.s32 s30, $0x20  }
.Ltmp5:
0xec: {  	_ = 	snop;
	(pc) =	sbr.rel @p0 .LBB2_10-.Ltmp5, $2  }
0xed: {  	_ =	sdelay $0x2  }
0xee: {  	s29 =	sadd.s32 $0x1, s29  }
0xef: {  	s29 =	simm.s32 $0x0;
	s0 =	rddreg [dreg:$0xa]  }
0xf0: {  	[hbm4b:s0+s29] =	stream.linear.scatter [tilespmem:s18], [sflag:$0x8], $0x6000, $0x38;
	[tilespmem:$0x1E000] =	vst v63  }
0xf1: {  	_ =	swait.ge [sflag:s25], $0x6000  }
0xf2: {  	[sflag:s25] =	ssyncset.done $0x0  }
0xf3: {  	s31 =	rddreg [dreg:$0xb];
	[sflag:s25] =	ssyncadd.s32 $0xFFFFA000  }
0xf4: {  	[tilespmem:s18], [sflag:$0x3] =	stream.linear.gather [hbm4b:s31+s29], $0x6000, $0x38;
	[tilespmem:$0x1E000] =	vst v63  }
0xf5: {  	_ =	swait.ge [sflag:s19], $0x6000  }
0xf6: {  	[sflag:s19] =	ssyncset.done $0x0  }
0xf7: {  	s30 =	simm.s32 $0x0;
	[sflag:s19] =	ssyncadd.s32 $0xFFFFA000  }
.LBB2_14:
0xf8: {  	s0 =	sand.u32 $0x7, s29  }
0xf9: {  	s0 =	sshll.u32 s0, $0x9  }
0xfa: {  	s31 =	sshrl.u32 s0, $0x2  }
0xfb: {  	s4 =	sshrl.u32 s30, $0x3;
	v0 =	vmov s31  }
0xfc: {  	s0 =	smul.u32 $0x6000, s4;
	_ =	sdelay $0x1  }
0xfd: {  	s0 =	sshra.s32 s0, $0x2  }
0xfe: {  	s3 =	sadd.s32 $0x12040, s0  }
0xff: {  	v1 =	vld.idx.msk [tilespmem:v0+s3+$0x30 ss:$0x1], $0xffff  }
0x100: {  	v2 =	vld.idx.msk [tilespmem:v0+s3+$0xFFFFFFD0 ss:$0x1], $0xffff  }
0x101: {  	v3 =	vld.idx.msk [tilespmem:v0+s3+$0xFFFFFFE0 ss:$0x1], $0xffff  }
0x102: {  	v4 =	vld.idx.msk [tilespmem:v0+s3+$0xFFFFFFF0 ss:$0x1], $0xffff  }
0x103: {  	v5 =	vld.idx.msk [tilespmem:v0+s3+$0x0 ss:$0x1], $0xffff  }
0x104: {  	v6 =	vld.idx.msk [tilespmem:v0+s3+$0x10 ss:$0x1], $0xffff  }
0x105: {  	s4 =	sadd.s32 s31, s0;
	v7 =	vld.idx.msk [tilespmem:v0+s3+$0xFFFFFFC0 ss:$0x1], $0xffff  }
0x106: {  	[tilespmem:s4+$0x70] =	vst.add.f32.msk $0xffff, v1  }
0x107: {  	v1 =	vld.idx.msk [tilespmem:v0+s3+$0x20 ss:$0x1], $0xffff  }
0x108: {  	[tilespmem:s4+$0x10] =	vst.add.f32.msk $0xffff, v2  }
0x109: {  	[tilespmem:s4+$0x20] =	vst.add.f32.msk $0xffff, v3  }
0x10a: {  	[tilespmem:s4+$0x30] =	vst.add.f32.msk $0xffff, v4  }
0x10b: {  	[tilespmem:s4+$0x40] =	vst.add.f32.msk $0xffff, v5  }
0x10c: {  	[tilespmem:s4+$0x50] =	vst.add.f32.msk $0xffff, v6  }
0x10d: {  	[tilespmem:s4+$0x0] =	vst.add.f32.msk $0xffff, v7  }
0x10e: {  	s2 =	simm.s32 $0x0;
	s3 =	sadd.s32 $0x400, s3;
	[tilespmem:s4+$0x60] =	vst.add.f32.msk $0xffff, v1  }
.LBB2_15:
0x10f: {  	v1 =	vld.idx.msk [tilespmem:v0+s3+$0x30 ss:$0x1], $0xffff;
	s2 =	sadd.s32 $0x80, s2  }
0x110: {  	v2 =	vld.idx.msk [tilespmem:v0+s3+$0xFFFFFFD0 ss:$0x1], $0xffff;
	p0 =	slt.u32 s2, $0x280  }
0x111: {  	v3 =	vld.idx.msk [tilespmem:v0+s3+$0xFFFFFFE0 ss:$0x1], $0xffff  }
0x112: {  	v4 =	vld.idx.msk [tilespmem:v0+s3+$0xFFFFFFF0 ss:$0x1], $0xffff  }
0x113: {  	s0 =	sadd.s32 $0x400, s0;
	v5 =	vld.idx.msk [tilespmem:v0+s3+$0x0 ss:$0x1], $0xffff  }
0x114: {  	s4 =	sadd.s32 s31, s0;
	v6 =	vld.idx.msk [tilespmem:v0+s3+$0x10 ss:$0x1], $0xffff  }
0x115: {  	[tilespmem:s4+$0x70] =	vst.add.f32.msk $0xffff, v1  }
0x116: {  	v1 =	vld.idx.msk [tilespmem:v0+s3+$0x20 ss:$0x1], $0xffff  }
0x117: {  	v7 =	vld.idx.msk [tilespmem:v0+s3+$0xFFFFFFC0 ss:$0x1], $0xffff  }
0x118: {  	[tilespmem:s4+$0x10] =	vst.add.f32.msk $0xffff, v2  }
0x119: {  	[tilespmem:s4+$0x20] =	vst.add.f32.msk $0xffff, v3  }
.Ltmp6:
0x11a: {  	[tilespmem:s4+$0x30] =	vst.add.f32.msk $0xffff, v4;
	(pc) =	sbr.rel @p0 .LBB2_15-.Ltmp6, $4  }
0x11b: {  	[tilespmem:s4+$0x40] =	vst.add.f32.msk $0xffff, v5  }
0x11c: {  	[tilespmem:s4+$0x50] =	vst.add.f32.msk $0xffff, v6  }
0x11d: {  	[tilespmem:s4+$0x0] =	vst.add.f32.msk $0xffff, v7  }
0x11e: {  	s3 =	sadd.s32 $0x400, s3;
	[tilespmem:s4+$0x60] =	vst.add.f32.msk $0xffff, v1  }
0x11f: {  	s30 =	sadd.s32 $0x1, s30  }
0x120: {  	p0 =	sne.s32 s30, $0x20  }
.Ltmp7:
0x121: {  	_ = 	snop;
	(pc) =	sbr.rel @p0 .LBB2_14-.Ltmp7, $2  }
0x122: {  	_ =	sdelay $0x2  }
0x123: {  	s29 =	sadd.s32 $0x1, s29  }
0x124: {  	s29 =	simm.s32 $0x0;
	s0 =	rddreg [dreg:$0xc]  }
0x125: {  	[tilespmem:s15], [sflag:$0x4] =	stream.linear.gather [hbm4b:s0+s29], $0x6000, $0x38;
	[tilespmem:$0x1E000] =	vst v63  }
0x126: {  	s4 =	rddreg [dreg:$0xd]  }
0x127: {  	[hbm4b:s4+s29] =	stream.linear.scatter [tilespmem:s29], [sflag:$0x6], $0x6000, $0x38;
	[tilespmem:$0x1E000] =	vst v63  }
0x128: {  	_ =	swait.ge [sflag:s21], $0x6000  }
0x129: {  	[sflag:s21] =	ssyncset.done $0x0  }
0x12a: {  	s31 =	rddreg [dreg:$0xe];
	[sflag:s21] =	ssyncadd.s32 $0xFFFFA000  }
0x12b: {  	[tilespmem:s29], [sflag:$0x1] =	stream.linear.gather [hbm4b:s31+s29], $0x6000, $0x38;
	[tilespmem:$0x1E000] =	vst v63  }
0x12c: {  	_ =	swait.ge [sflag:s22], $0x6000  }
0x12d: {  	[sflag:s22] =	ssyncset.done $0x0  }
0x12e: {  	[sflag:s22] =	ssyncadd.s32 $0xFFFFA000  }
0x12f: {  	_ =	swait.ge [sflag:s26], $0x6000  }
0x130: {  	[sflag:s26] =	ssyncset.done $0x0  }
0x131: {  	s30 =	simm.s32 $0x0;
	[sflag:s26] =	ssyncadd.s32 $0xFFFFA000  }
.LBB2_18:
0x132: {  	s0 =	sand.u32 $0x7, s29  }
0x133: {  	s0 =	sshll.u32 s0, $0x9  }
0x134: {  	s31 =	sshrl.u32 s0, $0x2  }
0x135: {  	s4 =	sshrl.u32 s30, $0x3;
	v0 =	vmov s31  }
0x136: {  	s0 =	smul.u32 $0x6000, s4;
	_ =	sdelay $0x1  }
0x137: {  	s0 =	sshra.s32 s0, $0x2  }
0x138: {  	s3 =	sadd.s32 $0x18040, s0  }
0x139: {  	v1 =	vld.idx.msk [tilespmem:v0+s3+$0x30 ss:$0x1], $0xffff  }
0x13a: {  	v2 =	vld.idx.msk [tilespmem:v0+s3+$0xFFFFFFD0 ss:$0x1], $0xffff  }
0x13b: {  	v3 =	vld.idx.msk [tilespmem:v0+s3+$0xFFFFFFE0 ss:$0x1], $0xffff  }
0x13c: {  	v4 =	vld.idx.msk [tilespmem:v0+s3+$0xFFFFFFF0 ss:$0x1], $0xffff  }
0x13d: {  	v5 =	vld.idx.msk [tilespmem:v0+s3+$0x0 ss:$0x1], $0xffff  }
0x13e: {  	s0 =	sadd.s32 $0x6000, s0;
	v6 =	vld.idx.msk [tilespmem:v0+s3+$0x10 ss:$0x1], $0xffff  }
0x13f: {  	s4 =	sadd.s32 s31, s0;
	v7 =	vld.idx.msk [tilespmem:v0+s3+$0xFFFFFFC0 ss:$0x1], $0xffff  }
0x140: {  	[tilespmem:s4+$0x70] =	vst.add.f32.msk $0xffff, v1  }
0x141: {  	v1 =	vld.idx.msk [tilespmem:v0+s3+$0x20 ss:$0x1], $0xffff  }
0x142: {  	[tilespmem:s4+$0x10] =	vst.add.f32.msk $0xffff, v2  }
0x143: {  	[tilespmem:s4+$0x20] =	vst.add.f32.msk $0xffff, v3  }
0x144: {  	[tilespmem:s4+$0x30] =	vst.add.f32.msk $0xffff, v4  }
0x145: {  	[tilespmem:s4+$0x40] =	vst.add.f32.msk $0xffff, v5  }
0x146: {  	[tilespmem:s4+$0x50] =	vst.add.f32.msk $0xffff, v6  }
0x147: {  	[tilespmem:s4+$0x0] =	vst.add.f32.msk $0xffff, v7  }
0x148: {  	s2 =	simm.s32 $0x0;
	s3 =	sadd.s32 $0x400, s3;
	[tilespmem:s4+$0x60] =	vst.add.f32.msk $0xffff, v1  }
.LBB2_19:
0x149: {  	v1 =	vld.idx.msk [tilespmem:v0+s3+$0x30 ss:$0x1], $0xffff;
	s2 =	sadd.s32 $0x80, s2  }
0x14a: {  	v2 =	vld.idx.msk [tilespmem:v0+s3+$0xFFFFFFD0 ss:$0x1], $0xffff;
	p0 =	slt.u32 s2, $0x280  }
0x14b: {  	v3 =	vld.idx.msk [tilespmem:v0+s3+$0xFFFFFFE0 ss:$0x1], $0xffff  }
0x14c: {  	v4 =	vld.idx.msk [tilespmem:v0+s3+$0xFFFFFFF0 ss:$0x1], $0xffff  }
0x14d: {  	s0 =	sadd.s32 $0x400, s0;
	v5 =	vld.idx.msk [tilespmem:v0+s3+$0x0 ss:$0x1], $0xffff  }
0x14e: {  	s4 =	sadd.s32 s31, s0;
	v6 =	vld.idx.msk [tilespmem:v0+s3+$0x10 ss:$0x1], $0xffff  }
0x14f: {  	[tilespmem:s4+$0x70] =	vst.add.f32.msk $0xffff, v1  }
0x150: {  	v1 =	vld.idx.msk [tilespmem:v0+s3+$0x20 ss:$0x1], $0xffff  }
0x151: {  	v7 =	vld.idx.msk [tilespmem:v0+s3+$0xFFFFFFC0 ss:$0x1], $0xffff  }
0x152: {  	[tilespmem:s4+$0x10] =	vst.add.f32.msk $0xffff, v2  }
0x153: {  	[tilespmem:s4+$0x20] =	vst.add.f32.msk $0xffff, v3  }
.Ltmp8:
0x154: {  	[tilespmem:s4+$0x30] =	vst.add.f32.msk $0xffff, v4;
	(pc) =	sbr.rel @p0 .LBB2_19-.Ltmp8, $4  }
0x155: {  	[tilespmem:s4+$0x40] =	vst.add.f32.msk $0xffff, v5  }
0x156: {  	[tilespmem:s4+$0x50] =	vst.add.f32.msk $0xffff, v6  }
0x157: {  	[tilespmem:s4+$0x0] =	vst.add.f32.msk $0xffff, v7  }
0x158: {  	s3 =	sadd.s32 $0x400, s3;
	[tilespmem:s4+$0x60] =	vst.add.f32.msk $0xffff, v1  }
0x159: {  	s30 =	sadd.s32 $0x1, s30  }
0x15a: {  	p0 =	sne.s32 s30, $0x20  }
.Ltmp9:
0x15b: {  	_ = 	snop;
	(pc) =	sbr.rel @p0 .LBB2_18-.Ltmp9, $2  }
0x15c: {  	_ =	sdelay $0x2  }
0x15d: {  	s29 =	sadd.s32 $0x1, s29  }
0x15e: {  	s29 =	simm.s32 $0x0;
	s0 =	rddreg [dreg:$0xf]  }
0x15f: {  	[hbm4b:s0+s29] =	stream.linear.scatter [tilespmem:s17], [sflag:$0x7], $0x6000, $0x38;
	[tilespmem:$0x1E000] =	vst v63  }
0x160: {  	_ =	swait.ge [sflag:s23], $0x6000  }
0x161: {  	[sflag:s23] =	ssyncset.done $0x0  }
0x162: {  	s31 =	rddreg [dreg:$0x10];
	[sflag:s23] =	ssyncadd.s32 $0xFFFFA000  }
0x163: {  	[tilespmem:s17], [sflag:$0x2] =	stream.linear.gather [hbm4b:s31+s29], $0x6000, $0x38;
	[tilespmem:$0x1E000] =	vst v63  }
0x164: {  	_ =	swait.ge [sflag:s24], $0x6000  }
0x165: {  	[sflag:s24] =	ssyncset.done $0x0  }
0x166: {  	s30 =	simm.s32 $0x0;
	[sflag:s24] =	ssyncadd.s32 $0xFFFFA000  }
.LBB2_22:
0x167: {  	s0 =	sand.u32 $0x7, s29  }
0x168: {  	s0 =	sshll.u32 s0, $0x9  }
0x169: {  	s31 =	sshrl.u32 s0, $0x2  }
0x16a: {  	s4 =	sshrl.u32 s30, $0x3;
	v0 =	vmov s31  }
0x16b: {  	s0 =	smul.u32 $0x6000, s4;
	_ =	sdelay $0x1  }
0x16c: {  	s0 =	sshra.s32 s0, $0x2  }
0x16d: {  	s3 =	sadd.s32 $0x18040, s0  }
0x16e: {  	v1 =	vld.idx.msk [tilespmem:v0+s3+$0x30 ss:$0x1], $0xffff  }
0x16f: {  	v2 =	vld.idx.msk [tilespmem:v0+s3+$0xFFFFFFD0 ss:$0x1], $0xffff  }
0x170: {  	v3 =	vld.idx.msk [tilespmem:v0+s3+$0xFFFFFFE0 ss:$0x1], $0xffff  }
0x171: {  	v4 =	vld.idx.msk [tilespmem:v0+s3+$0xFFFFFFF0 ss:$0x1], $0xffff  }
0x172: {  	v5 =	vld.idx.msk [tilespmem:v0+s3+$0x0 ss:$0x1], $0xffff  }
0x173: {  	s0 =	sadd.s32 $0xC000, s0;
	v6 =	vld.idx.msk [tilespmem:v0+s3+$0x10 ss:$0x1], $0xffff  }
0x174: {  	s4 =	sadd.s32 s31, s0;
	v7 =	vld.idx.msk [tilespmem:v0+s3+$0xFFFFFFC0 ss:$0x1], $0xffff  }
0x175: {  	[tilespmem:s4+$0x70] =	vst.add.f32.msk $0xffff, v1  }
0x176: {  	v1 =	vld.idx.msk [tilespmem:v0+s3+$0x20 ss:$0x1], $0xffff  }
0x177: {  	[tilespmem:s4+$0x10] =	vst.add.f32.msk $0xffff, v2  }
0x178: {  	[tilespmem:s4+$0x20] =	vst.add.f32.msk $0xffff, v3  }
0x179: {  	[tilespmem:s4+$0x30] =	vst.add.f32.msk $0xffff, v4  }
0x17a: {  	[tilespmem:s4+$0x40] =	vst.add.f32.msk $0xffff, v5  }
0x17b: {  	[tilespmem:s4+$0x50] =	vst.add.f32.msk $0xffff, v6  }
0x17c: {  	[tilespmem:s4+$0x0] =	vst.add.f32.msk $0xffff, v7  }
0x17d: {  	s2 =	simm.s32 $0x0;
	s3 =	sadd.s32 $0x400, s3;
	[tilespmem:s4+$0x60] =	vst.add.f32.msk $0xffff, v1  }
.LBB2_23:
0x17e: {  	v1 =	vld.idx.msk [tilespmem:v0+s3+$0x30 ss:$0x1], $0xffff;
	s2 =	sadd.s32 $0x80, s2  }
0x17f: {  	v2 =	vld.idx.msk [tilespmem:v0+s3+$0xFFFFFFD0 ss:$0x1], $0xffff;
	p0 =	slt.u32 s2, $0x280  }
0x180: {  	v3 =	vld.idx.msk [tilespmem:v0+s3+$0xFFFFFFE0 ss:$0x1], $0xffff  }
0x181: {  	v4 =	vld.idx.msk [tilespmem:v0+s3+$0xFFFFFFF0 ss:$0x1], $0xffff  }
0x182: {  	s0 =	sadd.s32 $0x400, s0;
	v5 =	vld.idx.msk [tilespmem:v0+s3+$0x0 ss:$0x1], $0xffff  }
0x183: {  	s4 =	sadd.s32 s31, s0;
	v6 =	vld.idx.msk [tilespmem:v0+s3+$0x10 ss:$0x1], $0xffff  }
0x184: {  	[tilespmem:s4+$0x70] =	vst.add.f32.msk $0xffff, v1  }
0x185: {  	v1 =	vld.idx.msk [tilespmem:v0+s3+$0x20 ss:$0x1], $0xffff  }
0x186: {  	v7 =	vld.idx.msk [tilespmem:v0+s3+$0xFFFFFFC0 ss:$0x1], $0xffff  }
0x187: {  	[tilespmem:s4+$0x10] =	vst.add.f32.msk $0xffff, v2  }
0x188: {  	[tilespmem:s4+$0x20] =	vst.add.f32.msk $0xffff, v3  }
.Ltmp10:
0x189: {  	[tilespmem:s4+$0x30] =	vst.add.f32.msk $0xffff, v4;
	(pc) =	sbr.rel @p0 .LBB2_23-.Ltmp10, $4  }
0x18a: {  	[tilespmem:s4+$0x40] =	vst.add.f32.msk $0xffff, v5  }
0x18b: {  	[tilespmem:s4+$0x50] =	vst.add.f32.msk $0xffff, v6  }
0x18c: {  	[tilespmem:s4+$0x0] =	vst.add.f32.msk $0xffff, v7  }
0x18d: {  	s3 =	sadd.s32 $0x400, s3;
	[tilespmem:s4+$0x60] =	vst.add.f32.msk $0xffff, v1  }
0x18e: {  	s30 =	sadd.s32 $0x1, s30  }
0x18f: {  	p0 =	sne.s32 s30, $0x20  }
.Ltmp11:
0x190: {  	_ = 	snop;
	(pc) =	sbr.rel @p0 .LBB2_22-.Ltmp11, $2  }
0x191: {  	_ =	sdelay $0x2  }
0x192: {  	s29 =	sadd.s32 $0x1, s29  }
0x193: {  	s29 =	simm.s32 $0x0;
	s0 =	rddreg [dreg:$0x11]  }
0x194: {  	[hbm4b:s0+s29] =	stream.linear.scatter [tilespmem:s18], [sflag:$0x8], $0x6000, $0x38;
	[tilespmem:$0x1E000] =	vst v63  }
0x195: {  	_ =	swait.ge [sflag:s25], $0x6000  }
0x196: {  	[sflag:s25] =	ssyncset.done $0x0  }
0x197: {  	s31 =	rddreg [dreg:$0x12];
	[sflag:s25] =	ssyncadd.s32 $0xFFFFA000  }
0x198: {  	[tilespmem:s18], [sflag:$0x3] =	stream.linear.gather [hbm4b:s31+s29], $0x6000, $0x38;
	[tilespmem:$0x1E000] =	vst v63  }
0x199: {  	_ =	swait.ge [sflag:s19], $0x6000  }
0x19a: {  	[sflag:s19] =	ssyncset.done $0x0  }
0x19b: {  	s30 =	simm.s32 $0x0;
	[sflag:s19] =	ssyncadd.s32 $0xFFFFA000  }
.LBB2_26:
0x19c: {  	s0 =	sand.u32 $0x7, s29  }
0x19d: {  	s0 =	sshll.u32 s0, $0x9  }
0x19e: {  	s31 =	sshrl.u32 s0, $0x2  }
0x19f: {  	s4 =	sshrl.u32 s30, $0x3;
	v0 =	vmov s31  }
0x1a0: {  	s0 =	smul.u32 $0x6000, s4;
	_ =	sdelay $0x1  }
0x1a1: {  	s0 =	sshra.s32 s0, $0x2  }
0x1a2: {  	s3 =	sadd.s32 $0x18040, s0  }
0x1a3: {  	v1 =	vld.idx.msk [tilespmem:v0+s3+$0x30 ss:$0x1], $0xffff  }
0x1a4: {  	v2 =	vld.idx.msk [tilespmem:v0+s3+$0xFFFFFFD0 ss:$0x1], $0xffff  }
0x1a5: {  	v3 =	vld.idx.msk [tilespmem:v0+s3+$0xFFFFFFE0 ss:$0x1], $0xffff  }
0x1a6: {  	v4 =	vld.idx.msk [tilespmem:v0+s3+$0xFFFFFFF0 ss:$0x1], $0xffff  }
0x1a7: {  	v5 =	vld.idx.msk [tilespmem:v0+s3+$0x0 ss:$0x1], $0xffff  }
0x1a8: {  	v6 =	vld.idx.msk [tilespmem:v0+s3+$0x10 ss:$0x1], $0xffff  }
0x1a9: {  	s4 =	sadd.s32 s31, s0;
	v7 =	vld.idx.msk [tilespmem:v0+s3+$0xFFFFFFC0 ss:$0x1], $0xffff  }
0x1aa: {  	[tilespmem:s4+$0x70] =	vst.add.f32.msk $0xffff, v1  }
0x1ab: {  	v1 =	vld.idx.msk [tilespmem:v0+s3+$0x20 ss:$0x1], $0xffff  }
0x1ac: {  	[tilespmem:s4+$0x10] =	vst.add.f32.msk $0xffff, v2  }
0x1ad: {  	[tilespmem:s4+$0x20] =	vst.add.f32.msk $0xffff, v3  }
0x1ae: {  	[tilespmem:s4+$0x30] =	vst.add.f32.msk $0xffff, v4  }
0x1af: {  	[tilespmem:s4+$0x40] =	vst.add.f32.msk $0xffff, v5  }
0x1b0: {  	[tilespmem:s4+$0x50] =	vst.add.f32.msk $0xffff, v6  }
0x1b1: {  	[tilespmem:s4+$0x0] =	vst.add.f32.msk $0xffff, v7  }
0x1b2: {  	s2 =	simm.s32 $0x0;
	s3 =	sadd.s32 $0x400, s3;
	[tilespmem:s4+$0x60] =	vst.add.f32.msk $0xffff, v1  }
.LBB2_27:
0x1b3: {  	v1 =	vld.idx.msk [tilespmem:v0+s3+$0x30 ss:$0x1], $0xffff;
	s2 =	sadd.s32 $0x80, s2  }
0x1b4: {  	v2 =	vld.idx.msk [tilespmem:v0+s3+$0xFFFFFFD0 ss:$0x1], $0xffff;
	p0 =	slt.u32 s2, $0x280  }
0x1b5: {  	v3 =	vld.idx.msk [tilespmem:v0+s3+$0xFFFFFFE0 ss:$0x1], $0xffff  }
0x1b6: {  	v4 =	vld.idx.msk [tilespmem:v0+s3+$0xFFFFFFF0 ss:$0x1], $0xffff  }
0x1b7: {  	s0 =	sadd.s32 $0x400, s0;
	v5 =	vld.idx.msk [tilespmem:v0+s3+$0x0 ss:$0x1], $0xffff  }
0x1b8: {  	s4 =	sadd.s32 s31, s0;
	v6 =	vld.idx.msk [tilespmem:v0+s3+$0x10 ss:$0x1], $0xffff  }
0x1b9: {  	[tilespmem:s4+$0x70] =	vst.add.f32.msk $0xffff, v1  }
0x1ba: {  	v1 =	vld.idx.msk [tilespmem:v0+s3+$0x20 ss:$0x1], $0xffff  }
0x1bb: {  	v7 =	vld.idx.msk [tilespmem:v0+s3+$0xFFFFFFC0 ss:$0x1], $0xffff  }
0x1bc: {  	[tilespmem:s4+$0x10] =	vst.add.f32.msk $0xffff, v2  }
0x1bd: {  	[tilespmem:s4+$0x20] =	vst.add.f32.msk $0xffff, v3  }
.Ltmp12:
0x1be: {  	[tilespmem:s4+$0x30] =	vst.add.f32.msk $0xffff, v4;
	(pc) =	sbr.rel @p0 .LBB2_27-.Ltmp12, $4  }
0x1bf: {  	[tilespmem:s4+$0x40] =	vst.add.f32.msk $0xffff, v5  }
0x1c0: {  	[tilespmem:s4+$0x50] =	vst.add.f32.msk $0xffff, v6  }
0x1c1: {  	[tilespmem:s4+$0x0] =	vst.add.f32.msk $0xffff, v7  }
0x1c2: {  	s3 =	sadd.s32 $0x400, s3;
	[tilespmem:s4+$0x60] =	vst.add.f32.msk $0xffff, v1  }
0x1c3: {  	s30 =	sadd.s32 $0x1, s30  }
0x1c4: {  	p0 =	sne.s32 s30, $0x20  }
.Ltmp13:
0x1c5: {  	_ = 	snop;
	(pc) =	sbr.rel @p0 .LBB2_26-.Ltmp13, $2  }
0x1c6: {  	_ =	sdelay $0x2  }
0x1c7: {  	s29 =	sadd.s32 $0x1, s29  }
0x1c8: {  	s29 =	simm.s32 $0x0;
	s0 =	rddreg [dreg:$0x13]  }
0x1c9: {  	[hbm4b:s0+s29] =	stream.linear.scatter [tilespmem:s29], [sflag:$0x6], $0x6000, $0x38;
	[tilespmem:$0x1E000] =	vst v63  }
0x1ca: {  	_ =	swait.ge [sflag:s21], $0x6000  }
0x1cb: {  	[sflag:s21] =	ssyncset.done $0x0  }
0x1cc: {  	s31 =	rddreg [dreg:$0x16];
	[sflag:s21] =	ssyncadd.s32 $0xFFFFA000  }
0x1cd: {  	[tilespmem:s29], [sflag:$0x1] =	stream.linear.gather [hbm4b:s31+s29], $0x6000, $0x38;
	[tilespmem:$0x1E000] =	vst v63  }
0x1ce: {  	_ =	swait.ge [sflag:s22], $0x6000  }
0x1cf: {  	[sflag:s22] =	ssyncset.done $0x0  }
0x1d0: {  	s30 =	simm.s32 $0x0;
	[sflag:s22] =	ssyncadd.s32 $0xFFFFA000  }
.LBB2_30:
0x1d1: {  	s0 =	sand.u32 $0x7, s29  }
0x1d2: {  	s0 =	sshll.u32 s0, $0x9  }
0x1d3: {  	s31 =	sshrl.u32 s0, $0x2  }
0x1d4: {  	s4 =	sshrl.u32 s30, $0x3;
	v0 =	vmov s31  }
0x1d5: {  	s0 =	smul.u32 $0x6000, s4;
	_ =	sdelay $0x1  }
0x1d6: {  	s0 =	sshra.s32 s0, $0x2  }
0x1d7: {  	s3 =	sadd.s32 $0x18040, s0  }
0x1d8: {  	v1 =	vld.idx.msk [tilespmem:v0+s3+$0x30 ss:$0x1], $0xffff  }
0x1d9: {  	v2 =	vld.idx.msk [tilespmem:v0+s3+$0xFFFFFFD0 ss:$0x1], $0xffff  }
0x1da: {  	v3 =	vld.idx.msk [tilespmem:v0+s3+$0xFFFFFFE0 ss:$0x1], $0xffff  }
0x1db: {  	v4 =	vld.idx.msk [tilespmem:v0+s3+$0xFFFFFFF0 ss:$0x1], $0xffff  }
0x1dc: {  	v5 =	vld.idx.msk [tilespmem:v0+s3+$0x0 ss:$0x1], $0xffff  }
0x1dd: {  	s0 =	sadd.s32 $0x6000, s0;
	v6 =	vld.idx.msk [tilespmem:v0+s3+$0x10 ss:$0x1], $0xffff  }
0x1de: {  	s4 =	sadd.s32 s31, s0;
	v7 =	vld.idx.msk [tilespmem:v0+s3+$0xFFFFFFC0 ss:$0x1], $0xffff  }
0x1df: {  	[tilespmem:s4+$0x70] =	vst.add.f32.msk $0xffff, v1  }
0x1e0: {  	v1 =	vld.idx.msk [tilespmem:v0+s3+$0x20 ss:$0x1], $0xffff  }
0x1e1: {  	[tilespmem:s4+$0x10] =	vst.add.f32.msk $0xffff, v2  }
0x1e2: {  	[tilespmem:s4+$0x20] =	vst.add.f32.msk $0xffff, v3  }
0x1e3: {  	[tilespmem:s4+$0x30] =	vst.add.f32.msk $0xffff, v4  }
0x1e4: {  	[tilespmem:s4+$0x40] =	vst.add.f32.msk $0xffff, v5  }
0x1e5: {  	[tilespmem:s4+$0x50] =	vst.add.f32.msk $0xffff, v6  }
0x1e6: {  	[tilespmem:s4+$0x0] =	vst.add.f32.msk $0xffff, v7  }
0x1e7: {  	s2 =	simm.s32 $0x0;
	s3 =	sadd.s32 $0x400, s3;
	[tilespmem:s4+$0x60] =	vst.add.f32.msk $0xffff, v1  }
.LBB2_31:
0x1e8: {  	v1 =	vld.idx.msk [tilespmem:v0+s3+$0x30 ss:$0x1], $0xffff;
	s2 =	sadd.s32 $0x80, s2  }
0x1e9: {  	v2 =	vld.idx.msk [tilespmem:v0+s3+$0xFFFFFFD0 ss:$0x1], $0xffff;
	p0 =	slt.u32 s2, $0x280  }
0x1ea: {  	v3 =	vld.idx.msk [tilespmem:v0+s3+$0xFFFFFFE0 ss:$0x1], $0xffff  }
0x1eb: {  	v4 =	vld.idx.msk [tilespmem:v0+s3+$0xFFFFFFF0 ss:$0x1], $0xffff  }
0x1ec: {  	s0 =	sadd.s32 $0x400, s0;
	v5 =	vld.idx.msk [tilespmem:v0+s3+$0x0 ss:$0x1], $0xffff  }
0x1ed: {  	s4 =	sadd.s32 s31, s0;
	v6 =	vld.idx.msk [tilespmem:v0+s3+$0x10 ss:$0x1], $0xffff  }
0x1ee: {  	[tilespmem:s4+$0x70] =	vst.add.f32.msk $0xffff, v1  }
0x1ef: {  	v1 =	vld.idx.msk [tilespmem:v0+s3+$0x20 ss:$0x1], $0xffff  }
0x1f0: {  	v7 =	vld.idx.msk [tilespmem:v0+s3+$0xFFFFFFC0 ss:$0x1], $0xffff  }
0x1f1: {  	[tilespmem:s4+$0x10] =	vst.add.f32.msk $0xffff, v2  }
0x1f2: {  	[tilespmem:s4+$0x20] =	vst.add.f32.msk $0xffff, v3  }
.Ltmp14:
0x1f3: {  	[tilespmem:s4+$0x30] =	vst.add.f32.msk $0xffff, v4;
	(pc) =	sbr.rel @p0 .LBB2_31-.Ltmp14, $4  }
0x1f4: {  	[tilespmem:s4+$0x40] =	vst.add.f32.msk $0xffff, v5  }
0x1f5: {  	[tilespmem:s4+$0x50] =	vst.add.f32.msk $0xffff, v6  }
0x1f6: {  	[tilespmem:s4+$0x0] =	vst.add.f32.msk $0xffff, v7  }
0x1f7: {  	s3 =	sadd.s32 $0x400, s3;
	[tilespmem:s4+$0x60] =	vst.add.f32.msk $0xffff, v1  }
0x1f8: {  	s30 =	sadd.s32 $0x1, s30  }
0x1f9: {  	p0 =	sne.s32 s30, $0x20  }
.Ltmp15:
0x1fa: {  	_ = 	snop;
	(pc) =	sbr.rel @p0 .LBB2_30-.Ltmp15, $2  }
0x1fb: {  	_ =	sdelay $0x2  }
0x1fc: {  	s29 =	sadd.s32 $0x1, s29  }
0x1fd: {  	s29 =	simm.s32 $0x0;
	s0 =	rddreg [dreg:$0x1c]  }
0x1fe: {  	[tilespmem:s16], [sflag:$0x5] =	stream.linear.gather [hbm4b:s0+s29], $0x6000, $0x38;
	[tilespmem:$0x1E000] =	vst v63  }
0x1ff: {  	s4 =	rddreg [dreg:$0x14]  }
0x200: {  	[hbm4b:s4+s29] =	stream.linear.scatter [tilespmem:s17], [sflag:$0x7], $0x6000, $0x38;
	[tilespmem:$0x1E000] =	vst v63  }
0x201: {  	_ =	swait.ge [sflag:s23], $0x6000  }
0x202: {  	[sflag:s23] =	ssyncset.done $0x0  }
0x203: {  	s31 =	rddreg [dreg:$0x18];
	[sflag:s23] =	ssyncadd.s32 $0xFFFFA000  }
0x204: {  	[tilespmem:s17], [sflag:$0x2] =	stream.linear.gather [hbm4b:s31+s29], $0x6000, $0x38;
	[tilespmem:$0x1E000] =	vst v63  }
0x205: {  	_ =	swait.ge [sflag:s24], $0x6000  }
0x206: {  	[sflag:s24] =	ssyncset.done $0x0  }
0x207: {  	[sflag:s24] =	ssyncadd.s32 $0xFFFFA000  }
0x208: {  	_ =	swait.ge [sflag:s20], $0x6000  }
0x209: {  	[sflag:s20] =	ssyncset.done $0x0  }
0x20a: {  	s30 =	simm.s32 $0x0;
	[sflag:s20] =	ssyncadd.s32 $0xFFFFA000  }
.LBB2_34:
0x20b: {  	s0 =	sand.u32 $0x7, s29  }
0x20c: {  	s0 =	sshll.u32 s0, $0x9  }
0x20d: {  	s31 =	sshrl.u32 s0, $0x2  }
0x20e: {  	s4 =	sshrl.u32 s30, $0x3;
	v0 =	vmov s31  }
0x20f: {  	s0 =	smul.u32 $0x6000, s4;
	_ =	sdelay $0x1  }
0x210: {  	s0 =	sshra.s32 s0, $0x2  }
0x211: {  	s3 =	sadd.s32 $0x12040, s0  }
0x212: {  	v1 =	vld.idx.msk [tilespmem:v0+s3+$0x30 ss:$0x1], $0xffff  }
0x213: {  	v2 =	vld.idx.msk [tilespmem:v0+s3+$0xFFFFFFD0 ss:$0x1], $0xffff  }
0x214: {  	v3 =	vld.idx.msk [tilespmem:v0+s3+$0xFFFFFFE0 ss:$0x1], $0xffff  }
0x215: {  	v4 =	vld.idx.msk [tilespmem:v0+s3+$0xFFFFFFF0 ss:$0x1], $0xffff  }
0x216: {  	v5 =	vld.idx.msk [tilespmem:v0+s3+$0x0 ss:$0x1], $0xffff  }
0x217: {  	s0 =	sadd.s32 $0xC000, s0;
	v6 =	vld.idx.msk [tilespmem:v0+s3+$0x10 ss:$0x1], $0xffff  }
0x218: {  	s4 =	sadd.s32 s31, s0;
	v7 =	vld.idx.msk [tilespmem:v0+s3+$0xFFFFFFC0 ss:$0x1], $0xffff  }
0x219: {  	[tilespmem:s4+$0x70] =	vst.add.f32.msk $0xffff, v1  }
0x21a: {  	v1 =	vld.idx.msk [tilespmem:v0+s3+$0x20 ss:$0x1], $0xffff  }
0x21b: {  	[tilespmem:s4+$0x10] =	vst.add.f32.msk $0xffff, v2  }
0x21c: {  	[tilespmem:s4+$0x20] =	vst.add.f32.msk $0xffff, v3  }
0x21d: {  	[tilespmem:s4+$0x30] =	vst.add.f32.msk $0xffff, v4  }
0x21e: {  	[tilespmem:s4+$0x40] =	vst.add.f32.msk $0xffff, v5  }
0x21f: {  	[tilespmem:s4+$0x50] =	vst.add.f32.msk $0xffff, v6  }
0x220: {  	[tilespmem:s4+$0x0] =	vst.add.f32.msk $0xffff, v7  }
0x221: {  	s2 =	simm.s32 $0x0;
	s3 =	sadd.s32 $0x400, s3;
	[tilespmem:s4+$0x60] =	vst.add.f32.msk $0xffff, v1  }
.LBB2_35:
0x222: {  	v1 =	vld.idx.msk [tilespmem:v0+s3+$0x30 ss:$0x1], $0xffff;
	s2 =	sadd.s32 $0x80, s2  }
0x223: {  	v2 =	vld.idx.msk [tilespmem:v0+s3+$0xFFFFFFD0 ss:$0x1], $0xffff;
	p0 =	slt.u32 s2, $0x280  }
0x224: {  	v3 =	vld.idx.msk [tilespmem:v0+s3+$0xFFFFFFE0 ss:$0x1], $0xffff  }
0x225: {  	v4 =	vld.idx.msk [tilespmem:v0+s3+$0xFFFFFFF0 ss:$0x1], $0xffff  }
0x226: {  	s0 =	sadd.s32 $0x400, s0;
	v5 =	vld.idx.msk [tilespmem:v0+s3+$0x0 ss:$0x1], $0xffff  }
0x227: {  	s4 =	sadd.s32 s31, s0;
	v6 =	vld.idx.msk [tilespmem:v0+s3+$0x10 ss:$0x1], $0xffff  }
0x228: {  	[tilespmem:s4+$0x70] =	vst.add.f32.msk $0xffff, v1  }
0x229: {  	v1 =	vld.idx.msk [tilespmem:v0+s3+$0x20 ss:$0x1], $0xffff  }
0x22a: {  	v7 =	vld.idx.msk [tilespmem:v0+s3+$0xFFFFFFC0 ss:$0x1], $0xffff  }
0x22b: {  	[tilespmem:s4+$0x10] =	vst.add.f32.msk $0xffff, v2  }
0x22c: {  	[tilespmem:s4+$0x20] =	vst.add.f32.msk $0xffff, v3  }
.Ltmp16:
0x22d: {  	[tilespmem:s4+$0x30] =	vst.add.f32.msk $0xffff, v4;
	(pc) =	sbr.rel @p0 .LBB2_35-.Ltmp16, $4  }
0x22e: {  	[tilespmem:s4+$0x40] =	vst.add.f32.msk $0xffff, v5  }
0x22f: {  	[tilespmem:s4+$0x50] =	vst.add.f32.msk $0xffff, v6  }
0x230: {  	[tilespmem:s4+$0x0] =	vst.add.f32.msk $0xffff, v7  }
0x231: {  	s3 =	sadd.s32 $0x400, s3;
	[tilespmem:s4+$0x60] =	vst.add.f32.msk $0xffff, v1  }
0x232: {  	s30 =	sadd.s32 $0x1, s30  }
0x233: {  	p0 =	sne.s32 s30, $0x20  }
.Ltmp17:
0x234: {  	_ = 	snop;
	(pc) =	sbr.rel @p0 .LBB2_34-.Ltmp17, $2  }
0x235: {  	_ =	sdelay $0x2  }
0x236: {  	s29 =	sadd.s32 $0x1, s29  }
0x237: {  	s29 =	simm.s32 $0x0;
	s0 =	rddreg [dreg:$0x15]  }
0x238: {  	[hbm4b:s0+s29] =	stream.linear.scatter [tilespmem:s18], [sflag:$0x8], $0x6000, $0x38;
	[tilespmem:$0x1E000] =	vst v63  }
0x239: {  	_ =	swait.ge [sflag:s25], $0x6000  }
0x23a: {  	[sflag:s25] =	ssyncset.done $0x0  }
0x23b: {  	s31 =	rddreg [dreg:$0x1a];
	[sflag:s25] =	ssyncadd.s32 $0xFFFFA000  }
0x23c: {  	[tilespmem:s18], [sflag:$0x3] =	stream.linear.gather [hbm4b:s31+s29], $0x6000, $0x38;
	[tilespmem:$0x1E000] =	vst v63  }
0x23d: {  	_ =	swait.ge [sflag:s19], $0x6000  }
0x23e: {  	[sflag:s19] =	ssyncset.done $0x0  }
0x23f: {  	s30 =	simm.s32 $0x0;
	[sflag:s19] =	ssyncadd.s32 $0xFFFFA000  }
.LBB2_38:
0x240: {  	s0 =	sand.u32 $0x7, s29  }
0x241: {  	s0 =	sshll.u32 s0, $0x9  }
0x242: {  	s31 =	sshrl.u32 s0, $0x2  }
0x243: {  	s4 =	sshrl.u32 s30, $0x3;
	v0 =	vmov s31  }
0x244: {  	s0 =	smul.u32 $0x6000, s4;
	_ =	sdelay $0x1  }
0x245: {  	s0 =	sshra.s32 s0, $0x2  }
0x246: {  	s3 =	sadd.s32 $0x12040, s0  }
0x247: {  	v1 =	vld.idx.msk [tilespmem:v0+s3+$0x30 ss:$0x1], $0xffff  }
0x248: {  	v2 =	vld.idx.msk [tilespmem:v0+s3+$0xFFFFFFD0 ss:$0x1], $0xffff  }
0x249: {  	v3 =	vld.idx.msk [tilespmem:v0+s3+$0xFFFFFFE0 ss:$0x1], $0xffff  }
0x24a: {  	v4 =	vld.idx.msk [tilespmem:v0+s3+$0xFFFFFFF0 ss:$0x1], $0xffff  }
0x24b: {  	v5 =	vld.idx.msk [tilespmem:v0+s3+$0x0 ss:$0x1], $0xffff  }
0x24c: {  	v6 =	vld.idx.msk [tilespmem:v0+s3+$0x10 ss:$0x1], $0xffff  }
0x24d: {  	s4 =	sadd.s32 s31, s0;
	v7 =	vld.idx.msk [tilespmem:v0+s3+$0xFFFFFFC0 ss:$0x1], $0xffff  }
0x24e: {  	[tilespmem:s4+$0x70] =	vst.add.f32.msk $0xffff, v1  }
0x24f: {  	v1 =	vld.idx.msk [tilespmem:v0+s3+$0x20 ss:$0x1], $0xffff  }
0x250: {  	[tilespmem:s4+$0x10] =	vst.add.f32.msk $0xffff, v2  }
0x251: {  	[tilespmem:s4+$0x20] =	vst.add.f32.msk $0xffff, v3  }
0x252: {  	[tilespmem:s4+$0x30] =	vst.add.f32.msk $0xffff, v4  }
0x253: {  	[tilespmem:s4+$0x40] =	vst.add.f32.msk $0xffff, v5  }
0x254: {  	[tilespmem:s4+$0x50] =	vst.add.f32.msk $0xffff, v6  }
0x255: {  	[tilespmem:s4+$0x0] =	vst.add.f32.msk $0xffff, v7  }
0x256: {  	s2 =	simm.s32 $0x0;
	s3 =	sadd.s32 $0x400, s3;
	[tilespmem:s4+$0x60] =	vst.add.f32.msk $0xffff, v1  }
.LBB2_39:
0x257: {  	v1 =	vld.idx.msk [tilespmem:v0+s3+$0x30 ss:$0x1], $0xffff;
	s2 =	sadd.s32 $0x80, s2  }
0x258: {  	v2 =	vld.idx.msk [tilespmem:v0+s3+$0xFFFFFFD0 ss:$0x1], $0xffff;
	p0 =	slt.u32 s2, $0x280  }
0x259: {  	v3 =	vld.idx.msk [tilespmem:v0+s3+$0xFFFFFFE0 ss:$0x1], $0xffff  }
0x25a: {  	v4 =	vld.idx.msk [tilespmem:v0+s3+$0xFFFFFFF0 ss:$0x1], $0xffff  }
0x25b: {  	s0 =	sadd.s32 $0x400, s0;
	v5 =	vld.idx.msk [tilespmem:v0+s3+$0x0 ss:$0x1], $0xffff  }
0x25c: {  	s4 =	sadd.s32 s31, s0;
	v6 =	vld.idx.msk [tilespmem:v0+s3+$0x10 ss:$0x1], $0xffff  }
0x25d: {  	[tilespmem:s4+$0x70] =	vst.add.f32.msk $0xffff, v1  }
0x25e: {  	v1 =	vld.idx.msk [tilespmem:v0+s3+$0x20 ss:$0x1], $0xffff  }
0x25f: {  	v7 =	vld.idx.msk [tilespmem:v0+s3+$0xFFFFFFC0 ss:$0x1], $0xffff  }
0x260: {  	[tilespmem:s4+$0x10] =	vst.add.f32.msk $0xffff, v2  }
0x261: {  	[tilespmem:s4+$0x20] =	vst.add.f32.msk $0xffff, v3  }
.Ltmp18:
0x262: {  	[tilespmem:s4+$0x30] =	vst.add.f32.msk $0xffff, v4;
	(pc) =	sbr.rel @p0 .LBB2_39-.Ltmp18, $4  }
0x263: {  	[tilespmem:s4+$0x40] =	vst.add.f32.msk $0xffff, v5  }
0x264: {  	[tilespmem:s4+$0x50] =	vst.add.f32.msk $0xffff, v6  }
0x265: {  	[tilespmem:s4+$0x0] =	vst.add.f32.msk $0xffff, v7  }
0x266: {  	s3 =	sadd.s32 $0x400, s3;
	[tilespmem:s4+$0x60] =	vst.add.f32.msk $0xffff, v1  }
0x267: {  	s30 =	sadd.s32 $0x1, s30  }
0x268: {  	p0 =	sne.s32 s30, $0x20  }
.Ltmp19:
0x269: {  	_ = 	snop;
	(pc) =	sbr.rel @p0 .LBB2_38-.Ltmp19, $2  }
0x26a: {  	_ =	sdelay $0x2  }
0x26b: {  	s29 =	sadd.s32 $0x1, s29  }
0x26c: {  	s29 =	simm.s32 $0x0;
	s0 =	rddreg [dreg:$0x17]  }
0x26d: {  	[hbm4b:s0+s29] =	stream.linear.scatter [tilespmem:s29], [sflag:$0x6], $0x6000, $0x38;
	[tilespmem:$0x1E000] =	vst v63  }
0x26e: {  	_ =	swait.ge [sflag:s21], $0x6000  }
0x26f: {  	[sflag:s21] =	ssyncset.done $0x0  }
0x270: {  	s31 =	rddreg [dreg:$0x1d];
	[sflag:s21] =	ssyncadd.s32 $0xFFFFA000  }
0x271: {  	[tilespmem:s29], [sflag:$0x1] =	stream.linear.gather [hbm4b:s31+s29], $0x6000, $0x38;
	[tilespmem:$0x1E000] =	vst v63  }
0x272: {  	_ =	swait.ge [sflag:s22], $0x6000  }
0x273: {  	[sflag:s22] =	ssyncset.done $0x0  }
0x274: {  	s30 =	simm.s32 $0x0;
	[sflag:s22] =	ssyncadd.s32 $0xFFFFA000  }
.LBB2_42:
0x275: {  	s0 =	sand.u32 $0x7, s29  }
0x276: {  	s0 =	sshll.u32 s0, $0x9  }
0x277: {  	s31 =	sshrl.u32 s0, $0x2  }
0x278: {  	s4 =	sshrl.u32 s30, $0x3;
	v0 =	vmov s31  }
0x279: {  	s0 =	smul.u32 $0x6000, s4;
	_ =	sdelay $0x1  }
0x27a: {  	s0 =	sshra.s32 s0, $0x2  }
0x27b: {  	s3 =	sadd.s32 $0x12040, s0  }
0x27c: {  	v1 =	vld.idx.msk [tilespmem:v0+s3+$0x30 ss:$0x1], $0xffff  }
0x27d: {  	v2 =	vld.idx.msk [tilespmem:v0+s3+$0xFFFFFFD0 ss:$0x1], $0xffff  }
0x27e: {  	v3 =	vld.idx.msk [tilespmem:v0+s3+$0xFFFFFFE0 ss:$0x1], $0xffff  }
0x27f: {  	v4 =	vld.idx.msk [tilespmem:v0+s3+$0xFFFFFFF0 ss:$0x1], $0xffff  }
0x280: {  	v5 =	vld.idx.msk [tilespmem:v0+s3+$0x0 ss:$0x1], $0xffff  }
0x281: {  	s0 =	sadd.s32 $0x6000, s0;
	v6 =	vld.idx.msk [tilespmem:v0+s3+$0x10 ss:$0x1], $0xffff  }
0x282: {  	s4 =	sadd.s32 s31, s0;
	v7 =	vld.idx.msk [tilespmem:v0+s3+$0xFFFFFFC0 ss:$0x1], $0xffff  }
0x283: {  	[tilespmem:s4+$0x70] =	vst.add.f32.msk $0xffff, v1  }
0x284: {  	v1 =	vld.idx.msk [tilespmem:v0+s3+$0x20 ss:$0x1], $0xffff  }
0x285: {  	[tilespmem:s4+$0x10] =	vst.add.f32.msk $0xffff, v2  }
0x286: {  	[tilespmem:s4+$0x20] =	vst.add.f32.msk $0xffff, v3  }
0x287: {  	[tilespmem:s4+$0x30] =	vst.add.f32.msk $0xffff, v4  }
0x288: {  	[tilespmem:s4+$0x40] =	vst.add.f32.msk $0xffff, v5  }
0x289: {  	[tilespmem:s4+$0x50] =	vst.add.f32.msk $0xffff, v6  }
0x28a: {  	[tilespmem:s4+$0x0] =	vst.add.f32.msk $0xffff, v7  }
0x28b: {  	s2 =	simm.s32 $0x0;
	s3 =	sadd.s32 $0x400, s3;
	[tilespmem:s4+$0x60] =	vst.add.f32.msk $0xffff, v1  }
.LBB2_43:
0x28c: {  	v1 =	vld.idx.msk [tilespmem:v0+s3+$0x30 ss:$0x1], $0xffff;
	s2 =	sadd.s32 $0x80, s2  }
0x28d: {  	v2 =	vld.idx.msk [tilespmem:v0+s3+$0xFFFFFFD0 ss:$0x1], $0xffff;
	p0 =	slt.u32 s2, $0x280  }
0x28e: {  	v3 =	vld.idx.msk [tilespmem:v0+s3+$0xFFFFFFE0 ss:$0x1], $0xffff  }
0x28f: {  	v4 =	vld.idx.msk [tilespmem:v0+s3+$0xFFFFFFF0 ss:$0x1], $0xffff  }
0x290: {  	s0 =	sadd.s32 $0x400, s0;
	v5 =	vld.idx.msk [tilespmem:v0+s3+$0x0 ss:$0x1], $0xffff  }
0x291: {  	s4 =	sadd.s32 s31, s0;
	v6 =	vld.idx.msk [tilespmem:v0+s3+$0x10 ss:$0x1], $0xffff  }
0x292: {  	[tilespmem:s4+$0x70] =	vst.add.f32.msk $0xffff, v1  }
0x293: {  	v1 =	vld.idx.msk [tilespmem:v0+s3+$0x20 ss:$0x1], $0xffff  }
0x294: {  	v7 =	vld.idx.msk [tilespmem:v0+s3+$0xFFFFFFC0 ss:$0x1], $0xffff  }
0x295: {  	[tilespmem:s4+$0x10] =	vst.add.f32.msk $0xffff, v2  }
0x296: {  	[tilespmem:s4+$0x20] =	vst.add.f32.msk $0xffff, v3  }
.Ltmp20:
0x297: {  	[tilespmem:s4+$0x30] =	vst.add.f32.msk $0xffff, v4;
	(pc) =	sbr.rel @p0 .LBB2_43-.Ltmp20, $4  }
0x298: {  	[tilespmem:s4+$0x40] =	vst.add.f32.msk $0xffff, v5  }
0x299: {  	[tilespmem:s4+$0x50] =	vst.add.f32.msk $0xffff, v6  }
0x29a: {  	[tilespmem:s4+$0x0] =	vst.add.f32.msk $0xffff, v7  }
0x29b: {  	s3 =	sadd.s32 $0x400, s3;
	[tilespmem:s4+$0x60] =	vst.add.f32.msk $0xffff, v1  }
0x29c: {  	s30 =	sadd.s32 $0x1, s30  }
0x29d: {  	p0 =	sne.s32 s30, $0x20  }
.Ltmp21:
0x29e: {  	_ = 	snop;
	(pc) =	sbr.rel @p0 .LBB2_42-.Ltmp21, $2  }
0x29f: {  	_ =	sdelay $0x2  }
0x2a0: {  	s29 =	sadd.s32 $0x1, s29  }
0x2a1: {  	s29 =	simm.s32 $0x0;
	s0 =	rddreg [dreg:$0x19]  }
0x2a2: {  	[hbm4b:s0+s29] =	stream.linear.scatter [tilespmem:s17], [sflag:$0x7], $0x6000, $0x38;
	[tilespmem:$0x1E000] =	vst v63  }
0x2a3: {  	_ =	swait.ge [sflag:s23], $0x6000  }
0x2a4: {  	[sflag:s23] =	ssyncset.done $0x0  }
0x2a5: {  	s31 =	rddreg [dreg:$0x1f];
	[sflag:s23] =	ssyncadd.s32 $0xFFFFA000  }
0x2a6: {  	[tilespmem:s17], [sflag:$0x2] =	stream.linear.gather [hbm4b:s31+s29], $0x6000, $0x38;
	[tilespmem:$0x1E000] =	vst v63  }
0x2a7: {  	_ =	swait.ge [sflag:s24], $0x6000  }
0x2a8: {  	[sflag:s24] =	ssyncset.done $0x0  }
0x2a9: {  	s30 =	simm.s32 $0x0;
	[sflag:s24] =	ssyncadd.s32 $0xFFFFA000  }
.LBB2_46:
0x2aa: {  	s0 =	sand.u32 $0x7, s29  }
0x2ab: {  	s0 =	sshll.u32 s0, $0x9  }
0x2ac: {  	s31 =	sshrl.u32 s0, $0x2  }
0x2ad: {  	s4 =	sshrl.u32 s30, $0x3;
	v0 =	vmov s31  }
0x2ae: {  	s0 =	smul.u32 $0x6000, s4;
	_ =	sdelay $0x1  }
0x2af: {  	s0 =	sshra.s32 s0, $0x2  }
0x2b0: {  	s3 =	sadd.s32 $0x12040, s0  }
0x2b1: {  	v1 =	vld.idx.msk [tilespmem:v0+s3+$0x30 ss:$0x1], $0xffff  }
0x2b2: {  	v2 =	vld.idx.msk [tilespmem:v0+s3+$0xFFFFFFD0 ss:$0x1], $0xffff  }
0x2b3: {  	v3 =	vld.idx.msk [tilespmem:v0+s3+$0xFFFFFFE0 ss:$0x1], $0xffff  }
0x2b4: {  	v4 =	vld.idx.msk [tilespmem:v0+s3+$0xFFFFFFF0 ss:$0x1], $0xffff  }
0x2b5: {  	v5 =	vld.idx.msk [tilespmem:v0+s3+$0x0 ss:$0x1], $0xffff  }
0x2b6: {  	s0 =	sadd.s32 $0xC000, s0;
	v6 =	vld.idx.msk [tilespmem:v0+s3+$0x10 ss:$0x1], $0xffff  }
0x2b7: {  	s4 =	sadd.s32 s31, s0;
	v7 =	vld.idx.msk [tilespmem:v0+s3+$0xFFFFFFC0 ss:$0x1], $0xffff  }
0x2b8: {  	[tilespmem:s4+$0x70] =	vst.add.f32.msk $0xffff, v1  }
0x2b9: {  	v1 =	vld.idx.msk [tilespmem:v0+s3+$0x20 ss:$0x1], $0xffff  }
0x2ba: {  	[tilespmem:s4+$0x10] =	vst.add.f32.msk $0xffff, v2  }
0x2bb: {  	[tilespmem:s4+$0x20] =	vst.add.f32.msk $0xffff, v3  }
0x2bc: {  	[tilespmem:s4+$0x30] =	vst.add.f32.msk $0xffff, v4  }
0x2bd: {  	[tilespmem:s4+$0x40] =	vst.add.f32.msk $0xffff, v5  }
0x2be: {  	[tilespmem:s4+$0x50] =	vst.add.f32.msk $0xffff, v6  }
0x2bf: {  	[tilespmem:s4+$0x0] =	vst.add.f32.msk $0xffff, v7  }
0x2c0: {  	s2 =	simm.s32 $0x0;
	s3 =	sadd.s32 $0x400, s3;
	[tilespmem:s4+$0x60] =	vst.add.f32.msk $0xffff, v1  }
.LBB2_47:
0x2c1: {  	v1 =	vld.idx.msk [tilespmem:v0+s3+$0x30 ss:$0x1], $0xffff;
	s2 =	sadd.s32 $0x80, s2  }
0x2c2: {  	v2 =	vld.idx.msk [tilespmem:v0+s3+$0xFFFFFFD0 ss:$0x1], $0xffff;
	p0 =	slt.u32 s2, $0x280  }
0x2c3: {  	v3 =	vld.idx.msk [tilespmem:v0+s3+$0xFFFFFFE0 ss:$0x1], $0xffff  }
0x2c4: {  	v4 =	vld.idx.msk [tilespmem:v0+s3+$0xFFFFFFF0 ss:$0x1], $0xffff  }
0x2c5: {  	s0 =	sadd.s32 $0x400, s0;
	v5 =	vld.idx.msk [tilespmem:v0+s3+$0x0 ss:$0x1], $0xffff  }
0x2c6: {  	s4 =	sadd.s32 s31, s0;
	v6 =	vld.idx.msk [tilespmem:v0+s3+$0x10 ss:$0x1], $0xffff  }
0x2c7: {  	[tilespmem:s4+$0x70] =	vst.add.f32.msk $0xffff, v1  }
0x2c8: {  	v1 =	vld.idx.msk [tilespmem:v0+s3+$0x20 ss:$0x1], $0xffff  }
0x2c9: {  	v7 =	vld.idx.msk [tilespmem:v0+s3+$0xFFFFFFC0 ss:$0x1], $0xffff  }
0x2ca: {  	[tilespmem:s4+$0x10] =	vst.add.f32.msk $0xffff, v2  }
0x2cb: {  	[tilespmem:s4+$0x20] =	vst.add.f32.msk $0xffff, v3  }
.Ltmp22:
0x2cc: {  	[tilespmem:s4+$0x30] =	vst.add.f32.msk $0xffff, v4;
	(pc) =	sbr.rel @p0 .LBB2_47-.Ltmp22, $4  }
0x2cd: {  	[tilespmem:s4+$0x40] =	vst.add.f32.msk $0xffff, v5  }
0x2ce: {  	[tilespmem:s4+$0x50] =	vst.add.f32.msk $0xffff, v6  }
0x2cf: {  	[tilespmem:s4+$0x0] =	vst.add.f32.msk $0xffff, v7  }
0x2d0: {  	s3 =	sadd.s32 $0x400, s3;
	[tilespmem:s4+$0x60] =	vst.add.f32.msk $0xffff, v1  }
0x2d1: {  	s30 =	sadd.s32 $0x1, s30  }
0x2d2: {  	p0 =	sne.s32 s30, $0x20  }
.Ltmp23:
0x2d3: {  	_ = 	snop;
	(pc) =	sbr.rel @p0 .LBB2_46-.Ltmp23, $2  }
0x2d4: {  	_ =	sdelay $0x2  }
0x2d5: {  	s29 =	sadd.s32 $0x1, s29  }
0x2d6: {  	s0 =	sld [smem:$0x7E0];
	_ =	sdelay $0x1  }
0x2d7: {  	s29 =	simm.s32 $0x0  }
0x2d8: {  	[tilespmem:s15], [sflag:$0x4] =	stream.linear.gather [hbm4b:s0+s29], $0x6000, $0x38;
	[tilespmem:$0x1E000] =	vst v63  }
0x2d9: {  	s4 =	rddreg [dreg:$0x1b]  }
0x2da: {  	[hbm4b:s4+s29] =	stream.linear.scatter [tilespmem:s18], [sflag:$0x8], $0x6000, $0x38;
	[tilespmem:$0x1E000] =	vst v63  }
0x2db: {  	_ =	swait.ge [sflag:s25], $0x6000  }
0x2dc: {  	s31 =	sld [smem:$0x7DC]  }
0x2dd: {  	[sflag:s25] =	ssyncset.done $0x0  }
0x2de: {  	[sflag:s25] =	ssyncadd.s32 $0xFFFFA000  }
0x2df: {  	[tilespmem:s18], [sflag:$0x3] =	stream.linear.gather [hbm4b:s31+s29], $0x6000, $0x38;
	[tilespmem:$0x1E000] =	vst v63  }
0x2e0: {  	_ =	swait.ge [sflag:s19], $0x6000  }
0x2e1: {  	[sflag:s19] =	ssyncset.done $0x0  }
0x2e2: {  	[sflag:s19] =	ssyncadd.s32 $0xFFFFA000  }
0x2e3: {  	_ =	swait.ge [sflag:s26], $0x6000  }
0x2e4: {  	[sflag:s26] =	ssyncset.done $0x0  }
0x2e5: {  	s30 =	simm.s32 $0x0;
	[sflag:s26] =	ssyncadd.s32 $0xFFFFA000  }
.LBB2_50:
0x2e6: {  	s0 =	sand.u32 $0x7, s29  }
0x2e7: {  	s0 =	sshll.u32 s0, $0x9  }
0x2e8: {  	s31 =	sshrl.u32 s0, $0x2  }
0x2e9: {  	s4 =	sshrl.u32 s30, $0x3;
	v0 =	vmov s31  }
0x2ea: {  	s0 =	smul.u32 $0x6000, s4;
	_ =	sdelay $0x1  }
0x2eb: {  	s0 =	sshra.s32 s0, $0x2  }
0x2ec: {  	s3 =	sadd.s32 $0x18040, s0  }
0x2ed: {  	v1 =	vld.idx.msk [tilespmem:v0+s3+$0x30 ss:$0x1], $0xffff  }
0x2ee: {  	v2 =	vld.idx.msk [tilespmem:v0+s3+$0xFFFFFFD0 ss:$0x1], $0xffff  }
0x2ef: {  	v3 =	vld.idx.msk [tilespmem:v0+s3+$0xFFFFFFE0 ss:$0x1], $0xffff  }
0x2f0: {  	v4 =	vld.idx.msk [tilespmem:v0+s3+$0xFFFFFFF0 ss:$0x1], $0xffff  }
0x2f1: {  	v5 =	vld.idx.msk [tilespmem:v0+s3+$0x0 ss:$0x1], $0xffff  }
0x2f2: {  	v6 =	vld.idx.msk [tilespmem:v0+s3+$0x10 ss:$0x1], $0xffff  }
0x2f3: {  	s4 =	sadd.s32 s31, s0;
	v7 =	vld.idx.msk [tilespmem:v0+s3+$0xFFFFFFC0 ss:$0x1], $0xffff  }
0x2f4: {  	[tilespmem:s4+$0x70] =	vst.add.f32.msk $0xffff, v1  }
0x2f5: {  	v1 =	vld.idx.msk [tilespmem:v0+s3+$0x20 ss:$0x1], $0xffff  }
0x2f6: {  	[tilespmem:s4+$0x10] =	vst.add.f32.msk $0xffff, v2  }
0x2f7: {  	[tilespmem:s4+$0x20] =	vst.add.f32.msk $0xffff, v3  }
0x2f8: {  	[tilespmem:s4+$0x30] =	vst.add.f32.msk $0xffff, v4  }
0x2f9: {  	[tilespmem:s4+$0x40] =	vst.add.f32.msk $0xffff, v5  }
0x2fa: {  	[tilespmem:s4+$0x50] =	vst.add.f32.msk $0xffff, v6  }
0x2fb: {  	[tilespmem:s4+$0x0] =	vst.add.f32.msk $0xffff, v7  }
0x2fc: {  	s2 =	simm.s32 $0x0;
	s3 =	sadd.s32 $0x400, s3;
	[tilespmem:s4+$0x60] =	vst.add.f32.msk $0xffff, v1  }
.LBB2_51:
0x2fd: {  	v1 =	vld.idx.msk [tilespmem:v0+s3+$0x30 ss:$0x1], $0xffff;
	s2 =	sadd.s32 $0x80, s2  }
0x2fe: {  	v2 =	vld.idx.msk [tilespmem:v0+s3+$0xFFFFFFD0 ss:$0x1], $0xffff;
	p0 =	slt.u32 s2, $0x280  }
0x2ff: {  	v3 =	vld.idx.msk [tilespmem:v0+s3+$0xFFFFFFE0 ss:$0x1], $0xffff  }
0x300: {  	v4 =	vld.idx.msk [tilespmem:v0+s3+$0xFFFFFFF0 ss:$0x1], $0xffff  }
0x301: {  	s0 =	sadd.s32 $0x400, s0;
	v5 =	vld.idx.msk [tilespmem:v0+s3+$0x0 ss:$0x1], $0xffff  }
0x302: {  	s4 =	sadd.s32 s31, s0;
	v6 =	vld.idx.msk [tilespmem:v0+s3+$0x10 ss:$0x1], $0xffff  }
0x303: {  	[tilespmem:s4+$0x70] =	vst.add.f32.msk $0xffff, v1  }
0x304: {  	v1 =	vld.idx.msk [tilespmem:v0+s3+$0x20 ss:$0x1], $0xffff  }
0x305: {  	v7 =	vld.idx.msk [tilespmem:v0+s3+$0xFFFFFFC0 ss:$0x1], $0xffff  }
0x306: {  	[tilespmem:s4+$0x10] =	vst.add.f32.msk $0xffff, v2  }
0x307: {  	[tilespmem:s4+$0x20] =	vst.add.f32.msk $0xffff, v3  }
.Ltmp24:
0x308: {  	[tilespmem:s4+$0x30] =	vst.add.f32.msk $0xffff, v4;
	(pc) =	sbr.rel @p0 .LBB2_51-.Ltmp24, $4  }
0x309: {  	[tilespmem:s4+$0x40] =	vst.add.f32.msk $0xffff, v5  }
0x30a: {  	[tilespmem:s4+$0x50] =	vst.add.f32.msk $0xffff, v6  }
0x30b: {  	[tilespmem:s4+$0x0] =	vst.add.f32.msk $0xffff, v7  }
0x30c: {  	s3 =	sadd.s32 $0x400, s3;
	[tilespmem:s4+$0x60] =	vst.add.f32.msk $0xffff, v1  }
0x30d: {  	s30 =	sadd.s32 $0x1, s30  }
0x30e: {  	p0 =	sne.s32 s30, $0x20  }
.Ltmp25:
0x30f: {  	_ = 	snop;
	(pc) =	sbr.rel @p0 .LBB2_50-.Ltmp25, $2  }
0x310: {  	_ =	sdelay $0x2  }
0x311: {  	s29 =	sadd.s32 $0x1, s29  }
0x312: {  	s29 =	simm.s32 $0x0;
	s0 =	rddreg [dreg:$0x1e]  }
0x313: {  	[hbm4b:s0+s29] =	stream.linear.scatter [tilespmem:s29], [sflag:$0x6], $0x6000, $0x38;
	[tilespmem:$0x1E000] =	vst v63  }
0x314: {  	_ =	swait.ge [sflag:s21], $0x6000  }
0x315: {  	s31 =	sld [smem:$0x7DE]  }
0x316: {  	[sflag:s21] =	ssyncset.done $0x0  }
0x317: {  	[sflag:s21] =	ssyncadd.s32 $0xFFFFA000  }
0x318: {  	[tilespmem:s29], [sflag:$0x1] =	stream.linear.gather [hbm4b:s31+s29], $0x6000, $0x38;
	[tilespmem:$0x1E000] =	vst v63  }
0x319: {  	_ =	swait.ge [sflag:s22], $0x6000  }
0x31a: {  	[sflag:s22] =	ssyncset.done $0x0  }
0x31b: {  	s30 =	simm.s32 $0x0;
	[sflag:s22] =	ssyncadd.s32 $0xFFFFA000  }
.LBB2_54:
0x31c: {  	s0 =	sand.u32 $0x7, s29  }
0x31d: {  	s0 =	sshll.u32 s0, $0x9  }
0x31e: {  	s31 =	sshrl.u32 s0, $0x2  }
0x31f: {  	s4 =	sshrl.u32 s30, $0x3;
	v0 =	vmov s31  }
0x320: {  	s0 =	smul.u32 $0x6000, s4;
	_ =	sdelay $0x1  }
0x321: {  	s0 =	sshra.s32 s0, $0x2  }
0x322: {  	s3 =	sadd.s32 $0x18040, s0  }
0x323: {  	v1 =	vld.idx.msk [tilespmem:v0+s3+$0x30 ss:$0x1], $0xffff  }
0x324: {  	v2 =	vld.idx.msk [tilespmem:v0+s3+$0xFFFFFFD0 ss:$0x1], $0xffff  }
0x325: {  	v3 =	vld.idx.msk [tilespmem:v0+s3+$0xFFFFFFE0 ss:$0x1], $0xffff  }
0x326: {  	v4 =	vld.idx.msk [tilespmem:v0+s3+$0xFFFFFFF0 ss:$0x1], $0xffff  }
0x327: {  	v5 =	vld.idx.msk [tilespmem:v0+s3+$0x0 ss:$0x1], $0xffff  }
0x328: {  	s0 =	sadd.s32 $0x6000, s0;
	v6 =	vld.idx.msk [tilespmem:v0+s3+$0x10 ss:$0x1], $0xffff  }
0x329: {  	s4 =	sadd.s32 s31, s0;
	v7 =	vld.idx.msk [tilespmem:v0+s3+$0xFFFFFFC0 ss:$0x1], $0xffff  }
0x32a: {  	[tilespmem:s4+$0x70] =	vst.add.f32.msk $0xffff, v1  }
0x32b: {  	v1 =	vld.idx.msk [tilespmem:v0+s3+$0x20 ss:$0x1], $0xffff  }
0x32c: {  	[tilespmem:s4+$0x10] =	vst.add.f32.msk $0xffff, v2  }
0x32d: {  	[tilespmem:s4+$0x20] =	vst.add.f32.msk $0xffff, v3  }
0x32e: {  	[tilespmem:s4+$0x30] =	vst.add.f32.msk $0xffff, v4  }
0x32f: {  	[tilespmem:s4+$0x40] =	vst.add.f32.msk $0xffff, v5  }
0x330: {  	[tilespmem:s4+$0x50] =	vst.add.f32.msk $0xffff, v6  }
0x331: {  	[tilespmem:s4+$0x0] =	vst.add.f32.msk $0xffff, v7  }
0x332: {  	s2 =	simm.s32 $0x0;
	s3 =	sadd.s32 $0x400, s3;
	[tilespmem:s4+$0x60] =	vst.add.f32.msk $0xffff, v1  }
.LBB2_55:
0x333: {  	v1 =	vld.idx.msk [tilespmem:v0+s3+$0x30 ss:$0x1], $0xffff;
	s2 =	sadd.s32 $0x80, s2  }
0x334: {  	v2 =	vld.idx.msk [tilespmem:v0+s3+$0xFFFFFFD0 ss:$0x1], $0xffff;
	p0 =	slt.u32 s2, $0x280  }
0x335: {  	v3 =	vld.idx.msk [tilespmem:v0+s3+$0xFFFFFFE0 ss:$0x1], $0xffff  }
0x336: {  	v4 =	vld.idx.msk [tilespmem:v0+s3+$0xFFFFFFF0 ss:$0x1], $0xffff  }
0x337: {  	s0 =	sadd.s32 $0x400, s0;
	v5 =	vld.idx.msk [tilespmem:v0+s3+$0x0 ss:$0x1], $0xffff  }
0x338: {  	s4 =	sadd.s32 s31, s0;
	v6 =	vld.idx.msk [tilespmem:v0+s3+$0x10 ss:$0x1], $0xffff  }
0x339: {  	[tilespmem:s4+$0x70] =	vst.add.f32.msk $0xffff, v1  }
0x33a: {  	v1 =	vld.idx.msk [tilespmem:v0+s3+$0x20 ss:$0x1], $0xffff  }
0x33b: {  	v7 =	vld.idx.msk [tilespmem:v0+s3+$0xFFFFFFC0 ss:$0x1], $0xffff  }
0x33c: {  	[tilespmem:s4+$0x10] =	vst.add.f32.msk $0xffff, v2  }
0x33d: {  	[tilespmem:s4+$0x20] =	vst.add.f32.msk $0xffff, v3  }
.Ltmp26:
0x33e: {  	[tilespmem:s4+$0x30] =	vst.add.f32.msk $0xffff, v4;
	(pc) =	sbr.rel @p0 .LBB2_55-.Ltmp26, $4  }
0x33f: {  	[tilespmem:s4+$0x40] =	vst.add.f32.msk $0xffff, v5  }
0x340: {  	[tilespmem:s4+$0x50] =	vst.add.f32.msk $0xffff, v6  }
0x341: {  	[tilespmem:s4+$0x0] =	vst.add.f32.msk $0xffff, v7  }
0x342: {  	s3 =	sadd.s32 $0x400, s3;
	[tilespmem:s4+$0x60] =	vst.add.f32.msk $0xffff, v1  }
0x343: {  	s30 =	sadd.s32 $0x1, s30  }
0x344: {  	p0 =	sne.s32 s30, $0x20  }
.Ltmp27:
0x345: {  	_ = 	snop;
	(pc) =	sbr.rel @p0 .LBB2_54-.Ltmp27, $2  }
0x346: {  	_ =	sdelay $0x2  }
0x347: {  	s29 =	sadd.s32 $0x1, s29  }
0x348: {  	s0 =	sld [smem:$0x7DB];
	_ =	sdelay $0x1  }
0x349: {  	s29 =	simm.s32 $0x0  }
0x34a: {  	[hbm4b:s0+s29] =	stream.linear.scatter [tilespmem:s17], [sflag:$0x7], $0x6000, $0x38;
	[tilespmem:$0x1E000] =	vst v63  }
0x34b: {  	_ =	swait.ge [sflag:s23], $0x6000  }
0x34c: {  	s31 =	sld [smem:$0x7E1]  }
0x34d: {  	[sflag:s23] =	ssyncset.done $0x0  }
0x34e: {  	[sflag:s23] =	ssyncadd.s32 $0xFFFFA000  }
0x34f: {  	[tilespmem:s17], [sflag:$0x2] =	stream.linear.gather [hbm4b:s31+s29], $0x6000, $0x38;
	[tilespmem:$0x1E000] =	vst v63  }
0x350: {  	_ =	swait.ge [sflag:s24], $0x6000  }
0x351: {  	[sflag:s24] =	ssyncset.done $0x0  }
0x352: {  	s30 =	simm.s32 $0x0;
	[sflag:s24] =	ssyncadd.s32 $0xFFFFA000  }
.LBB2_58:
0x353: {  	s0 =	sand.u32 $0x7, s29  }
0x354: {  	s0 =	sshll.u32 s0, $0x9  }
0x355: {  	s31 =	sshrl.u32 s0, $0x2  }
0x356: {  	s4 =	sshrl.u32 s30, $0x3;
	v0 =	vmov s31  }
0x357: {  	s0 =	smul.u32 $0x6000, s4;
	_ =	sdelay $0x1  }
0x358: {  	s0 =	sshra.s32 s0, $0x2  }
0x359: {  	s3 =	sadd.s32 $0x18040, s0  }
0x35a: {  	v1 =	vld.idx.msk [tilespmem:v0+s3+$0x30 ss:$0x1], $0xffff  }
0x35b: {  	v2 =	vld.idx.msk [tilespmem:v0+s3+$0xFFFFFFD0 ss:$0x1], $0xffff  }
0x35c: {  	v3 =	vld.idx.msk [tilespmem:v0+s3+$0xFFFFFFE0 ss:$0x1], $0xffff  }
0x35d: {  	v4 =	vld.idx.msk [tilespmem:v0+s3+$0xFFFFFFF0 ss:$0x1], $0xffff  }
0x35e: {  	v5 =	vld.idx.msk [tilespmem:v0+s3+$0x0 ss:$0x1], $0xffff  }
0x35f: {  	s0 =	sadd.s32 $0xC000, s0;
	v6 =	vld.idx.msk [tilespmem:v0+s3+$0x10 ss:$0x1], $0xffff  }
0x360: {  	s4 =	sadd.s32 s31, s0;
	v7 =	vld.idx.msk [tilespmem:v0+s3+$0xFFFFFFC0 ss:$0x1], $0xffff  }
0x361: {  	[tilespmem:s4+$0x70] =	vst.add.f32.msk $0xffff, v1  }
0x362: {  	v1 =	vld.idx.msk [tilespmem:v0+s3+$0x20 ss:$0x1], $0xffff  }
0x363: {  	[tilespmem:s4+$0x10] =	vst.add.f32.msk $0xffff, v2  }
0x364: {  	[tilespmem:s4+$0x20] =	vst.add.f32.msk $0xffff, v3  }
0x365: {  	[tilespmem:s4+$0x30] =	vst.add.f32.msk $0xffff, v4  }
0x366: {  	[tilespmem:s4+$0x40] =	vst.add.f32.msk $0xffff, v5  }
0x367: {  	[tilespmem:s4+$0x50] =	vst.add.f32.msk $0xffff, v6  }
0x368: {  	[tilespmem:s4+$0x0] =	vst.add.f32.msk $0xffff, v7  }
0x369: {  	s2 =	simm.s32 $0x0;
	s3 =	sadd.s32 $0x400, s3;
	[tilespmem:s4+$0x60] =	vst.add.f32.msk $0xffff, v1  }
.LBB2_59:
0x36a: {  	v1 =	vld.idx.msk [tilespmem:v0+s3+$0x30 ss:$0x1], $0xffff;
	s2 =	sadd.s32 $0x80, s2  }
0x36b: {  	v2 =	vld.idx.msk [tilespmem:v0+s3+$0xFFFFFFD0 ss:$0x1], $0xffff;
	p0 =	slt.u32 s2, $0x280  }
0x36c: {  	v3 =	vld.idx.msk [tilespmem:v0+s3+$0xFFFFFFE0 ss:$0x1], $0xffff  }
0x36d: {  	v4 =	vld.idx.msk [tilespmem:v0+s3+$0xFFFFFFF0 ss:$0x1], $0xffff  }
0x36e: {  	s0 =	sadd.s32 $0x400, s0;
	v5 =	vld.idx.msk [tilespmem:v0+s3+$0x0 ss:$0x1], $0xffff  }
0x36f: {  	s4 =	sadd.s32 s31, s0;
	v6 =	vld.idx.msk [tilespmem:v0+s3+$0x10 ss:$0x1], $0xffff  }
0x370: {  	[tilespmem:s4+$0x70] =	vst.add.f32.msk $0xffff, v1  }
0x371: {  	v1 =	vld.idx.msk [tilespmem:v0+s3+$0x20 ss:$0x1], $0xffff  }
0x372: {  	v7 =	vld.idx.msk [tilespmem:v0+s3+$0xFFFFFFC0 ss:$0x1], $0xffff  }
0x373: {  	[tilespmem:s4+$0x10] =	vst.add.f32.msk $0xffff, v2  }
0x374: {  	[tilespmem:s4+$0x20] =	vst.add.f32.msk $0xffff, v3  }
.Ltmp28:
0x375: {  	[tilespmem:s4+$0x30] =	vst.add.f32.msk $0xffff, v4;
	(pc) =	sbr.rel @p0 .LBB2_59-.Ltmp28, $4  }
0x376: {  	[tilespmem:s4+$0x40] =	vst.add.f32.msk $0xffff, v5  }
0x377: {  	[tilespmem:s4+$0x50] =	vst.add.f32.msk $0xffff, v6  }
0x378: {  	[tilespmem:s4+$0x0] =	vst.add.f32.msk $0xffff, v7  }
0x379: {  	s3 =	sadd.s32 $0x400, s3;
	[tilespmem:s4+$0x60] =	vst.add.f32.msk $0xffff, v1  }
0x37a: {  	s30 =	sadd.s32 $0x1, s30  }
0x37b: {  	p0 =	sne.s32 s30, $0x20  }
.Ltmp29:
0x37c: {  	_ = 	snop;
	(pc) =	sbr.rel @p0 .LBB2_58-.Ltmp29, $2  }
0x37d: {  	_ =	sdelay $0x2  }
0x37e: {  	s29 =	sadd.s32 $0x1, s29  }
0x37f: {  	s0 =	sld [smem:$0x7DD];
	_ =	sdelay $0x1  }
0x380: {  	s29 =	simm.s32 $0x0  }
0x381: {  	[hbm4b:s0+s29] =	stream.linear.scatter [tilespmem:s18], [sflag:$0x8], $0x6000, $0x38;
	[tilespmem:$0x1E000] =	vst v63  }
0x382: {  	_ =	swait.ge [sflag:s25], $0x6000  }
0x383: {  	s31 =	sld [smem:$0x7E3]  }
0x384: {  	[sflag:s25] =	ssyncset.done $0x0  }
0x385: {  	[sflag:s25] =	ssyncadd.s32 $0xFFFFA000  }
0x386: {  	[tilespmem:s18], [sflag:$0x3] =	stream.linear.gather [hbm4b:s31+s29], $0x6000, $0x38;
	[tilespmem:$0x1E000] =	vst v63  }
0x387: {  	_ =	swait.ge [sflag:s19], $0x6000  }
0x388: {  	[sflag:s19] =	ssyncset.done $0x0  }
0x389: {  	s30 =	simm.s32 $0x0;
	[sflag:s19] =	ssyncadd.s32 $0xFFFFA000  }
.LBB2_62:
0x38a: {  	s0 =	sand.u32 $0x7, s29  }
0x38b: {  	s0 =	sshll.u32 s0, $0x9  }
0x38c: {  	s31 =	sshrl.u32 s0, $0x2  }
0x38d: {  	s4 =	sshrl.u32 s30, $0x3;
	v0 =	vmov s31  }
0x38e: {  	s0 =	smul.u32 $0x6000, s4;
	_ =	sdelay $0x1  }
0x38f: {  	s0 =	sshra.s32 s0, $0x2  }
0x390: {  	s3 =	sadd.s32 $0x18040, s0  }
0x391: {  	v1 =	vld.idx.msk [tilespmem:v0+s3+$0x30 ss:$0x1], $0xffff  }
0x392: {  	v2 =	vld.idx.msk [tilespmem:v0+s3+$0xFFFFFFD0 ss:$0x1], $0xffff  }
0x393: {  	v3 =	vld.idx.msk [tilespmem:v0+s3+$0xFFFFFFE0 ss:$0x1], $0xffff  }
0x394: {  	v4 =	vld.idx.msk [tilespmem:v0+s3+$0xFFFFFFF0 ss:$0x1], $0xffff  }
0x395: {  	v5 =	vld.idx.msk [tilespmem:v0+s3+$0x0 ss:$0x1], $0xffff  }
0x396: {  	v6 =	vld.idx.msk [tilespmem:v0+s3+$0x10 ss:$0x1], $0xffff  }
0x397: {  	s4 =	sadd.s32 s31, s0;
	v7 =	vld.idx.msk [tilespmem:v0+s3+$0xFFFFFFC0 ss:$0x1], $0xffff  }
0x398: {  	[tilespmem:s4+$0x70] =	vst.add.f32.msk $0xffff, v1  }
0x399: {  	v1 =	vld.idx.msk [tilespmem:v0+s3+$0x20 ss:$0x1], $0xffff  }
0x39a: {  	[tilespmem:s4+$0x10] =	vst.add.f32.msk $0xffff, v2  }
0x39b: {  	[tilespmem:s4+$0x20] =	vst.add.f32.msk $0xffff, v3  }
0x39c: {  	[tilespmem:s4+$0x30] =	vst.add.f32.msk $0xffff, v4  }
0x39d: {  	[tilespmem:s4+$0x40] =	vst.add.f32.msk $0xffff, v5  }
0x39e: {  	[tilespmem:s4+$0x50] =	vst.add.f32.msk $0xffff, v6  }
0x39f: {  	[tilespmem:s4+$0x0] =	vst.add.f32.msk $0xffff, v7  }
0x3a0: {  	s2 =	simm.s32 $0x0;
	s3 =	sadd.s32 $0x400, s3;
	[tilespmem:s4+$0x60] =	vst.add.f32.msk $0xffff, v1  }
.LBB2_63:
0x3a1: {  	v1 =	vld.idx.msk [tilespmem:v0+s3+$0x30 ss:$0x1], $0xffff;
	s2 =	sadd.s32 $0x80, s2  }
0x3a2: {  	v2 =	vld.idx.msk [tilespmem:v0+s3+$0xFFFFFFD0 ss:$0x1], $0xffff;
	p0 =	slt.u32 s2, $0x280  }
0x3a3: {  	v3 =	vld.idx.msk [tilespmem:v0+s3+$0xFFFFFFE0 ss:$0x1], $0xffff  }
0x3a4: {  	v4 =	vld.idx.msk [tilespmem:v0+s3+$0xFFFFFFF0 ss:$0x1], $0xffff  }
0x3a5: {  	s0 =	sadd.s32 $0x400, s0;
	v5 =	vld.idx.msk [tilespmem:v0+s3+$0x0 ss:$0x1], $0xffff  }
0x3a6: {  	s4 =	sadd.s32 s31, s0;
	v6 =	vld.idx.msk [tilespmem:v0+s3+$0x10 ss:$0x1], $0xffff  }
0x3a7: {  	[tilespmem:s4+$0x70] =	vst.add.f32.msk $0xffff, v1  }
0x3a8: {  	v1 =	vld.idx.msk [tilespmem:v0+s3+$0x20 ss:$0x1], $0xffff  }
0x3a9: {  	v7 =	vld.idx.msk [tilespmem:v0+s3+$0xFFFFFFC0 ss:$0x1], $0xffff  }
0x3aa: {  	[tilespmem:s4+$0x10] =	vst.add.f32.msk $0xffff, v2  }
0x3ab: {  	[tilespmem:s4+$0x20] =	vst.add.f32.msk $0xffff, v3  }
.Ltmp30:
0x3ac: {  	[tilespmem:s4+$0x30] =	vst.add.f32.msk $0xffff, v4;
	(pc) =	sbr.rel @p0 .LBB2_63-.Ltmp30, $4  }
0x3ad: {  	[tilespmem:s4+$0x40] =	vst.add.f32.msk $0xffff, v5  }
0x3ae: {  	[tilespmem:s4+$0x50] =	vst.add.f32.msk $0xffff, v6  }
0x3af: {  	[tilespmem:s4+$0x0] =	vst.add.f32.msk $0xffff, v7  }
0x3b0: {  	s3 =	sadd.s32 $0x400, s3;
	[tilespmem:s4+$0x60] =	vst.add.f32.msk $0xffff, v1  }
0x3b1: {  	s30 =	sadd.s32 $0x1, s30  }
0x3b2: {  	p0 =	sne.s32 s30, $0x20  }
.Ltmp31:
0x3b3: {  	_ = 	snop;
	(pc) =	sbr.rel @p0 .LBB2_62-.Ltmp31, $2  }
0x3b4: {  	_ =	sdelay $0x2  }
0x3b5: {  	s29 =	sadd.s32 $0x1, s29  }
0x3b6: {  	s0 =	sld [smem:$0x7E9];
	_ =	sdelay $0x1  }
0x3b7: {  	s29 =	simm.s32 $0x0;
	s4 =	sld [smem:$0x7DF]  }
0x3b8: {  	[tilespmem:s16], [sflag:$0x5] =	stream.linear.gather [hbm4b:s0+s29], $0x6000, $0x38;
	[tilespmem:$0x1E000] =	vst v63  }
0x3b9: {  	_ = 	snop  }
0x3ba: {  	[hbm4b:s4+s29] =	stream.linear.scatter [tilespmem:s29], [sflag:$0x6], $0x6000, $0x38;
	[tilespmem:$0x1E000] =	vst v63  }
0x3bb: {  	_ =	swait.ge [sflag:s21], $0x6000  }
0x3bc: {  	s31 =	sld [smem:$0x7E5]  }
0x3bd: {  	[sflag:s21] =	ssyncset.done $0x0  }
0x3be: {  	[sflag:s21] =	ssyncadd.s32 $0xFFFFA000  }
0x3bf: {  	[tilespmem:s29], [sflag:$0x1] =	stream.linear.gather [hbm4b:s31+s29], $0x6000, $0x38;
	[tilespmem:$0x1E000] =	vst v63  }
0x3c0: {  	_ =	swait.ge [sflag:s22], $0x6000  }
0x3c1: {  	[sflag:s22] =	ssyncset.done $0x0  }
0x3c2: {  	[sflag:s22] =	ssyncadd.s32 $0xFFFFA000  }
0x3c3: {  	_ =	swait.ge [sflag:s20], $0x6000  }
0x3c4: {  	[sflag:s20] =	ssyncset.done $0x0  }
0x3c5: {  	s30 =	simm.s32 $0x0;
	[sflag:s20] =	ssyncadd.s32 $0xFFFFA000  }
.LBB2_66:
0x3c6: {  	s0 =	sand.u32 $0x7, s29  }
0x3c7: {  	s0 =	sshll.u32 s0, $0x9  }
0x3c8: {  	s31 =	sshrl.u32 s0, $0x2  }
0x3c9: {  	s4 =	sshrl.u32 s30, $0x3;
	v0 =	vmov s31  }
0x3ca: {  	s0 =	smul.u32 $0x6000, s4;
	_ =	sdelay $0x1  }
0x3cb: {  	s0 =	sshra.s32 s0, $0x2  }
0x3cc: {  	s3 =	sadd.s32 $0x12040, s0  }
0x3cd: {  	v1 =	vld.idx.msk [tilespmem:v0+s3+$0x30 ss:$0x1], $0xffff  }
0x3ce: {  	v2 =	vld.idx.msk [tilespmem:v0+s3+$0xFFFFFFD0 ss:$0x1], $0xffff  }
0x3cf: {  	v3 =	vld.idx.msk [tilespmem:v0+s3+$0xFFFFFFE0 ss:$0x1], $0xffff  }
0x3d0: {  	v4 =	vld.idx.msk [tilespmem:v0+s3+$0xFFFFFFF0 ss:$0x1], $0xffff  }
0x3d1: {  	v5 =	vld.idx.msk [tilespmem:v0+s3+$0x0 ss:$0x1], $0xffff  }
0x3d2: {  	s0 =	sadd.s32 $0x6000, s0;
	v6 =	vld.idx.msk [tilespmem:v0+s3+$0x10 ss:$0x1], $0xffff  }
0x3d3: {  	s4 =	sadd.s32 s31, s0;
	v7 =	vld.idx.msk [tilespmem:v0+s3+$0xFFFFFFC0 ss:$0x1], $0xffff  }
0x3d4: {  	[tilespmem:s4+$0x70] =	vst.add.f32.msk $0xffff, v1  }
0x3d5: {  	v1 =	vld.idx.msk [tilespmem:v0+s3+$0x20 ss:$0x1], $0xffff  }
0x3d6: {  	[tilespmem:s4+$0x10] =	vst.add.f32.msk $0xffff, v2  }
0x3d7: {  	[tilespmem:s4+$0x20] =	vst.add.f32.msk $0xffff, v3  }
0x3d8: {  	[tilespmem:s4+$0x30] =	vst.add.f32.msk $0xffff, v4  }
0x3d9: {  	[tilespmem:s4+$0x40] =	vst.add.f32.msk $0xffff, v5  }
0x3da: {  	[tilespmem:s4+$0x50] =	vst.add.f32.msk $0xffff, v6  }
0x3db: {  	[tilespmem:s4+$0x0] =	vst.add.f32.msk $0xffff, v7  }
0x3dc: {  	s2 =	simm.s32 $0x0;
	s3 =	sadd.s32 $0x400, s3;
	[tilespmem:s4+$0x60] =	vst.add.f32.msk $0xffff, v1  }
.LBB2_67:
0x3dd: {  	v1 =	vld.idx.msk [tilespmem:v0+s3+$0x30 ss:$0x1], $0xffff;
	s2 =	sadd.s32 $0x80, s2  }
0x3de: {  	v2 =	vld.idx.msk [tilespmem:v0+s3+$0xFFFFFFD0 ss:$0x1], $0xffff;
	p0 =	slt.u32 s2, $0x280  }
0x3df: {  	v3 =	vld.idx.msk [tilespmem:v0+s3+$0xFFFFFFE0 ss:$0x1], $0xffff  }
0x3e0: {  	v4 =	vld.idx.msk [tilespmem:v0+s3+$0xFFFFFFF0 ss:$0x1], $0xffff  }
0x3e1: {  	s0 =	sadd.s32 $0x400, s0;
	v5 =	vld.idx.msk [tilespmem:v0+s3+$0x0 ss:$0x1], $0xffff  }
0x3e2: {  	s4 =	sadd.s32 s31, s0;
	v6 =	vld.idx.msk [tilespmem:v0+s3+$0x10 ss:$0x1], $0xffff  }
0x3e3: {  	[tilespmem:s4+$0x70] =	vst.add.f32.msk $0xffff, v1  }
0x3e4: {  	v1 =	vld.idx.msk [tilespmem:v0+s3+$0x20 ss:$0x1], $0xffff  }
0x3e5: {  	v7 =	vld.idx.msk [tilespmem:v0+s3+$0xFFFFFFC0 ss:$0x1], $0xffff  }
0x3e6: {  	[tilespmem:s4+$0x10] =	vst.add.f32.msk $0xffff, v2  }
0x3e7: {  	[tilespmem:s4+$0x20] =	vst.add.f32.msk $0xffff, v3  }
.Ltmp32:
0x3e8: {  	[tilespmem:s4+$0x30] =	vst.add.f32.msk $0xffff, v4;
	(pc) =	sbr.rel @p0 .LBB2_67-.Ltmp32, $4  }
0x3e9: {  	[tilespmem:s4+$0x40] =	vst.add.f32.msk $0xffff, v5  }
0x3ea: {  	[tilespmem:s4+$0x50] =	vst.add.f32.msk $0xffff, v6  }
0x3eb: {  	[tilespmem:s4+$0x0] =	vst.add.f32.msk $0xffff, v7  }
0x3ec: {  	s3 =	sadd.s32 $0x400, s3;
	[tilespmem:s4+$0x60] =	vst.add.f32.msk $0xffff, v1  }
0x3ed: {  	s30 =	sadd.s32 $0x1, s30  }
0x3ee: {  	p0 =	sne.s32 s30, $0x20  }
.Ltmp33:
0x3ef: {  	_ = 	snop;
	(pc) =	sbr.rel @p0 .LBB2_66-.Ltmp33, $2  }
0x3f0: {  	_ =	sdelay $0x2  }
0x3f1: {  	s29 =	sadd.s32 $0x1, s29  }
0x3f2: {  	s0 =	sld [smem:$0x7E2];
	_ =	sdelay $0x1  }
0x3f3: {  	s29 =	simm.s32 $0x0  }
0x3f4: {  	[hbm4b:s0+s29] =	stream.linear.scatter [tilespmem:s17], [sflag:$0x7], $0x6000, $0x38;
	[tilespmem:$0x1E000] =	vst v63  }
0x3f5: {  	_ =	swait.ge [sflag:s23], $0x6000  }
0x3f6: {  	s31 =	sld [smem:$0x7E7]  }
0x3f7: {  	[sflag:s23] =	ssyncset.done $0x0  }
0x3f8: {  	[sflag:s23] =	ssyncadd.s32 $0xFFFFA000  }
0x3f9: {  	[tilespmem:s17], [sflag:$0x2] =	stream.linear.gather [hbm4b:s31+s29], $0x6000, $0x38;
	[tilespmem:$0x1E000] =	vst v63  }
0x3fa: {  	_ =	swait.ge [sflag:s24], $0x6000  }
0x3fb: {  	[sflag:s24] =	ssyncset.done $0x0  }
0x3fc: {  	s30 =	simm.s32 $0x0;
	[sflag:s24] =	ssyncadd.s32 $0xFFFFA000  }
.LBB2_70:
0x3fd: {  	s0 =	sand.u32 $0x7, s29  }
0x3fe: {  	s0 =	sshll.u32 s0, $0x9  }
0x3ff: {  	s31 =	sshrl.u32 s0, $0x2  }
0x400: {  	s4 =	sshrl.u32 s30, $0x3;
	v0 =	vmov s31  }
0x401: {  	s0 =	smul.u32 $0x6000, s4;
	_ =	sdelay $0x1  }
0x402: {  	s0 =	sshra.s32 s0, $0x2  }
0x403: {  	s3 =	sadd.s32 $0x12040, s0  }
0x404: {  	v1 =	vld.idx.msk [tilespmem:v0+s3+$0x30 ss:$0x1], $0xffff  }
0x405: {  	v2 =	vld.idx.msk [tilespmem:v0+s3+$0xFFFFFFD0 ss:$0x1], $0xffff  }
0x406: {  	v3 =	vld.idx.msk [tilespmem:v0+s3+$0xFFFFFFE0 ss:$0x1], $0xffff  }
0x407: {  	v4 =	vld.idx.msk [tilespmem:v0+s3+$0xFFFFFFF0 ss:$0x1], $0xffff  }
0x408: {  	v5 =	vld.idx.msk [tilespmem:v0+s3+$0x0 ss:$0x1], $0xffff  }
0x409: {  	s0 =	sadd.s32 $0xC000, s0;
	v6 =	vld.idx.msk [tilespmem:v0+s3+$0x10 ss:$0x1], $0xffff  }
0x40a: {  	s4 =	sadd.s32 s31, s0;
	v7 =	vld.idx.msk [tilespmem:v0+s3+$0xFFFFFFC0 ss:$0x1], $0xffff  }
0x40b: {  	[tilespmem:s4+$0x70] =	vst.add.f32.msk $0xffff, v1  }
0x40c: {  	v1 =	vld.idx.msk [tilespmem:v0+s3+$0x20 ss:$0x1], $0xffff  }
0x40d: {  	[tilespmem:s4+$0x10] =	vst.add.f32.msk $0xffff, v2  }
0x40e: {  	[tilespmem:s4+$0x20] =	vst.add.f32.msk $0xffff, v3  }
0x40f: {  	[tilespmem:s4+$0x30] =	vst.add.f32.msk $0xffff, v4  }
0x410: {  	[tilespmem:s4+$0x40] =	vst.add.f32.msk $0xffff, v5  }
0x411: {  	[tilespmem:s4+$0x50] =	vst.add.f32.msk $0xffff, v6  }
0x412: {  	[tilespmem:s4+$0x0] =	vst.add.f32.msk $0xffff, v7  }
0x413: {  	s2 =	simm.s32 $0x0;
	s3 =	sadd.s32 $0x400, s3;
	[tilespmem:s4+$0x60] =	vst.add.f32.msk $0xffff, v1  }
.LBB2_71:
0x414: {  	v1 =	vld.idx.msk [tilespmem:v0+s3+$0x30 ss:$0x1], $0xffff;
	s2 =	sadd.s32 $0x80, s2  }
0x415: {  	v2 =	vld.idx.msk [tilespmem:v0+s3+$0xFFFFFFD0 ss:$0x1], $0xffff;
	p0 =	slt.u32 s2, $0x280  }
0x416: {  	v3 =	vld.idx.msk [tilespmem:v0+s3+$0xFFFFFFE0 ss:$0x1], $0xffff  }
0x417: {  	v4 =	vld.idx.msk [tilespmem:v0+s3+$0xFFFFFFF0 ss:$0x1], $0xffff  }
0x418: {  	s0 =	sadd.s32 $0x400, s0;
	v5 =	vld.idx.msk [tilespmem:v0+s3+$0x0 ss:$0x1], $0xffff  }
0x419: {  	s4 =	sadd.s32 s31, s0;
	v6 =	vld.idx.msk [tilespmem:v0+s3+$0x10 ss:$0x1], $0xffff  }
0x41a: {  	[tilespmem:s4+$0x70] =	vst.add.f32.msk $0xffff, v1  }
0x41b: {  	v1 =	vld.idx.msk [tilespmem:v0+s3+$0x20 ss:$0x1], $0xffff  }
0x41c: {  	v7 =	vld.idx.msk [tilespmem:v0+s3+$0xFFFFFFC0 ss:$0x1], $0xffff  }
0x41d: {  	[tilespmem:s4+$0x10] =	vst.add.f32.msk $0xffff, v2  }
0x41e: {  	[tilespmem:s4+$0x20] =	vst.add.f32.msk $0xffff, v3  }
.Ltmp34:
0x41f: {  	[tilespmem:s4+$0x30] =	vst.add.f32.msk $0xffff, v4;
	(pc) =	sbr.rel @p0 .LBB2_71-.Ltmp34, $4  }
0x420: {  	[tilespmem:s4+$0x40] =	vst.add.f32.msk $0xffff, v5  }
0x421: {  	[tilespmem:s4+$0x50] =	vst.add.f32.msk $0xffff, v6  }
0x422: {  	[tilespmem:s4+$0x0] =	vst.add.f32.msk $0xffff, v7  }
0x423: {  	s3 =	sadd.s32 $0x400, s3;
	[tilespmem:s4+$0x60] =	vst.add.f32.msk $0xffff, v1  }
0x424: {  	s30 =	sadd.s32 $0x1, s30  }
0x425: {  	p0 =	sne.s32 s30, $0x20  }
.Ltmp35:
0x426: {  	_ = 	snop;
	(pc) =	sbr.rel @p0 .LBB2_70-.Ltmp35, $2  }
0x427: {  	_ =	sdelay $0x2  }
0x428: {  	s29 =	sadd.s32 $0x1, s29  }
0x429: {  	s0 =	sld [smem:$0x7E4];
	_ =	sdelay $0x1  }
0x42a: {  	s29 =	simm.s32 $0x0  }
0x42b: {  	[hbm4b:s0+s29] =	stream.linear.scatter [tilespmem:s18], [sflag:$0x8], $0x6000, $0x38;
	[tilespmem:$0x1E000] =	vst v63  }
0x42c: {  	_ =	swait.ge [sflag:s25], $0x6000  }
0x42d: {  	s31 =	sld [smem:$0x7EA]  }
0x42e: {  	[sflag:s25] =	ssyncset.done $0x0  }
0x42f: {  	[sflag:s25] =	ssyncadd.s32 $0xFFFFA000  }
0x430: {  	[tilespmem:s18], [sflag:$0x3] =	stream.linear.gather [hbm4b:s31+s29], $0x6000, $0x38;
	[tilespmem:$0x1E000] =	vst v63  }
0x431: {  	_ =	swait.ge [sflag:s19], $0x6000  }
0x432: {  	[sflag:s19] =	ssyncset.done $0x0  }
0x433: {  	s30 =	simm.s32 $0x0;
	[sflag:s19] =	ssyncadd.s32 $0xFFFFA000  }
.LBB2_74:
0x434: {  	s0 =	sand.u32 $0x7, s29  }
0x435: {  	s0 =	sshll.u32 s0, $0x9  }
0x436: {  	s31 =	sshrl.u32 s0, $0x2  }
0x437: {  	s4 =	sshrl.u32 s30, $0x3;
	v0 =	vmov s31  }
0x438: {  	s0 =	smul.u32 $0x6000, s4;
	_ =	sdelay $0x1  }
0x439: {  	s0 =	sshra.s32 s0, $0x2  }
0x43a: {  	s3 =	sadd.s32 $0x12040, s0  }
0x43b: {  	v1 =	vld.idx.msk [tilespmem:v0+s3+$0x30 ss:$0x1], $0xffff  }
0x43c: {  	v2 =	vld.idx.msk [tilespmem:v0+s3+$0xFFFFFFD0 ss:$0x1], $0xffff  }
0x43d: {  	v3 =	vld.idx.msk [tilespmem:v0+s3+$0xFFFFFFE0 ss:$0x1], $0xffff  }
0x43e: {  	v4 =	vld.idx.msk [tilespmem:v0+s3+$0xFFFFFFF0 ss:$0x1], $0xffff  }
0x43f: {  	v5 =	vld.idx.msk [tilespmem:v0+s3+$0x0 ss:$0x1], $0xffff  }
0x440: {  	v6 =	vld.idx.msk [tilespmem:v0+s3+$0x10 ss:$0x1], $0xffff  }
0x441: {  	s4 =	sadd.s32 s31, s0;
	v7 =	vld.idx.msk [tilespmem:v0+s3+$0xFFFFFFC0 ss:$0x1], $0xffff  }
0x442: {  	[tilespmem:s4+$0x70] =	vst.add.f32.msk $0xffff, v1  }
0x443: {  	v1 =	vld.idx.msk [tilespmem:v0+s3+$0x20 ss:$0x1], $0xffff  }
0x444: {  	[tilespmem:s4+$0x10] =	vst.add.f32.msk $0xffff, v2  }
0x445: {  	[tilespmem:s4+$0x20] =	vst.add.f32.msk $0xffff, v3  }
0x446: {  	[tilespmem:s4+$0x30] =	vst.add.f32.msk $0xffff, v4  }
0x447: {  	[tilespmem:s4+$0x40] =	vst.add.f32.msk $0xffff, v5  }
0x448: {  	[tilespmem:s4+$0x50] =	vst.add.f32.msk $0xffff, v6  }
0x449: {  	[tilespmem:s4+$0x0] =	vst.add.f32.msk $0xffff, v7  }
0x44a: {  	s2 =	simm.s32 $0x0;
	s3 =	sadd.s32 $0x400, s3;
	[tilespmem:s4+$0x60] =	vst.add.f32.msk $0xffff, v1  }
.LBB2_75:
0x44b: {  	v1 =	vld.idx.msk [tilespmem:v0+s3+$0x30 ss:$0x1], $0xffff;
	s2 =	sadd.s32 $0x80, s2  }
0x44c: {  	v2 =	vld.idx.msk [tilespmem:v0+s3+$0xFFFFFFD0 ss:$0x1], $0xffff;
	p0 =	slt.u32 s2, $0x280  }
0x44d: {  	v3 =	vld.idx.msk [tilespmem:v0+s3+$0xFFFFFFE0 ss:$0x1], $0xffff  }
0x44e: {  	v4 =	vld.idx.msk [tilespmem:v0+s3+$0xFFFFFFF0 ss:$0x1], $0xffff  }
0x44f: {  	s0 =	sadd.s32 $0x400, s0;
	v5 =	vld.idx.msk [tilespmem:v0+s3+$0x0 ss:$0x1], $0xffff  }
0x450: {  	s4 =	sadd.s32 s31, s0;
	v6 =	vld.idx.msk [tilespmem:v0+s3+$0x10 ss:$0x1], $0xffff  }
0x451: {  	[tilespmem:s4+$0x70] =	vst.add.f32.msk $0xffff, v1  }
0x452: {  	v1 =	vld.idx.msk [tilespmem:v0+s3+$0x20 ss:$0x1], $0xffff  }
0x453: {  	v7 =	vld.idx.msk [tilespmem:v0+s3+$0xFFFFFFC0 ss:$0x1], $0xffff  }
0x454: {  	[tilespmem:s4+$0x10] =	vst.add.f32.msk $0xffff, v2  }
0x455: {  	[tilespmem:s4+$0x20] =	vst.add.f32.msk $0xffff, v3  }
.Ltmp36:
0x456: {  	[tilespmem:s4+$0x30] =	vst.add.f32.msk $0xffff, v4;
	(pc) =	sbr.rel @p0 .LBB2_75-.Ltmp36, $4  }
0x457: {  	[tilespmem:s4+$0x40] =	vst.add.f32.msk $0xffff, v5  }
0x458: {  	[tilespmem:s4+$0x50] =	vst.add.f32.msk $0xffff, v6  }
0x459: {  	[tilespmem:s4+$0x0] =	vst.add.f32.msk $0xffff, v7  }
0x45a: {  	s3 =	sadd.s32 $0x400, s3;
	[tilespmem:s4+$0x60] =	vst.add.f32.msk $0xffff, v1  }
0x45b: {  	s30 =	sadd.s32 $0x1, s30  }
0x45c: {  	p0 =	sne.s32 s30, $0x20  }
.Ltmp37:
0x45d: {  	_ = 	snop;
	(pc) =	sbr.rel @p0 .LBB2_74-.Ltmp37, $2  }
0x45e: {  	_ =	sdelay $0x2  }
0x45f: {  	s29 =	sadd.s32 $0x1, s29  }
0x460: {  	s0 =	sld [smem:$0x7E6];
	_ =	sdelay $0x1  }
0x461: {  	s29 =	simm.s32 $0x0  }
0x462: {  	[hbm4b:s0+s29] =	stream.linear.scatter [tilespmem:s29], [sflag:$0x6], $0x6000, $0x38;
	[tilespmem:$0x1E000] =	vst v63  }
0x463: {  	_ =	swait.ge [sflag:s21], $0x6000  }
0x464: {  	s31 =	sld [smem:$0x7EC]  }
0x465: {  	[sflag:s21] =	ssyncset.done $0x0  }
0x466: {  	[sflag:s21] =	ssyncadd.s32 $0xFFFFA000  }
0x467: {  	[tilespmem:s29], [sflag:$0x1] =	stream.linear.gather [hbm4b:s31+s29], $0x6000, $0x38;
	[tilespmem:$0x1E000] =	vst v63  }
0x468: {  	_ =	swait.ge [sflag:s22], $0x6000  }
0x469: {  	[sflag:s22] =	ssyncset.done $0x0  }
0x46a: {  	s30 =	simm.s32 $0x0;
	[sflag:s22] =	ssyncadd.s32 $0xFFFFA000  }
.LBB2_78:
0x46b: {  	s0 =	sand.u32 $0x7, s29  }
0x46c: {  	s0 =	sshll.u32 s0, $0x9  }
0x46d: {  	s31 =	sshrl.u32 s0, $0x2  }
0x46e: {  	s4 =	sshrl.u32 s30, $0x3;
	v0 =	vmov s31  }
0x46f: {  	s0 =	smul.u32 $0x6000, s4;
	_ =	sdelay $0x1  }
0x470: {  	s0 =	sshra.s32 s0, $0x2  }
0x471: {  	s3 =	sadd.s32 $0x12040, s0  }
0x472: {  	v1 =	vld.idx.msk [tilespmem:v0+s3+$0x30 ss:$0x1], $0xffff  }
0x473: {  	v2 =	vld.idx.msk [tilespmem:v0+s3+$0xFFFFFFD0 ss:$0x1], $0xffff  }
0x474: {  	v3 =	vld.idx.msk [tilespmem:v0+s3+$0xFFFFFFE0 ss:$0x1], $0xffff  }
0x475: {  	v4 =	vld.idx.msk [tilespmem:v0+s3+$0xFFFFFFF0 ss:$0x1], $0xffff  }
0x476: {  	v5 =	vld.idx.msk [tilespmem:v0+s3+$0x0 ss:$0x1], $0xffff  }
0x477: {  	s0 =	sadd.s32 $0x6000, s0;
	v6 =	vld.idx.msk [tilespmem:v0+s3+$0x10 ss:$0x1], $0xffff  }
0x478: {  	s4 =	sadd.s32 s31, s0;
	v7 =	vld.idx.msk [tilespmem:v0+s3+$0xFFFFFFC0 ss:$0x1], $0xffff  }
0x479: {  	[tilespmem:s4+$0x70] =	vst.add.f32.msk $0xffff, v1  }
0x47a: {  	v1 =	vld.idx.msk [tilespmem:v0+s3+$0x20 ss:$0x1], $0xffff  }
0x47b: {  	[tilespmem:s4+$0x10] =	vst.add.f32.msk $0xffff, v2  }
0x47c: {  	[tilespmem:s4+$0x20] =	vst.add.f32.msk $0xffff, v3  }
0x47d: {  	[tilespmem:s4+$0x30] =	vst.add.f32.msk $0xffff, v4  }
0x47e: {  	[tilespmem:s4+$0x40] =	vst.add.f32.msk $0xffff, v5  }
0x47f: {  	[tilespmem:s4+$0x50] =	vst.add.f32.msk $0xffff, v6  }
0x480: {  	[tilespmem:s4+$0x0] =	vst.add.f32.msk $0xffff, v7  }
0x481: {  	s2 =	simm.s32 $0x0;
	s3 =	sadd.s32 $0x400, s3;
	[tilespmem:s4+$0x60] =	vst.add.f32.msk $0xffff, v1  }
.LBB2_79:
0x482: {  	v1 =	vld.idx.msk [tilespmem:v0+s3+$0x30 ss:$0x1], $0xffff;
	s2 =	sadd.s32 $0x80, s2  }
0x483: {  	v2 =	vld.idx.msk [tilespmem:v0+s3+$0xFFFFFFD0 ss:$0x1], $0xffff;
	p0 =	slt.u32 s2, $0x280  }
0x484: {  	v3 =	vld.idx.msk [tilespmem:v0+s3+$0xFFFFFFE0 ss:$0x1], $0xffff  }
0x485: {  	v4 =	vld.idx.msk [tilespmem:v0+s3+$0xFFFFFFF0 ss:$0x1], $0xffff  }
0x486: {  	s0 =	sadd.s32 $0x400, s0;
	v5 =	vld.idx.msk [tilespmem:v0+s3+$0x0 ss:$0x1], $0xffff  }
0x487: {  	s4 =	sadd.s32 s31, s0;
	v6 =	vld.idx.msk [tilespmem:v0+s3+$0x10 ss:$0x1], $0xffff  }
0x488: {  	[tilespmem:s4+$0x70] =	vst.add.f32.msk $0xffff, v1  }
0x489: {  	v1 =	vld.idx.msk [tilespmem:v0+s3+$0x20 ss:$0x1], $0xffff  }
0x48a: {  	v7 =	vld.idx.msk [tilespmem:v0+s3+$0xFFFFFFC0 ss:$0x1], $0xffff  }
0x48b: {  	[tilespmem:s4+$0x10] =	vst.add.f32.msk $0xffff, v2  }
0x48c: {  	[tilespmem:s4+$0x20] =	vst.add.f32.msk $0xffff, v3  }
.Ltmp38:
0x48d: {  	[tilespmem:s4+$0x30] =	vst.add.f32.msk $0xffff, v4;
	(pc) =	sbr.rel @p0 .LBB2_79-.Ltmp38, $4  }
0x48e: {  	[tilespmem:s4+$0x40] =	vst.add.f32.msk $0xffff, v5  }
0x48f: {  	[tilespmem:s4+$0x50] =	vst.add.f32.msk $0xffff, v6  }
0x490: {  	[tilespmem:s4+$0x0] =	vst.add.f32.msk $0xffff, v7  }
0x491: {  	s3 =	sadd.s32 $0x400, s3;
	[tilespmem:s4+$0x60] =	vst.add.f32.msk $0xffff, v1  }
0x492: {  	s30 =	sadd.s32 $0x1, s30  }
0x493: {  	p0 =	sne.s32 s30, $0x20  }
.Ltmp39:
0x494: {  	_ = 	snop;
	(pc) =	sbr.rel @p0 .LBB2_78-.Ltmp39, $2  }
0x495: {  	_ =	sdelay $0x2  }
0x496: {  	s29 =	sadd.s32 $0x1, s29  }
0x497: {  	s0 =	sld [smem:$0x7F1];
	_ =	sdelay $0x1  }
0x498: {  	s29 =	simm.s32 $0x0;
	s4 =	sld [smem:$0x7E8]  }
0x499: {  	[tilespmem:s15], [sflag:$0x4] =	stream.linear.gather [hbm4b:s0+s29], $0x6000, $0x38;
	[tilespmem:$0x1E000] =	vst v63  }
0x49a: {  	_ = 	snop  }
0x49b: {  	[hbm4b:s4+s29] =	stream.linear.scatter [tilespmem:s17], [sflag:$0x7], $0x6000, $0x38;
	[tilespmem:$0x1E000] =	vst v63  }
0x49c: {  	_ =	swait.ge [sflag:s23], $0x6000  }
0x49d: {  	s31 =	sld [smem:$0x7EE]  }
0x49e: {  	[sflag:s23] =	ssyncset.done $0x0  }
0x49f: {  	[sflag:s23] =	ssyncadd.s32 $0xFFFFA000  }
0x4a0: {  	[tilespmem:s17], [sflag:$0x2] =	stream.linear.gather [hbm4b:s31+s29], $0x6000, $0x38;
	[tilespmem:$0x1E000] =	vst v63  }
0x4a1: {  	_ =	swait.ge [sflag:s24], $0x6000  }
0x4a2: {  	[sflag:s24] =	ssyncset.done $0x0  }
0x4a3: {  	[sflag:s24] =	ssyncadd.s32 $0xFFFFA000  }
0x4a4: {  	_ =	swait.ge [sflag:s26], $0x6000  }
0x4a5: {  	[sflag:s26] =	ssyncset.done $0x0  }
0x4a6: {  	s30 =	simm.s32 $0x0;
	[sflag:s26] =	ssyncadd.s32 $0xFFFFA000  }
.LBB2_82:
0x4a7: {  	s0 =	sand.u32 $0x7, s29  }
0x4a8: {  	s0 =	sshll.u32 s0, $0x9  }
0x4a9: {  	s31 =	sshrl.u32 s0, $0x2  }
0x4aa: {  	s4 =	sshrl.u32 s30, $0x3;
	v0 =	vmov s31  }
0x4ab: {  	s0 =	smul.u32 $0x6000, s4;
	_ =	sdelay $0x1  }
0x4ac: {  	s0 =	sshra.s32 s0, $0x2  }
0x4ad: {  	s3 =	sadd.s32 $0x18040, s0  }
0x4ae: {  	v1 =	vld.idx.msk [tilespmem:v0+s3+$0x30 ss:$0x1], $0xffff  }
0x4af: {  	v2 =	vld.idx.msk [tilespmem:v0+s3+$0xFFFFFFD0 ss:$0x1], $0xffff  }
0x4b0: {  	v3 =	vld.idx.msk [tilespmem:v0+s3+$0xFFFFFFE0 ss:$0x1], $0xffff  }
0x4b1: {  	v4 =	vld.idx.msk [tilespmem:v0+s3+$0xFFFFFFF0 ss:$0x1], $0xffff  }
0x4b2: {  	v5 =	vld.idx.msk [tilespmem:v0+s3+$0x0 ss:$0x1], $0xffff  }
0x4b3: {  	s0 =	sadd.s32 $0xC000, s0;
	v6 =	vld.idx.msk [tilespmem:v0+s3+$0x10 ss:$0x1], $0xffff  }
0x4b4: {  	s4 =	sadd.s32 s31, s0;
	v7 =	vld.idx.msk [tilespmem:v0+s3+$0xFFFFFFC0 ss:$0x1], $0xffff  }
0x4b5: {  	[tilespmem:s4+$0x70] =	vst.add.f32.msk $0xffff, v1  }
0x4b6: {  	v1 =	vld.idx.msk [tilespmem:v0+s3+$0x20 ss:$0x1], $0xffff  }
0x4b7: {  	[tilespmem:s4+$0x10] =	vst.add.f32.msk $0xffff, v2  }
0x4b8: {  	[tilespmem:s4+$0x20] =	vst.add.f32.msk $0xffff, v3  }
0x4b9: {  	[tilespmem:s4+$0x30] =	vst.add.f32.msk $0xffff, v4  }
0x4ba: {  	[tilespmem:s4+$0x40] =	vst.add.f32.msk $0xffff, v5  }
0x4bb: {  	[tilespmem:s4+$0x50] =	vst.add.f32.msk $0xffff, v6  }
0x4bc: {  	[tilespmem:s4+$0x0] =	vst.add.f32.msk $0xffff, v7  }
0x4bd: {  	s2 =	simm.s32 $0x0;
	s3 =	sadd.s32 $0x400, s3;
	[tilespmem:s4+$0x60] =	vst.add.f32.msk $0xffff, v1  }
.LBB2_83:
0x4be: {  	v1 =	vld.idx.msk [tilespmem:v0+s3+$0x30 ss:$0x1], $0xffff;
	s2 =	sadd.s32 $0x80, s2  }
0x4bf: {  	v2 =	vld.idx.msk [tilespmem:v0+s3+$0xFFFFFFD0 ss:$0x1], $0xffff;
	p0 =	slt.u32 s2, $0x280  }
0x4c0: {  	v3 =	vld.idx.msk [tilespmem:v0+s3+$0xFFFFFFE0 ss:$0x1], $0xffff  }
0x4c1: {  	v4 =	vld.idx.msk [tilespmem:v0+s3+$0xFFFFFFF0 ss:$0x1], $0xffff  }
0x4c2: {  	s0 =	sadd.s32 $0x400, s0;
	v5 =	vld.idx.msk [tilespmem:v0+s3+$0x0 ss:$0x1], $0xffff  }
0x4c3: {  	s4 =	sadd.s32 s31, s0;
	v6 =	vld.idx.msk [tilespmem:v0+s3+$0x10 ss:$0x1], $0xffff  }
0x4c4: {  	[tilespmem:s4+$0x70] =	vst.add.f32.msk $0xffff, v1  }
0x4c5: {  	v1 =	vld.idx.msk [tilespmem:v0+s3+$0x20 ss:$0x1], $0xffff  }
0x4c6: {  	v7 =	vld.idx.msk [tilespmem:v0+s3+$0xFFFFFFC0 ss:$0x1], $0xffff  }
0x4c7: {  	[tilespmem:s4+$0x10] =	vst.add.f32.msk $0xffff, v2  }
0x4c8: {  	[tilespmem:s4+$0x20] =	vst.add.f32.msk $0xffff, v3  }
.Ltmp40:
0x4c9: {  	[tilespmem:s4+$0x30] =	vst.add.f32.msk $0xffff, v4;
	(pc) =	sbr.rel @p0 .LBB2_83-.Ltmp40, $4  }
0x4ca: {  	[tilespmem:s4+$0x40] =	vst.add.f32.msk $0xffff, v5  }
0x4cb: {  	[tilespmem:s4+$0x50] =	vst.add.f32.msk $0xffff, v6  }
0x4cc: {  	[tilespmem:s4+$0x0] =	vst.add.f32.msk $0xffff, v7  }
0x4cd: {  	s3 =	sadd.s32 $0x400, s3;
	[tilespmem:s4+$0x60] =	vst.add.f32.msk $0xffff, v1  }
0x4ce: {  	s30 =	sadd.s32 $0x1, s30  }
0x4cf: {  	p0 =	sne.s32 s30, $0x20  }
.Ltmp41:
0x4d0: {  	_ = 	snop;
	(pc) =	sbr.rel @p0 .LBB2_82-.Ltmp41, $2  }
0x4d1: {  	_ =	sdelay $0x2  }
0x4d2: {  	s29 =	sadd.s32 $0x1, s29  }
0x4d3: {  	s0 =	sld [smem:$0x7EB];
	_ =	sdelay $0x1  }
0x4d4: {  	s29 =	simm.s32 $0x0  }
0x4d5: {  	[hbm4b:s0+s29] =	stream.linear.scatter [tilespmem:s18], [sflag:$0x8], $0x6000, $0x38;
	[tilespmem:$0x1E000] =	vst v63  }
0x4d6: {  	_ =	swait.ge [sflag:s25], $0x6000  }
0x4d7: {  	s31 =	sld [smem:$0x7F3]  }
0x4d8: {  	[sflag:s25] =	ssyncset.done $0x0  }
0x4d9: {  	[sflag:s25] =	ssyncadd.s32 $0xFFFFA000  }
0x4da: {  	[tilespmem:s18], [sflag:$0x3] =	stream.linear.gather [hbm4b:s31+s29], $0x6000, $0x38;
	[tilespmem:$0x1E000] =	vst v63  }
0x4db: {  	_ =	swait.ge [sflag:s19], $0x6000  }
0x4dc: {  	[sflag:s19] =	ssyncset.done $0x0  }
0x4dd: {  	s30 =	simm.s32 $0x0;
	[sflag:s19] =	ssyncadd.s32 $0xFFFFA000  }
.LBB2_86:
0x4de: {  	s0 =	sand.u32 $0x7, s29  }
0x4df: {  	s0 =	sshll.u32 s0, $0x9  }
0x4e0: {  	s31 =	sshrl.u32 s0, $0x2  }
0x4e1: {  	s4 =	sshrl.u32 s30, $0x3;
	v0 =	vmov s31  }
0x4e2: {  	s0 =	smul.u32 $0x6000, s4;
	_ =	sdelay $0x1  }
0x4e3: {  	s0 =	sshra.s32 s0, $0x2  }
0x4e4: {  	s3 =	sadd.s32 $0x18040, s0  }
0x4e5: {  	v1 =	vld.idx.msk [tilespmem:v0+s3+$0x30 ss:$0x1], $0xffff  }
0x4e6: {  	v2 =	vld.idx.msk [tilespmem:v0+s3+$0xFFFFFFD0 ss:$0x1], $0xffff  }
0x4e7: {  	v3 =	vld.idx.msk [tilespmem:v0+s3+$0xFFFFFFE0 ss:$0x1], $0xffff  }
0x4e8: {  	v4 =	vld.idx.msk [tilespmem:v0+s3+$0xFFFFFFF0 ss:$0x1], $0xffff  }
0x4e9: {  	v5 =	vld.idx.msk [tilespmem:v0+s3+$0x0 ss:$0x1], $0xffff  }
0x4ea: {  	v6 =	vld.idx.msk [tilespmem:v0+s3+$0x10 ss:$0x1], $0xffff  }
0x4eb: {  	s4 =	sadd.s32 s31, s0;
	v7 =	vld.idx.msk [tilespmem:v0+s3+$0xFFFFFFC0 ss:$0x1], $0xffff  }
0x4ec: {  	[tilespmem:s4+$0x70] =	vst.add.f32.msk $0xffff, v1  }
0x4ed: {  	v1 =	vld.idx.msk [tilespmem:v0+s3+$0x20 ss:$0x1], $0xffff  }
0x4ee: {  	[tilespmem:s4+$0x10] =	vst.add.f32.msk $0xffff, v2  }
0x4ef: {  	[tilespmem:s4+$0x20] =	vst.add.f32.msk $0xffff, v3  }
0x4f0: {  	[tilespmem:s4+$0x30] =	vst.add.f32.msk $0xffff, v4  }
0x4f1: {  	[tilespmem:s4+$0x40] =	vst.add.f32.msk $0xffff, v5  }
0x4f2: {  	[tilespmem:s4+$0x50] =	vst.add.f32.msk $0xffff, v6  }
0x4f3: {  	[tilespmem:s4+$0x0] =	vst.add.f32.msk $0xffff, v7  }
0x4f4: {  	s2 =	simm.s32 $0x0;
	s3 =	sadd.s32 $0x400, s3;
	[tilespmem:s4+$0x60] =	vst.add.f32.msk $0xffff, v1  }
.LBB2_87:
0x4f5: {  	v1 =	vld.idx.msk [tilespmem:v0+s3+$0x30 ss:$0x1], $0xffff;
	s2 =	sadd.s32 $0x80, s2  }
0x4f6: {  	v2 =	vld.idx.msk [tilespmem:v0+s3+$0xFFFFFFD0 ss:$0x1], $0xffff;
	p0 =	slt.u32 s2, $0x280  }
0x4f7: {  	v3 =	vld.idx.msk [tilespmem:v0+s3+$0xFFFFFFE0 ss:$0x1], $0xffff  }
0x4f8: {  	v4 =	vld.idx.msk [tilespmem:v0+s3+$0xFFFFFFF0 ss:$0x1], $0xffff  }
0x4f9: {  	s0 =	sadd.s32 $0x400, s0;
	v5 =	vld.idx.msk [tilespmem:v0+s3+$0x0 ss:$0x1], $0xffff  }
0x4fa: {  	s4 =	sadd.s32 s31, s0;
	v6 =	vld.idx.msk [tilespmem:v0+s3+$0x10 ss:$0x1], $0xffff  }
0x4fb: {  	[tilespmem:s4+$0x70] =	vst.add.f32.msk $0xffff, v1  }
0x4fc: {  	v1 =	vld.idx.msk [tilespmem:v0+s3+$0x20 ss:$0x1], $0xffff  }
0x4fd: {  	v7 =	vld.idx.msk [tilespmem:v0+s3+$0xFFFFFFC0 ss:$0x1], $0xffff  }
0x4fe: {  	[tilespmem:s4+$0x10] =	vst.add.f32.msk $0xffff, v2  }
0x4ff: {  	[tilespmem:s4+$0x20] =	vst.add.f32.msk $0xffff, v3  }
.Ltmp42:
0x500: {  	[tilespmem:s4+$0x30] =	vst.add.f32.msk $0xffff, v4;
	(pc) =	sbr.rel @p0 .LBB2_87-.Ltmp42, $4  }
0x501: {  	[tilespmem:s4+$0x40] =	vst.add.f32.msk $0xffff, v5  }
0x502: {  	[tilespmem:s4+$0x50] =	vst.add.f32.msk $0xffff, v6  }
0x503: {  	[tilespmem:s4+$0x0] =	vst.add.f32.msk $0xffff, v7  }
0x504: {  	s3 =	sadd.s32 $0x400, s3;
	[tilespmem:s4+$0x60] =	vst.add.f32.msk $0xffff, v1  }
0x505: {  	s30 =	sadd.s32 $0x1, s30  }
0x506: {  	p0 =	sne.s32 s30, $0x20  }
.Ltmp43:
0x507: {  	_ = 	snop;
	(pc) =	sbr.rel @p0 .LBB2_86-.Ltmp43, $2  }
0x508: {  	_ =	sdelay $0x2  }
0x509: {  	s29 =	sadd.s32 $0x1, s29  }
0x50a: {  	s0 =	sld [smem:$0x7ED];
	_ =	sdelay $0x1  }
0x50b: {  	s29 =	simm.s32 $0x0  }
0x50c: {  	[hbm4b:s0+s29] =	stream.linear.scatter [tilespmem:s29], [sflag:$0x6], $0x6000, $0x38;
	[tilespmem:$0x1E000] =	vst v63  }
0x50d: {  	_ =	swait.ge [sflag:s21], $0x6000  }
0x50e: {  	s31 =	sld [smem:$0x7F5]  }
0x50f: {  	[sflag:s21] =	ssyncset.done $0x0  }
0x510: {  	[sflag:s21] =	ssyncadd.s32 $0xFFFFA000  }
0x511: {  	[tilespmem:s29], [sflag:$0x1] =	stream.linear.gather [hbm4b:s31+s29], $0x6000, $0x38;
	[tilespmem:$0x1E000] =	vst v63  }
0x512: {  	_ =	swait.ge [sflag:s22], $0x6000  }
0x513: {  	[sflag:s22] =	ssyncset.done $0x0  }
0x514: {  	s30 =	simm.s32 $0x0;
	[sflag:s22] =	ssyncadd.s32 $0xFFFFA000  }
.LBB2_90:
0x515: {  	s0 =	sand.u32 $0x7, s29  }
0x516: {  	s0 =	sshll.u32 s0, $0x9  }
0x517: {  	s31 =	sshrl.u32 s0, $0x2  }
0x518: {  	s4 =	sshrl.u32 s30, $0x3;
	v0 =	vmov s31  }
0x519: {  	s0 =	smul.u32 $0x6000, s4;
	_ =	sdelay $0x1  }
0x51a: {  	s0 =	sshra.s32 s0, $0x2  }
0x51b: {  	s3 =	sadd.s32 $0x18040, s0  }
0x51c: {  	v1 =	vld.idx.msk [tilespmem:v0+s3+$0x30 ss:$0x1], $0xffff  }
0x51d: {  	v2 =	vld.idx.msk [tilespmem:v0+s3+$0xFFFFFFD0 ss:$0x1], $0xffff  }
0x51e: {  	v3 =	vld.idx.msk [tilespmem:v0+s3+$0xFFFFFFE0 ss:$0x1], $0xffff  }
0x51f: {  	v4 =	vld.idx.msk [tilespmem:v0+s3+$0xFFFFFFF0 ss:$0x1], $0xffff  }
0x520: {  	v5 =	vld.idx.msk [tilespmem:v0+s3+$0x0 ss:$0x1], $0xffff  }
0x521: {  	s0 =	sadd.s32 $0x6000, s0;
	v6 =	vld.idx.msk [tilespmem:v0+s3+$0x10 ss:$0x1], $0xffff  }
0x522: {  	s4 =	sadd.s32 s31, s0;
	v7 =	vld.idx.msk [tilespmem:v0+s3+$0xFFFFFFC0 ss:$0x1], $0xffff  }
0x523: {  	[tilespmem:s4+$0x70] =	vst.add.f32.msk $0xffff, v1  }
0x524: {  	v1 =	vld.idx.msk [tilespmem:v0+s3+$0x20 ss:$0x1], $0xffff  }
0x525: {  	[tilespmem:s4+$0x10] =	vst.add.f32.msk $0xffff, v2  }
0x526: {  	[tilespmem:s4+$0x20] =	vst.add.f32.msk $0xffff, v3  }
0x527: {  	[tilespmem:s4+$0x30] =	vst.add.f32.msk $0xffff, v4  }
0x528: {  	[tilespmem:s4+$0x40] =	vst.add.f32.msk $0xffff, v5  }
0x529: {  	[tilespmem:s4+$0x50] =	vst.add.f32.msk $0xffff, v6  }
0x52a: {  	[tilespmem:s4+$0x0] =	vst.add.f32.msk $0xffff, v7  }
0x52b: {  	s2 =	simm.s32 $0x0;
	s3 =	sadd.s32 $0x400, s3;
	[tilespmem:s4+$0x60] =	vst.add.f32.msk $0xffff, v1  }
.LBB2_91:
0x52c: {  	v1 =	vld.idx.msk [tilespmem:v0+s3+$0x30 ss:$0x1], $0xffff;
	s2 =	sadd.s32 $0x80, s2  }
0x52d: {  	v2 =	vld.idx.msk [tilespmem:v0+s3+$0xFFFFFFD0 ss:$0x1], $0xffff;
	p0 =	slt.u32 s2, $0x280  }
0x52e: {  	v3 =	vld.idx.msk [tilespmem:v0+s3+$0xFFFFFFE0 ss:$0x1], $0xffff  }
0x52f: {  	v4 =	vld.idx.msk [tilespmem:v0+s3+$0xFFFFFFF0 ss:$0x1], $0xffff  }
0x530: {  	s0 =	sadd.s32 $0x400, s0;
	v5 =	vld.idx.msk [tilespmem:v0+s3+$0x0 ss:$0x1], $0xffff  }
0x531: {  	s4 =	sadd.s32 s31, s0;
	v6 =	vld.idx.msk [tilespmem:v0+s3+$0x10 ss:$0x1], $0xffff  }
0x532: {  	[tilespmem:s4+$0x70] =	vst.add.f32.msk $0xffff, v1  }
0x533: {  	v1 =	vld.idx.msk [tilespmem:v0+s3+$0x20 ss:$0x1], $0xffff  }
0x534: {  	v7 =	vld.idx.msk [tilespmem:v0+s3+$0xFFFFFFC0 ss:$0x1], $0xffff  }
0x535: {  	[tilespmem:s4+$0x10] =	vst.add.f32.msk $0xffff, v2  }
0x536: {  	[tilespmem:s4+$0x20] =	vst.add.f32.msk $0xffff, v3  }
.Ltmp44:
0x537: {  	[tilespmem:s4+$0x30] =	vst.add.f32.msk $0xffff, v4;
	(pc) =	sbr.rel @p0 .LBB2_91-.Ltmp44, $4  }
0x538: {  	[tilespmem:s4+$0x40] =	vst.add.f32.msk $0xffff, v5  }
0x539: {  	[tilespmem:s4+$0x50] =	vst.add.f32.msk $0xffff, v6  }
0x53a: {  	[tilespmem:s4+$0x0] =	vst.add.f32.msk $0xffff, v7  }
0x53b: {  	s3 =	sadd.s32 $0x400, s3;
	[tilespmem:s4+$0x60] =	vst.add.f32.msk $0xffff, v1  }
0x53c: {  	s30 =	sadd.s32 $0x1, s30  }
0x53d: {  	p0 =	sne.s32 s30, $0x20  }
.Ltmp45:
0x53e: {  	_ = 	snop;
	(pc) =	sbr.rel @p0 .LBB2_90-.Ltmp45, $2  }
0x53f: {  	_ =	sdelay $0x2  }
0x540: {  	s29 =	sadd.s32 $0x1, s29  }
0x541: {  	s0 =	sld [smem:$0x7EF];
	_ =	sdelay $0x1  }
0x542: {  	s29 =	simm.s32 $0x0  }
0x543: {  	[hbm4b:s0+s29] =	stream.linear.scatter [tilespmem:s17], [sflag:$0x7], $0x6000, $0x38;
	[tilespmem:$0x1E000] =	vst v63  }
0x544: {  	_ =	swait.ge [sflag:s23], $0x6000  }
0x545: {  	s31 =	sld [smem:$0x7F7]  }
0x546: {  	[sflag:s23] =	ssyncset.done $0x0  }
0x547: {  	[sflag:s23] =	ssyncadd.s32 $0xFFFFA000  }
0x548: {  	[tilespmem:s17], [sflag:$0x2] =	stream.linear.gather [hbm4b:s31+s29], $0x6000, $0x38;
	[tilespmem:$0x1E000] =	vst v63  }
0x549: {  	_ =	swait.ge [sflag:s24], $0x6000  }
0x54a: {  	[sflag:s24] =	ssyncset.done $0x0  }
0x54b: {  	s30 =	simm.s32 $0x0;
	[sflag:s24] =	ssyncadd.s32 $0xFFFFA000  }
.LBB2_94:
0x54c: {  	s0 =	sand.u32 $0x7, s29  }
0x54d: {  	s0 =	sshll.u32 s0, $0x9  }
0x54e: {  	s31 =	sshrl.u32 s0, $0x2  }
0x54f: {  	s4 =	sshrl.u32 s30, $0x3;
	v0 =	vmov s31  }
0x550: {  	s0 =	smul.u32 $0x6000, s4;
	_ =	sdelay $0x1  }
0x551: {  	s0 =	sshra.s32 s0, $0x2  }
0x552: {  	s3 =	sadd.s32 $0x18040, s0  }
0x553: {  	v1 =	vld.idx.msk [tilespmem:v0+s3+$0x30 ss:$0x1], $0xffff  }
0x554: {  	v2 =	vld.idx.msk [tilespmem:v0+s3+$0xFFFFFFD0 ss:$0x1], $0xffff  }
0x555: {  	v3 =	vld.idx.msk [tilespmem:v0+s3+$0xFFFFFFE0 ss:$0x1], $0xffff  }
0x556: {  	v4 =	vld.idx.msk [tilespmem:v0+s3+$0xFFFFFFF0 ss:$0x1], $0xffff  }
0x557: {  	v5 =	vld.idx.msk [tilespmem:v0+s3+$0x0 ss:$0x1], $0xffff  }
0x558: {  	s0 =	sadd.s32 $0xC000, s0;
	v6 =	vld.idx.msk [tilespmem:v0+s3+$0x10 ss:$0x1], $0xffff  }
0x559: {  	s4 =	sadd.s32 s31, s0;
	v7 =	vld.idx.msk [tilespmem:v0+s3+$0xFFFFFFC0 ss:$0x1], $0xffff  }
0x55a: {  	[tilespmem:s4+$0x70] =	vst.add.f32.msk $0xffff, v1  }
0x55b: {  	v1 =	vld.idx.msk [tilespmem:v0+s3+$0x20 ss:$0x1], $0xffff  }
0x55c: {  	[tilespmem:s4+$0x10] =	vst.add.f32.msk $0xffff, v2  }
0x55d: {  	[tilespmem:s4+$0x20] =	vst.add.f32.msk $0xffff, v3  }
0x55e: {  	[tilespmem:s4+$0x30] =	vst.add.f32.msk $0xffff, v4  }
0x55f: {  	[tilespmem:s4+$0x40] =	vst.add.f32.msk $0xffff, v5  }
0x560: {  	[tilespmem:s4+$0x50] =	vst.add.f32.msk $0xffff, v6  }
0x561: {  	[tilespmem:s4+$0x0] =	vst.add.f32.msk $0xffff, v7  }
0x562: {  	s2 =	simm.s32 $0x0;
	s3 =	sadd.s32 $0x400, s3;
	[tilespmem:s4+$0x60] =	vst.add.f32.msk $0xffff, v1  }
.LBB2_95:
0x563: {  	v1 =	vld.idx.msk [tilespmem:v0+s3+$0x30 ss:$0x1], $0xffff;
	s2 =	sadd.s32 $0x80, s2  }
0x564: {  	v2 =	vld.idx.msk [tilespmem:v0+s3+$0xFFFFFFD0 ss:$0x1], $0xffff;
	p0 =	slt.u32 s2, $0x280  }
0x565: {  	v3 =	vld.idx.msk [tilespmem:v0+s3+$0xFFFFFFE0 ss:$0x1], $0xffff  }
0x566: {  	v4 =	vld.idx.msk [tilespmem:v0+s3+$0xFFFFFFF0 ss:$0x1], $0xffff  }
0x567: {  	s0 =	sadd.s32 $0x400, s0;
	v5 =	vld.idx.msk [tilespmem:v0+s3+$0x0 ss:$0x1], $0xffff  }
0x568: {  	s4 =	sadd.s32 s31, s0;
	v6 =	vld.idx.msk [tilespmem:v0+s3+$0x10 ss:$0x1], $0xffff  }
0x569: {  	[tilespmem:s4+$0x70] =	vst.add.f32.msk $0xffff, v1  }
0x56a: {  	v1 =	vld.idx.msk [tilespmem:v0+s3+$0x20 ss:$0x1], $0xffff  }
0x56b: {  	v7 =	vld.idx.msk [tilespmem:v0+s3+$0xFFFFFFC0 ss:$0x1], $0xffff  }
0x56c: {  	[tilespmem:s4+$0x10] =	vst.add.f32.msk $0xffff, v2  }
0x56d: {  	[tilespmem:s4+$0x20] =	vst.add.f32.msk $0xffff, v3  }
.Ltmp46:
0x56e: {  	[tilespmem:s4+$0x30] =	vst.add.f32.msk $0xffff, v4;
	(pc) =	sbr.rel @p0 .LBB2_95-.Ltmp46, $4  }
0x56f: {  	[tilespmem:s4+$0x40] =	vst.add.f32.msk $0xffff, v5  }
0x570: {  	[tilespmem:s4+$0x50] =	vst.add.f32.msk $0xffff, v6  }
0x571: {  	[tilespmem:s4+$0x0] =	vst.add.f32.msk $0xffff, v7  }
0x572: {  	s3 =	sadd.s32 $0x400, s3;
	[tilespmem:s4+$0x60] =	vst.add.f32.msk $0xffff, v1  }
0x573: {  	s30 =	sadd.s32 $0x1, s30  }
0x574: {  	p0 =	sne.s32 s30, $0x20  }
.Ltmp47:
0x575: {  	_ = 	snop;
	(pc) =	sbr.rel @p0 .LBB2_94-.Ltmp47, $2  }
0x576: {  	_ =	sdelay $0x2  }
0x577: {  	s29 =	sadd.s32 $0x1, s29  }
0x578: {  	s0 =	sld [smem:$0x7F2];
	_ =	sdelay $0x1  }
0x579: {  	s29 =	simm.s32 $0x0;
	s4 =	sld [smem:$0x7F4]  }
0x57a: {  	[tilespmem:s16], [sflag:$0x5] =	stream.linear.gather [hbm4b:s0+s29], $0x6000, $0x38;
	[tilespmem:$0x1E000] =	vst v63  }
0x57b: {  	_ = 	snop  }
0x57c: {  	[hbm4b:s4+s29] =	stream.linear.scatter [tilespmem:s18], [sflag:$0x8], $0x6000, $0x38;
	[tilespmem:$0x1E000] =	vst v63  }
0x57d: {  	_ =	swait.ge [sflag:s25], $0x6000  }
0x57e: {  	s31 =	sld [smem:$0x7F9]  }
0x57f: {  	[sflag:s25] =	ssyncset.done $0x0  }
0x580: {  	[sflag:s25] =	ssyncadd.s32 $0xFFFFA000  }
0x581: {  	[tilespmem:s18], [sflag:$0x3] =	stream.linear.gather [hbm4b:s31+s29], $0x6000, $0x38;
	[tilespmem:$0x1E000] =	vst v63  }
0x582: {  	_ =	swait.ge [sflag:s19], $0x6000  }
0x583: {  	[sflag:s19] =	ssyncset.done $0x0  }
0x584: {  	[sflag:s19] =	ssyncadd.s32 $0xFFFFA000  }
0x585: {  	_ =	swait.ge [sflag:s20], $0x6000  }
0x586: {  	[sflag:s20] =	ssyncset.done $0x0  }
0x587: {  	s30 =	simm.s32 $0x0;
	[sflag:s20] =	ssyncadd.s32 $0xFFFFA000  }
.LBB2_98:
0x588: {  	s0 =	sand.u32 $0x7, s29  }
0x589: {  	s0 =	sshll.u32 s0, $0x9  }
0x58a: {  	s31 =	sshrl.u32 s0, $0x2  }
0x58b: {  	s4 =	sshrl.u32 s30, $0x3;
	v0 =	vmov s31  }
0x58c: {  	s0 =	smul.u32 $0x6000, s4;
	_ =	sdelay $0x1  }
0x58d: {  	s0 =	sshra.s32 s0, $0x2  }
0x58e: {  	s3 =	sadd.s32 $0x12040, s0  }
0x58f: {  	v1 =	vld.idx.msk [tilespmem:v0+s3+$0x30 ss:$0x1], $0xffff  }
0x590: {  	v2 =	vld.idx.msk [tilespmem:v0+s3+$0xFFFFFFD0 ss:$0x1], $0xffff  }
0x591: {  	v3 =	vld.idx.msk [tilespmem:v0+s3+$0xFFFFFFE0 ss:$0x1], $0xffff  }
0x592: {  	v4 =	vld.idx.msk [tilespmem:v0+s3+$0xFFFFFFF0 ss:$0x1], $0xffff  }
0x593: {  	v5 =	vld.idx.msk [tilespmem:v0+s3+$0x0 ss:$0x1], $0xffff  }
0x594: {  	v6 =	vld.idx.msk [tilespmem:v0+s3+$0x10 ss:$0x1], $0xffff  }
0x595: {  	s4 =	sadd.s32 s31, s0;
	v7 =	vld.idx.msk [tilespmem:v0+s3+$0xFFFFFFC0 ss:$0x1], $0xffff  }
0x596: {  	[tilespmem:s4+$0x70] =	vst.add.f32.msk $0xffff, v1  }
0x597: {  	v1 =	vld.idx.msk [tilespmem:v0+s3+$0x20 ss:$0x1], $0xffff  }
0x598: {  	[tilespmem:s4+$0x10] =	vst.add.f32.msk $0xffff, v2  }
0x599: {  	[tilespmem:s4+$0x20] =	vst.add.f32.msk $0xffff, v3  }
0x59a: {  	[tilespmem:s4+$0x30] =	vst.add.f32.msk $0xffff, v4  }
0x59b: {  	[tilespmem:s4+$0x40] =	vst.add.f32.msk $0xffff, v5  }
0x59c: {  	[tilespmem:s4+$0x50] =	vst.add.f32.msk $0xffff, v6  }
0x59d: {  	[tilespmem:s4+$0x0] =	vst.add.f32.msk $0xffff, v7  }
0x59e: {  	s2 =	simm.s32 $0x0;
	s3 =	sadd.s32 $0x400, s3;
	[tilespmem:s4+$0x60] =	vst.add.f32.msk $0xffff, v1  }
.LBB2_99:
0x59f: {  	v1 =	vld.idx.msk [tilespmem:v0+s3+$0x30 ss:$0x1], $0xffff;
	s2 =	sadd.s32 $0x80, s2  }
0x5a0: {  	v2 =	vld.idx.msk [tilespmem:v0+s3+$0xFFFFFFD0 ss:$0x1], $0xffff;
	p0 =	slt.u32 s2, $0x280  }
0x5a1: {  	v3 =	vld.idx.msk [tilespmem:v0+s3+$0xFFFFFFE0 ss:$0x1], $0xffff  }
0x5a2: {  	v4 =	vld.idx.msk [tilespmem:v0+s3+$0xFFFFFFF0 ss:$0x1], $0xffff  }
0x5a3: {  	s0 =	sadd.s32 $0x400, s0;
	v5 =	vld.idx.msk [tilespmem:v0+s3+$0x0 ss:$0x1], $0xffff  }
0x5a4: {  	s4 =	sadd.s32 s31, s0;
	v6 =	vld.idx.msk [tilespmem:v0+s3+$0x10 ss:$0x1], $0xffff  }
0x5a5: {  	[tilespmem:s4+$0x70] =	vst.add.f32.msk $0xffff, v1  }
0x5a6: {  	v1 =	vld.idx.msk [tilespmem:v0+s3+$0x20 ss:$0x1], $0xffff  }
0x5a7: {  	v7 =	vld.idx.msk [tilespmem:v0+s3+$0xFFFFFFC0 ss:$0x1], $0xffff  }
0x5a8: {  	[tilespmem:s4+$0x10] =	vst.add.f32.msk $0xffff, v2  }
0x5a9: {  	[tilespmem:s4+$0x20] =	vst.add.f32.msk $0xffff, v3  }
.Ltmp48:
0x5aa: {  	[tilespmem:s4+$0x30] =	vst.add.f32.msk $0xffff, v4;
	(pc) =	sbr.rel @p0 .LBB2_99-.Ltmp48, $4  }
0x5ab: {  	[tilespmem:s4+$0x40] =	vst.add.f32.msk $0xffff, v5  }
0x5ac: {  	[tilespmem:s4+$0x50] =	vst.add.f32.msk $0xffff, v6  }
0x5ad: {  	[tilespmem:s4+$0x0] =	vst.add.f32.msk $0xffff, v7  }
0x5ae: {  	s3 =	sadd.s32 $0x400, s3;
	[tilespmem:s4+$0x60] =	vst.add.f32.msk $0xffff, v1  }
0x5af: {  	s30 =	sadd.s32 $0x1, s30  }
0x5b0: {  	p0 =	sne.s32 s30, $0x20  }
.Ltmp49:
0x5b1: {  	_ = 	snop;
	(pc) =	sbr.rel @p0 .LBB2_98-.Ltmp49, $2  }
0x5b2: {  	_ =	sdelay $0x2  }
0x5b3: {  	s29 =	sadd.s32 $0x1, s29  }
0x5b4: {  	s0 =	sld [smem:$0x7F6];
	_ =	sdelay $0x1  }
0x5b5: {  	s29 =	simm.s32 $0x0  }
0x5b6: {  	[hbm4b:s0+s29] =	stream.linear.scatter [tilespmem:s29], [sflag:$0x6], $0x6000, $0x38;
	[tilespmem:$0x1E000] =	vst v63  }
0x5b7: {  	_ =	swait.ge [sflag:s21], $0x6000  }
0x5b8: {  	s31 =	sld [smem:$0x7FB]  }
0x5b9: {  	[sflag:s21] =	ssyncset.done $0x0  }
0x5ba: {  	[sflag:s21] =	ssyncadd.s32 $0xFFFFA000  }
0x5bb: {  	[tilespmem:s29], [sflag:$0x1] =	stream.linear.gather [hbm4b:s31+s29], $0x6000, $0x38;
	[tilespmem:$0x1E000] =	vst v63  }
0x5bc: {  	_ =	swait.ge [sflag:s22], $0x6000  }
0x5bd: {  	[sflag:s22] =	ssyncset.done $0x0  }
0x5be: {  	s30 =	simm.s32 $0x0;
	[sflag:s22] =	ssyncadd.s32 $0xFFFFA000  }
.LBB2_102:
0x5bf: {  	s0 =	sand.u32 $0x7, s29  }
0x5c0: {  	s0 =	sshll.u32 s0, $0x9  }
0x5c1: {  	s31 =	sshrl.u32 s0, $0x2  }
0x5c2: {  	s4 =	sshrl.u32 s30, $0x3;
	v0 =	vmov s31  }
0x5c3: {  	s0 =	smul.u32 $0x6000, s4;
	_ =	sdelay $0x1  }
0x5c4: {  	s0 =	sshra.s32 s0, $0x2  }
0x5c5: {  	s3 =	sadd.s32 $0x12040, s0  }
0x5c6: {  	v1 =	vld.idx.msk [tilespmem:v0+s3+$0x30 ss:$0x1], $0xffff  }
0x5c7: {  	v2 =	vld.idx.msk [tilespmem:v0+s3+$0xFFFFFFD0 ss:$0x1], $0xffff  }
0x5c8: {  	v3 =	vld.idx.msk [tilespmem:v0+s3+$0xFFFFFFE0 ss:$0x1], $0xffff  }
0x5c9: {  	v4 =	vld.idx.msk [tilespmem:v0+s3+$0xFFFFFFF0 ss:$0x1], $0xffff  }
0x5ca: {  	v5 =	vld.idx.msk [tilespmem:v0+s3+$0x0 ss:$0x1], $0xffff  }
0x5cb: {  	s0 =	sadd.s32 $0x6000, s0;
	v6 =	vld.idx.msk [tilespmem:v0+s3+$0x10 ss:$0x1], $0xffff  }
0x5cc: {  	s4 =	sadd.s32 s31, s0;
	v7 =	vld.idx.msk [tilespmem:v0+s3+$0xFFFFFFC0 ss:$0x1], $0xffff  }
0x5cd: {  	[tilespmem:s4+$0x70] =	vst.add.f32.msk $0xffff, v1  }
0x5ce: {  	v1 =	vld.idx.msk [tilespmem:v0+s3+$0x20 ss:$0x1], $0xffff  }
0x5cf: {  	[tilespmem:s4+$0x10] =	vst.add.f32.msk $0xffff, v2  }
0x5d0: {  	[tilespmem:s4+$0x20] =	vst.add.f32.msk $0xffff, v3  }
0x5d1: {  	[tilespmem:s4+$0x30] =	vst.add.f32.msk $0xffff, v4  }
0x5d2: {  	[tilespmem:s4+$0x40] =	vst.add.f32.msk $0xffff, v5  }
0x5d3: {  	[tilespmem:s4+$0x50] =	vst.add.f32.msk $0xffff, v6  }
0x5d4: {  	[tilespmem:s4+$0x0] =	vst.add.f32.msk $0xffff, v7  }
0x5d5: {  	s2 =	simm.s32 $0x0;
	s3 =	sadd.s32 $0x400, s3;
	[tilespmem:s4+$0x60] =	vst.add.f32.msk $0xffff, v1  }
.LBB2_103:
0x5d6: {  	v1 =	vld.idx.msk [tilespmem:v0+s3+$0x30 ss:$0x1], $0xffff;
	s2 =	sadd.s32 $0x80, s2  }
0x5d7: {  	v2 =	vld.idx.msk [tilespmem:v0+s3+$0xFFFFFFD0 ss:$0x1], $0xffff;
	p0 =	slt.u32 s2, $0x280  }
0x5d8: {  	v3 =	vld.idx.msk [tilespmem:v0+s3+$0xFFFFFFE0 ss:$0x1], $0xffff  }
0x5d9: {  	v4 =	vld.idx.msk [tilespmem:v0+s3+$0xFFFFFFF0 ss:$0x1], $0xffff  }
0x5da: {  	s0 =	sadd.s32 $0x400, s0;
	v5 =	vld.idx.msk [tilespmem:v0+s3+$0x0 ss:$0x1], $0xffff  }
0x5db: {  	s4 =	sadd.s32 s31, s0;
	v6 =	vld.idx.msk [tilespmem:v0+s3+$0x10 ss:$0x1], $0xffff  }
0x5dc: {  	[tilespmem:s4+$0x70] =	vst.add.f32.msk $0xffff, v1  }
0x5dd: {  	v1 =	vld.idx.msk [tilespmem:v0+s3+$0x20 ss:$0x1], $0xffff  }
0x5de: {  	v7 =	vld.idx.msk [tilespmem:v0+s3+$0xFFFFFFC0 ss:$0x1], $0xffff  }
0x5df: {  	[tilespmem:s4+$0x10] =	vst.add.f32.msk $0xffff, v2  }
0x5e0: {  	[tilespmem:s4+$0x20] =	vst.add.f32.msk $0xffff, v3  }
.Ltmp50:
0x5e1: {  	[tilespmem:s4+$0x30] =	vst.add.f32.msk $0xffff, v4;
	(pc) =	sbr.rel @p0 .LBB2_103-.Ltmp50, $4  }
0x5e2: {  	[tilespmem:s4+$0x40] =	vst.add.f32.msk $0xffff, v5  }
0x5e3: {  	[tilespmem:s4+$0x50] =	vst.add.f32.msk $0xffff, v6  }
0x5e4: {  	[tilespmem:s4+$0x0] =	vst.add.f32.msk $0xffff, v7  }
0x5e5: {  	s3 =	sadd.s32 $0x400, s3;
	[tilespmem:s4+$0x60] =	vst.add.f32.msk $0xffff, v1  }
0x5e6: {  	s30 =	sadd.s32 $0x1, s30  }
0x5e7: {  	p0 =	sne.s32 s30, $0x20  }
.Ltmp51:
0x5e8: {  	_ = 	snop;
	(pc) =	sbr.rel @p0 .LBB2_102-.Ltmp51, $2  }
0x5e9: {  	_ =	sdelay $0x2  }
0x5ea: {  	s29 =	sadd.s32 $0x1, s29  }
0x5eb: {  	s0 =	sld [smem:$0x7F8];
	_ =	sdelay $0x1  }
0x5ec: {  	s29 =	simm.s32 $0x0  }
0x5ed: {  	[hbm4b:s0+s29] =	stream.linear.scatter [tilespmem:s17], [sflag:$0x7], $0x6000, $0x38;
	[tilespmem:$0x1E000] =	vst v63  }
0x5ee: {  	_ =	swait.ge [sflag:s23], $0x6000  }
0x5ef: {  	s31 =	sld [smem:$0x7FD]  }
0x5f0: {  	[sflag:s23] =	ssyncset.done $0x0  }
0x5f1: {  	[sflag:s23] =	ssyncadd.s32 $0xFFFFA000  }
0x5f2: {  	[tilespmem:s17], [sflag:$0x2] =	stream.linear.gather [hbm4b:s31+s29], $0x6000, $0x38;
	[tilespmem:$0x1E000] =	vst v63  }
0x5f3: {  	_ =	swait.ge [sflag:s24], $0x6000  }
0x5f4: {  	[sflag:s24] =	ssyncset.done $0x0  }
0x5f5: {  	s30 =	simm.s32 $0x0;
	[sflag:s24] =	ssyncadd.s32 $0xFFFFA000  }
.LBB2_106:
0x5f6: {  	s0 =	sand.u32 $0x7, s29  }
0x5f7: {  	s0 =	sshll.u32 s0, $0x9  }
0x5f8: {  	s31 =	sshrl.u32 s0, $0x2  }
0x5f9: {  	s4 =	sshrl.u32 s30, $0x3;
	v0 =	vmov s31  }
0x5fa: {  	s0 =	smul.u32 $0x6000, s4;
	_ =	sdelay $0x1  }
0x5fb: {  	s0 =	sshra.s32 s0, $0x2  }
0x5fc: {  	s3 =	sadd.s32 $0x12040, s0  }
0x5fd: {  	v1 =	vld.idx.msk [tilespmem:v0+s3+$0x30 ss:$0x1], $0xffff  }
0x5fe: {  	v2 =	vld.idx.msk [tilespmem:v0+s3+$0xFFFFFFD0 ss:$0x1], $0xffff  }
0x5ff: {  	v3 =	vld.idx.msk [tilespmem:v0+s3+$0xFFFFFFE0 ss:$0x1], $0xffff  }
0x600: {  	v4 =	vld.idx.msk [tilespmem:v0+s3+$0xFFFFFFF0 ss:$0x1], $0xffff  }
0x601: {  	v5 =	vld.idx.msk [tilespmem:v0+s3+$0x0 ss:$0x1], $0xffff  }
0x602: {  	s0 =	sadd.s32 $0xC000, s0;
	v6 =	vld.idx.msk [tilespmem:v0+s3+$0x10 ss:$0x1], $0xffff  }
0x603: {  	s4 =	sadd.s32 s31, s0;
	v7 =	vld.idx.msk [tilespmem:v0+s3+$0xFFFFFFC0 ss:$0x1], $0xffff  }
0x604: {  	[tilespmem:s4+$0x70] =	vst.add.f32.msk $0xffff, v1  }
0x605: {  	v1 =	vld.idx.msk [tilespmem:v0+s3+$0x20 ss:$0x1], $0xffff  }
0x606: {  	[tilespmem:s4+$0x10] =	vst.add.f32.msk $0xffff, v2  }
0x607: {  	[tilespmem:s4+$0x20] =	vst.add.f32.msk $0xffff, v3  }
0x608: {  	[tilespmem:s4+$0x30] =	vst.add.f32.msk $0xffff, v4  }
0x609: {  	[tilespmem:s4+$0x40] =	vst.add.f32.msk $0xffff, v5  }
0x60a: {  	[tilespmem:s4+$0x50] =	vst.add.f32.msk $0xffff, v6  }
0x60b: {  	[tilespmem:s4+$0x0] =	vst.add.f32.msk $0xffff, v7  }
0x60c: {  	s2 =	simm.s32 $0x0;
	s3 =	sadd.s32 $0x400, s3;
	[tilespmem:s4+$0x60] =	vst.add.f32.msk $0xffff, v1  }
.LBB2_107:
0x60d: {  	v1 =	vld.idx.msk [tilespmem:v0+s3+$0x30 ss:$0x1], $0xffff;
	s2 =	sadd.s32 $0x80, s2  }
0x60e: {  	v2 =	vld.idx.msk [tilespmem:v0+s3+$0xFFFFFFD0 ss:$0x1], $0xffff;
	p0 =	slt.u32 s2, $0x280  }
0x60f: {  	v3 =	vld.idx.msk [tilespmem:v0+s3+$0xFFFFFFE0 ss:$0x1], $0xffff  }
0x610: {  	v4 =	vld.idx.msk [tilespmem:v0+s3+$0xFFFFFFF0 ss:$0x1], $0xffff  }
0x611: {  	s0 =	sadd.s32 $0x400, s0;
	v5 =	vld.idx.msk [tilespmem:v0+s3+$0x0 ss:$0x1], $0xffff  }
0x612: {  	s4 =	sadd.s32 s31, s0;
	v6 =	vld.idx.msk [tilespmem:v0+s3+$0x10 ss:$0x1], $0xffff  }
0x613: {  	[tilespmem:s4+$0x70] =	vst.add.f32.msk $0xffff, v1  }
0x614: {  	v1 =	vld.idx.msk [tilespmem:v0+s3+$0x20 ss:$0x1], $0xffff  }
0x615: {  	v7 =	vld.idx.msk [tilespmem:v0+s3+$0xFFFFFFC0 ss:$0x1], $0xffff  }
0x616: {  	[tilespmem:s4+$0x10] =	vst.add.f32.msk $0xffff, v2  }
0x617: {  	[tilespmem:s4+$0x20] =	vst.add.f32.msk $0xffff, v3  }
.Ltmp52:
0x618: {  	[tilespmem:s4+$0x30] =	vst.add.f32.msk $0xffff, v4;
	(pc) =	sbr.rel @p0 .LBB2_107-.Ltmp52, $4  }
0x619: {  	[tilespmem:s4+$0x40] =	vst.add.f32.msk $0xffff, v5  }
0x61a: {  	[tilespmem:s4+$0x50] =	vst.add.f32.msk $0xffff, v6  }
0x61b: {  	[tilespmem:s4+$0x0] =	vst.add.f32.msk $0xffff, v7  }
0x61c: {  	s3 =	sadd.s32 $0x400, s3;
	[tilespmem:s4+$0x60] =	vst.add.f32.msk $0xffff, v1  }
0x61d: {  	s30 =	sadd.s32 $0x1, s30  }
0x61e: {  	p0 =	sne.s32 s30, $0x20  }
.Ltmp53:
0x61f: {  	_ = 	snop;
	(pc) =	sbr.rel @p0 .LBB2_106-.Ltmp53, $2  }
0x620: {  	_ =	sdelay $0x2  }
0x621: {  	s29 =	sadd.s32 $0x1, s29  }
0x622: {  	s0 =	sld [smem:$0x7FA];
	_ =	sdelay $0x1  }
0x623: {  	s29 =	simm.s32 $0x0  }
0x624: {  	[hbm4b:s0+s29] =	stream.linear.scatter [tilespmem:s18], [sflag:$0x8], $0x6000, $0x38;
	[tilespmem:$0x1E000] =	vst v63  }
0x625: {  	_ =	swait.ge [sflag:s25], $0x6000  }
0x626: {  	[sflag:s25] =	ssyncset.done $0x0  }
0x627: {  	[sflag:s25] =	ssyncadd.s32 $0xFFFFA000  }
0x628: {  	[tilespmem:s18], [sflag:$0x3] =	stream.linear.gather [hbm4b:s8+s29], $0x6000, $0x38;
	[tilespmem:$0x1E000] =	vst v63  }
0x629: {  	_ =	swait.ge [sflag:s19], $0x6000  }
0x62a: {  	[sflag:s19] =	ssyncset.done $0x0  }
0x62b: {  	s30 =	simm.s32 $0x0;
	[sflag:s19] =	ssyncadd.s32 $0xFFFFA000  }
.LBB2_110:
0x62c: {  	s0 =	sand.u32 $0x7, s29  }
0x62d: {  	s0 =	sshll.u32 s0, $0x9  }
0x62e: {  	s31 =	sshrl.u32 s0, $0x2  }
0x62f: {  	s4 =	sshrl.u32 s30, $0x3;
	v0 =	vmov s31  }
0x630: {  	s0 =	smul.u32 $0x6000, s4;
	_ =	sdelay $0x1  }
0x631: {  	s0 =	sshra.s32 s0, $0x2  }
0x632: {  	s3 =	sadd.s32 $0x12040, s0  }
0x633: {  	v1 =	vld.idx.msk [tilespmem:v0+s3+$0x30 ss:$0x1], $0xffff  }
0x634: {  	v2 =	vld.idx.msk [tilespmem:v0+s3+$0xFFFFFFD0 ss:$0x1], $0xffff  }
0x635: {  	v3 =	vld.idx.msk [tilespmem:v0+s3+$0xFFFFFFE0 ss:$0x1], $0xffff  }
0x636: {  	v4 =	vld.idx.msk [tilespmem:v0+s3+$0xFFFFFFF0 ss:$0x1], $0xffff  }
0x637: {  	v5 =	vld.idx.msk [tilespmem:v0+s3+$0x0 ss:$0x1], $0xffff  }
0x638: {  	v6 =	vld.idx.msk [tilespmem:v0+s3+$0x10 ss:$0x1], $0xffff  }
0x639: {  	s4 =	sadd.s32 s31, s0;
	v7 =	vld.idx.msk [tilespmem:v0+s3+$0xFFFFFFC0 ss:$0x1], $0xffff  }
0x63a: {  	[tilespmem:s4+$0x70] =	vst.add.f32.msk $0xffff, v1  }
0x63b: {  	v1 =	vld.idx.msk [tilespmem:v0+s3+$0x20 ss:$0x1], $0xffff  }
0x63c: {  	[tilespmem:s4+$0x10] =	vst.add.f32.msk $0xffff, v2  }
0x63d: {  	[tilespmem:s4+$0x20] =	vst.add.f32.msk $0xffff, v3  }
0x63e: {  	[tilespmem:s4+$0x30] =	vst.add.f32.msk $0xffff, v4  }
0x63f: {  	[tilespmem:s4+$0x40] =	vst.add.f32.msk $0xffff, v5  }
0x640: {  	[tilespmem:s4+$0x50] =	vst.add.f32.msk $0xffff, v6  }
0x641: {  	[tilespmem:s4+$0x0] =	vst.add.f32.msk $0xffff, v7  }
0x642: {  	s2 =	simm.s32 $0x0;
	s3 =	sadd.s32 $0x400, s3;
	[tilespmem:s4+$0x60] =	vst.add.f32.msk $0xffff, v1  }
.LBB2_111:
0x643: {  	v1 =	vld.idx.msk [tilespmem:v0+s3+$0x30 ss:$0x1], $0xffff;
	s2 =	sadd.s32 $0x80, s2  }
0x644: {  	v2 =	vld.idx.msk [tilespmem:v0+s3+$0xFFFFFFD0 ss:$0x1], $0xffff;
	p0 =	slt.u32 s2, $0x280  }
0x645: {  	v3 =	vld.idx.msk [tilespmem:v0+s3+$0xFFFFFFE0 ss:$0x1], $0xffff  }
0x646: {  	v4 =	vld.idx.msk [tilespmem:v0+s3+$0xFFFFFFF0 ss:$0x1], $0xffff  }
0x647: {  	s0 =	sadd.s32 $0x400, s0;
	v5 =	vld.idx.msk [tilespmem:v0+s3+$0x0 ss:$0x1], $0xffff  }
0x648: {  	s4 =	sadd.s32 s31, s0;
	v6 =	vld.idx.msk [tilespmem:v0+s3+$0x10 ss:$0x1], $0xffff  }
0x649: {  	[tilespmem:s4+$0x70] =	vst.add.f32.msk $0xffff, v1  }
0x64a: {  	v1 =	vld.idx.msk [tilespmem:v0+s3+$0x20 ss:$0x1], $0xffff  }
0x64b: {  	v7 =	vld.idx.msk [tilespmem:v0+s3+$0xFFFFFFC0 ss:$0x1], $0xffff  }
0x64c: {  	[tilespmem:s4+$0x10] =	vst.add.f32.msk $0xffff, v2  }
0x64d: {  	[tilespmem:s4+$0x20] =	vst.add.f32.msk $0xffff, v3  }
.Ltmp54:
0x64e: {  	[tilespmem:s4+$0x30] =	vst.add.f32.msk $0xffff, v4;
	(pc) =	sbr.rel @p0 .LBB2_111-.Ltmp54, $4  }
0x64f: {  	[tilespmem:s4+$0x40] =	vst.add.f32.msk $0xffff, v5  }
0x650: {  	[tilespmem:s4+$0x50] =	vst.add.f32.msk $0xffff, v6  }
0x651: {  	[tilespmem:s4+$0x0] =	vst.add.f32.msk $0xffff, v7  }
0x652: {  	s3 =	sadd.s32 $0x400, s3;
	[tilespmem:s4+$0x60] =	vst.add.f32.msk $0xffff, v1  }
0x653: {  	s30 =	sadd.s32 $0x1, s30  }
0x654: {  	p0 =	sne.s32 s30, $0x20  }
.Ltmp55:
0x655: {  	_ = 	snop;
	(pc) =	sbr.rel @p0 .LBB2_110-.Ltmp55, $2  }
0x656: {  	_ =	sdelay $0x2  }
0x657: {  	s29 =	sadd.s32 $0x1, s29  }
0x658: {  	s0 =	sld [smem:$0x7FC];
	_ =	sdelay $0x1  }
0x659: {  	s29 =	simm.s32 $0x0  }
0x65a: {  	[hbm4b:s0+s29] =	stream.linear.scatter [tilespmem:s29], [sflag:$0x6], $0x6000, $0x38;
	[tilespmem:$0x1E000] =	vst v63  }
0x65b: {  	_ =	swait.ge [sflag:s21], $0x6000  }
0x65c: {  	[sflag:s21] =	ssyncset.done $0x0  }
0x65d: {  	[sflag:s21] =	ssyncadd.s32 $0xFFFFA000  }
0x65e: {  	[tilespmem:s29], [sflag:$0x1] =	stream.linear.gather [hbm4b:s9+s29], $0x6000, $0x38;
	[tilespmem:$0x1E000] =	vst v63  }
0x65f: {  	_ =	swait.ge [sflag:s22], $0x6000  }
0x660: {  	[sflag:s22] =	ssyncset.done $0x0  }
0x661: {  	[sflag:s22] =	ssyncadd.s32 $0xFFFFA000  }
0x662: {  	_ =	swait.ge [sflag:s26], $0x6000  }
0x663: {  	[sflag:s26] =	ssyncset.done $0x0  }
0x664: {  	s30 =	simm.s32 $0x0;
	[sflag:s26] =	ssyncadd.s32 $0xFFFFA000  }
.LBB2_114:
0x665: {  	s0 =	sand.u32 $0x7, s29  }
0x666: {  	s0 =	sshll.u32 s0, $0x9  }
0x667: {  	s31 =	sshrl.u32 s0, $0x2  }
0x668: {  	s4 =	sshrl.u32 s30, $0x3;
	v0 =	vmov s31  }
0x669: {  	s0 =	smul.u32 $0x6000, s4;
	_ =	sdelay $0x1  }
0x66a: {  	s0 =	sshra.s32 s0, $0x2  }
0x66b: {  	s3 =	sadd.s32 $0x18040, s0  }
0x66c: {  	v1 =	vld.idx.msk [tilespmem:v0+s3+$0x30 ss:$0x1], $0xffff  }
0x66d: {  	v2 =	vld.idx.msk [tilespmem:v0+s3+$0xFFFFFFD0 ss:$0x1], $0xffff  }
0x66e: {  	v3 =	vld.idx.msk [tilespmem:v0+s3+$0xFFFFFFE0 ss:$0x1], $0xffff  }
0x66f: {  	v4 =	vld.idx.msk [tilespmem:v0+s3+$0xFFFFFFF0 ss:$0x1], $0xffff  }
0x670: {  	v5 =	vld.idx.msk [tilespmem:v0+s3+$0x0 ss:$0x1], $0xffff  }
0x671: {  	s0 =	sadd.s32 $0x6000, s0;
	v6 =	vld.idx.msk [tilespmem:v0+s3+$0x10 ss:$0x1], $0xffff  }
0x672: {  	s4 =	sadd.s32 s31, s0;
	v7 =	vld.idx.msk [tilespmem:v0+s3+$0xFFFFFFC0 ss:$0x1], $0xffff  }
0x673: {  	[tilespmem:s4+$0x70] =	vst.add.f32.msk $0xffff, v1  }
0x674: {  	v1 =	vld.idx.msk [tilespmem:v0+s3+$0x20 ss:$0x1], $0xffff  }
0x675: {  	[tilespmem:s4+$0x10] =	vst.add.f32.msk $0xffff, v2  }
0x676: {  	[tilespmem:s4+$0x20] =	vst.add.f32.msk $0xffff, v3  }
0x677: {  	[tilespmem:s4+$0x30] =	vst.add.f32.msk $0xffff, v4  }
0x678: {  	[tilespmem:s4+$0x40] =	vst.add.f32.msk $0xffff, v5  }
0x679: {  	[tilespmem:s4+$0x50] =	vst.add.f32.msk $0xffff, v6  }
0x67a: {  	[tilespmem:s4+$0x0] =	vst.add.f32.msk $0xffff, v7  }
0x67b: {  	s2 =	simm.s32 $0x0;
	s3 =	sadd.s32 $0x400, s3;
	[tilespmem:s4+$0x60] =	vst.add.f32.msk $0xffff, v1  }
.LBB2_115:
0x67c: {  	v1 =	vld.idx.msk [tilespmem:v0+s3+$0x30 ss:$0x1], $0xffff;
	s2 =	sadd.s32 $0x80, s2  }
0x67d: {  	v2 =	vld.idx.msk [tilespmem:v0+s3+$0xFFFFFFD0 ss:$0x1], $0xffff;
	p0 =	slt.u32 s2, $0x280  }
0x67e: {  	v3 =	vld.idx.msk [tilespmem:v0+s3+$0xFFFFFFE0 ss:$0x1], $0xffff  }
0x67f: {  	v4 =	vld.idx.msk [tilespmem:v0+s3+$0xFFFFFFF0 ss:$0x1], $0xffff  }
0x680: {  	s0 =	sadd.s32 $0x400, s0;
	v5 =	vld.idx.msk [tilespmem:v0+s3+$0x0 ss:$0x1], $0xffff  }
0x681: {  	s4 =	sadd.s32 s31, s0;
	v6 =	vld.idx.msk [tilespmem:v0+s3+$0x10 ss:$0x1], $0xffff  }
0x682: {  	[tilespmem:s4+$0x70] =	vst.add.f32.msk $0xffff, v1  }
0x683: {  	v1 =	vld.idx.msk [tilespmem:v0+s3+$0x20 ss:$0x1], $0xffff  }
0x684: {  	v7 =	vld.idx.msk [tilespmem:v0+s3+$0xFFFFFFC0 ss:$0x1], $0xffff  }
0x685: {  	[tilespmem:s4+$0x10] =	vst.add.f32.msk $0xffff, v2  }
0x686: {  	[tilespmem:s4+$0x20] =	vst.add.f32.msk $0xffff, v3  }
.Ltmp56:
0x687: {  	[tilespmem:s4+$0x30] =	vst.add.f32.msk $0xffff, v4;
	(pc) =	sbr.rel @p0 .LBB2_115-.Ltmp56, $4  }
0x688: {  	[tilespmem:s4+$0x40] =	vst.add.f32.msk $0xffff, v5  }
0x689: {  	[tilespmem:s4+$0x50] =	vst.add.f32.msk $0xffff, v6  }
0x68a: {  	[tilespmem:s4+$0x0] =	vst.add.f32.msk $0xffff, v7  }
0x68b: {  	s3 =	sadd.s32 $0x400, s3;
	[tilespmem:s4+$0x60] =	vst.add.f32.msk $0xffff, v1  }
0x68c: {  	s30 =	sadd.s32 $0x1, s30  }
0x68d: {  	p0 =	sne.s32 s30, $0x20  }
.Ltmp57:
0x68e: {  	_ = 	snop;
	(pc) =	sbr.rel @p0 .LBB2_114-.Ltmp57, $2  }
0x68f: {  	_ =	sdelay $0x2  }
0x690: {  	s29 =	sadd.s32 $0x1, s29  }
0x691: {  	s29 =	simm.s32 $0x0  }
0x692: {  	[hbm4b:s5+s29] =	stream.linear.scatter [tilespmem:s17], [sflag:$0x7], $0x6000, $0x38;
	[tilespmem:$0x1E000] =	vst v63  }
0x693: {  	_ =	swait.ge [sflag:s23], $0x6000  }
0x694: {  	[sflag:s23] =	ssyncset.done $0x0  }
0x695: {  	[sflag:s23] =	ssyncadd.s32 $0xFFFFA000  }
0x696: {  	[tilespmem:s17], [sflag:$0x2] =	stream.linear.gather [hbm4b:s10+s29], $0x6000, $0x38;
	[tilespmem:$0x1E000] =	vst v63  }
0x697: {  	_ =	swait.ge [sflag:s24], $0x6000  }
0x698: {  	[sflag:s24] =	ssyncset.done $0x0  }
0x699: {  	s30 =	simm.s32 $0x0;
	[sflag:s24] =	ssyncadd.s32 $0xFFFFA000  }
.LBB2_118:
0x69a: {  	s0 =	sand.u32 $0x7, s29  }
0x69b: {  	s0 =	sshll.u32 s0, $0x9  }
0x69c: {  	s31 =	sshrl.u32 s0, $0x2  }
0x69d: {  	s4 =	sshrl.u32 s30, $0x3;
	v0 =	vmov s31  }
0x69e: {  	s0 =	smul.u32 $0x6000, s4;
	_ =	sdelay $0x1  }
0x69f: {  	s0 =	sshra.s32 s0, $0x2  }
0x6a0: {  	s3 =	sadd.s32 $0x18040, s0  }
0x6a1: {  	v1 =	vld.idx.msk [tilespmem:v0+s3+$0x30 ss:$0x1], $0xffff  }
0x6a2: {  	v2 =	vld.idx.msk [tilespmem:v0+s3+$0xFFFFFFD0 ss:$0x1], $0xffff  }
0x6a3: {  	v3 =	vld.idx.msk [tilespmem:v0+s3+$0xFFFFFFE0 ss:$0x1], $0xffff  }
0x6a4: {  	v4 =	vld.idx.msk [tilespmem:v0+s3+$0xFFFFFFF0 ss:$0x1], $0xffff  }
0x6a5: {  	v5 =	vld.idx.msk [tilespmem:v0+s3+$0x0 ss:$0x1], $0xffff  }
0x6a6: {  	s0 =	sadd.s32 $0xC000, s0;
	v6 =	vld.idx.msk [tilespmem:v0+s3+$0x10 ss:$0x1], $0xffff  }
0x6a7: {  	s4 =	sadd.s32 s31, s0;
	v7 =	vld.idx.msk [tilespmem:v0+s3+$0xFFFFFFC0 ss:$0x1], $0xffff  }
0x6a8: {  	[tilespmem:s4+$0x70] =	vst.add.f32.msk $0xffff, v1  }
0x6a9: {  	v1 =	vld.idx.msk [tilespmem:v0+s3+$0x20 ss:$0x1], $0xffff  }
0x6aa: {  	[tilespmem:s4+$0x10] =	vst.add.f32.msk $0xffff, v2  }
0x6ab: {  	[tilespmem:s4+$0x20] =	vst.add.f32.msk $0xffff, v3  }
0x6ac: {  	[tilespmem:s4+$0x30] =	vst.add.f32.msk $0xffff, v4  }
0x6ad: {  	[tilespmem:s4+$0x40] =	vst.add.f32.msk $0xffff, v5  }
0x6ae: {  	[tilespmem:s4+$0x50] =	vst.add.f32.msk $0xffff, v6  }
0x6af: {  	[tilespmem:s4+$0x0] =	vst.add.f32.msk $0xffff, v7  }
0x6b0: {  	s2 =	simm.s32 $0x0;
	s3 =	sadd.s32 $0x400, s3;
	[tilespmem:s4+$0x60] =	vst.add.f32.msk $0xffff, v1  }
.LBB2_119:
0x6b1: {  	v1 =	vld.idx.msk [tilespmem:v0+s3+$0x30 ss:$0x1], $0xffff;
	s2 =	sadd.s32 $0x80, s2  }
0x6b2: {  	v2 =	vld.idx.msk [tilespmem:v0+s3+$0xFFFFFFD0 ss:$0x1], $0xffff;
	p0 =	slt.u32 s2, $0x280  }
0x6b3: {  	v3 =	vld.idx.msk [tilespmem:v0+s3+$0xFFFFFFE0 ss:$0x1], $0xffff  }
0x6b4: {  	v4 =	vld.idx.msk [tilespmem:v0+s3+$0xFFFFFFF0 ss:$0x1], $0xffff  }
0x6b5: {  	s0 =	sadd.s32 $0x400, s0;
	v5 =	vld.idx.msk [tilespmem:v0+s3+$0x0 ss:$0x1], $0xffff  }
0x6b6: {  	s4 =	sadd.s32 s31, s0;
	v6 =	vld.idx.msk [tilespmem:v0+s3+$0x10 ss:$0x1], $0xffff  }
0x6b7: {  	[tilespmem:s4+$0x70] =	vst.add.f32.msk $0xffff, v1  }
0x6b8: {  	v1 =	vld.idx.msk [tilespmem:v0+s3+$0x20 ss:$0x1], $0xffff  }
0x6b9: {  	v7 =	vld.idx.msk [tilespmem:v0+s3+$0xFFFFFFC0 ss:$0x1], $0xffff  }
0x6ba: {  	[tilespmem:s4+$0x10] =	vst.add.f32.msk $0xffff, v2  }
0x6bb: {  	[tilespmem:s4+$0x20] =	vst.add.f32.msk $0xffff, v3  }
.Ltmp58:
0x6bc: {  	[tilespmem:s4+$0x30] =	vst.add.f32.msk $0xffff, v4;
	(pc) =	sbr.rel @p0 .LBB2_119-.Ltmp58, $4  }
0x6bd: {  	[tilespmem:s4+$0x40] =	vst.add.f32.msk $0xffff, v5  }
0x6be: {  	[tilespmem:s4+$0x50] =	vst.add.f32.msk $0xffff, v6  }
0x6bf: {  	[tilespmem:s4+$0x0] =	vst.add.f32.msk $0xffff, v7  }
0x6c0: {  	s3 =	sadd.s32 $0x400, s3;
	[tilespmem:s4+$0x60] =	vst.add.f32.msk $0xffff, v1  }
0x6c1: {  	s30 =	sadd.s32 $0x1, s30  }
0x6c2: {  	p0 =	sne.s32 s30, $0x20  }
.Ltmp59:
0x6c3: {  	_ = 	snop;
	(pc) =	sbr.rel @p0 .LBB2_118-.Ltmp59, $2  }
0x6c4: {  	_ =	sdelay $0x2  }
0x6c5: {  	s29 =	sadd.s32 $0x1, s29  }
0x6c6: {  	s29 =	simm.s32 $0x0  }
0x6c7: {  	[hbm4b:s11+s29] =	stream.linear.scatter [tilespmem:s18], [sflag:$0x8], $0x6000, $0x38;
	[tilespmem:$0x1E000] =	vst v63  }
0x6c8: {  	_ =	swait.ge [sflag:s19], $0x6000  }
0x6c9: {  	[sflag:s19] =	ssyncset.done $0x0  }
0x6ca: {  	s30 =	simm.s32 $0x0;
	[sflag:s19] =	ssyncadd.s32 $0xFFFFA000  }
.LBB2_122:
0x6cb: {  	s0 =	sand.u32 $0x7, s29  }
0x6cc: {  	s0 =	sshll.u32 s0, $0x9  }
0x6cd: {  	s31 =	sshrl.u32 s0, $0x2  }
0x6ce: {  	s4 =	sshrl.u32 s30, $0x3;
	v0 =	vmov s31  }
0x6cf: {  	s0 =	smul.u32 $0x6000, s4;
	_ =	sdelay $0x1  }
0x6d0: {  	s0 =	sshra.s32 s0, $0x2  }
0x6d1: {  	s3 =	sadd.s32 $0x18040, s0  }
0x6d2: {  	v1 =	vld.idx.msk [tilespmem:v0+s3+$0x30 ss:$0x1], $0xffff  }
0x6d3: {  	v2 =	vld.idx.msk [tilespmem:v0+s3+$0xFFFFFFD0 ss:$0x1], $0xffff  }
0x6d4: {  	v3 =	vld.idx.msk [tilespmem:v0+s3+$0xFFFFFFE0 ss:$0x1], $0xffff  }
0x6d5: {  	v4 =	vld.idx.msk [tilespmem:v0+s3+$0xFFFFFFF0 ss:$0x1], $0xffff  }
0x6d6: {  	v5 =	vld.idx.msk [tilespmem:v0+s3+$0x0 ss:$0x1], $0xffff  }
0x6d7: {  	v6 =	vld.idx.msk [tilespmem:v0+s3+$0x10 ss:$0x1], $0xffff  }
0x6d8: {  	s4 =	sadd.s32 s31, s0;
	v7 =	vld.idx.msk [tilespmem:v0+s3+$0xFFFFFFC0 ss:$0x1], $0xffff  }
0x6d9: {  	[tilespmem:s4+$0x70] =	vst.add.f32.msk $0xffff, v1  }
0x6da: {  	v1 =	vld.idx.msk [tilespmem:v0+s3+$0x20 ss:$0x1], $0xffff  }
0x6db: {  	[tilespmem:s4+$0x10] =	vst.add.f32.msk $0xffff, v2  }
0x6dc: {  	[tilespmem:s4+$0x20] =	vst.add.f32.msk $0xffff, v3  }
0x6dd: {  	[tilespmem:s4+$0x30] =	vst.add.f32.msk $0xffff, v4  }
0x6de: {  	[tilespmem:s4+$0x40] =	vst.add.f32.msk $0xffff, v5  }
0x6df: {  	[tilespmem:s4+$0x50] =	vst.add.f32.msk $0xffff, v6  }
0x6e0: {  	[tilespmem:s4+$0x0] =	vst.add.f32.msk $0xffff, v7  }
0x6e1: {  	s2 =	simm.s32 $0x0;
	s3 =	sadd.s32 $0x400, s3;
	[tilespmem:s4+$0x60] =	vst.add.f32.msk $0xffff, v1  }
.LBB2_123:
0x6e2: {  	v1 =	vld.idx.msk [tilespmem:v0+s3+$0x30 ss:$0x1], $0xffff;
	s2 =	sadd.s32 $0x80, s2  }
0x6e3: {  	v2 =	vld.idx.msk [tilespmem:v0+s3+$0xFFFFFFD0 ss:$0x1], $0xffff;
	p0 =	slt.u32 s2, $0x280  }
0x6e4: {  	v3 =	vld.idx.msk [tilespmem:v0+s3+$0xFFFFFFE0 ss:$0x1], $0xffff  }
0x6e5: {  	v4 =	vld.idx.msk [tilespmem:v0+s3+$0xFFFFFFF0 ss:$0x1], $0xffff  }
0x6e6: {  	s0 =	sadd.s32 $0x400, s0;
	v5 =	vld.idx.msk [tilespmem:v0+s3+$0x0 ss:$0x1], $0xffff  }
0x6e7: {  	s4 =	sadd.s32 s31, s0;
	v6 =	vld.idx.msk [tilespmem:v0+s3+$0x10 ss:$0x1], $0xffff  }
0x6e8: {  	[tilespmem:s4+$0x70] =	vst.add.f32.msk $0xffff, v1  }
0x6e9: {  	v1 =	vld.idx.msk [tilespmem:v0+s3+$0x20 ss:$0x1], $0xffff  }
0x6ea: {  	v7 =	vld.idx.msk [tilespmem:v0+s3+$0xFFFFFFC0 ss:$0x1], $0xffff  }
0x6eb: {  	[tilespmem:s4+$0x10] =	vst.add.f32.msk $0xffff, v2  }
0x6ec: {  	[tilespmem:s4+$0x20] =	vst.add.f32.msk $0xffff, v3  }
.Ltmp60:
0x6ed: {  	[tilespmem:s4+$0x30] =	vst.add.f32.msk $0xffff, v4;
	(pc) =	sbr.rel @p0 .LBB2_123-.Ltmp60, $4  }
0x6ee: {  	[tilespmem:s4+$0x40] =	vst.add.f32.msk $0xffff, v5  }
0x6ef: {  	[tilespmem:s4+$0x50] =	vst.add.f32.msk $0xffff, v6  }
0x6f0: {  	[tilespmem:s4+$0x0] =	vst.add.f32.msk $0xffff, v7  }
0x6f1: {  	s3 =	sadd.s32 $0x400, s3;
	[tilespmem:s4+$0x60] =	vst.add.f32.msk $0xffff, v1  }
0x6f2: {  	s30 =	sadd.s32 $0x1, s30  }
0x6f3: {  	p0 =	sne.s32 s30, $0x20  }
.Ltmp61:
0x6f4: {  	_ = 	snop;
	(pc) =	sbr.rel @p0 .LBB2_122-.Ltmp61, $2  }
0x6f5: {  	_ =	sdelay $0x2  }
0x6f6: {  	s29 =	sadd.s32 $0x1, s29  }
0x6f7: {  	s29 =	simm.s32 $0x0  }
0x6f8: {  	[hbm4b:s12+s29] =	stream.linear.scatter [tilespmem:s29], [sflag:$0x6], $0x6000, $0x38;
	[tilespmem:$0x1E000] =	vst v63  }
0x6f9: {  	_ =	swait.ge [sflag:s22], $0x6000  }
0x6fa: {  	[sflag:s22] =	ssyncset.done $0x0  }
0x6fb: {  	s30 =	simm.s32 $0x0;
	[sflag:s22] =	ssyncadd.s32 $0xFFFFA000  }
.LBB2_126:
0x6fc: {  	s0 =	sand.u32 $0x7, s29  }
0x6fd: {  	s0 =	sshll.u32 s0, $0x9  }
0x6fe: {  	s31 =	sshrl.u32 s0, $0x2  }
0x6ff: {  	s4 =	sshrl.u32 s30, $0x3;
	v0 =	vmov s31  }
0x700: {  	s0 =	smul.u32 $0x6000, s4;
	_ =	sdelay $0x1  }
0x701: {  	s0 =	sshra.s32 s0, $0x2  }
0x702: {  	s3 =	sadd.s32 $0x18040, s0  }
0x703: {  	v1 =	vld.idx.msk [tilespmem:v0+s3+$0x30 ss:$0x1], $0xffff  }
0x704: {  	v2 =	vld.idx.msk [tilespmem:v0+s3+$0xFFFFFFD0 ss:$0x1], $0xffff  }
0x705: {  	v3 =	vld.idx.msk [tilespmem:v0+s3+$0xFFFFFFE0 ss:$0x1], $0xffff  }
0x706: {  	v4 =	vld.idx.msk [tilespmem:v0+s3+$0xFFFFFFF0 ss:$0x1], $0xffff  }
0x707: {  	v5 =	vld.idx.msk [tilespmem:v0+s3+$0x0 ss:$0x1], $0xffff  }
0x708: {  	s0 =	sadd.s32 $0x6000, s0;
	v6 =	vld.idx.msk [tilespmem:v0+s3+$0x10 ss:$0x1], $0xffff  }
0x709: {  	s4 =	sadd.s32 s31, s0;
	v7 =	vld.idx.msk [tilespmem:v0+s3+$0xFFFFFFC0 ss:$0x1], $0xffff  }
0x70a: {  	[tilespmem:s4+$0x70] =	vst.add.f32.msk $0xffff, v1  }
0x70b: {  	v1 =	vld.idx.msk [tilespmem:v0+s3+$0x20 ss:$0x1], $0xffff  }
0x70c: {  	[tilespmem:s4+$0x10] =	vst.add.f32.msk $0xffff, v2  }
0x70d: {  	[tilespmem:s4+$0x20] =	vst.add.f32.msk $0xffff, v3  }
0x70e: {  	[tilespmem:s4+$0x30] =	vst.add.f32.msk $0xffff, v4  }
0x70f: {  	[tilespmem:s4+$0x40] =	vst.add.f32.msk $0xffff, v5  }
0x710: {  	[tilespmem:s4+$0x50] =	vst.add.f32.msk $0xffff, v6  }
0x711: {  	[tilespmem:s4+$0x0] =	vst.add.f32.msk $0xffff, v7  }
0x712: {  	s2 =	simm.s32 $0x0;
	s3 =	sadd.s32 $0x400, s3;
	[tilespmem:s4+$0x60] =	vst.add.f32.msk $0xffff, v1  }
.LBB2_127:
0x713: {  	v1 =	vld.idx.msk [tilespmem:v0+s3+$0x30 ss:$0x1], $0xffff;
	s2 =	sadd.s32 $0x80, s2  }
0x714: {  	v2 =	vld.idx.msk [tilespmem:v0+s3+$0xFFFFFFD0 ss:$0x1], $0xffff;
	p0 =	slt.u32 s2, $0x280  }
0x715: {  	v3 =	vld.idx.msk [tilespmem:v0+s3+$0xFFFFFFE0 ss:$0x1], $0xffff  }
0x716: {  	v4 =	vld.idx.msk [tilespmem:v0+s3+$0xFFFFFFF0 ss:$0x1], $0xffff  }
0x717: {  	s0 =	sadd.s32 $0x400, s0;
	v5 =	vld.idx.msk [tilespmem:v0+s3+$0x0 ss:$0x1], $0xffff  }
0x718: {  	s4 =	sadd.s32 s31, s0;
	v6 =	vld.idx.msk [tilespmem:v0+s3+$0x10 ss:$0x1], $0xffff  }
0x719: {  	[tilespmem:s4+$0x70] =	vst.add.f32.msk $0xffff, v1  }
0x71a: {  	v1 =	vld.idx.msk [tilespmem:v0+s3+$0x20 ss:$0x1], $0xffff  }
0x71b: {  	v7 =	vld.idx.msk [tilespmem:v0+s3+$0xFFFFFFC0 ss:$0x1], $0xffff  }
0x71c: {  	[tilespmem:s4+$0x10] =	vst.add.f32.msk $0xffff, v2  }
0x71d: {  	[tilespmem:s4+$0x20] =	vst.add.f32.msk $0xffff, v3  }
.Ltmp62:
0x71e: {  	[tilespmem:s4+$0x30] =	vst.add.f32.msk $0xffff, v4;
	(pc) =	sbr.rel @p0 .LBB2_127-.Ltmp62, $4  }
0x71f: {  	[tilespmem:s4+$0x40] =	vst.add.f32.msk $0xffff, v5  }
0x720: {  	[tilespmem:s4+$0x50] =	vst.add.f32.msk $0xffff, v6  }
0x721: {  	[tilespmem:s4+$0x0] =	vst.add.f32.msk $0xffff, v7  }
0x722: {  	s3 =	sadd.s32 $0x400, s3;
	[tilespmem:s4+$0x60] =	vst.add.f32.msk $0xffff, v1  }
0x723: {  	s30 =	sadd.s32 $0x1, s30  }
0x724: {  	p0 =	sne.s32 s30, $0x20  }
.Ltmp63:
0x725: {  	_ = 	snop;
	(pc) =	sbr.rel @p0 .LBB2_126-.Ltmp63, $2  }
0x726: {  	_ =	sdelay $0x2  }
0x727: {  	s29 =	sadd.s32 $0x1, s29  }
0x728: {  	[hbm4b:s13+s1] =	stream.linear.scatter [tilespmem:s17], [sflag:$0x7], $0x6000, $0x38;
	[tilespmem:$0x1E000] =	vst v63  }
0x729: {  	_ =	swait.ge [sflag:s25], $0x6000  }
0x72a: {  	[sflag:s25] =	ssyncset.done $0x0  }
0x72b: {  	s28 =	sadd.s32 $0x1, s28;
	[sflag:s25] =	ssyncadd.s32 $0xFFFFA000  }
0x72c: {  	p0 =	sne.s32 s28, s14;
	_ =	swait.ge [sflag:s21], $0x6000  }
.Ltmp64:
0x72d: {  	[sflag:s21] =	ssyncset.done $0x0;
	(pc) =	sbr.rel @p0 .LBB2_1-.Ltmp64, $4  }
0x72e: {  	[sflag:s21] =	ssyncadd.s32 $0xFFFFA000  }
0x72f: {  	_ =	swait.ge [sflag:s23], $0x6000  }
0x730: {  	[sflag:s23] =	ssyncset.done $0x0  }
0x731: {  	[sflag:s23] =	ssyncadd.s32 $0xFFFFA000  }
0x732: {  	_ =	sfence.sel $0x180000  }
0x733: {  	[bflag:$0x0] =	sbarrier.arrive $0xFFFF  }
0x734: {  	_ =	strace $0x90000047  }
0x735: {  	s0 =	stileid.u32;
	[bflag:$0x2] =	sbarrier.arrive $0xFFFF  }
0x736: {  	p0 =	sne.s32 s0, $0x0;
	s0 =	rddreg [dreg:$0x3]  }
0x737: {  	s0 =	sadd.s32 @!p0 $0x100000, s0  }
0x738: {  	[sflag:s0] =	ssyncadd.tile.s32 @!p0 $0x1;
	_ =	shalt  }
.Lfunc_end2:
_tile_overlayer_lowered:
.L_overlay_start_2:
0x739: {  	(tag) =	ssettag $0x2  }
0x73a: {  	s0 =	rddreg [dreg:$0x0];
	s2 =	stileid.u32  }
0x73b: {  	s1 =	rddreg [dreg:$0x1];
	p0 =	sne.s32 s2, $0x0  }
0x73c: {  	s3 =	rddreg [dreg:$0x2];
	[bflag:$0x3] =	sbarrier.arrive $0xFFFF;
	s2 =	simm.s32 @!p0 $0x1C09  }
0x73d: {  	[timem:s3], [sflag:s2] =	dma.local @!p0 [hbm:s0], s1  }
0x73e: {  	s0 =	simm.s32 @!p0 $0x9  }
0x73f: {  	_ =	swait.ge @!p0 [sflag:s0], s1  }
0x740: {  	s1 =	ssub.s32 @!p0 $0x0, s1;
	[sflag:s0] =	ssyncset.done @!p0 $0x0  }
0x741: {  	[sflag:s0] =	ssyncadd.s32 @!p0 s1  }
0x742: {  	[bflag:$0x3] =	sbarrier.arrive $0xFFFF  }
0x743: {  	_ =	shalt  }

</sc_bundles>
